<compile_context>
chip_gen: v7x
topology: tpu7x:2x2x1
jax: 0.10.2.dev20260603
libtpu: 0.0.44.dev20260713+nightly
codegen_flags: <defaults>
</compile_context>

<pallas_src>
import jax
import jax.numpy as jnp
from jax import lax
from jax.experimental import pallas as pl

N = 10000
E = 160000
R = 8
D_IN = 256
D_HID = 512
D_OUT = 256

NP = 10240
BN = 256
S = R * NP

_f32 = jnp.float32
_i32 = jnp.int32


def _tc_layer(h, agg, degf, w_all, bias, din, dout, relu):

  def body(h_ref, agg_ref, deg_ref, w_ref, b_ref, o_ref):
    invd = 1.0 / jnp.maximum(deg_ref[...], 1.0)
    acc = jnp.dot(h_ref[...], w_ref[pl.ds(R * din, din), :],
                  preferred_element_type=_f32)
    for r in range(R):
      a = agg_ref[r] * invd[:, r:r + 1]
      acc = acc + jnp.dot(a, w_ref[pl.ds(r * din, din), :],
                          preferred_element_type=_f32)
    acc = acc + b_ref[...]
    o_ref[...] = jnp.maximum(acc, 0.0) if relu else acc

  return pl.pallas_call(
      body,
      grid=(NP // BN,),
      in_specs=[
          pl.BlockSpec((BN, din), lambda i: (i, 0)),
          pl.BlockSpec((R, BN, din), lambda i: (0, i, 0)),
          pl.BlockSpec((BN, R), lambda i: (i, 0)),
          pl.BlockSpec(((R + 1) * din, dout), lambda i: (0, 0)),
          pl.BlockSpec((1, dout), lambda i: (0, 0)),
      ],
      out_specs=pl.BlockSpec((BN, dout), lambda i: (i, 0)),
      out_shape=jax.ShapeDtypeStruct((NP, dout), _f32),
  )(h, agg, degf, w_all, bias)


def kernel(x, edge_index, edge_type, W0, root0, b0, W1, root1, b1,
           W2, root2, b2):
  src = edge_index[0].astype(_i32)
  dst = edge_index[1].astype(_i32)
  rt = edge_type.astype(_i32)

  kk = rt * NP + dst
  kk_s, src_s = lax.sort((kk, src), num_keys=1)

  xp = jnp.zeros((NP, D_IN), _f32).at[:N].set(x)
  wall0 = jnp.concatenate([W0.reshape(R * D_IN, D_HID), root0], axis=0)
  wall1 = jnp.concatenate([W1.reshape(R * D_HID, D_HID), root1], axis=0)
  wall2 = jnp.concatenate([W2.reshape(R * D_HID, D_OUT), root2], axis=0)

  deg = jax.ops.segment_sum(jnp.ones((E,), _f32), kk_s, num_segments=S,
                            indices_are_sorted=True)
  degf = deg.reshape(R, NP).T

  def agg(h, d):
    rows = jnp.take(h, src_s, axis=0, mode='clip')
    return jax.ops.segment_sum(rows, kk_s, num_segments=S,
                               indices_are_sorted=True).reshape(R, NP, d)

  h1 = _tc_layer(xp, agg(xp, D_IN), degf, wall0,
                 b0.reshape(1, D_HID), D_IN, D_HID, True)
  h2 = _tc_layer(h1, agg(h1, D_HID), degf, wall1,
                 b1.reshape(1, D_HID), D_HID, D_HID, True)
  h3 = _tc_layer(h2, agg(h2, D_HID), degf, wall2,
                 b2.reshape(1, D_OUT), D_HID, D_OUT, False)
  return h3[:N]

# --- scband reference (transcript-rebuilt; emitter-appended) ---
"""Pipeline reference for scband-conversation-graph-model-22342419873854 (READ-ONLY COPY).

The authoritative reference and input builder live on the scoring server;
editing this copy changes nothing except your own understanding.
"""

import jax, jax.numpy as jnp
import numpy as np

N = 10000
E = 160000
R = 8
D_IN = 256
D_HID = 512
D_OUT = 256


def _rgcn_layer(x, src, dst, edge_type, W, root, b):
    # PyG RGCNConv semantics (aggr='mean', no basis decomposition):
    # out = x @ root + bias + sum_r mean_{edges of rel r into node} (x[src] @ W[r])
    out = x @ root + b
    for r in range(R):
        m = (edge_type == r).astype(x.dtype)
        xr = x @ W[r]
        msg = xr[src] * m[:, None]
        num = jax.ops.segment_sum(msg, dst, num_segments=N)
        den = jax.ops.segment_sum(m, dst, num_segments=N)
        out = out + num / jnp.clip(den, 1.0, None)[:, None]
    return out


def setup_inputs(seed: int = 0) -> dict:
    key = jax.random.key(seed)
    ks = jax.random.split(key, 16)
    x = jax.random.normal(ks[0], (N, D_IN), dtype=jnp.float32)
    edge_index = jax.random.randint(ks[1], (2, E), 0, N, dtype=jnp.int64)
    edge_type = jax.random.randint(ks[2], (E,), 0, R, dtype=jnp.int64)
    W0 = jax.random.normal(ks[3], (R, D_IN, D_HID), dtype=jnp.float32) * 0.05
    root0 = jax.random.normal(ks[4], (D_IN, D_HID), dtype=jnp.float32) * 0.05
    b0 = jnp.zeros((D_HID,), dtype=jnp.float32)
    W1 = jax.random.normal(ks[5], (R, D_HID, D_HID), dtype=jnp.float32) * 0.05
    root1 = jax.random.normal(ks[6], (D_HID, D_HID), dtype=jnp.float32) * 0.05
    b1 = jnp.zeros((D_HID,), dtype=jnp.float32)
    W2 = jax.random.normal(ks[7], (R, D_HID, D_OUT), dtype=jnp.float32) * 0.05
    root2 = jax.random.normal(ks[8], (D_HID, D_OUT), dtype=jnp.float32) * 0.05
    b2 = jnp.zeros((D_OUT,), dtype=jnp.float32)
    return {"x": x, "edge_index": edge_index, "edge_type": edge_type,
            "W0": W0, "root0": root0, "b0": b0,
            "W1": W1, "root1": root1, "b1": b1,
            "W2": W2, "root2": root2, "b2": b2}


def reference(x, edge_index, edge_type, W0, root0, b0, W1, root1, b1, W2, root2, b2):
    src = edge_index[0]
    dst = edge_index[1]
    h = _rgcn_layer(x, src, dst, edge_type, W0, root0, b0)
    h = jax.nn.relu(h)  # dropout is identity in eval mode
    h = _rgcn_layer(h, src, dst, edge_type, W1, root1, b1)
    h = jax.nn.relu(h)
    h = _rgcn_layer(h, src, dst, edge_type, W2, root2, b2)
    return h

if __name__ == "__main__":
    import jax
    _d = setup_inputs()
    print(jax.jit(kernel)(*tuple(_d.values())))

</pallas_src>

<mosaic_0001>
module attributes {stable_mosaic.version = 14 : i64} {
  func.func @body(%arg0: i32, %arg1: memref<256x256xf32, #tpu.memory_space<vmem>>, %arg2: memref<8x256x256xf32, #tpu.memory_space<vmem>>, %arg3: memref<256x8xf32, #tpu.memory_space<vmem>>, %arg4: memref<2304x512xf32, #tpu.memory_space<vmem>>, %arg5: memref<1x512xf32, #tpu.memory_space<vmem>>, %arg6: memref<256x512xf32, #tpu.memory_space<vmem>>) attributes {dimension_semantics = [#tpu.dimension_semantics<arbitrary>], iteration_bounds = array<i64: 40>, scalar_prefetch = 0 : i64, scratch_operands = 0 : i64, tpu.core_type = #tpu.core_type<tc>, window_params = [{transform_indices = @transform_0, window_bounds = array<i64: 256, 256>}, {transform_indices = @transform_1, window_bounds = array<i64: 8, 256, 256>}, {transform_indices = @transform_2, window_bounds = array<i64: 256, 8>}, {pipeline_mode = #tpu.pipeline_mode<synchronous>, transform_indices = @transform_3, window_bounds = array<i64: 2304, 512>}, {pipeline_mode = #tpu.pipeline_mode<synchronous>, transform_indices = @transform_4, window_bounds = array<i64: 1, 512>}, {transform_indices = @transform_5, window_bounds = array<i64: 256, 512>}]} {
    %get3A = arith.constant 0 : index
    %get3A_0 = arith.constant 0 : index
    %get3A_1 = vector.load %arg3[%get3A, %get3A_0] : memref<256x8xf32, #tpu.memory_space<vmem>>, vector<256x8xf32>
    %max3A = arith.constant 1.000000e+00 : f32
    %max3A_2 = vector.broadcast %max3A : f32 to vector<256x8xf32>
    %max3A_3 = arith.maximumf %get3A_1, %max3A_2 : vector<256x8xf32>
    %div3A = arith.constant 1.000000e+00 : f32
    %div3A_4 = vector.broadcast %div3A : f32 to vector<256x8xf32>
    %div3A_5 = arith.divf %div3A_4, %max3A_3 : vector<256x8xf32>
    %get3A_6 = arith.constant 0 : index
    %get3A_7 = arith.constant 0 : index
    %get3A_8 = vector.load %arg1[%get3A_6, %get3A_7] : memref<256x256xf32, #tpu.memory_space<vmem>>, vector<256x256xf32>
    %get3A_9 = arith.constant 2048 : index
    %get3A_10 = arith.constant 0 : index
    %get3A_11 = vector.load %arg4[%get3A_9, %get3A_10] : memref<2304x512xf32, #tpu.memory_space<vmem>>, vector<256x512xf32>
    %dot_general3A = arith.constant dense<0.000000e+00> : vector<256x512xf32>
    %dot_general3A_12 = tpu.matmul %get3A_8, %get3A_11, %dot_general3A {dimension_numbers = #tpu.dot_dimension_numbers<[1], [0], [0], [1], [0, 0, 1, 1], [], []>, transpose_lhs_hint = false} : vector<256x256xf32>, vector<256x512xf32>, vector<256x512xf32> -> vector<256x512xf32>
    %get3A_13 = arith.constant 0 : index
    %get3A_14 = arith.constant 0 : index
    %get3A_15 = arith.constant 0 : index
    %get3A_16 = vector.load %arg2[%get3A_13, %get3A_14, %get3A_15] : memref<8x256x256xf32, #tpu.memory_space<vmem>>, vector<1x256x256xf32>
    %get3A_17 = vector.shape_cast %get3A_16 : vector<1x256x256xf32> to vector<256x256xf32>
    %slice3A = vector.extract_strided_slice %div3A_5 {offsets = [0, 0], sizes = [256, 1], strides = [1, 1]} : vector<256x8xf32> to vector<256x1xf32>
    %mul3A = vector.broadcast %slice3A : vector<256x1xf32> to vector<256x256xf32>
    %mul3A_18 = arith.mulf %get3A_17, %mul3A : vector<256x256xf32>
    %get3A_19 = arith.constant 0 : index
    %get3A_20 = arith.constant 0 : index
    %get3A_21 = vector.load %arg4[%get3A_19, %get3A_20] : memref<2304x512xf32, #tpu.memory_space<vmem>>, vector<256x512xf32>
    %dot_general3A_22 = arith.constant dense<0.000000e+00> : vector<256x512xf32>
    %dot_general3A_23 = tpu.matmul %mul3A_18, %get3A_21, %dot_general3A_22 {dimension_numbers = #tpu.dot_dimension_numbers<[1], [0], [0], [1], [0, 0, 1, 1], [], []>, transpose_lhs_hint = false} : vector<256x256xf32>, vector<256x512xf32>, vector<256x512xf32> -> vector<256x512xf32>
    %add3A = arith.addf %dot_general3A_12, %dot_general3A_23 : vector<256x512xf32>
    %get3A_24 = arith.constant 1 : index
    %get3A_25 = arith.constant 0 : index
    %get3A_26 = arith.constant 0 : index
    %get3A_27 = vector.load %arg2[%get3A_24, %get3A_25, %get3A_26] : memref<8x256x256xf32, #tpu.memory_space<vmem>>, vector<1x256x256xf32>
    %get3A_28 = vector.shape_cast %get3A_27 : vector<1x256x256xf32> to vector<256x256xf32>
    %slice3A_29 = vector.extract_strided_slice %div3A_5 {offsets = [0, 1], sizes = [256, 1], strides = [1, 1]} : vector<256x8xf32> to vector<256x1xf32>
    %mul3A_30 = vector.broadcast %slice3A_29 : vector<256x1xf32> to vector<256x256xf32>
    %mul3A_31 = arith.mulf %get3A_28, %mul3A_30 : vector<256x256xf32>
    %get3A_32 = arith.constant 256 : index
    %get3A_33 = arith.constant 0 : index
    %get3A_34 = vector.load %arg4[%get3A_32, %get3A_33] : memref<2304x512xf32, #tpu.memory_space<vmem>>, vector<256x512xf32>
    %dot_general3A_35 = arith.constant dense<0.000000e+00> : vector<256x512xf32>
    %dot_general3A_36 = tpu.matmul %mul3A_31, %get3A_34, %dot_general3A_35 {dimension_numbers = #tpu.dot_dimension_numbers<[1], [0], [0], [1], [0, 0, 1, 1], [], []>, transpose_lhs_hint = false} : vector<256x256xf32>, vector<256x512xf32>, vector<256x512xf32> -> vector<256x512xf32>
    %add3A_37 = arith.addf %add3A, %dot_general3A_36 : vector<256x512xf32>
    %get3A_38 = arith.constant 2 : index
    %get3A_39 = arith.constant 0 : index
    %get3A_40 = arith.constant 0 : index
    %get3A_41 = vector.load %arg2[%get3A_38, %get3A_39, %get3A_40] : memref<8x256x256xf32, #tpu.memory_space<vmem>>, vector<1x256x256xf32>
    %get3A_42 = vector.shape_cast %get3A_41 : vector<1x256x256xf32> to vector<256x256xf32>
    %slice3A_43 = vector.extract_strided_slice %div3A_5 {offsets = [0, 2], sizes = [256, 1], strides = [1, 1]} : vector<256x8xf32> to vector<256x1xf32>
    %mul3A_44 = vector.broadcast %slice3A_43 : vector<256x1xf32> to vector<256x256xf32>
    %mul3A_45 = arith.mulf %get3A_42, %mul3A_44 : vector<256x256xf32>
    %get3A_46 = arith.constant 512 : index
    %get3A_47 = arith.constant 0 : index
    %get3A_48 = vector.load %arg4[%get3A_46, %get3A_47] : memref<2304x512xf32, #tpu.memory_space<vmem>>, vector<256x512xf32>
    %dot_general3A_49 = arith.constant dense<0.000000e+00> : vector<256x512xf32>
    %dot_general3A_50 = tpu.matmul %mul3A_45, %get3A_48, %dot_general3A_49 {dimension_numbers = #tpu.dot_dimension_numbers<[1], [0], [0], [1], [0, 0, 1, 1], [], []>, transpose_lhs_hint = false} : vector<256x256xf32>, vector<256x512xf32>, vector<256x512xf32> -> vector<256x512xf32>
    %add3A_51 = arith.addf %add3A_37, %dot_general3A_50 : vector<256x512xf32>
    %get3A_52 = arith.constant 3 : index
    %get3A_53 = arith.constant 0 : index
    %get3A_54 = arith.constant 0 : index
    %get3A_55 = vector.load %arg2[%get3A_52, %get3A_53, %get3A_54] : memref<8x256x256xf32, #tpu.memory_space<vmem>>, vector<1x256x256xf32>
    %get3A_56 = vector.shape_cast %get3A_55 : vector<1x256x256xf32> to vector<256x256xf32>
    %slice3A_57 = vector.extract_strided_slice %div3A_5 {offsets = [0, 3], sizes = [256, 1], strides = [1, 1]} : vector<256x8xf32> to vector<256x1xf32>
    %mul3A_58 = vector.broadcast %slice3A_57 : vector<256x1xf32> to vector<256x256xf32>
    %mul3A_59 = arith.mulf %get3A_56, %mul3A_58 : vector<256x256xf32>
    %get3A_60 = arith.constant 768 : index
    %get3A_61 = arith.constant 0 : index
    %get3A_62 = vector.load %arg4[%get3A_60, %get3A_61] : memref<2304x512xf32, #tpu.memory_space<vmem>>, vector<256x512xf32>
    %dot_general3A_63 = arith.constant dense<0.000000e+00> : vector<256x512xf32>
    %dot_general3A_64 = tpu.matmul %mul3A_59, %get3A_62, %dot_general3A_63 {dimension_numbers = #tpu.dot_dimension_numbers<[1], [0], [0], [1], [0, 0, 1, 1], [], []>, transpose_lhs_hint = false} : vector<256x256xf32>, vector<256x512xf32>, vector<256x512xf32> -> vector<256x512xf32>
    %add3A_65 = arith.addf %add3A_51, %dot_general3A_64 : vector<256x512xf32>
    %get3A_66 = arith.constant 4 : index
    %get3A_67 = arith.constant 0 : index
    %get3A_68 = arith.constant 0 : index
    %get3A_69 = vector.load %arg2[%get3A_66, %get3A_67, %get3A_68] : memref<8x256x256xf32, #tpu.memory_space<vmem>>, vector<1x256x256xf32>
    %get3A_70 = vector.shape_cast %get3A_69 : vector<1x256x256xf32> to vector<256x256xf32>
    %slice3A_71 = vector.extract_strided_slice %div3A_5 {offsets = [0, 4], sizes = [256, 1], strides = [1, 1]} : vector<256x8xf32> to vector<256x1xf32>
    %mul3A_72 = vector.broadcast %slice3A_71 : vector<256x1xf32> to vector<256x256xf32>
    %mul3A_73 = arith.mulf %get3A_70, %mul3A_72 : vector<256x256xf32>
    %get3A_74 = arith.constant 1024 : index
    %get3A_75 = arith.constant 0 : index
    %get3A_76 = vector.load %arg4[%get3A_74, %get3A_75] : memref<2304x512xf32, #tpu.memory_space<vmem>>, vector<256x512xf32>
    %dot_general3A_77 = arith.constant dense<0.000000e+00> : vector<256x512xf32>
    %dot_general3A_78 = tpu.matmul %mul3A_73, %get3A_76, %dot_general3A_77 {dimension_numbers = #tpu.dot_dimension_numbers<[1], [0], [0], [1], [0, 0, 1, 1], [], []>, transpose_lhs_hint = false} : vector<256x256xf32>, vector<256x512xf32>, vector<256x512xf32> -> vector<256x512xf32>
    %add3A_79 = arith.addf %add3A_65, %dot_general3A_78 : vector<256x512xf32>
    %get3A_80 = arith.constant 5 : index
    %get3A_81 = arith.constant 0 : index
    %get3A_82 = arith.constant 0 : index
    %get3A_83 = vector.load %arg2[%get3A_80, %get3A_81, %get3A_82] : memref<8x256x256xf32, #tpu.memory_space<vmem>>, vector<1x256x256xf32>
    %get3A_84 = vector.shape_cast %get3A_83 : vector<1x256x256xf32> to vector<256x256xf32>
    %slice3A_85 = vector.extract_strided_slice %div3A_5 {offsets = [0, 5], sizes = [256, 1], strides = [1, 1]} : vector<256x8xf32> to vector<256x1xf32>
    %mul3A_86 = vector.broadcast %slice3A_85 : vector<256x1xf32> to vector<256x256xf32>
    %mul3A_87 = arith.mulf %get3A_84, %mul3A_86 : vector<256x256xf32>
    %get3A_88 = arith.constant 1280 : index
    %get3A_89 = arith.constant 0 : index
    %get3A_90 = vector.load %arg4[%get3A_88, %get3A_89] : memref<2304x512xf32, #tpu.memory_space<vmem>>, vector<256x512xf32>
    %dot_general3A_91 = arith.constant dense<0.000000e+00> : vector<256x512xf32>
    %dot_general3A_92 = tpu.matmul %mul3A_87, %get3A_90, %dot_general3A_91 {dimension_numbers = #tpu.dot_dimension_numbers<[1], [0], [0], [1], [0, 0, 1, 1], [], []>, transpose_lhs_hint = false} : vector<256x256xf32>, vector<256x512xf32>, vector<256x512xf32> -> vector<256x512xf32>
    %add3A_93 = arith.addf %add3A_79, %dot_general3A_92 : vector<256x512xf32>
    %get3A_94 = arith.constant 6 : index
    %get3A_95 = arith.constant 0 : index
    %get3A_96 = arith.constant 0 : index
    %get3A_97 = vector.load %arg2[%get3A_94, %get3A_95, %get3A_96] : memref<8x256x256xf32, #tpu.memory_space<vmem>>, vector<1x256x256xf32>
    %get3A_98 = vector.shape_cast %get3A_97 : vector<1x256x256xf32> to vector<256x256xf32>
    %slice3A_99 = vector.extract_strided_slice %div3A_5 {offsets = [0, 6], sizes = [256, 1], strides = [1, 1]} : vector<256x8xf32> to vector<256x1xf32>
    %mul3A_100 = vector.broadcast %slice3A_99 : vector<256x1xf32> to vector<256x256xf32>
    %mul3A_101 = arith.mulf %get3A_98, %mul3A_100 : vector<256x256xf32>
    %get3A_102 = arith.constant 1536 : index
    %get3A_103 = arith.constant 0 : index
    %get3A_104 = vector.load %arg4[%get3A_102, %get3A_103] : memref<2304x512xf32, #tpu.memory_space<vmem>>, vector<256x512xf32>
    %dot_general3A_105 = arith.constant dense<0.000000e+00> : vector<256x512xf32>
    %dot_general3A_106 = tpu.matmul %mul3A_101, %get3A_104, %dot_general3A_105 {dimension_numbers = #tpu.dot_dimension_numbers<[1], [0], [0], [1], [0, 0, 1, 1], [], []>, transpose_lhs_hint = false} : vector<256x256xf32>, vector<256x512xf32>, vector<256x512xf32> -> vector<256x512xf32>
    %add3A_107 = arith.addf %add3A_93, %dot_general3A_106 : vector<256x512xf32>
    %get3A_108 = arith.constant 7 : index
    %get3A_109 = arith.constant 0 : index
    %get3A_110 = arith.constant 0 : index
    %get3A_111 = vector.load %arg2[%get3A_108, %get3A_109, %get3A_110] : memref<8x256x256xf32, #tpu.memory_space<vmem>>, vector<1x256x256xf32>
    %get3A_112 = vector.shape_cast %get3A_111 : vector<1x256x256xf32> to vector<256x256xf32>
    %slice3A_113 = vector.extract_strided_slice %div3A_5 {offsets = [0, 7], sizes = [256, 1], strides = [1, 1]} : vector<256x8xf32> to vector<256x1xf32>
    %mul3A_114 = vector.broadcast %slice3A_113 : vector<256x1xf32> to vector<256x256xf32>
    %mul3A_115 = arith.mulf %get3A_112, %mul3A_114 : vector<256x256xf32>
    %get3A_116 = arith.constant 1792 : index
    %get3A_117 = arith.constant 0 : index
    %get3A_118 = vector.load %arg4[%get3A_116, %get3A_117] : memref<2304x512xf32, #tpu.memory_space<vmem>>, vector<256x512xf32>
    %dot_general3A_119 = arith.constant dense<0.000000e+00> : vector<256x512xf32>
    %dot_general3A_120 = tpu.matmul %mul3A_115, %get3A_118, %dot_general3A_119 {dimension_numbers = #tpu.dot_dimension_numbers<[1], [0], [0], [1], [0, 0, 1, 1], [], []>, transpose_lhs_hint = false} : vector<256x256xf32>, vector<256x512xf32>, vector<256x512xf32> -> vector<256x512xf32>
    %add3A_121 = arith.addf %add3A_107, %dot_general3A_120 : vector<256x512xf32>
    %get3A_122 = arith.constant 0 : index
    %get3A_123 = arith.constant 0 : index
    %get3A_124 = vector.load %arg5[%get3A_122, %get3A_123] : memref<1x512xf32, #tpu.memory_space<vmem>>, vector<1x512xf32>
    %add3A_125 = vector.broadcast %get3A_124 : vector<1x512xf32> to vector<256x512xf32>
    %add3A_126 = arith.addf %add3A_121, %add3A_125 : vector<256x512xf32>
    %max3A_127 = arith.constant 0.000000e+00 : f32
    %max3A_128 = vector.broadcast %max3A_127 : f32 to vector<256x512xf32>
    %max3A_129 = arith.maximumf %add3A_126, %max3A_128 : vector<256x512xf32>
    %swap3A = arith.constant 0 : index
    %swap3A_130 = arith.constant 0 : index
    %swap3A_131 = vector.load %arg6[%swap3A, %swap3A_130] : memref<256x512xf32, #tpu.memory_space<vmem>>, vector<256x512xf32>
    tpu.vector_store %arg6[%swap3A, %swap3A_130], %max3A_129 {strides = array<i32>} : memref<256x512xf32, #tpu.memory_space<vmem>>, vector<256x512xf32>,
    return
  }
  func.func @transform_0(%arg0: i32) -> (i32, i32) {
    %c0_i32 = arith.constant 0 : i32
    %c0_i32_0 = arith.constant 0 : i32
    return %arg0, %c0_i32 : i32, i32
  }
  func.func @transform_1(%arg0: i32) -> (i32, i32, i32) {
    %c0_i32 = arith.constant 0 : i32
    %c0_i32_0 = arith.constant 0 : i32
    %c0_i32_1 = arith.constant 0 : i32
    return %c0_i32, %arg0, %c0_i32_0 : i32, i32, i32
  }
  func.func @transform_2(%arg0: i32) -> (i32, i32) {
    %c0_i32 = arith.constant 0 : i32
    %c0_i32_0 = arith.constant 0 : i32
    return %arg0, %c0_i32 : i32, i32
  }
  func.func @transform_3(%arg0: i32) -> (i32, i32) {
    %c0_i32 = arith.constant 0 : i32
    %c0_i32_0 = arith.constant 0 : i32
    %c0_i32_1 = arith.constant 0 : i32
    return %c0_i32, %c0_i32_0 : i32, i32
  }
  func.func @transform_4(%arg0: i32) -> (i32, i32) {
    %c0_i32 = arith.constant 0 : i32
    %c0_i32_0 = arith.constant 0 : i32
    %c0_i32_1 = arith.constant 0 : i32
    return %c0_i32, %c0_i32_0 : i32, i32
  }
  func.func @transform_5(%arg0: i32) -> (i32, i32) {
    %c0_i32 = arith.constant 0 : i32
    %c0_i32_0 = arith.constant 0 : i32
    return %arg0, %c0_i32 : i32, i32
  }
}

module attributes {stable_mosaic.version = 14 : i64} {
  func.func @body(%arg0: i32, %arg1: memref<256x512xf32, #tpu.memory_space<vmem>>, %arg2: memref<8x256x512xf32, #tpu.memory_space<vmem>>, %arg3: memref<256x8xf32, #tpu.memory_space<vmem>>, %arg4: memref<4608x512xf32, #tpu.memory_space<vmem>>, %arg5: memref<1x512xf32, #tpu.memory_space<vmem>>, %arg6: memref<256x512xf32, #tpu.memory_space<vmem>>) attributes {dimension_semantics = [#tpu.dimension_semantics<arbitrary>], iteration_bounds = array<i64: 40>, scalar_prefetch = 0 : i64, scratch_operands = 0 : i64, tpu.core_type = #tpu.core_type<tc>, window_params = [{transform_indices = @transform_0, window_bounds = array<i64: 256, 512>}, {transform_indices = @transform_1, window_bounds = array<i64: 8, 256, 512>}, {transform_indices = @transform_2, window_bounds = array<i64: 256, 8>}, {pipeline_mode = #tpu.pipeline_mode<synchronous>, transform_indices = @transform_3, window_bounds = array<i64: 4608, 512>}, {pipeline_mode = #tpu.pipeline_mode<synchronous>, transform_indices = @transform_4, window_bounds = array<i64: 1, 512>}, {transform_indices = @transform_5, window_bounds = array<i64: 256, 512>}]} {
    %get3A = arith.constant 0 : index
    %get3A_0 = arith.constant 0 : index
    %get3A_1 = vector.load %arg3[%get3A, %get3A_0] : memref<256x8xf32, #tpu.memory_space<vmem>>, vector<256x8xf32>
    %max3A = arith.constant 1.000000e+00 : f32
    %max3A_2 = vector.broadcast %max3A : f32 to vector<256x8xf32>
    %max3A_3 = arith.maximumf %get3A_1, %max3A_2 : vector<256x8xf32>
    %div3A = arith.constant 1.000000e+00 : f32
    %div3A_4 = vector.broadcast %div3A : f32 to vector<256x8xf32>
    %div3A_5 = arith.divf %div3A_4, %max3A_3 : vector<256x8xf32>
    %get3A_6 = arith.constant 0 : index
    %get3A_7 = arith.constant 0 : index
    %get3A_8 = vector.load %arg1[%get3A_6, %get3A_7] : memref<256x512xf32, #tpu.memory_space<vmem>>, vector<256x512xf32>
    %get3A_9 = arith.constant 4096 : index
    %get3A_10 = arith.constant 0 : index
    %get3A_11 = vector.load %arg4[%get3A_9, %get3A_10] : memref<4608x512xf32, #tpu.memory_space<vmem>>, vector<512x512xf32>
    %dot_general3A = arith.constant dense<0.000000e+00> : vector<256x512xf32>
    %dot_general3A_12 = tpu.matmul %get3A_8, %get3A_11, %dot_general3A {dimension_numbers = #tpu.dot_dimension_numbers<[1], [0], [0], [1], [0, 0, 1, 1], [], []>, transpose_lhs_hint = false} : vector<256x512xf32>, vector<512x512xf32>, vector<256x512xf32> -> vector<256x512xf32>
    %get3A_13 = arith.constant 0 : index
    %get3A_14 = arith.constant 0 : index
    %get3A_15 = arith.constant 0 : index
    %get3A_16 = vector.load %arg2[%get3A_13, %get3A_14, %get3A_15] : memref<8x256x512xf32, #tpu.memory_space<vmem>>, vector<1x256x512xf32>
    %get3A_17 = vector.shape_cast %get3A_16 : vector<1x256x512xf32> to vector<256x512xf32>
    %slice3A = vector.extract_strided_slice %div3A_5 {offsets = [0, 0], sizes = [256, 1], strides = [1, 1]} : vector<256x8xf32> to vector<256x1xf32>
    %mul3A = vector.broadcast %slice3A : vector<256x1xf32> to vector<256x512xf32>
    %mul3A_18 = arith.mulf %get3A_17, %mul3A : vector<256x512xf32>
    %get3A_19 = arith.constant 0 : index
    %get3A_20 = arith.constant 0 : index
    %get3A_21 = vector.load %arg4[%get3A_19, %get3A_20] : memref<4608x512xf32, #tpu.memory_space<vmem>>, vector<512x512xf32>
    %dot_general3A_22 = arith.constant dense<0.000000e+00> : vector<256x512xf32>
    %dot_general3A_23 = tpu.matmul %mul3A_18, %get3A_21, %dot_general3A_22 {dimension_numbers = #tpu.dot_dimension_numbers<[1], [0], [0], [1], [0, 0, 1, 1], [], []>, transpose_lhs_hint = false} : vector<256x512xf32>, vector<512x512xf32>, vector<256x512xf32> -> vector<256x512xf32>
    %add3A = arith.addf %dot_general3A_12, %dot_general3A_23 : vector<256x512xf32>
    %get3A_24 = arith.constant 1 : index
    %get3A_25 = arith.constant 0 : index
    %get3A_26 = arith.constant 0 : index
    %get3A_27 = vector.load %arg2[%get3A_24, %get3A_25, %get3A_26] : memref<8x256x512xf32, #tpu.memory_space<vmem>>, vector<1x256x512xf32>
    %get3A_28 = vector.shape_cast %get3A_27 : vector<1x256x512xf32> to vector<256x512xf32>
    %slice3A_29 = vector.extract_strided_slice %div3A_5 {offsets = [0, 1], sizes = [256, 1], strides = [1, 1]} : vector<256x8xf32> to vector<256x1xf32>
    %mul3A_30 = vector.broadcast %slice3A_29 : vector<256x1xf32> to vector<256x512xf32>
    %mul3A_31 = arith.mulf %get3A_28, %mul3A_30 : vector<256x512xf32>
    %get3A_32 = arith.constant 512 : index
    %get3A_33 = arith.constant 0 : index
    %get3A_34 = vector.load %arg4[%get3A_32, %get3A_33] : memref<4608x512xf32, #tpu.memory_space<vmem>>, vector<512x512xf32>
    %dot_general3A_35 = arith.constant dense<0.000000e+00> : vector<256x512xf32>
    %dot_general3A_36 = tpu.matmul %mul3A_31, %get3A_34, %dot_general3A_35 {dimension_numbers = #tpu.dot_dimension_numbers<[1], [0], [0], [1], [0, 0, 1, 1], [], []>, transpose_lhs_hint = false} : vector<256x512xf32>, vector<512x512xf32>, vector<256x512xf32> -> vector<256x512xf32>
    %add3A_37 = arith.addf %add3A, %dot_general3A_36 : vector<256x512xf32>
    %get3A_38 = arith.constant 2 : index
    %get3A_39 = arith.constant 0 : index
    %get3A_40 = arith.constant 0 : index
    %get3A_41 = vector.load %arg2[%get3A_38, %get3A_39, %get3A_40] : memref<8x256x512xf32, #tpu.memory_space<vmem>>, vector<1x256x512xf32>
    %get3A_42 = vector.shape_cast %get3A_41 : vector<1x256x512xf32> to vector<256x512xf32>
    %slice3A_43 = vector.extract_strided_slice %div3A_5 {offsets = [0, 2], sizes = [256, 1], strides = [1, 1]} : vector<256x8xf32> to vector<256x1xf32>
    %mul3A_44 = vector.broadcast %slice3A_43 : vector<256x1xf32> to vector<256x512xf32>
    %mul3A_45 = arith.mulf %get3A_42, %mul3A_44 : vector<256x512xf32>
    %get3A_46 = arith.constant 1024 : index
    %get3A_47 = arith.constant 0 : index
    %get3A_48 = vector.load %arg4[%get3A_46, %get3A_47] : memref<4608x512xf32, #tpu.memory_space<vmem>>, vector<512x512xf32>
    %dot_general3A_49 = arith.constant dense<0.000000e+00> : vector<256x512xf32>
    %dot_general3A_50 = tpu.matmul %mul3A_45, %get3A_48, %dot_general3A_49 {dimension_numbers = #tpu.dot_dimension_numbers<[1], [0], [0], [1], [0, 0, 1, 1], [], []>, transpose_lhs_hint = false} : vector<256x512xf32>, vector<512x512xf32>, vector<256x512xf32> -> vector<256x512xf32>
    %add3A_51 = arith.addf %add3A_37, %dot_general3A_50 : vector<256x512xf32>
    %get3A_52 = arith.constant 3 : index
    %get3A_53 = arith.constant 0 : index
    %get3A_54 = arith.constant 0 : index
    %get3A_55 = vector.load %arg2[%get3A_52, %get3A_53, %get3A_54] : memref<8x256x512xf32, #tpu.memory_space<vmem>>, vector<1x256x512xf32>
    %get3A_56 = vector.shape_cast %get3A_55 : vector<1x256x512xf32> to vector<256x512xf32>
    %slice3A_57 = vector.extract_strided_slice %div3A_5 {offsets = [0, 3], sizes = [256, 1], strides = [1, 1]} : vector<256x8xf32> to vector<256x1xf32>
    %mul3A_58 = vector.broadcast %slice3A_57 : vector<256x1xf32> to vector<256x512xf32>
    %mul3A_59 = arith.mulf %get3A_56, %mul3A_58 : vector<256x512xf32>
    %get3A_60 = arith.constant 1536 : index
    %get3A_61 = arith.constant 0 : index
    %get3A_62 = vector.load %arg4[%get3A_60, %get3A_61] : memref<4608x512xf32, #tpu.memory_space<vmem>>, vector<512x512xf32>
    %dot_general3A_63 = arith.constant dense<0.000000e+00> : vector<256x512xf32>
    %dot_general3A_64 = tpu.matmul %mul3A_59, %get3A_62, %dot_general3A_63 {dimension_numbers = #tpu.dot_dimension_numbers<[1], [0], [0], [1], [0, 0, 1, 1], [], []>, transpose_lhs_hint = false} : vector<256x512xf32>, vector<512x512xf32>, vector<256x512xf32> -> vector<256x512xf32>
    %add3A_65 = arith.addf %add3A_51, %dot_general3A_64 : vector<256x512xf32>
    %get3A_66 = arith.constant 4 : index
    %get3A_67 = arith.constant 0 : index
    %get3A_68 = arith.constant 0 : index
    %get3A_69 = vector.load %arg2[%get3A_66, %get3A_67, %get3A_68] : memref<8x256x512xf32, #tpu.memory_space<vmem>>, vector<1x256x512xf32>
    %get3A_70 = vector.shape_cast %get3A_69 : vector<1x256x512xf32> to vector<256x512xf32>
    %slice3A_71 = vector.extract_strided_slice %div3A_5 {offsets = [0, 4], sizes = [256, 1], strides = [1, 1]} : vector<256x8xf32> to vector<256x1xf32>
    %mul3A_72 = vector.broadcast %slice3A_71 : vector<256x1xf32> to vector<256x512xf32>
    %mul3A_73 = arith.mulf %get3A_70, %mul3A_72 : vector<256x512xf32>
    %get3A_74 = arith.constant 2048 : index
    %get3A_75 = arith.constant 0 : index
    %get3A_76 = vector.load %arg4[%get3A_74, %get3A_75] : memref<4608x512xf32, #tpu.memory_space<vmem>>, vector<512x512xf32>
    %dot_general3A_77 = arith.constant dense<0.000000e+00> : vector<256x512xf32>
    %dot_general3A_78 = tpu.matmul %mul3A_73, %get3A_76, %dot_general3A_77 {dimension_numbers = #tpu.dot_dimension_numbers<[1], [0], [0], [1], [0, 0, 1, 1], [], []>, transpose_lhs_hint = false} : vector<256x512xf32>, vector<512x512xf32>, vector<256x512xf32> -> vector<256x512xf32>
    %add3A_79 = arith.addf %add3A_65, %dot_general3A_78 : vector<256x512xf32>
    %get3A_80 = arith.constant 5 : index
    %get3A_81 = arith.constant 0 : index
    %get3A_82 = arith.constant 0 : index
    %get3A_83 = vector.load %arg2[%get3A_80, %get3A_81, %get3A_82] : memref<8x256x512xf32, #tpu.memory_space<vmem>>, vector<1x256x512xf32>
    %get3A_84 = vector.shape_cast %get3A_83 : vector<1x256x512xf32> to vector<256x512xf32>
    %slice3A_85 = vector.extract_strided_slice %div3A_5 {offsets = [0, 5], sizes = [256, 1], strides = [1, 1]} : vector<256x8xf32> to vector<256x1xf32>
    %mul3A_86 = vector.broadcast %slice3A_85 : vector<256x1xf32> to vector<256x512xf32>
    %mul3A_87 = arith.mulf %get3A_84, %mul3A_86 : vector<256x512xf32>
    %get3A_88 = arith.constant 2560 : index
    %get3A_89 = arith.constant 0 : index
    %get3A_90 = vector.load %arg4[%get3A_88, %get3A_89] : memref<4608x512xf32, #tpu.memory_space<vmem>>, vector<512x512xf32>
    %dot_general3A_91 = arith.constant dense<0.000000e+00> : vector<256x512xf32>
    %dot_general3A_92 = tpu.matmul %mul3A_87, %get3A_90, %dot_general3A_91 {dimension_numbers = #tpu.dot_dimension_numbers<[1], [0], [0], [1], [0, 0, 1, 1], [], []>, transpose_lhs_hint = false} : vector<256x512xf32>, vector<512x512xf32>, vector<256x512xf32> -> vector<256x512xf32>
    %add3A_93 = arith.addf %add3A_79, %dot_general3A_92 : vector<256x512xf32>
    %get3A_94 = arith.constant 6 : index
    %get3A_95 = arith.constant 0 : index
    %get3A_96 = arith.constant 0 : index
    %get3A_97 = vector.load %arg2[%get3A_94, %get3A_95, %get3A_96] : memref<8x256x512xf32, #tpu.memory_space<vmem>>, vector<1x256x512xf32>
    %get3A_98 = vector.shape_cast %get3A_97 : vector<1x256x512xf32> to vector<256x512xf32>
    %slice3A_99 = vector.extract_strided_slice %div3A_5 {offsets = [0, 6], sizes = [256, 1], strides = [1, 1]} : vector<256x8xf32> to vector<256x1xf32>
    %mul3A_100 = vector.broadcast %slice3A_99 : vector<256x1xf32> to vector<256x512xf32>
    %mul3A_101 = arith.mulf %get3A_98, %mul3A_100 : vector<256x512xf32>
    %get3A_102 = arith.constant 3072 : index
    %get3A_103 = arith.constant 0 : index
    %get3A_104 = vector.load %arg4[%get3A_102, %get3A_103] : memref<4608x512xf32, #tpu.memory_space<vmem>>, vector<512x512xf32>
    %dot_general3A_105 = arith.constant dense<0.000000e+00> : vector<256x512xf32>
    %dot_general3A_106 = tpu.matmul %mul3A_101, %get3A_104, %dot_general3A_105 {dimension_numbers = #tpu.dot_dimension_numbers<[1], [0], [0], [1], [0, 0, 1, 1], [], []>, transpose_lhs_hint = false} : vector<256x512xf32>, vector<512x512xf32>, vector<256x512xf32> -> vector<256x512xf32>
    %add3A_107 = arith.addf %add3A_93, %dot_general3A_106 : vector<256x512xf32>
    %get3A_108 = arith.constant 7 : index
    %get3A_109 = arith.constant 0 : index
    %get3A_110 = arith.constant 0 : index
    %get3A_111 = vector.load %arg2[%get3A_108, %get3A_109, %get3A_110] : memref<8x256x512xf32, #tpu.memory_space<vmem>>, vector<1x256x512xf32>
    %get3A_112 = vector.shape_cast %get3A_111 : vector<1x256x512xf32> to vector<256x512xf32>
    %slice3A_113 = vector.extract_strided_slice %div3A_5 {offsets = [0, 7], sizes = [256, 1], strides = [1, 1]} : vector<256x8xf32> to vector<256x1xf32>
    %mul3A_114 = vector.broadcast %slice3A_113 : vector<256x1xf32> to vector<256x512xf32>
    %mul3A_115 = arith.mulf %get3A_112, %mul3A_114 : vector<256x512xf32>
    %get3A_116 = arith.constant 3584 : index
    %get3A_117 = arith.constant 0 : index
    %get3A_118 = vector.load %arg4[%get3A_116, %get3A_117] : memref<4608x512xf32, #tpu.memory_space<vmem>>, vector<512x512xf32>
    %dot_general3A_119 = arith.constant dense<0.000000e+00> : vector<256x512xf32>
    %dot_general3A_120 = tpu.matmul %mul3A_115, %get3A_118, %dot_general3A_119 {dimension_numbers = #tpu.dot_dimension_numbers<[1], [0], [0], [1], [0, 0, 1, 1], [], []>, transpose_lhs_hint = false} : vector<256x512xf32>, vector<512x512xf32>, vector<256x512xf32> -> vector<256x512xf32>
    %add3A_121 = arith.addf %add3A_107, %dot_general3A_120 : vector<256x512xf32>
    %get3A_122 = arith.constant 0 : index
    %get3A_123 = arith.constant 0 : index
    %get3A_124 = vector.load %arg5[%get3A_122, %get3A_123] : memref<1x512xf32, #tpu.memory_space<vmem>>, vector<1x512xf32>
    %add3A_125 = vector.broadcast %get3A_124 : vector<1x512xf32> to vector<256x512xf32>
    %add3A_126 = arith.addf %add3A_121, %add3A_125 : vector<256x512xf32>
    %max3A_127 = arith.constant 0.000000e+00 : f32
    %max3A_128 = vector.broadcast %max3A_127 : f32 to vector<256x512xf32>
    %max3A_129 = arith.maximumf %add3A_126, %max3A_128 : vector<256x512xf32>
    %swap3A = arith.constant 0 : index
    %swap3A_130 = arith.constant 0 : index
    %swap3A_131 = vector.load %arg6[%swap3A, %swap3A_130] : memref<256x512xf32, #tpu.memory_space<vmem>>, vector<256x512xf32>
    tpu.vector_store %arg6[%swap3A, %swap3A_130], %max3A_129 {strides = array<i32>} : memref<256x512xf32, #tpu.memory_space<vmem>>, vector<256x512xf32>,
    return
  }
  func.func @transform_0(%arg0: i32) -> (i32, i32) {
    %c0_i32 = arith.constant 0 : i32
    %c0_i32_0 = arith.constant 0 : i32
    return %arg0, %c0_i32 : i32, i32
  }
  func.func @transform_1(%arg0: i32) -> (i32, i32, i32) {
    %c0_i32 = arith.constant 0 : i32
    %c0_i32_0 = arith.constant 0 : i32
    %c0_i32_1 = arith.constant 0 : i32
    return %c0_i32, %arg0, %c0_i32_0 : i32, i32, i32
  }
  func.func @transform_2(%arg0: i32) -> (i32, i32) {
    %c0_i32 = arith.constant 0 : i32
    %c0_i32_0 = arith.constant 0 : i32
    return %arg0, %c0_i32 : i32, i32
  }
  func.func @transform_3(%arg0: i32) -> (i32, i32) {
    %c0_i32 = arith.constant 0 : i32
    %c0_i32_0 = arith.constant 0 : i32
    %c0_i32_1 = arith.constant 0 : i32
    return %c0_i32, %c0_i32_0 : i32, i32
  }
  func.func @transform_4(%arg0: i32) -> (i32, i32) {
    %c0_i32 = arith.constant 0 : i32
    %c0_i32_0 = arith.constant 0 : i32
    %c0_i32_1 = arith.constant 0 : i32
    return %c0_i32, %c0_i32_0 : i32, i32
  }
  func.func @transform_5(%arg0: i32) -> (i32, i32) {
    %c0_i32 = arith.constant 0 : i32
    %c0_i32_0 = arith.constant 0 : i32
    return %arg0, %c0_i32 : i32, i32
  }
}

module attributes {stable_mosaic.version = 14 : i64} {
  func.func @body(%arg0: i32, %arg1: memref<256x512xf32, #tpu.memory_space<vmem>>, %arg2: memref<8x256x512xf32, #tpu.memory_space<vmem>>, %arg3: memref<256x8xf32, #tpu.memory_space<vmem>>, %arg4: memref<4608x256xf32, #tpu.memory_space<vmem>>, %arg5: memref<1x256xf32, #tpu.memory_space<vmem>>, %arg6: memref<256x256xf32, #tpu.memory_space<vmem>>) attributes {dimension_semantics = [#tpu.dimension_semantics<arbitrary>], iteration_bounds = array<i64: 40>, scalar_prefetch = 0 : i64, scratch_operands = 0 : i64, tpu.core_type = #tpu.core_type<tc>, window_params = [{transform_indices = @transform_0, window_bounds = array<i64: 256, 512>}, {transform_indices = @transform_1, window_bounds = array<i64: 8, 256, 512>}, {transform_indices = @transform_2, window_bounds = array<i64: 256, 8>}, {pipeline_mode = #tpu.pipeline_mode<synchronous>, transform_indices = @transform_3, window_bounds = array<i64: 4608, 256>}, {pipeline_mode = #tpu.pipeline_mode<synchronous>, transform_indices = @transform_4, window_bounds = array<i64: 1, 256>}, {transform_indices = @transform_5, window_bounds = array<i64: 256, 256>}]} {
    %get3A = arith.constant 0 : index
    %get3A_0 = arith.constant 0 : index
    %get3A_1 = vector.load %arg3[%get3A, %get3A_0] : memref<256x8xf32, #tpu.memory_space<vmem>>, vector<256x8xf32>
    %max3A = arith.constant 1.000000e+00 : f32
    %max3A_2 = vector.broadcast %max3A : f32 to vector<256x8xf32>
    %max3A_3 = arith.maximumf %get3A_1, %max3A_2 : vector<256x8xf32>
    %div3A = arith.constant 1.000000e+00 : f32
    %div3A_4 = vector.broadcast %div3A : f32 to vector<256x8xf32>
    %div3A_5 = arith.divf %div3A_4, %max3A_3 : vector<256x8xf32>
    %get3A_6 = arith.constant 0 : index
    %get3A_7 = arith.constant 0 : index
    %get3A_8 = vector.load %arg1[%get3A_6, %get3A_7] : memref<256x512xf32, #tpu.memory_space<vmem>>, vector<256x512xf32>
    %get3A_9 = arith.constant 4096 : index
    %get3A_10 = arith.constant 0 : index
    %get3A_11 = vector.load %arg4[%get3A_9, %get3A_10] : memref<4608x256xf32, #tpu.memory_space<vmem>>, vector<512x256xf32>
    %dot_general3A = arith.constant dense<0.000000e+00> : vector<256x256xf32>
    %dot_general3A_12 = tpu.matmul %get3A_8, %get3A_11, %dot_general3A {dimension_numbers = #tpu.dot_dimension_numbers<[1], [0], [0], [1], [0, 0, 1, 1], [], []>, transpose_lhs_hint = false} : vector<256x512xf32>, vector<512x256xf32>, vector<256x256xf32> -> vector<256x256xf32>
    %get3A_13 = arith.constant 0 : index
    %get3A_14 = arith.constant 0 : index
    %get3A_15 = arith.constant 0 : index
    %get3A_16 = vector.load %arg2[%get3A_13, %get3A_14, %get3A_15] : memref<8x256x512xf32, #tpu.memory_space<vmem>>, vector<1x256x512xf32>
    %get3A_17 = vector.shape_cast %get3A_16 : vector<1x256x512xf32> to vector<256x512xf32>
    %slice3A = vector.extract_strided_slice %div3A_5 {offsets = [0, 0], sizes = [256, 1], strides = [1, 1]} : vector<256x8xf32> to vector<256x1xf32>
    %mul3A = vector.broadcast %slice3A : vector<256x1xf32> to vector<256x512xf32>
    %mul3A_18 = arith.mulf %get3A_17, %mul3A : vector<256x512xf32>
    %get3A_19 = arith.constant 0 : index
    %get3A_20 = arith.constant 0 : index
    %get3A_21 = vector.load %arg4[%get3A_19, %get3A_20] : memref<4608x256xf32, #tpu.memory_space<vmem>>, vector<512x256xf32>
    %dot_general3A_22 = arith.constant dense<0.000000e+00> : vector<256x256xf32>
    %dot_general3A_23 = tpu.matmul %mul3A_18, %get3A_21, %dot_general3A_22 {dimension_numbers = #tpu.dot_dimension_numbers<[1], [0], [0], [1], [0, 0, 1, 1], [], []>, transpose_lhs_hint = false} : vector<256x512xf32>, vector<512x256xf32>, vector<256x256xf32> -> vector<256x256xf32>
    %add3A = arith.addf %dot_general3A_12, %dot_general3A_23 : vector<256x256xf32>
    %get3A_24 = arith.constant 1 : index
    %get3A_25 = arith.constant 0 : index
    %get3A_26 = arith.constant 0 : index
    %get3A_27 = vector.load %arg2[%get3A_24, %get3A_25, %get3A_26] : memref<8x256x512xf32, #tpu.memory_space<vmem>>, vector<1x256x512xf32>
    %get3A_28 = vector.shape_cast %get3A_27 : vector<1x256x512xf32> to vector<256x512xf32>
    %slice3A_29 = vector.extract_strided_slice %div3A_5 {offsets = [0, 1], sizes = [256, 1], strides = [1, 1]} : vector<256x8xf32> to vector<256x1xf32>
    %mul3A_30 = vector.broadcast %slice3A_29 : vector<256x1xf32> to vector<256x512xf32>
    %mul3A_31 = arith.mulf %get3A_28, %mul3A_30 : vector<256x512xf32>
    %get3A_32 = arith.constant 512 : index
    %get3A_33 = arith.constant 0 : index
    %get3A_34 = vector.load %arg4[%get3A_32, %get3A_33] : memref<4608x256xf32, #tpu.memory_space<vmem>>, vector<512x256xf32>
    %dot_general3A_35 = arith.constant dense<0.000000e+00> : vector<256x256xf32>
    %dot_general3A_36 = tpu.matmul %mul3A_31, %get3A_34, %dot_general3A_35 {dimension_numbers = #tpu.dot_dimension_numbers<[1], [0], [0], [1], [0, 0, 1, 1], [], []>, transpose_lhs_hint = false} : vector<256x512xf32>, vector<512x256xf32>, vector<256x256xf32> -> vector<256x256xf32>
    %add3A_37 = arith.addf %add3A, %dot_general3A_36 : vector<256x256xf32>
    %get3A_38 = arith.constant 2 : index
    %get3A_39 = arith.constant 0 : index
    %get3A_40 = arith.constant 0 : index
    %get3A_41 = vector.load %arg2[%get3A_38, %get3A_39, %get3A_40] : memref<8x256x512xf32, #tpu.memory_space<vmem>>, vector<1x256x512xf32>
    %get3A_42 = vector.shape_cast %get3A_41 : vector<1x256x512xf32> to vector<256x512xf32>
    %slice3A_43 = vector.extract_strided_slice %div3A_5 {offsets = [0, 2], sizes = [256, 1], strides = [1, 1]} : vector<256x8xf32> to vector<256x1xf32>
    %mul3A_44 = vector.broadcast %slice3A_43 : vector<256x1xf32> to vector<256x512xf32>
    %mul3A_45 = arith.mulf %get3A_42, %mul3A_44 : vector<256x512xf32>
    %get3A_46 = arith.constant 1024 : index
    %get3A_47 = arith.constant 0 : index
    %get3A_48 = vector.load %arg4[%get3A_46, %get3A_47] : memref<4608x256xf32, #tpu.memory_space<vmem>>, vector<512x256xf32>
    %dot_general3A_49 = arith.constant dense<0.000000e+00> : vector<256x256xf32>
    %dot_general3A_50 = tpu.matmul %mul3A_45, %get3A_48, %dot_general3A_49 {dimension_numbers = #tpu.dot_dimension_numbers<[1], [0], [0], [1], [0, 0, 1, 1], [], []>, transpose_lhs_hint = false} : vector<256x512xf32>, vector<512x256xf32>, vector<256x256xf32> -> vector<256x256xf32>
    %add3A_51 = arith.addf %add3A_37, %dot_general3A_50 : vector<256x256xf32>
    %get3A_52 = arith.constant 3 : index
    %get3A_53 = arith.constant 0 : index
    %get3A_54 = arith.constant 0 : index
    %get3A_55 = vector.load %arg2[%get3A_52, %get3A_53, %get3A_54] : memref<8x256x512xf32, #tpu.memory_space<vmem>>, vector<1x256x512xf32>
    %get3A_56 = vector.shape_cast %get3A_55 : vector<1x256x512xf32> to vector<256x512xf32>
    %slice3A_57 = vector.extract_strided_slice %div3A_5 {offsets = [0, 3], sizes = [256, 1], strides = [1, 1]} : vector<256x8xf32> to vector<256x1xf32>
    %mul3A_58 = vector.broadcast %slice3A_57 : vector<256x1xf32> to vector<256x512xf32>
    %mul3A_59 = arith.mulf %get3A_56, %mul3A_58 : vector<256x512xf32>
    %get3A_60 = arith.constant 1536 : index
    %get3A_61 = arith.constant 0 : index
    %get3A_62 = vector.load %arg4[%get3A_60, %get3A_61] : memref<4608x256xf32, #tpu.memory_space<vmem>>, vector<512x256xf32>
    %dot_general3A_63 = arith.constant dense<0.000000e+00> : vector<256x256xf32>
    %dot_general3A_64 = tpu.matmul %mul3A_59, %get3A_62, %dot_general3A_63 {dimension_numbers = #tpu.dot_dimension_numbers<[1], [0], [0], [1], [0, 0, 1, 1], [], []>, transpose_lhs_hint = false} : vector<256x512xf32>, vector<512x256xf32>, vector<256x256xf32> -> vector<256x256xf32>
    %add3A_65 = arith.addf %add3A_51, %dot_general3A_64 : vector<256x256xf32>
    %get3A_66 = arith.constant 4 : index
    %get3A_67 = arith.constant 0 : index
    %get3A_68 = arith.constant 0 : index
    %get3A_69 = vector.load %arg2[%get3A_66, %get3A_67, %get3A_68] : memref<8x256x512xf32, #tpu.memory_space<vmem>>, vector<1x256x512xf32>
    %get3A_70 = vector.shape_cast %get3A_69 : vector<1x256x512xf32> to vector<256x512xf32>
    %slice3A_71 = vector.extract_strided_slice %div3A_5 {offsets = [0, 4], sizes = [256, 1], strides = [1, 1]} : vector<256x8xf32> to vector<256x1xf32>
    %mul3A_72 = vector.broadcast %slice3A_71 : vector<256x1xf32> to vector<256x512xf32>
    %mul3A_73 = arith.mulf %get3A_70, %mul3A_72 : vector<256x512xf32>
    %get3A_74 = arith.constant 2048 : index
    %get3A_75 = arith.constant 0 : index
    %get3A_76 = vector.load %arg4[%get3A_74, %get3A_75] : memref<4608x256xf32, #tpu.memory_space<vmem>>, vector<512x256xf32>
    %dot_general3A_77 = arith.constant dense<0.000000e+00> : vector<256x256xf32>
    %dot_general3A_78 = tpu.matmul %mul3A_73, %get3A_76, %dot_general3A_77 {dimension_numbers = #tpu.dot_dimension_numbers<[1], [0], [0], [1], [0, 0, 1, 1], [], []>, transpose_lhs_hint = false} : vector<256x512xf32>, vector<512x256xf32>, vector<256x256xf32> -> vector<256x256xf32>
    %add3A_79 = arith.addf %add3A_65, %dot_general3A_78 : vector<256x256xf32>
    %get3A_80 = arith.constant 5 : index
    %get3A_81 = arith.constant 0 : index
    %get3A_82 = arith.constant 0 : index
    %get3A_83 = vector.load %arg2[%get3A_80, %get3A_81, %get3A_82] : memref<8x256x512xf32, #tpu.memory_space<vmem>>, vector<1x256x512xf32>
    %get3A_84 = vector.shape_cast %get3A_83 : vector<1x256x512xf32> to vector<256x512xf32>
    %slice3A_85 = vector.extract_strided_slice %div3A_5 {offsets = [0, 5], sizes = [256, 1], strides = [1, 1]} : vector<256x8xf32> to vector<256x1xf32>
    %mul3A_86 = vector.broadcast %slice3A_85 : vector<256x1xf32> to vector<256x512xf32>
    %mul3A_87 = arith.mulf %get3A_84, %mul3A_86 : vector<256x512xf32>
    %get3A_88 = arith.constant 2560 : index
    %get3A_89 = arith.constant 0 : index
    %get3A_90 = vector.load %arg4[%get3A_88, %get3A_89] : memref<4608x256xf32, #tpu.memory_space<vmem>>, vector<512x256xf32>
    %dot_general3A_91 = arith.constant dense<0.000000e+00> : vector<256x256xf32>
    %dot_general3A_92 = tpu.matmul %mul3A_87, %get3A_90, %dot_general3A_91 {dimension_numbers = #tpu.dot_dimension_numbers<[1], [0], [0], [1], [0, 0, 1, 1], [], []>, transpose_lhs_hint = false} : vector<256x512xf32>, vector<512x256xf32>, vector<256x256xf32> -> vector<256x256xf32>
    %add3A_93 = arith.addf %add3A_79, %dot_general3A_92 : vector<256x256xf32>
    %get3A_94 = arith.constant 6 : index
    %get3A_95 = arith.constant 0 : index
    %get3A_96 = arith.constant 0 : index
    %get3A_97 = vector.load %arg2[%get3A_94, %get3A_95, %get3A_96] : memref<8x256x512xf32, #tpu.memory_space<vmem>>, vector<1x256x512xf32>
    %get3A_98 = vector.shape_cast %get3A_97 : vector<1x256x512xf32> to vector<256x512xf32>
    %slice3A_99 = vector.extract_strided_slice %div3A_5 {offsets = [0, 6], sizes = [256, 1], strides = [1, 1]} : vector<256x8xf32> to vector<256x1xf32>
    %mul3A_100 = vector.broadcast %slice3A_99 : vector<256x1xf32> to vector<256x512xf32>
    %mul3A_101 = arith.mulf %get3A_98, %mul3A_100 : vector<256x512xf32>
    %get3A_102 = arith.constant 3072 : index
    %get3A_103 = arith.constant 0 : index
    %get3A_104 = vector.load %arg4[%get3A_102, %get3A_103] : memref<4608x256xf32, #tpu.memory_space<vmem>>, vector<512x256xf32>
    %dot_general3A_105 = arith.constant dense<0.000000e+00> : vector<256x256xf32>
    %dot_general3A_106 = tpu.matmul %mul3A_101, %get3A_104, %dot_general3A_105 {dimension_numbers = #tpu.dot_dimension_numbers<[1], [0], [0], [1], [0, 0, 1, 1], [], []>, transpose_lhs_hint = false} : vector<256x512xf32>, vector<512x256xf32>, vector<256x256xf32> -> vector<256x256xf32>
    %add3A_107 = arith.addf %add3A_93, %dot_general3A_106 : vector<256x256xf32>
    %get3A_108 = arith.constant 7 : index
    %get3A_109 = arith.constant 0 : index
    %get3A_110 = arith.constant 0 : index
    %get3A_111 = vector.load %arg2[%get3A_108, %get3A_109, %get3A_110] : memref<8x256x512xf32, #tpu.memory_space<vmem>>, vector<1x256x512xf32>
    %get3A_112 = vector.shape_cast %get3A_111 : vector<1x256x512xf32> to vector<256x512xf32>
    %slice3A_113 = vector.extract_strided_slice %div3A_5 {offsets = [0, 7], sizes = [256, 1], strides = [1, 1]} : vector<256x8xf32> to vector<256x1xf32>
    %mul3A_114 = vector.broadcast %slice3A_113 : vector<256x1xf32> to vector<256x512xf32>
    %mul3A_115 = arith.mulf %get3A_112, %mul3A_114 : vector<256x512xf32>
    %get3A_116 = arith.constant 3584 : index
    %get3A_117 = arith.constant 0 : index
    %get3A_118 = vector.load %arg4[%get3A_116, %get3A_117] : memref<4608x256xf32, #tpu.memory_space<vmem>>, vector<512x256xf32>
    %dot_general3A_119 = arith.constant dense<0.000000e+00> : vector<256x256xf32>
    %dot_general3A_120 = tpu.matmul %mul3A_115, %get3A_118, %dot_general3A_119 {dimension_numbers = #tpu.dot_dimension_numbers<[1], [0], [0], [1], [0, 0, 1, 1], [], []>, transpose_lhs_hint = false} : vector<256x512xf32>, vector<512x256xf32>, vector<256x256xf32> -> vector<256x256xf32>
    %add3A_121 = arith.addf %add3A_107, %dot_general3A_120 : vector<256x256xf32>
    %get3A_122 = arith.constant 0 : index
    %get3A_123 = arith.constant 0 : index
    %get3A_124 = vector.load %arg5[%get3A_122, %get3A_123] : memref<1x256xf32, #tpu.memory_space<vmem>>, vector<1x256xf32>
    %add3A_125 = vector.broadcast %get3A_124 : vector<1x256xf32> to vector<256x256xf32>
    %add3A_126 = arith.addf %add3A_121, %add3A_125 : vector<256x256xf32>
    %swap3A = arith.constant 0 : index
    %swap3A_127 = arith.constant 0 : index
    %swap3A_128 = vector.load %arg6[%swap3A, %swap3A_127] : memref<256x256xf32, #tpu.memory_space<vmem>>, vector<256x256xf32>
    tpu.vector_store %arg6[%swap3A, %swap3A_127], %add3A_126 {strides = array<i32>} : memref<256x256xf32, #tpu.memory_space<vmem>>, vector<256x256xf32>,
    return
  }
  func.func @transform_0(%arg0: i32) -> (i32, i32) {
    %c0_i32 = arith.constant 0 : i32
    %c0_i32_0 = arith.constant 0 : i32
    return %arg0, %c0_i32 : i32, i32
  }
  func.func @transform_1(%arg0: i32) -> (i32, i32, i32) {
    %c0_i32 = arith.constant 0 : i32
    %c0_i32_0 = arith.constant 0 : i32
    %c0_i32_1 = arith.constant 0 : i32
    return %c0_i32, %arg0, %c0_i32_0 : i32, i32, i32
  }
  func.func @transform_2(%arg0: i32) -> (i32, i32) {
    %c0_i32 = arith.constant 0 : i32
    %c0_i32_0 = arith.constant 0 : i32
    return %arg0, %c0_i32 : i32, i32
  }
  func.func @transform_3(%arg0: i32) -> (i32, i32) {
    %c0_i32 = arith.constant 0 : i32
    %c0_i32_0 = arith.constant 0 : i32
    %c0_i32_1 = arith.constant 0 : i32
    return %c0_i32, %c0_i32_0 : i32, i32
  }
  func.func @transform_4(%arg0: i32) -> (i32, i32) {
    %c0_i32 = arith.constant 0 : i32
    %c0_i32_0 = arith.constant 0 : i32
    %c0_i32_1 = arith.constant 0 : i32
    return %c0_i32, %c0_i32_0 : i32, i32
  }
  func.func @transform_5(%arg0: i32) -> (i32, i32) {
    %c0_i32 = arith.constant 0 : i32
    %c0_i32_0 = arith.constant 0 : i32
    return %arg0, %c0_i32 : i32, i32
  }
}

</mosaic_0001>

<sc_bundles>
// kernel: scatter_offload_async_start.1
scs
__scs_entry_jumppad:
0x0: {  	(pc) =	sbr.rel $0x88, $3  }
0x1: {  	(tag) =	ssettag $0x0;
	lr =	simm.s32 $0x1  }
0x2: {  	[smem:$0x3F95] =	sst lr;
	_ =	strace $0xD0000000  }
0x3: {  	_ = 	snop  }
0x4: {  	_ = 	snop  }
0x5: {  	_ = 	snop  }
0x6: {  	_ = 	snop  }
0x7: {  	_ = 	snop  }
__scs_overlays_trampoline_lowered:
0x8: {  	[smem:$0x3FA4] =	sst s0  }
0x9: {  	[smem:$0x3FA5] =	sst s1  }
0xa: {  	[smem:$0x3FA6] =	sst s2  }
0xb: {  	[smem:$0x3FA7] =	sst s3  }
0xc: {  	[smem:$0x3FA8] =	sst s4  }
0xd: {  	[smem:$0x3FA9] =	sst s5  }
0xe: {  	[smem:$0x3FAA] =	sst s6  }
0xf: {  	[smem:$0x3FAB] =	sst s7  }
0x10: {  	[smem:$0x3FAC] =	sst s8  }
0x11: {  	[smem:$0x3FAD] =	sst s9;
	s0 =	simm.s32 @!p0 $0x0  }
0x12: {  	s1 =	sld [smem:$0x3F93];
	s0 =	simm.s32 @p0 $0x1  }
0x13: {  	[smem:$0x3FAE] =	sst s0;
	s0 =	simm.s32 @!p1 $0x0  }
0x14: {  	s2 =	sld [smem:$0x3F92];
	s0 =	simm.s32 @p1 $0x1  }
0x15: {  	[smem:$0x3FAF] =	sst s0;
	s0 =	simm.s32 @!p2 $0x0  }
0x16: {  	s3 =	sld [smem:$0x3FDB];
	s0 =	simm.s32 @p2 $0x1  }
0x17: {  	s4 =	simm.s32 $0x1BF5;
	[smem:$0x3FB1] =	sst s0  }
0x18: {  	s0 =	sld [smem:$0x3F94];
	_ =	swait.ge [sflag:s4], $0x0  }
0x19: {  	s7 =	sld [smem:$0x3F95]  }
0x1a: {  	s8 =	sadd.s32 $0xFFFFE003, lr  }
0x1b: {  	s9 =	sadd.s32 $0xFFFFFEF7, lr;
	s5 =	simm.s32 $0xFFFFFFFF;
	p2 =	slt.u32 s8, $0xFFFFF086  }
0x1c: {  	p1 =	slt.u32 s9, $0xF7A;
	s5 =	simm.s32 @!p2 $0x0  }
0x1d: {  	s5 =	simm.s32 @p1 $0x1;
	p0 =	seq.s32 s7, s2  }
0x1e: {  	s7 =	smul.u32 @!p0 $0xF7A, s2;
	p2 =	seq.s32 @!p0 s5, $0x0  }
0x1f: {  	s9 =	smul.u32 $0xF7A, s1;
	s8 =	simm.s32 @!p0 $0x1BF5;
	p2 =	por !p2, p0  }
0x20: {  	[sflag:s8] =	ssyncset.s32 @!p0 $0xFFFFF086;
	s6 =	sadd.s32 @!p0 s3, s7;
	s7 =	simm.s32 @!p0 $0x108  }
0x21: {  	s3 =	sadd.s32 s3, s9;
	s6 =	sadd.s32 @!p0 $0x88, s6;
	s7 =	simm.s32 @p2 $0x1082  }
0x22: {  	[simem:s7], [sflag:s8] =	dma.local @!p0 [hbm:s6], $0xF7A  }
0x23: {  	s9 =	sor.u32 $0xD0000000, s2;
	s6 =	simm.s32 $0x108;
	_ =	swait.ge @!p0 [sflag:s8], $0x0  }
0x24: {  	s3 =	sadd.s32 $0x88, s3;
	s6 =	simm.s32 @!p1 $0x1082;
	[sflag:s4] =	ssyncset.s32 $0xFFFFF086  }
0x25: {  	[simem:s6], [sflag:s4] =	dma.local [hbm:s3], $0xF7A  }
0x26: {  	[smem:$0x3F95] =	sst s1;
	(tag) =	ssettag s2;
	_ =	strace s9  }
0x27: {  	s1 =	sld [smem:$0x3FA5]  }
0x28: {  	s2 =	sld [smem:$0x3FA6]  }
0x29: {  	s4 =	sld [smem:$0x3FA8]  }
0x2a: {  	p0 =	seq.s32 s5, $0x0;
	s5 =	sld [smem:$0x3FA9]  }
0x2b: {  	s6 =	sld [smem:$0x3FAA]  }
0x2c: {  	s7 =	sld [smem:$0x3FAB]  }
0x2d: {  	s3 =	simm.s32 $0x108;
	s8 =	sld [smem:$0x3FAC]  }
0x2e: {  	s3 =	simm.s32 @!p0 $0x1082;
	s9 =	sld [smem:$0x3FAD]  }
0x2f: {  	lr =	sadd.s32 s0, s3;
	s0 =	sld [smem:$0x3FA4]  }
0x30: {  	s3 =	sld [smem:$0x3FA7]  }
0x31: {  	[smem:$0x3FB0] =	sst s10  }
0x32: {  	s10 =	sld [smem:$0x3FAE];
	_ =	sdelay $0x3  }
0x33: {  	p0 =	seq.s32 s10, $0x1;
	s10 =	sld [smem:$0x3FB0];
	_ =	sdelay $0x3  }
0x34: {  	[smem:$0x3FB0] =	sst s10  }
0x35: {  	s10 =	sld [smem:$0x3FAF];
	_ =	sdelay $0x3  }
0x36: {  	p1 =	seq.s32 s10, $0x1;
	s10 =	sld [smem:$0x3FB0];
	_ =	sdelay $0x3  }
0x37: {  	[smem:$0x3FB0] =	sst s10  }
0x38: {  	s10 =	sld [smem:$0x3FB1]  }
0x39: {  	_ = 	snop;
	(pc) =	sbr.ind lr, $3  }
0x3a: {  	_ = 	snop  }
0x3b: {  	_ = 	snop  }
0x3c: {  	p2 =	seq.s32 s10, $0x1;
	s10 =	sld [smem:$0x3FB0]  }
0x3d: {  	_ =	shalt  }
0x3e: {  	_ =	shalt  }
0x3f: {  	_ =	shalt  }
0x40: {  	_ =	shalt  }
0x41: {  	_ =	shalt  }
0x42: {  	_ =	shalt  }
0x43: {  	_ =	shalt  }
0x44: {  	_ =	shalt  }
0x45: {  	_ =	shalt  }
0x46: {  	_ =	shalt  }
0x47: {  	_ =	shalt  }
0x48: {  	_ =	shalt  }
0x49: {  	_ =	shalt  }
0x4a: {  	_ =	shalt  }
0x4b: {  	_ =	shalt  }
0x4c: {  	_ =	shalt  }
0x4d: {  	_ =	shalt  }
0x4e: {  	_ =	shalt  }
0x4f: {  	_ =	shalt  }
0x50: {  	_ =	shalt  }
0x51: {  	_ =	shalt  }
0x52: {  	_ =	shalt  }
0x53: {  	_ =	shalt  }
0x54: {  	_ =	shalt  }
0x55: {  	_ =	shalt  }
0x56: {  	_ =	shalt  }
0x57: {  	_ =	shalt  }
0x58: {  	_ =	shalt  }
0x59: {  	_ =	shalt  }
0x5a: {  	_ =	shalt  }
0x5b: {  	_ =	shalt  }
0x5c: {  	_ =	shalt  }
0x5d: {  	_ =	shalt  }
0x5e: {  	_ =	shalt  }
0x5f: {  	_ =	shalt  }
0x60: {  	_ =	shalt  }
0x61: {  	_ =	shalt  }
0x62: {  	_ =	shalt  }
0x63: {  	_ =	shalt  }
0x64: {  	_ =	shalt  }
0x65: {  	_ =	shalt  }
0x66: {  	_ =	shalt  }
0x67: {  	_ =	shalt  }
0x68: {  	_ =	shalt  }
0x69: {  	_ =	shalt  }
0x6a: {  	_ =	shalt  }
0x6b: {  	_ =	shalt  }
0x6c: {  	_ =	shalt  }
0x6d: {  	_ =	shalt  }
0x6e: {  	_ =	shalt  }
0x6f: {  	_ =	shalt  }
0x70: {  	_ =	shalt  }
0x71: {  	_ =	shalt  }
0x72: {  	_ =	shalt  }
0x73: {  	_ =	shalt  }
0x74: {  	_ =	shalt  }
0x75: {  	_ =	shalt  }
0x76: {  	_ =	shalt  }
0x77: {  	_ =	shalt  }
0x78: {  	_ =	shalt  }
0x79: {  	_ =	shalt  }
0x7a: {  	_ =	shalt  }
0x7b: {  	_ =	shalt  }
0x7c: {  	_ =	shalt  }
0x7d: {  	_ =	shalt  }
0x7e: {  	_ =	shalt  }
0x7f: {  	_ =	shalt  }
0x80: {  	_ =	shalt  }
0x81: {  	_ =	shalt  }
0x82: {  	_ =	shalt  }
0x83: {  	_ =	shalt  }
0x84: {  	_ =	shalt  }
0x85: {  	_ =	shalt  }
0x86: {  	_ =	shalt  }
0x87: {  	_ =	shalt  }
.Lfunc_end0:
.L_simem_size_0:
called_computation.1_lowered:
.L_overlay_start_0:
0x88: {  	s2 =	sld [smem:$0x3FD9]  }
0x89: {  	s3 =	sld [smem:$0x3FFE];
	_ =	sdelay $0x1  }
0x8a: {  	s1 =	srdreg.scid  }
0x8b: {  	s0 =	sand.u32 $0x1, s1  }
0x8c: {  	s17 =	sshll.u32 s0, $0xA;
	s2 =	sadd.s32 s3, s2  }
0x8d: {  	s2 =	sadd.s32 s2, s17  }
0x8e: {  	[smem:$0x3FBC] =	sst s2  }
0x8f: {  	_ = 	snop  }
0x90: {  	(tm) =	ssettm $0x1  }
0x91: {  	s18 =	sld [smem:$0x3FFB];
	_ =	sdelay $0x3  }
0x92: {  	_ =	strace s18  }
0x93: {  	s2 =	sld [smem:$0x3FFC];
	_ =	sdelay $0x3  }
0x94: {  	_ =	strace s2  }
0x95: {  	s2 =	sld [smem:$0x3FFD];
	_ =	sdelay $0x3  }
0x96: {  	_ =	strace s2  }
0x97: {  	_ =	strace $0x8FFFFFFF  }
0x98: {  	s19 =	sld [smem:$0x3FDB];
	_ =	sdelay $0x1  }
0x99: {  	s20 =	simm.s32 $_scs_section_size  }
0x9a: {  	s4 =	simm.s32 $_size__tile_overlayer_lowered;
	s5 =	simm.s32 $_tile_overlayer_lowered  }
0x9b: {  	s6 =	simm.s32 $0x1BFF;
	s21 =	sshll.u32 s5, $0x1;
	s3 =	sadd.s32 s20, s19  }
0x9c: {  	s22 =	simm.s32 $0x0;
	s4 =	sshll.u32 s4, $0x1;
	s5 =	sadd.s32 s21, s3  }
0x9d: {  	[timem:s22], [sflag:s6] =	dma.local [hbm:s5], s4  }
0x9e: {  	_ =	swait.ge [sflag:s6], s4  }
0x9f: {  	s4 =	ssub.s32 $0x0, s4;
	[sflag:s6] =	ssyncset.done $0x0  }
0xa0: {  	[sflag:s6] =	ssyncadd.s32 s4;
	_ =	sdelay $0x1  }
0xa1: {  	s23 =	simm.s32 $0x1B8B  }
0xa2: {  	_ =	swait.ge [sflag:s23], $0x1  }
0xa3: {  	[sflag:s23] =	ssyncset.done $0x0  }
0xa4: {  	[sflag:s23] =	ssyncadd.s32 $0xFFFFFFFF  }
0xa5: {  	s4 =	sld [smem:$0x0]  }
0xa6: {  	s5 =	sand.u32 $0xFFFFFFFE, s1  }
0xa7: {  	p0 =	sne.s32 s1, s5  }
0xa8: {  	s5 =	sshll.u32 @p0 s5, $0xE  }
0xa9: {  	s5 =	sadd.s32 @p0 $0x11B8D, s5;
	s6 =	sshll.u32 @p0 s4, $0x11  }
0xaa: {  	s5 =	sor.u32 @p0 s6, s5  }
0xab: {  	[sflag:s5] =	ssyncadd.remote.s32 @p0 $0x1;
	_ =	sdelay $0x1  }
0xac: {  	s5 =	simm.s32 @p0 $0x1B8D  }
0xad: {  	_ =	swait.eq @p0 [sflag:s5], $0x1  }
0xae: {  	[sflag:s5] =	ssyncadd.s32 @p0 $0xFFFFFFFF  }
0xaf: {  	s6 =	sshll.u32 @!p0 s1, $0xE  }
0xb0: {  	s6 =	sor.u32 @!p0 $0x4000, s6;
	s5 =	simm.s32 @!p0 $0x1B8D  }
0xb1: {  	s7 =	sshll.u32 @!p0 s4, $0x11;
	s6 =	sadd.s32 @!p0 $0x11B8D, s6;
	_ =	swait.eq @!p0 [sflag:s5], $0x1  }
0xb2: {  	[sflag:s5] =	ssyncadd.s32 @!p0 $0xFFFFFFFF;
	s5 =	sor.u32 @!p0 s7, s6  }
0xb3: {  	s25 =	simm.s32 $0x1B8E;
	s24 =	sld [smem:$0x3FFE];
	[sflag:s5] =	ssyncadd.remote.s32 @!p0 $0x1  }
0xb4: {  	s26 =	simm.s32 $execute0_lowered;
	[smem:$0x3FD2] =	sst s25  }
0xb5: {  	s6 =	sshll.u32 s26, $0x1;
	_ =	strace $0x80000049;
	[dreg:$0x1] =	wrdreg $0xFFFFFFFF  }
0xb6: {  	s28 =	simm.s32 $_size_execute0_lowered;
	s3 =	sadd.s32 s3, s6;
	[dreg:$0x0] =	wrdreg $0x0  }
0xb7: {  	s6 =	sshll.u32 s28, $0x1;
	[dreg:$0x2] =	wrdreg s3  }
0xb8: {  	[dreg:$0x3] =	wrdreg s6  }
0xb9: {  	[dreg:$0x4] =	wrdreg $0xC0  }
0xba: {  	_ =	task [dreg:s22], $0x5FFFF  }
0xbb: {  	[dreg:$0x1] =	wrdreg $0xFFFFFFFF  }
0xbc: {  	[dreg:$0x0] =	wrdreg $0x60  }
0xbd: {  	[dreg:$0x2] =	wrdreg s24  }
0xbe: {  	[dreg:$0x3] =	wrdreg s1  }
0xbf: {  	[dreg:$0x4] =	wrdreg s4  }
0xc0: {  	[dreg:$0x5] =	wrdreg $0xA  }
0xc1: {  	_ =	task.clear_ibuf [dreg:s22], $0x6FFFF;
	_ =	strace $0x90000049  }
0xc2: {  	s29 =	simm.s32 $0xA;
	_ =	strace $0x8000004B  }
0xc3: {  	_ =	swait.ge [sflag:s29], $0x1  }
0xc4: {  	[sflag:s29] =	ssyncadd.s32 $0xFFFFFFFF  }
0xc5: {  	_ =	strace $0x9000004B  }
0xc6: {  	_ =	sfence  }
0xc7: {  	s30 =	sld [smem:$0x0];
	_ =	sdelay $0x2  }
0xc8: {  	s31 =	sshll.u32 s1, $0xD;
	s1 =	sshrl.u32 s1, $0x2  }
0xc9: {  	s4 =	sand.u32 $0x4000, s31;
	s1 =	sadd.s32 s1, s30  }
0xca: {  	s0 =	sor.u32 s4, s0;
	s1 =	sshll.u32 s1, $0x11  }
0xcb: {  	s0 =	sor.u32 s1, s0  }
0xcc: {  	s0 =	sadd.s32 $0x8F2B, s0  }
0xcd: {  	[sflag:s0] =	ssyncadd.remote.s32 $0x1  }
0xce: {  	_ =	sfence.sel $0xFFFF  }
0xcf: {  	[dreg:$0x0] =	wrdreg $0xFFFFFFFF;
	(pc) =	sbr.abs _section_cstart, $3  }
0xd0: {  	[dreg:$0x1] =	wrdreg $0xFFFFFFFF  }
0xd1: {  	_ =	task.clear_ibuf [dreg:s22], $0x2FFFF;
	_ =	strace $0x9FFFFFFF  }
0xd2: {  	(tm) =	ssettm $0x7FFFFFFF  }
0xd3: {  	_ =	shalt  }
tec
execute0_lowered:
.L_overlay_start_1:
0x0: {  	(tag) =	ssettag $0x1  }
0x1: {  	s5 =	rddreg [dreg:$0x0];
	_ =	strace $0x8000004A;
	s0 =	simm.s32 $0x1  }
0x2: {  	s9 =	simm.s32 $0x208;
	v0 =	vimm.s32 $0x0;
	[sflag:s0] =	ssyncpa.u1 $0x0  }
0x3: {  	[tilespmem:s9+$0x70] =	vst v0  }
0x4: {  	[tilespmem:s9+$0x60] =	vst v0  }
0x5: {  	[tilespmem:s9+$0x50] =	vst v0  }
0x6: {  	[tilespmem:s9+$0x40] =	vst v0  }
0x7: {  	[tilespmem:s9+$0x30] =	vst v0  }
0x8: {  	[tilespmem:s9+$0x20] =	vst v0  }
0x9: {  	s2 =	simm.s32 $0x40;
	s1 =	sadd.s32 $0x53E800, s5;
	s6 =	sadd.s32 $0x5A000, s5;
	[tilespmem:s9+$0x10] =	vst v0  }
.LBB2_1:
0xa: {  	s2 =	sadd.s32 $0x40, s2;
	[tilespmem:s9+$0x0] =	vst v0;
	s9 =	sadd.s32 $0x80, s9  }
0xb: {  	p0 =	slt.u32 s2, $0x3880;
	[tilespmem:s9+$0x70] =	vst v0  }
0xc: {  	[tilespmem:s9+$0x60] =	vst v0  }
.Ltmp0:
0xd: {  	[tilespmem:s9+$0x50] =	vst v0;
	(pc) =	sbr.rel @p0 .LBB2_1-.Ltmp0, $4  }
0xe: {  	[tilespmem:s9+$0x40] =	vst v0  }
0xf: {  	[tilespmem:s9+$0x30] =	vst v0  }
0x10: {  	[tilespmem:s9+$0x20] =	vst v0  }
0x11: {  	[tilespmem:s9+$0x10] =	vst v0  }
0x12: {  	s0 =	srdreg.scid  }
0x13: {  	s0 =	sshll.u32 s0, $0x4  }
0x14: {  	s2 =	stileid.u32;
	s0 =	sand.u32 $0x10, s0  }
0x15: {  	s0 =	sor.u32 s2, s0  }
0x16: {  	s7 =	smul.u32 $0x2C, s0  }
0x17: {  	s8 =	smin.u32 s0, $0x15  }
0x18: {  	s7 =	sadd.s32 s8, s7  }
0x19: {  	p0 =	slt.u32 s0, $0x15;
	s0 =	simm.s32 $0x13B0;
	s7 =	smul.u32 $0x70, s7  }
0x1a: {  	s0 =	simm.s32 @!p0 $0x1340  }
0x1b: {  	s0 =	sadd.s32 s0, s7  }
0x1c: {  	s8 =	smin.u32 s0, $0x27130  }
0x1d: {  	s0 =	ssub.s32 s8, s7  }
0x1e: {  	p0 =	sgt.s32 s0, $0x0  }
0x1f: {  	s0 =	simm.s32 @!p0 $0x0  }
0x20: {  	s10 =	smulhi.u32 $0x92492493, s0;
	_ =	sdelay $0x1  }
0x21: {  	[tilespmem:s9+$0x0] =	vst v0;
	s9 =	simm.s32 $0x2;
	s12 =	sshrl.u32 s10, $0x6  }
0x22: {  	s18 =	simm.s32 $0x0;
	p1 =	por $0x0, $0x0;
	s11 =	smul.u32 $0x70, s12  }
.Ltmp1:
0x23: {  	s14 =	simm.s32 $0xA;
	s15 =	simm.s32 $0x80;
	(pc) =	sbr.rel .LBB2_3-.Ltmp1, $4  }
0x24: {  	s17 =	simm.s32 $0x0;
	[sflag:s9] =	ssyncpa.u1 $0x0;
	s13 =	sshll.u32 s2, $0x9  }
0x25: {  	v0 =	vimm.s32 $0xFFFFFFFF;
	s10 =	simm.s32 $0x9;
	p0 =	sne.s32 s0, s11;
	s0 =	simm.s32 $0x1  }
0x26: {  	[tilespmem:$0xE408] =	vst v0;
	s16 =	smov.u32 s7;
	[sflag:s10] =	ssyncpa.u1 $0x0;
	s0 =	simm.s32 @!p0 $0x0  }
0x27: {  	v0 =	vlaneseq.u32;
	s11 =	simm.s32 $0x1;
	p0 =	por $0x1, $0x1;
	s12 =	sadd.s32 s0, s12  }
.LBB2_21:
0x28: {  	s0 =	sshrl.u32 s26, $0x2  }
.LBB2_23:
0x29: {  	_ =	swait.ge [sflag:s14], s0  }
0x2a: {  	s31 =	ssub.s32 $0x0, s0;
	v1 =	vmov s21;
	vm0 =	veq.s32 v0, $0x0;
	[sflag:s14] =	ssyncset.done $0x0  }
0x2b: {  	vm15 =	veq.s32 v0, $0x2;
	v1 =	vsel vm0, s25, v1;
	[sflag:s14] =	ssyncadd.s32 s31  }
0x2c: {  	v1 =	vsel vm15, s18, v1;
	[sflag:s14] =	ssyncpa.u1 $0x1  }
0x2d: {  	[tilespmem:$0xE408] =	vst v1  }
.LBB2_24:
0x2e: {  	s0 =	sadd.s32 $0x70, s16  }
0x2f: {  	s2 =	smov.u32 s7;
	p2 =	slt.s32 s0, s8  }
0x30: {  	s2 =	smov.u32 @p2 s0;
	p2 =	sne.s32 s17, s12  }
.Ltmp2:
0x31: {  	_ = 	snop;
	(pc) =	sbr.rel @!p2 .LBB2_25-.Ltmp2, $3  }
0x32: {  	_ =	sdelay $0x1  }
0x33: {  	s31 =	sadd.s32 $0x1, s17;
	s18 =	smov.u32 s16;
	p0 =	por !p0, !p0  }
0x34: {  	p1 =	por !p1, !p1;
	s17 =	smov.u32 s31;
	s16 =	smov.u32 s2  }
.LBB2_3:
0x35: {  	p2 =	sge.u32 s17, s12  }
0x36: {  	p3 =	sgt.s32 @!p2 s16, $0x270C0  }
0x37: {  	s0 =	smov.u32 s16;
	s19 =	sshra.s32 @!p2 s16, $0x1F;
	p3 =	por !p3, p2  }
0x38: {  	s19 =	sand.u32 @!p2 s19, s16;
	s0 =	simm.s32 @p3 $0x270C0  }
0x39: {  	s0 =	ssub.s32 @!p2 s0, s19;
	s19 =	sxor.u32 @!p2 $0xFFFFFFFF, s17  }
0x3a: {  	s0 =	sadd.s32 @!p2 $0xFFFD8F40, s0;
	s19 =	sand.u32 @!p2 $0x1, s19  }
0x3b: {  	s20 =	sshll.u32 @!p2 s0, $0x2;
	p3 =	sgt.s32 @!p2 s0, $0x6F;
	s19 =	smul.u32 @!p2 $0x1C0, s19  }
0x3c: {  	s21 =	sand.u32 @!p2 $0x7, s16;
	s0 =	ssub.s32 @!p2 $0x1C0, s20;
	p3 =	por !p3, p2  }
0x3d: {  	s20 =	sshrl.u32 @!p2 s16, $0x3;
	s0 =	sshrl.u32 @!p2 s0, $0x2;
	s19 =	sshrl.u32 @!p2 s19, $0x2  }
0x3e: {  	s20 =	sadd.s32 @!p2 s5, s20;
	s0 =	simm.s32 @!p3 $0x0;
	s19 =	sadd.s32 @!p2 $0x10448, s19  }
0x3f: {  	[tilespmem:s19], [sflag:$0x9] =	stream.linear.gather @!p2 [hbm4b:s20+s21], s0, $0x38;
	[tilespmem:$0x1E528] =	vst v63  }
0x40: {  	s21 =	ssub.s32 @!p2 $0x27100, s16  }
0x41: {  	p3 =	slt.s32 @!p2 s21, $0x1  }
0x42: {  	p2 =	por p2, p3  }
.Ltmp3:
0x43: {  	_ = 	snop;
	(pc) =	sbr.rel @p2 .LBB2_6-.Ltmp3, $1  }
0x44: {  	_ =	sdelay $0x3  }
0x45: {  	s0 =	simm.s32 $0x1  }
0x46: {  	s19 =	sshll.u32 s16, $0x7;
	s30 =	smin.u32 s21, $0x70;
	s0 =	simm.s32 @!p0 $0x0  }
0x47: {  	s22 =	sshll.u32 s16, $0x8;
	p2 =	sne.s32 s30, $0x1;
	s0 =	smul.u32 $0x1C000, s0  }
.Ltmp4:
0x48: {  	s20 =	sand.u32 $0xFFFFF800, s22;
	s23 =	sand.u32 $0x380, s19;
	(pc) =	sbr.rel @!p2 .LBB2_6-.Ltmp4, $4  }
0x49: {  	s20 =	sor.u32 s23, s20  }
0x4a: {  	s21 =	sadd.s32 $0xFFFFFFFF, s30;
	s23 =	sshrl.u32 s20, $0x3;
	s0 =	sshrl.u32 s0, $0x2  }
0x4b: {  	s22 =	sadd.s32 $0x100, s22;
	s31 =	sadd.s32 s6, s23;
	s20 =	sor.u32 $0x10528, s0  }
0x4c: {  	[tilespmem:s20], [sflag:$0x9] =	stream.strided.gather [hbm:s31], $0x100, s15, s15, $0x38;
	[tilespmem:$0x1E528] =	vst v63  }
.LBB2_5:
0x4d: {  	s0 =	sand.u32 $0xFFFFF800, s22;
	s19 =	sadd.s32 $0x80, s19;
	p2 =	sne.s32 s21, $0x1  }
.Ltmp5:
0x4e: {  	s21 =	sadd.s32 $0xFFFFFFFF, s21;
	s23 =	sand.u32 $0x380, s19;
	(pc) =	sbr.rel @p2 .LBB2_5-.Ltmp5, $4  }
0x4f: {  	s0 =	sor.u32 s23, s0  }
0x50: {  	s0 =	sshrl.u32 s0, $0x3  }
0x51: {  	s22 =	sadd.s32 $0x100, s22;
	s20 =	sadd.s32 $0x100, s20;
	s0 =	sadd.s32 s6, s0  }
0x52: {  	[tilespmem:s20], [sflag:$0x9] =	stream.strided.gather [hbm:s0], $0x100, s15, s15, $0x38;
	[tilespmem:$0x1E528] =	vst v63  }
.LBB2_6:
0x53: {  	p2 =	seq.s32 s17, $0x0  }
.Ltmp6:
0x54: {  	_ = 	snop;
	(pc) =	sbr.rel @p2 .LBB2_24-.Ltmp6, $1  }
0x55: {  	_ =	sdelay $0x3  }
0x56: {  	p2 =	sgt.s32 s18, $0x270C0  }
0x57: {  	s0 =	smov.u32 s18;
	s19 =	sshra.s32 s18, $0x1F;
	s20 =	ssub.s32 $0x27100, s18  }
0x58: {  	s0 =	simm.s32 @!p2 $0x270C0;
	s19 =	sand.u32 s19, s18;
	p2 =	sgt.s32 s20, $0x0  }
0x59: {  	s0 =	ssub.s32 s0, s19;
	s20 =	simm.s32 @!p2 $0x0  }
0x5a: {  	s0 =	sadd.s32 $0xFFFD8F40, s0;
	s29 =	smin.u32 s20, $0x70  }
0x5b: {  	s21 =	sshll.u32 s0, $0x2;
	s19 =	sshll.u32 s29, $0x8  }
0x5c: {  	p2 =	sgt.s32 s0, $0x6F;
	s30 =	ssub.s32 $0x1C0, s21;
	_ =	swait.ge [sflag:s10], s19  }
0x5d: {  	s19 =	ssub.s32 $0x0, s19;
	[sflag:s10] =	ssyncset.done $0x0;
	s0 =	sshrl.u32 s30, $0x2  }
0x5e: {  	[sflag:s10] =	ssyncadd.s32 s19;
	s0 =	simm.s32 @p2 $0x0  }
0x5f: {  	_ =	swait.ge [sflag:s10], s0  }
0x60: {  	s0 =	ssub.s32 $0x0, s0;
	[sflag:s10] =	ssyncset.done $0x0  }
0x61: {  	[sflag:s10] =	ssyncadd.s32 s0  }
0x62: {  	v1 =	vld [tilespmem:$0xE408];
	_ =	sdelay $0x4  }
0x63: {  	(v2sf) =	vpush v1, $0x0  }
0x64: {  	(v2sf) =	vpush v1, $0x1  }
0x65: {  	(v2sf) =	vpush v1, $0x2;
	_ =	sdelay $0x3  }
0x66: {  	s0 =	sadd.s32 $0x70, s18  }
0x67: {  	p2 =	slt.s32 s8, s0  }
0x68: {  	s0 =	smov.u32 @p2 s8  }
0x69: {  	s19 =	ssub.s32 s0, s18  }
0x6a: {  	p2 =	slt.s32 s20, s19  }
0x6b: {  	s19 =	smov.u32 @p2 s20  }
0x6c: {  	s22 =	simm.s32 $0x1;
	p2 =	slt.s32 s19, $0x1  }
.Ltmp7:
0x6d: {  	s22 =	simm.s32 @!p1 $0x0;
	(pc) =	sbr.rel @p2 .LBB2_11-.Ltmp7, $4  }
0x6e: {  	s31 =	smul.u32 $0x1C0, s22  }
0x6f: {  	s23 =	spop (v2sf)  }
0x70: {  	s0 =	sshrl.u32 s31, $0x2;
	s25 =	spop (v2sf)  }
0x71: {  	s20 =	sadd.s32 $0x10448, s0;
	s18 =	spop (v2sf)  }
0x72: {  	s0 =	smin.u32 s19, $0x10  }
0x73: {  	v1 =	vmov s0  }
0x74: {  	vm1 =	vgt.u32 v1, v0  }
0x75: {  	p3 =	sgt.s32 s19, $0x10  }
.Ltmp8:
0x76: {  	_ = 	snop;
	(pc) =	sbr.rel @!p3 .LBB2_10-.Ltmp8, $2  }
0x77: {  	_ =	sdelay $0x2  }
0x78: {  	s24 =	simm.s32 $0x10;
	s26 =	sadd.s32 $0xFFFFFFF0, s19;
	s21 =	smov.u32 s20;
	vm0 =	vmmov vm1;
	v1 =	vld.msk [tilespmem:s20+$0x0 ss:$0x1], vm1  }
.LBB2_9:
0x79: {  	s0 =	smin.u32 s26, $0x10;
	s24 =	sadd.s32 $0x10, s24  }
0x7a: {  	v2 =	vmov s0;
	p3 =	slt.s32 s24, s19  }
0x7b: {  	vm1 =	vgt.u32 v2, v0;
	_ =	sdelay $0x1  }
0x7c: {  	v2 =	vshll.u32 v1, $0x5;
	v1 =	vshll.u32 v1, $0x4  }
.Ltmp9:
0x7d: {  	v2 =	vand.u32 $0xFFFFFF00, v2;
	v1 =	vand.u32 $0x70, v1;
	(pc) =	sbr.rel @p3 .LBB2_9-.Ltmp9, $4  }
0x7e: {  	v1 =	vor.u32 v1, v2  }
0x7f: {  	[tilespmem:s21+$0x0] =	vst.msk vm0, v1;
	s21 =	sadd.s32 $0x10, s21;
	vm0 =	vmmov vm1  }
0x80: {  	v1 =	vld.msk [tilespmem:s21+$0x0 ss:$0x1], vm1  }
0x81: {  	s26 =	sadd.s32 $0xFFFFFFF0, s26  }
.LBB2_10:
0x82: {  	_ =	sdelay $0x3  }
0x83: {  	v2 =	vshll.u32 v1, $0x5;
	v1 =	vshll.u32 v1, $0x4  }
0x84: {  	v2 =	vand.u32 $0xFFFFFF00, v2;
	v1 =	vand.u32 $0x70, v1  }
0x85: {  	v1 =	vor.u32 v1, v2  }
0x86: {  	[tilespmem:s21+$0x0] =	vst.msk vm0, v1  }
.LBB2_11:
0x87: {  	s0 =	sand.u32 $0x1, s17  }
0x88: {  	s0 =	smul.u32 $0x70, s0  }
0x89: {  	p3 =	sne.s32 s25, $0xFFFFFFFF  }
0x8a: {  	v1 =	vld.msk @!p3 [tilespmem:s0+$0x10448], $0x1;
	_ =	sdelay $0x4  }
0x8b: {  	(v2sf) =	vpush @!p3 v1, $0x0;
	_ =	sdelay $0xc  }
.Ltmp10:
0x8c: {  	_ = 	snop;
	(pc) =	sbr.rel @p2 .LBB2_22-.Ltmp10, $4  }
0x8d: {  	_ = 	snop  }
0x8e: {  	s24 =	spop @!p3 (v2sf)  }
0x8f: {  	s18 =	simm.s32 @!p3 $0x0;
	s21 =	smov.u32 s24  }
0x90: {  	[sflag:s14] =	ssyncpa.u1 $0x0;
	s24 =	smov.u32 @p3 s23;
	s21 =	smov.u32 @p3 s25  }
0x91: {  	v1 =	vld.msk [tilespmem:s20+$0x0], $0x1;
	_ =	sdelay $0x4  }
0x92: {  	(v2sf) =	vpush v1, $0x0;
	_ =	sdelay $0xe  }
0x93: {  	s0 =	smul.u32 $0x1C000, s22;
	s26 =	spop (v2sf)  }
0x94: {  	s28 =	smov.u32 s24;
	p2 =	seq.s32 s24, s26  }
0x95: {  	s23 =	simm.s32 $0x0;
	s0 =	sshrl.u32 s0, $0x2;
	p3 =	sgt.s32 @!p2 s24, $0x0  }
0x96: {  	s25 =	sadd.s32 $0xFFFFFFFF, s19;
	s22 =	sor.u32 $0x105A8, s0;
	p3 =	por !p3, p2  }
0x97: {  	s29 =	simm.s32 @!p2 $0x1;
	s28 =	simm.s32 @p3 $0x0;
	p3 =	sne.s32 s25, $0x0  }
.Ltmp11:
0x98: {  	s29 =	smov.u32 @p2 s23;
	s0 =	smin.u32 @!p2 s28, $0x27FF70;
	(pc) =	sbr.rel @!p3 .LBB2_14-.Ltmp11, $4  }
0x99: {  	s28 =	simm.s32 @!p2 $0x7308;
	s30 =	sand.u32 @!p2 $0x3FFFF8, s0;
	s3 =	sadd.s32 @!p2 $0x80, s0  }
0x9a: {  	s31 =	sand.u32 @!p2 $0x7, s0;
	s30 =	sadd.s32 @!p2 s1, s30;
	s0 =	sand.u32 @!p2 $0x7FFFF8, s3  }
0x9b: {  	[tilespmem:s28], [sflag:$0x2] =	stream.linear.gather @!p2 [hbm4b:s30+s31], $0x80, $0x38;
	[tilespmem:$0x1E528] =	vst v63  }
0x9c: {  	s30 =	simm.s32 @!p2 $0x7388;
	s0 =	sadd.s32 @!p2 s1, s0;
	s28 =	sadd.s32 $0x1, s20  }
.LBB2_13:
0x9d: {  	s3 =	smov.u32 s29  }
0x9e: {  	[tilespmem:s30], [sflag:$0x2] =	stream.linear.gather @!p2 [hbm4b:s0+s31], $0x80, $0x38;
	[tilespmem:$0x1E528] =	vst v63  }
0x9f: {  	s25 =	sadd.s32 $0xFFFFFFFF, s25;
	s0 =	smov.u32 s26;
	v1 =	vld.msk [tilespmem:s28+$0x0], $0x1  }
0xa0: {  	p3 =	sne.s32 s25, $0x0;
	_ =	sdelay $0x3  }
0xa1: {  	(v2sf) =	vpush v1, $0x0;
	_ =	sdelay $0xe  }
0xa2: {  	s26 =	spop (v2sf)  }
0xa3: {  	p2 =	seq.s32 s0, s26  }
0xa4: {  	p4 =	sgt.s32 @!p2 s0, $0x0;
	s30 =	sshll.u32 @!p2 s29, $0xA;
	s29 =	sadd.s32 @!p2 $0x1, s29  }
0xa5: {  	p4 =	por !p4, p2;
	s30 =	sshra.s32 @!p2 s30, $0x2;
	s29 =	smov.u32 @p2 s3  }
0xa6: {  	s0 =	simm.s32 @p4 $0x0;
	s3 =	sadd.s32 @!p2 $0x7308, s30;
	s30 =	sadd.s32 @!p2 $0x7388, s30  }
.Ltmp12:
0xa7: {  	s0 =	smin.u32 @!p2 s0, $0x27FF70;
	(pc) =	sbr.rel @p3 .LBB2_13-.Ltmp12, $4  }
0xa8: {  	s31 =	sand.u32 @!p2 $0x3FFFF8, s0;
	s4 =	sadd.s32 @!p2 $0x80, s0  }
0xa9: {  	s2 =	sadd.s32 @!p2 s1, s31;
	s31 =	sand.u32 @!p2 $0x7, s0;
	s0 =	sand.u32 @!p2 $0x7FFFF8, s4  }
0xaa: {  	[tilespmem:s3], [sflag:$0x2] =	stream.linear.gather @!p2 [hbm4b:s2+s31], $0x80, $0x38;
	[tilespmem:$0x1E528] =	vst v63  }
0xab: {  	s28 =	sadd.s32 $0x1, s28;
	s0 =	sadd.s32 @!p2 s1, s0  }
.LBB2_14:
0xac: {  	[tilespmem:s30], [sflag:$0x2] =	stream.linear.gather @!p2 [hbm4b:s0+s31], $0x80, $0x38;
	[tilespmem:$0x1E528] =	vst v63  }
.Ltmp13:
0xad: {  	s31 =	sshll.u32 s29, $0x8;
	(pc) =	sbr.rel .LBB2_15-.Ltmp13, $4  }
0xae: {  	s0 =	sand.u32 $0x3FFFFF00, s31  }
0xaf: {  	_ =	swait.ge [sflag:s9], s0  }
0xb0: {  	s0 =	ssub.s32 $0x0, s0;
	[sflag:s9] =	ssyncset.done $0x0  }
0xb1: {  	s26 =	simm.s32 $0x0;
	[sflag:s9] =	ssyncadd.s32 s0  }
.LBB2_16:
0xb2: {  	v1 =	vld [tilespmem:s22+$0xFFFFFF80];
	_ =	sdelay $0x3  }
0xb3: {  	s0 =	sshra.s32 s0, $0x2  }
0xb4: {  	[tilespmem:s0+$0x208] =	vst.add.f32.msk $0xffff, v1  }
0xb5: {  	v1 =	vld [tilespmem:s22+$0xFFFFFF90];
	_ =	sdelay $0x4  }
0xb6: {  	[tilespmem:s0+$0x218] =	vst.add.f32.msk $0xffff, v1  }
0xb7: {  	v1 =	vld [tilespmem:s22+$0xFFFFFFA0];
	_ =	sdelay $0x4  }
0xb8: {  	[tilespmem:s0+$0x228] =	vst.add.f32.msk $0xffff, v1  }
0xb9: {  	v1 =	vld [tilespmem:s22+$0xFFFFFFB0];
	_ =	sdelay $0x4  }
0xba: {  	[tilespmem:s0+$0x238] =	vst.add.f32.msk $0xffff, v1  }
0xbb: {  	v1 =	vld [tilespmem:s22+$0xFFFFFFC0];
	_ =	sdelay $0x4  }
0xbc: {  	[tilespmem:s0+$0x248] =	vst.add.f32.msk $0xffff, v1  }
0xbd: {  	v1 =	vld [tilespmem:s22+$0xFFFFFFD0];
	_ =	sdelay $0x4  }
0xbe: {  	[tilespmem:s0+$0x258] =	vst.add.f32.msk $0xffff, v1  }
0xbf: {  	v1 =	vld [tilespmem:s22+$0xFFFFFFE0];
	_ =	sdelay $0x4  }
0xc0: {  	[tilespmem:s0+$0x268] =	vst.add.f32.msk $0xffff, v1  }
0xc1: {  	v1 =	vld [tilespmem:s22+$0xFFFFFFF0];
	_ =	sdelay $0x4  }
0xc2: {  	[tilespmem:s0+$0x278] =	vst.add.f32.msk $0xffff, v1  }
0xc3: {  	v1 =	vld [tilespmem:s22+$0x0];
	_ =	sdelay $0x4  }
0xc4: {  	[tilespmem:s0+$0x288] =	vst.add.f32.msk $0xffff, v1  }
0xc5: {  	v1 =	vld [tilespmem:s22+$0x10];
	_ =	sdelay $0x4  }
0xc6: {  	[tilespmem:s0+$0x298] =	vst.add.f32.msk $0xffff, v1  }
0xc7: {  	v1 =	vld [tilespmem:s22+$0x20];
	_ =	sdelay $0x4  }
0xc8: {  	[tilespmem:s0+$0x2A8] =	vst.add.f32.msk $0xffff, v1  }
0xc9: {  	v1 =	vld [tilespmem:s22+$0x30];
	_ =	sdelay $0x4  }
0xca: {  	[tilespmem:s0+$0x2B8] =	vst.add.f32.msk $0xffff, v1  }
0xcb: {  	v1 =	vld [tilespmem:s22+$0x40];
	_ =	sdelay $0x4  }
0xcc: {  	[tilespmem:s0+$0x2C8] =	vst.add.f32.msk $0xffff, v1  }
0xcd: {  	v1 =	vld [tilespmem:s22+$0x50];
	_ =	sdelay $0x4  }
0xce: {  	[tilespmem:s0+$0x2D8] =	vst.add.f32.msk $0xffff, v1  }
0xcf: {  	v1 =	vld [tilespmem:s22+$0x60];
	_ =	sdelay $0x4  }
0xd0: {  	[tilespmem:s0+$0x2E8] =	vst.add.f32.msk $0xffff, v1  }
0xd1: {  	v1 =	vld [tilespmem:s22+$0x70];
	_ =	sdelay $0x4  }
0xd2: {  	[tilespmem:s0+$0x2F8] =	vst.add.f32.msk $0xffff, v1  }
.LBB2_20:
0xd3: {  	s19 =	sadd.s32 $0xFFFFFFFF, s19  }
0xd4: {  	p2 =	sne.s32 s19, $0x0  }
.Ltmp14:
0xd5: {  	_ = 	snop;
	(pc) =	sbr.rel @!p2 .LBB2_21-.Ltmp14, $2  }
0xd6: {  	_ =	sdelay $0x2  }
0xd7: {  	s20 =	sadd.s32 $0x1, s20;
	s22 =	sadd.s32 $0x100, s22;
	s24 =	smov.u32 s25  }
.LBB2_15:
0xd8: {  	v1 =	vld.msk [tilespmem:s20+$0x0], $0x1;
	_ =	sdelay $0x4  }
0xd9: {  	(v2sf) =	vpush v1, $0x0;
	_ =	sdelay $0xe  }
0xda: {  	s25 =	spop (v2sf)  }
0xdb: {  	p2 =	sne.s32 s24, s25  }
.Ltmp15:
0xdc: {  	_ = 	snop;
	(pc) =	sbr.rel @!p2 .LBB2_16-.Ltmp15, $2  }
0xdd: {  	_ =	sdelay $0x2  }
0xde: {  	s0 =	sshll.u32 s18, $0xA  }
0xdf: {  	p2 =	seq.s32 s24, s21  }
.Ltmp16:
0xe0: {  	_ = 	snop;
	(pc) =	sbr.rel @!p2 .LBB2_18-.Ltmp16, $2  }
0xe1: {  	_ =	sdelay $0x2  }
0xe2: {  	s28 =	sshra.s32 s0, $0x2  }
.Ltmp17:
0xe3: {  	s0 =	sadd.s32 $0x208, s28;
	(pc) =	sbr.rel .LBB2_19-.Ltmp17, $4  }
0xe4: {  	[spmem:s13] =	stream.linear.scatter [tilespmem:s0], [sflag:$0x1], $0x100, $0x38;
	[tilespmem:$0x1E528] =	vst v63  }
0xe5: {  	_ =	swait.ge [sflag:s11], $0x100  }
0xe6: {  	[sflag:s11] =	ssyncset.done $0x0  }
0xe7: {  	[sflag:s11] =	ssyncadd.s32 $0xFFFFFF00  }
.LBB2_18:
0xe8: {  	s0 =	sshll.u32 s23, $0xA  }
0xe9: {  	s0 =	sshra.s32 s0, $0x2  }
0xea: {  	v1 =	vld [tilespmem:s0+$0x7308];
	_ =	sdelay $0x4  }
0xeb: {  	[tilespmem:s28+$0x208] =	vst.add.f32.msk $0xffff, v1  }
0xec: {  	v1 =	vld [tilespmem:s0+$0x7318];
	_ =	sdelay $0x4  }
0xed: {  	[tilespmem:s28+$0x218] =	vst.add.f32.msk $0xffff, v1  }
0xee: {  	v1 =	vld [tilespmem:s0+$0x7328];
	_ =	sdelay $0x4  }
0xef: {  	[tilespmem:s28+$0x228] =	vst.add.f32.msk $0xffff, v1  }
0xf0: {  	v1 =	vld [tilespmem:s0+$0x7338];
	_ =	sdelay $0x4  }
0xf1: {  	[tilespmem:s28+$0x238] =	vst.add.f32.msk $0xffff, v1  }
0xf2: {  	v1 =	vld [tilespmem:s0+$0x7348];
	_ =	sdelay $0x4  }
0xf3: {  	[tilespmem:s28+$0x248] =	vst.add.f32.msk $0xffff, v1  }
0xf4: {  	v1 =	vld [tilespmem:s0+$0x7358];
	_ =	sdelay $0x4  }
0xf5: {  	[tilespmem:s28+$0x258] =	vst.add.f32.msk $0xffff, v1  }
0xf6: {  	v1 =	vld [tilespmem:s0+$0x7368];
	_ =	sdelay $0x4  }
0xf7: {  	[tilespmem:s28+$0x268] =	vst.add.f32.msk $0xffff, v1  }
0xf8: {  	v1 =	vld [tilespmem:s0+$0x7378];
	_ =	sdelay $0x4  }
0xf9: {  	[tilespmem:s28+$0x278] =	vst.add.f32.msk $0xffff, v1  }
0xfa: {  	v1 =	vld [tilespmem:s0+$0x7388];
	_ =	sdelay $0x4  }
0xfb: {  	[tilespmem:s28+$0x288] =	vst.add.f32.msk $0xffff, v1  }
0xfc: {  	v1 =	vld [tilespmem:s0+$0x7398];
	_ =	sdelay $0x4  }
0xfd: {  	[tilespmem:s28+$0x298] =	vst.add.f32.msk $0xffff, v1  }
0xfe: {  	v1 =	vld [tilespmem:s0+$0x73A8];
	_ =	sdelay $0x4  }
0xff: {  	[tilespmem:s28+$0x2A8] =	vst.add.f32.msk $0xffff, v1  }
0x100: {  	v1 =	vld [tilespmem:s0+$0x73B8];
	_ =	sdelay $0x4  }
0x101: {  	[tilespmem:s28+$0x2B8] =	vst.add.f32.msk $0xffff, v1  }
0x102: {  	v1 =	vld [tilespmem:s0+$0x73C8];
	_ =	sdelay $0x4  }
0x103: {  	[tilespmem:s28+$0x2C8] =	vst.add.f32.msk $0xffff, v1  }
0x104: {  	v1 =	vld [tilespmem:s0+$0x73D8];
	_ =	sdelay $0x4  }
0x105: {  	[tilespmem:s28+$0x2D8] =	vst.add.f32.msk $0xffff, v1  }
0x106: {  	v1 =	vld [tilespmem:s0+$0x73E8];
	_ =	sdelay $0x4  }
0x107: {  	[tilespmem:s28+$0x2E8] =	vst.add.f32.msk $0xffff, v1  }
0x108: {  	v1 =	vld [tilespmem:s0+$0x73F8];
	_ =	sdelay $0x2  }
0x109: {  	p2 =	sgt.u32 s24, $0x27FF70  }
0x10a: {  	s0 =	sand.u32 @!p2 $0x3FFFF8, s24  }
0x10b: {  	s2 =	sadd.s32 $0x208, s28;
	s3 =	sand.u32 @!p2 $0x7, s24;
	s0 =	sadd.s32 @!p2 s1, s0;
	[tilespmem:s28+$0x2F8] =	vst.add.f32.msk $0xffff, v1  }
0x10c: {  	[hbm4b:s0+s3] =	stream.linear.scatter @!p2 [tilespmem:s2], [sflag:$0xA], $0x80, $0x38;
	[tilespmem:$0x1E528] =	vst v63  }
0x10d: {  	s0 =	sadd.s32 @!p2 $0x80, s24  }
0x10e: {  	s0 =	sand.u32 @!p2 $0x7FFFF8, s0  }
0x10f: {  	s2 =	sadd.s32 $0x288, s28;
	s0 =	sadd.s32 @!p2 s1, s0  }
0x110: {  	[hbm4b:s0+s3] =	stream.linear.scatter @!p2 [tilespmem:s2], [sflag:$0xA], $0x80, $0x38;
	[tilespmem:$0x1E528] =	vst v63  }
0x111: {  	s0 =	simm.s32 $0x0  }
0x112: {  	s0 =	simm.s32 @!p2 $0x400  }
0x113: {  	s26 =	sadd.s32 s0, s26  }
.LBB2_19:
0x114: {  	s0 =	sadd.s32 $0x1, s18  }
0x115: {  	s2 =	sshrl.u32 s0, $0x4  }
0x116: {  	s2 =	smulhi.u32 $0x24924925, s2  }
0x117: {  	v1 =	vld [tilespmem:s22+$0xFFFFFF80]  }
0x118: {  	s2 =	smul.u32 $0x70, s2;
	_ =	sdelay $0x1  }
0x119: {  	s18 =	ssub.s32 s0, s2  }
0x11a: {  	s0 =	sshll.u32 s18, $0x8  }
0x11b: {  	[tilespmem:s0+$0x208] =	vst v1  }
0x11c: {  	v1 =	vld [tilespmem:s22+$0xFFFFFF90];
	_ =	sdelay $0x4  }
0x11d: {  	[tilespmem:s0+$0x218] =	vst v1  }
0x11e: {  	v1 =	vld [tilespmem:s22+$0xFFFFFFA0];
	_ =	sdelay $0x4  }
0x11f: {  	[tilespmem:s0+$0x228] =	vst v1  }
0x120: {  	v1 =	vld [tilespmem:s22+$0xFFFFFFB0];
	_ =	sdelay $0x4  }
0x121: {  	[tilespmem:s0+$0x238] =	vst v1  }
0x122: {  	v1 =	vld [tilespmem:s22+$0xFFFFFFC0];
	_ =	sdelay $0x4  }
0x123: {  	[tilespmem:s0+$0x248] =	vst v1  }
0x124: {  	v1 =	vld [tilespmem:s22+$0xFFFFFFD0];
	_ =	sdelay $0x4  }
0x125: {  	[tilespmem:s0+$0x258] =	vst v1  }
0x126: {  	v1 =	vld [tilespmem:s22+$0xFFFFFFE0];
	_ =	sdelay $0x4  }
0x127: {  	[tilespmem:s0+$0x268] =	vst v1  }
0x128: {  	v1 =	vld [tilespmem:s22+$0xFFFFFFF0];
	_ =	sdelay $0x4  }
0x129: {  	[tilespmem:s0+$0x278] =	vst v1  }
0x12a: {  	v1 =	vld [tilespmem:s22+$0x0];
	_ =	sdelay $0x4  }
0x12b: {  	[tilespmem:s0+$0x288] =	vst v1  }
0x12c: {  	v1 =	vld [tilespmem:s22+$0x10];
	_ =	sdelay $0x4  }
0x12d: {  	[tilespmem:s0+$0x298] =	vst v1  }
0x12e: {  	v1 =	vld [tilespmem:s22+$0x20];
	_ =	sdelay $0x4  }
0x12f: {  	[tilespmem:s0+$0x2A8] =	vst v1  }
0x130: {  	v1 =	vld [tilespmem:s22+$0x30];
	_ =	sdelay $0x4  }
0x131: {  	[tilespmem:s0+$0x2B8] =	vst v1  }
0x132: {  	v1 =	vld [tilespmem:s22+$0x40];
	_ =	sdelay $0x4  }
0x133: {  	[tilespmem:s0+$0x2C8] =	vst v1  }
0x134: {  	v1 =	vld [tilespmem:s22+$0x50];
	_ =	sdelay $0x4  }
0x135: {  	[tilespmem:s0+$0x2D8] =	vst v1  }
0x136: {  	v1 =	vld [tilespmem:s22+$0x60];
	_ =	sdelay $0x4  }
0x137: {  	[tilespmem:s0+$0x2E8] =	vst v1  }
0x138: {  	v1 =	vld [tilespmem:s22+$0x70]  }
.Ltmp18:
0x139: {  	_ = 	snop;
	(pc) =	sbr.rel .LBB2_20-.Ltmp18, $2  }
0x13a: {  	_ =	sdelay $0x2  }
0x13b: {  	s23 =	sadd.s32 $0x1, s23;
	[tilespmem:s0+$0x2F8] =	vst v1  }
.LBB2_22:
.Ltmp19:
0x13c: {  	(pc) =	sbr.rel .LBB2_23-.Ltmp19, $3  }
0x13d: {  	_ =	sdelay $0x1  }
0x13e: {  	_ =	swait.ge [sflag:s9], $0x0  }
0x13f: {  	s0 =	simm.s32 $0x0;
	s25 =	smov.u32 s24;
	[sflag:s9] =	ssyncset.done $0x0  }
.LBB2_25:
0x140: {  	_ =	sfence.sel $0x180000  }
0x141: {  	s0 =	simm.s32 $0x9;
	[bflag:$0x0] =	sbarrier.arrive $0xFFFF  }
0x142: {  	s26 =	simm.s32 $0x2;
	[sflag:s0] =	ssyncpa.u1 $0x1  }
0x143: {  	[sflag:s26] =	ssyncpa.u1 $0x1  }
0x144: {  	v0 =	vld [tilespmem:$0xE408];
	_ =	sdelay $0x4  }
0x145: {  	(v2sf) =	vpush v0, $0x0  }
0x146: {  	(v2sf) =	vpush v0, $0x1;
	_ =	sdelay $0x1  }
0x147: {  	(v2sf) =	vpush v0, $0x2;
	_ =	sdelay $0xb  }
0x148: {  	s0 =	spop (v2sf)  }
0x149: {  	s2 =	spop (v2sf)  }
0x14a: {  	s3 =	smov.u32 s0;
	p0 =	sne.s32 s0, s2  }
0x14b: {  	s4 =	spop (v2sf);
	s3 =	simm.s32 @!p0 $0xFFFFFFFF  }
0x14c: {  	v2 =	vimm.s32 $0x1;
	v3 =	vlaneseq.u32;
	p0 =	seq.s32 s4, $0xFFFFFFFF;
	v1 =	vmov s3  }
0x14d: {  	s17 =	stileid.u32;
	v0 =	vperm.xlane v0, v2;
	p1 =	sne.s32 @!p0 s0, s2;
	v1 =	vperm.xlane v1, v3  }
0x14e: {  	vm0 =	vcmask $0x3F04;
	s6 =	simm.s32 $0xE408;
	s0 =	simm.s32 @!p0 $0x1;
	p1 =	por !p1, p0  }
0x14f: {  	s3 =	sshll.u32 s17, $0x1;
	s2 =	sshll.u32 @!p0 s4, $0xA;
	s0 =	simm.s32 @p1 $0x0;
	v0 =	vsel vm0, v1, v0  }
0x150: {  	s5 =	sor.u32 $0x2000, s3;
	s2 =	sshra.s32 @!p0 s2, $0x2;
	s0 =	sor.u32 @!p0 s0, s3;
	[tilespmem:$0xE408] =	vst v0  }
0x151: {  	[spmem:s5] =	stream.linear.scatter [tilespmem:s6], [sflag:$0x1], $0x2, $0x38;
	[tilespmem:$0x1E528] =	vst v63  }
0x152: {  	s2 =	sadd.s32 @!p0 $0x208, s2;
	s0 =	sshll.u32 @!p0 s0, $0x8  }
0x153: {  	[spmem:s0] =	stream.linear.scatter @!p0 [tilespmem:s2], [sflag:$0x1], $0x100, $0x38;
	[tilespmem:$0x1E528] =	vst v63  }
0x154: {  	s0 =	simm.s32 @!p0 $0x102  }
0x155: {  	s28 =	simm.s32 $0x1;
	s0 =	simm.s32 @p0 $0x2  }
0x156: {  	_ =	swait.ge [sflag:s28], s0  }
0x157: {  	s0 =	ssub.s32 $0x0, s0;
	[sflag:s28] =	ssyncset.done $0x0  }
0x158: {  	[sflag:s28] =	ssyncadd.s32 s0  }
0x159: {  	p0 =	sne.s32 s17, $0x0;
	_ =	sfence.stream.spmem  }
.Ltmp20:
0x15a: {  	s29 =	simm.s32 $0x3;
	[bflag:$0x0] =	sbarrier.arrive $0xFFFF;
	(pc) =	sbr.rel @p0 .LBB2_42-.Ltmp20, $4  }
0x15b: {  	s30 =	simm.s32 $0x4;
	[sflag:s29] =	ssyncpa.u1 $0x1  }
0x15c: {  	[sflag:s30] =	ssyncpa.u1 $0x1  }
0x15d: {  	s31 =	simm.s32 $0x3C;
	s18 =	rddreg [dreg:$0x1]  }
0x15e: {  	[sflag:s31] =	ssyncpa.u1 $0x1;
	s5 =	sand.u32 $0x1, s18  }
0x15f: {  	_ =	sfence.stream.spmem;
	s0 =	simm.s32 $0x5  }
0x160: {  	s2 =	simm.s32 $0x2000;
	s3 =	simm.s32 $0xE418;
	[sflag:s0] =	ssyncpa.u1 $0x0  }
0x161: {  	[tilespmem:s3], [sflag:$0x5] =	stream.linear.gather [spmem:s2], $0x20, $0x38;
	[tilespmem:$0x1E528] =	vst v63  }
0x162: {  	s26 =	simm.s32 $0x0;
	s28 =	simm.s32 $0xE438  }
0x163: {  	[tilespmem:s28], [sflag:$0x5] =	stream.linear.gather [spmem:s26], $0x2000, $0x38;
	[tilespmem:$0x1E528] =	vst v63  }
0x164: {  	_ =	swait.ge [sflag:s0], $0x2020  }
0x165: {  	[sflag:s0] =	ssyncset.done $0x0  }
0x166: {  	s29 =	simm.s32 $0x0;
	[sflag:s0] =	ssyncadd.s32 $0xFFFFDFE0  }
0x167: {  	v0 =	vld.msk [tilespmem:s29+$0xE418], $0x1;
	_ =	sdelay $0x1  }
0x168: {  	s30 =	simm.s32 $0x1  }
0x169: {  	v1 =	vld.msk [tilespmem:s30+$0xE418], $0x1;
	_ =	sdelay $0x1  }
0x16a: {  	(v2sf) =	vpush v0, $0x0;
	_ =	sdelay $0x2  }
0x16b: {  	(v2sf) =	vpush v1, $0x0;
	_ =	sdelay $0x2  }
0x16c: {  	s31 =	simm.s32 $0x2  }
0x16d: {  	v0 =	vld.msk [tilespmem:s31+$0xE418], $0x1;
	_ =	sdelay $0x2  }
0x16e: {  	s7 =	simm.s32 $0xFFFFFFFF;
	s6 =	simm.s32 $0xC;
	s8 =	simm.s32 $0xFFFFFFFF  }
.LBB2_27:
0x16f: {  	s0 =	smov.u32 s8;
	s2 =	smov.u32 s7  }
0x170: {  	s3 =	sshra.s32 s6, $0x2;
	p1 =	sne.s32 s6, $0x7C;
	s6 =	sadd.s32 $0x4, s6;
	(v2sf) =	vpush v0, $0x0  }
0x171: {  	v0 =	vld.msk [tilespmem:s3+$0xE418], $0x1  }
.Ltmp21:
0x172: {  	(pc) =	sbr.rel @p1 .LBB2_27-.Ltmp21, $4  }
0x173: {  	s8 =	spop (v2sf)  }
0x174: {  	p2 =	sne.s32 s7, $0xFFFFFFFF;
	s7 =	smov.u32 s8  }
0x175: {  	p3 =	seq.s32 s8, $0xFFFFFFFF;
	s7 =	smov.u32 @p2 s2  }
0x176: {  	s8 =	smov.u32 @p3 s0;
	s7 =	smov.u32 @p3 s2  }
0x177: {  	(v2sf) =	vpush v0, $0x0;
	_ =	sdelay $0x8  }
0x178: {  	s0 =	spop (v2sf)  }
0x179: {  	p1 =	sne.s32 s7, $0xFFFFFFFF;
	s9 =	simm.s32 $0x6;
	s2 =	smov.u32 s0  }
0x17a: {  	s6 =	simm.s32 $0x0;
	p2 =	seq.s32 s0, $0xFFFFFFFF;
	s2 =	smov.u32 @p1 s7  }
0x17b: {  	s10 =	simm.s32 $0xE308;
	s2 =	smov.u32 @p2 s7;
	s3 =	spop (v2sf)  }
0x17c: {  	s0 =	smov.u32 @p2 s8;
	p1 =	sne.s32 s2, $0xFFFFFFFF;
	s4 =	smov.u32 s3  }
.Ltmp22:
0x17d: {  	p2 =	seq.s32 s3, $0xFFFFFFFF;
	s4 =	smov.u32 @p1 s2;
	(pc) =	sbr.rel .LBB2_29-.Ltmp22, $4  }
0x17e: {  	s11 =	simm.s32 $0xE388;
	s4 =	smov.u32 @p2 s2;
	s7 =	spop (v2sf)  }
0x17f: {  	s12 =	simm.s32 $0x0;
	p1 =	sne.s32 s4, $0xFFFFFFFF;
	s8 =	smov.u32 s7  }
0x180: {  	s3 =	smov.u32 @p2 s0;
	p2 =	seq.s32 s7, $0xFFFFFFFF;
	s8 =	smov.u32 @p1 s4  }
0x181: {  	[sflag:s9] =	ssyncpa.u1 $0x0;
	s7 =	smov.u32 @p2 s3;
	s8 =	smov.u32 @p2 s4  }
.LBB2_35:
0x182: {  	p1 =	sgt.u32 s13, $0x27FF70  }
0x183: {  	p2 =	seq.s32 @!p1 s13, s8  }
0x184: {  	p1 =	por p1, p2  }
0x185: {  	p2 =	sne.s32 @!p1 s13, s7  }
0x186: {  	p1 =	por p1, !p2  }
0x187: {  	s13 =	sshll.u32 @p1 s12, $0xA  }
0x188: {  	s0 =	sand.u32 @!p1 $0x3FFFF8, s13  }
0x189: {  	s2 =	sand.u32 @!p1 $0x7, s13;
	s0 =	sadd.s32 @!p1 s1, s0  }
0x18a: {  	[tilespmem:s10], [sflag:$0x6] =	stream.linear.gather @!p1 [hbm4b:s0+s2], $0x80, $0x38;
	[tilespmem:$0x1E528] =	vst v63  }
0x18b: {  	s0 =	sadd.s32 @!p1 $0x80, s13  }
0x18c: {  	s0 =	sand.u32 @!p1 $0x7FFFF8, s0  }
0x18d: {  	s0 =	sadd.s32 @!p1 s1, s0  }
0x18e: {  	[tilespmem:s11], [sflag:$0x6] =	stream.linear.gather @!p1 [hbm4b:s0+s2], $0x80, $0x38;
	[tilespmem:$0x1E528] =	vst v63  }
0x18f: {  	_ =	swait.ge @!p1 [sflag:s9], $0x100  }
0x190: {  	[sflag:s9] =	ssyncset.done @!p1 $0x0  }
0x191: {  	[sflag:s9] =	ssyncadd.s32 @!p1 $0xFFFFFF00  }
0x192: {  	v1 =	vld @!p1 [tilespmem:$0xE308];
	_ =	sdelay $0x2  }
0x193: {  	s13 =	sshll.u32 @!p1 s12, $0xA  }
0x194: {  	s0 =	sshrl.u32 @!p1 s13, $0x2  }
0x195: {  	[tilespmem:s0+$0xE438] =	vst.add.f32.msk @!p1 $0xffff, v1  }
0x196: {  	v1 =	vld @!p1 [tilespmem:$0xE318];
	_ =	sdelay $0x4  }
0x197: {  	[tilespmem:s0+$0xE448] =	vst.add.f32.msk @!p1 $0xffff, v1  }
0x198: {  	v1 =	vld @!p1 [tilespmem:$0xE328];
	_ =	sdelay $0x4  }
0x199: {  	[tilespmem:s0+$0xE458] =	vst.add.f32.msk @!p1 $0xffff, v1  }
0x19a: {  	v1 =	vld @!p1 [tilespmem:$0xE338];
	_ =	sdelay $0x4  }
0x19b: {  	[tilespmem:s0+$0xE468] =	vst.add.f32.msk @!p1 $0xffff, v1  }
0x19c: {  	v1 =	vld @!p1 [tilespmem:$0xE348];
	_ =	sdelay $0x4  }
0x19d: {  	[tilespmem:s0+$0xE478] =	vst.add.f32.msk @!p1 $0xffff, v1  }
0x19e: {  	v1 =	vld @!p1 [tilespmem:$0xE358];
	_ =	sdelay $0x4  }
0x19f: {  	[tilespmem:s0+$0xE488] =	vst.add.f32.msk @!p1 $0xffff, v1  }
0x1a0: {  	v1 =	vld @!p1 [tilespmem:$0xE368];
	_ =	sdelay $0x4  }
0x1a1: {  	[tilespmem:s0+$0xE498] =	vst.add.f32.msk @!p1 $0xffff, v1  }
0x1a2: {  	v1 =	vld @!p1 [tilespmem:$0xE378];
	_ =	sdelay $0x4  }
0x1a3: {  	[tilespmem:s0+$0xE4A8] =	vst.add.f32.msk @!p1 $0xffff, v1  }
0x1a4: {  	v1 =	vld @!p1 [tilespmem:$0xE388];
	_ =	sdelay $0x4  }
0x1a5: {  	[tilespmem:s0+$0xE4B8] =	vst.add.f32.msk @!p1 $0xffff, v1  }
0x1a6: {  	v1 =	vld @!p1 [tilespmem:$0xE398];
	_ =	sdelay $0x4  }
0x1a7: {  	[tilespmem:s0+$0xE4C8] =	vst.add.f32.msk @!p1 $0xffff, v1  }
0x1a8: {  	v1 =	vld @!p1 [tilespmem:$0xE3A8];
	_ =	sdelay $0x4  }
0x1a9: {  	[tilespmem:s0+$0xE4D8] =	vst.add.f32.msk @!p1 $0xffff, v1  }
0x1aa: {  	v1 =	vld @!p1 [tilespmem:$0xE3B8];
	_ =	sdelay $0x4  }
0x1ab: {  	[tilespmem:s0+$0xE4E8] =	vst.add.f32.msk @!p1 $0xffff, v1  }
0x1ac: {  	v1 =	vld @!p1 [tilespmem:$0xE3C8];
	_ =	sdelay $0x4  }
0x1ad: {  	[tilespmem:s0+$0xE4F8] =	vst.add.f32.msk @!p1 $0xffff, v1  }
0x1ae: {  	v1 =	vld @!p1 [tilespmem:$0xE3D8];
	_ =	sdelay $0x4  }
0x1af: {  	[tilespmem:s0+$0xE508] =	vst.add.f32.msk @!p1 $0xffff, v1  }
0x1b0: {  	v1 =	vld @!p1 [tilespmem:$0xE3E8];
	_ =	sdelay $0x4  }
0x1b1: {  	[tilespmem:s0+$0xE518] =	vst.add.f32.msk @!p1 $0xffff, v1  }
0x1b2: {  	v1 =	vld @!p1 [tilespmem:$0xE3F8];
	_ =	sdelay $0x4  }
0x1b3: {  	[tilespmem:s0+$0xE528] =	vst.add.f32.msk @!p1 $0xffff, v1  }
0x1b4: {  	s30 =	sshrl.u32 s13, $0x2;
	[tilespmem:s6+$0xE418] =	vst.msk $0x1, v0  }
0x1b5: {  	v0 =	vld [tilespmem:s30+$0xE438];
	_ =	sdelay $0x2  }
0x1b6: {  	s31 =	sshll.u32 s6, $0xA  }
0x1b7: {  	s2 =	sshra.s32 s31, $0x2  }
0x1b8: {  	[tilespmem:s2+$0xE438] =	vst v0  }
0x1b9: {  	v0 =	vld [tilespmem:s30+$0xE448];
	_ =	sdelay $0x4  }
0x1ba: {  	[tilespmem:s2+$0xE448] =	vst v0  }
0x1bb: {  	v0 =	vld [tilespmem:s30+$0xE458];
	_ =	sdelay $0x4  }
0x1bc: {  	[tilespmem:s2+$0xE458] =	vst v0  }
0x1bd: {  	v0 =	vld [tilespmem:s30+$0xE468];
	_ =	sdelay $0x4  }
0x1be: {  	[tilespmem:s2+$0xE468] =	vst v0  }
0x1bf: {  	v0 =	vld [tilespmem:s30+$0xE478];
	_ =	sdelay $0x4  }
0x1c0: {  	[tilespmem:s2+$0xE478] =	vst v0  }
0x1c1: {  	v0 =	vld [tilespmem:s30+$0xE488];
	_ =	sdelay $0x4  }
0x1c2: {  	[tilespmem:s2+$0xE488] =	vst v0  }
0x1c3: {  	v0 =	vld [tilespmem:s30+$0xE498];
	_ =	sdelay $0x4  }
0x1c4: {  	[tilespmem:s2+$0xE498] =	vst v0  }
0x1c5: {  	v0 =	vld [tilespmem:s30+$0xE4A8];
	_ =	sdelay $0x4  }
0x1c6: {  	[tilespmem:s2+$0xE4A8] =	vst v0  }
0x1c7: {  	v0 =	vld [tilespmem:s30+$0xE4B8];
	_ =	sdelay $0x4  }
0x1c8: {  	[tilespmem:s2+$0xE4B8] =	vst v0  }
0x1c9: {  	v0 =	vld [tilespmem:s30+$0xE4C8];
	_ =	sdelay $0x4  }
0x1ca: {  	[tilespmem:s2+$0xE4C8] =	vst v0  }
0x1cb: {  	v0 =	vld [tilespmem:s30+$0xE4D8];
	_ =	sdelay $0x4  }
0x1cc: {  	[tilespmem:s2+$0xE4D8] =	vst v0  }
0x1cd: {  	v0 =	vld [tilespmem:s30+$0xE4E8];
	_ =	sdelay $0x4  }
0x1ce: {  	[tilespmem:s2+$0xE4E8] =	vst v0  }
0x1cf: {  	v0 =	vld [tilespmem:s30+$0xE4F8];
	_ =	sdelay $0x4  }
0x1d0: {  	[tilespmem:s2+$0xE4F8] =	vst v0  }
0x1d1: {  	v0 =	vld [tilespmem:s30+$0xE508];
	_ =	sdelay $0x4  }
0x1d2: {  	[tilespmem:s2+$0xE508] =	vst v0  }
0x1d3: {  	v0 =	vld [tilespmem:s30+$0xE518];
	_ =	sdelay $0x4  }
0x1d4: {  	[tilespmem:s2+$0xE518] =	vst v0  }
0x1d5: {  	v0 =	vld [tilespmem:s30+$0xE528];
	_ =	sdelay $0x4  }
0x1d6: {  	s6 =	sadd.s32 $0x1, s6;
	[tilespmem:s2+$0xE528] =	vst v0  }
.LBB2_36:
0x1d7: {  	s12 =	sadd.s32 $0x1, s12  }
0x1d8: {  	p1 =	sne.s32 s12, $0x20  }
.Ltmp23:
0x1d9: {  	_ = 	snop;
	(pc) =	sbr.rel @!p1 .LBB2_37-.Ltmp23, $1  }
0x1da: {  	_ =	sdelay $0x3  }
.LBB2_29:
0x1db: {  	v0 =	vld.msk [tilespmem:s12+$0xE418], $0x1;
	_ =	sdelay $0x4  }
0x1dc: {  	(v2sf) =	vpush v0, $0x0;
	_ =	sdelay $0xe  }
0x1dd: {  	s13 =	spop (v2sf)  }
0x1de: {  	p1 =	seq.s32 s13, $0xFFFFFFFF  }
.Ltmp24:
0x1df: {  	_ = 	snop;
	(pc) =	sbr.rel @p1 .LBB2_36-.Ltmp24, $1  }
0x1e0: {  	_ =	sdelay $0x3  }
0x1e1: {  	p1 =	slt.s32 s6, $0x1  }
.Ltmp25:
0x1e2: {  	_ = 	snop;
	(pc) =	sbr.rel @p1 .LBB2_35-.Ltmp25, $1  }
0x1e3: {  	_ =	sdelay $0x3  }
0x1e4: {  	s14 =	simm.s32 $0xE418;
	p1 =	por $0x0, $0x0  }
0x1e5: {  	v1 =	vld.msk @!p1 [tilespmem:s14+$0x0], $0x1;
	_ =	sdelay $0x4  }
0x1e6: {  	(v2sf) =	vpush @!p1 v1, $0x0;
	_ =	sdelay $0xd  }
0x1e7: {  	p3 =	sne.s32 s6, $0x1  }
.Ltmp26:
0x1e8: {  	s0 =	spop @!p1 (v2sf);
	(pc) =	sbr.rel @!p3 .LBB2_33-.Ltmp26, $4  }
0x1e9: {  	p2 =	seq.s32 @!p1 s13, s0  }
0x1ea: {  	s15 =	simm.s32 $0x0;
	p2 =	por !p2, p1  }
0x1eb: {  	s0 =	simm.s32 $0xFFFFFFFF;
	s15 =	simm.s32 @p2 $0xFFFFFFFF  }
0x1ec: {  	s16 =	simm.s32 $0x1;
	s15 =	smov.u32 @p1 s0  }
.LBB2_32:
0x1ed: {  	s0 =	smov.u32 s15;
	p1 =	sne.s32 s15, $0xFFFFFFFF  }
0x1ee: {  	s14 =	sadd.s32 $0x1, s14;
	s15 =	smov.u32 s16;
	s16 =	sadd.s32 $0x1, s16  }
0x1ef: {  	p2 =	sne.s32 s6, s16;
	v1 =	vld.msk @!p1 [tilespmem:s14+$0x0], $0x1;
	_ =	sdelay $0x4  }
0x1f0: {  	(v2sf) =	vpush @!p1 v1, $0x0;
	_ =	sdelay $0xe  }
.Ltmp27:
0x1f1: {  	s2 =	spop @!p1 (v2sf);
	(pc) =	sbr.rel @p2 .LBB2_32-.Ltmp27, $4  }
0x1f2: {  	p3 =	seq.s32 @!p1 s13, s2  }
0x1f3: {  	p3 =	por !p3, p1  }
0x1f4: {  	s15 =	simm.s32 @p3 $0xFFFFFFFF  }
0x1f5: {  	s15 =	smov.u32 @p1 s0  }
.LBB2_33:
0x1f6: {  	p1 =	seq.s32 s15, $0xFFFFFFFF  }
.Ltmp28:
0x1f7: {  	_ = 	snop;
	(pc) =	sbr.rel @p1 .LBB2_35-.Ltmp28, $1  }
0x1f8: {  	_ =	sdelay $0x3  }
0x1f9: {  	s0 =	sshll.u32 s12, $0x8  }
0x1fa: {  	s0 =	sand.u32 $0x3FFFFF00, s0  }
0x1fb: {  	v0 =	vld [tilespmem:s0+$0xE438];
	_ =	sdelay $0x2  }
0x1fc: {  	s2 =	sshll.u32 s15, $0xA  }
0x1fd: {  	s2 =	sshra.s32 s2, $0x2  }
0x1fe: {  	[tilespmem:s2+$0xE438] =	vst.add.f32.msk $0xffff, v0  }
0x1ff: {  	v0 =	vld [tilespmem:s0+$0xE448];
	_ =	sdelay $0x4  }
0x200: {  	[tilespmem:s2+$0xE448] =	vst.add.f32.msk $0xffff, v0  }
0x201: {  	v0 =	vld [tilespmem:s0+$0xE458];
	_ =	sdelay $0x4  }
0x202: {  	[tilespmem:s2+$0xE458] =	vst.add.f32.msk $0xffff, v0  }
0x203: {  	v0 =	vld [tilespmem:s0+$0xE468];
	_ =	sdelay $0x4  }
0x204: {  	[tilespmem:s2+$0xE468] =	vst.add.f32.msk $0xffff, v0  }
0x205: {  	v0 =	vld [tilespmem:s0+$0xE478];
	_ =	sdelay $0x4  }
0x206: {  	[tilespmem:s2+$0xE478] =	vst.add.f32.msk $0xffff, v0  }
0x207: {  	v0 =	vld [tilespmem:s0+$0xE488];
	_ =	sdelay $0x4  }
0x208: {  	[tilespmem:s2+$0xE488] =	vst.add.f32.msk $0xffff, v0  }
0x209: {  	v0 =	vld [tilespmem:s0+$0xE498];
	_ =	sdelay $0x4  }
0x20a: {  	[tilespmem:s2+$0xE498] =	vst.add.f32.msk $0xffff, v0  }
0x20b: {  	v0 =	vld [tilespmem:s0+$0xE4A8];
	_ =	sdelay $0x4  }
0x20c: {  	[tilespmem:s2+$0xE4A8] =	vst.add.f32.msk $0xffff, v0  }
0x20d: {  	v0 =	vld [tilespmem:s0+$0xE4B8];
	_ =	sdelay $0x4  }
0x20e: {  	[tilespmem:s2+$0xE4B8] =	vst.add.f32.msk $0xffff, v0  }
0x20f: {  	v0 =	vld [tilespmem:s0+$0xE4C8];
	_ =	sdelay $0x4  }
0x210: {  	[tilespmem:s2+$0xE4C8] =	vst.add.f32.msk $0xffff, v0  }
0x211: {  	v0 =	vld [tilespmem:s0+$0xE4D8];
	_ =	sdelay $0x4  }
0x212: {  	[tilespmem:s2+$0xE4D8] =	vst.add.f32.msk $0xffff, v0  }
0x213: {  	v0 =	vld [tilespmem:s0+$0xE4E8];
	_ =	sdelay $0x4  }
0x214: {  	[tilespmem:s2+$0xE4E8] =	vst.add.f32.msk $0xffff, v0  }
0x215: {  	v0 =	vld [tilespmem:s0+$0xE4F8];
	_ =	sdelay $0x4  }
0x216: {  	[tilespmem:s2+$0xE4F8] =	vst.add.f32.msk $0xffff, v0  }
0x217: {  	v0 =	vld [tilespmem:s0+$0xE508];
	_ =	sdelay $0x4  }
0x218: {  	[tilespmem:s2+$0xE508] =	vst.add.f32.msk $0xffff, v0  }
0x219: {  	v0 =	vld [tilespmem:s0+$0xE518];
	_ =	sdelay $0x4  }
0x21a: {  	[tilespmem:s2+$0xE518] =	vst.add.f32.msk $0xffff, v0  }
0x21b: {  	v0 =	vld [tilespmem:s0+$0xE528]  }
.Ltmp29:
0x21c: {  	_ = 	snop;
	(pc) =	sbr.rel .LBB2_36-.Ltmp29, $2  }
0x21d: {  	_ =	sdelay $0x2  }
0x21e: {  	[tilespmem:s2+$0xE528] =	vst.add.f32.msk $0xffff, v0  }
.LBB2_37:
0x21f: {  	s0 =	simm.s32 $0x6;
	p1 =	seq.s32 s6, $0x0  }
0x220: {  	[sflag:s0] =	ssyncpa.u1 $0x1;
	v0 =	vimm.s32 @p1 $0xFFFFFFFF  }
0x221: {  	s9 =	sadd.s32 $0xFFFFFFFF, s6;
	[tilespmem:$0x10438] =	vst @p1 v0  }
0x222: {  	v0 =	vld.msk @!p1 [tilespmem:s9+$0xE418], $0x1;
	_ =	sdelay $0x1  }
0x223: {  	v1 =	vld.msk @!p1 [tilespmem:$0xE418], $0x1;
	_ =	sdelay $0x2  }
0x224: {  	p2 =	seq.s32 @!p1 s9, $0x0;
	v0 =	vbroadcast @!p1 v0, $0x0  }
0x225: {  	vm0 =	vmmov @!p1 $0x1;
	p2 =	por !p2, p1  }
0x226: {  	v1 =	vnsel @!p1 vm0, $0xFFFFFFFF, v1;
	vm0 =	vcmask @!p1 $0x308;
	v0 =	vpsel !p2, $0xFFFFFFFF, v0  }
0x227: {  	p2 =	sne.s32 @!p1 s8, s7;
	v0 =	vsel @!p1 vm0, v1, v0  }
0x228: {  	s0 =	simm.s32 @!p1 $0xE438;
	s2 =	simm.s32 @!p1 $0x0;
	p3 =	por !p2, p1;
	[tilespmem:$0x10438] =	vst @!p1 v0  }
0x229: {  	[spmem:s2] =	stream.linear.scatter @!p1 [tilespmem:s0], [sflag:$0x1], $0x100, $0x38;
	[tilespmem:$0x1E528] =	vst v63  }
0x22a: {  	s0 =	sshll.u32 @!p3 s9, $0xA  }
0x22b: {  	s0 =	sshra.s32 @!p3 s0, $0x2  }
0x22c: {  	s2 =	simm.s32 @!p3 $0x100;
	s0 =	sadd.s32 @!p3 $0xE438, s0  }
0x22d: {  	[spmem:s2] =	stream.linear.scatter @!p3 [tilespmem:s0], [sflag:$0x1], $0x100, $0x38;
	[tilespmem:$0x1E528] =	vst v63  }
0x22e: {  	s0 =	simm.s32 @!p3 $0x1  }
0x22f: {  	_ =	swait.ge @!p3 [sflag:s0], $0x200  }
0x230: {  	p1 =	por p2, p1;
	[sflag:s0] =	ssyncset.done @!p3 $0x0  }
0x231: {  	[sflag:s0] =	ssyncadd.s32 @!p3 $0xFFFFFE00;
	s0 =	simm.s32 @!p1 $0x1  }
0x232: {  	_ =	swait.ge @!p1 [sflag:s0], $0x100  }
0x233: {  	s29 =	simm.s32 $0x10438;
	[sflag:s0] =	ssyncset.done @!p1 $0x0  }
0x234: {  	s30 =	simm.s32 $0x2000;
	s31 =	simm.s32 $0x1;
	[sflag:s0] =	ssyncadd.s32 @!p1 $0xFFFFFF00  }
0x235: {  	[spmem:s30] =	stream.linear.scatter [tilespmem:s29], [sflag:$0x1], $0x10, $0x38;
	[tilespmem:$0x1E528] =	vst v63  }
0x236: {  	_ =	swait.ge [sflag:s31], $0x10  }
0x237: {  	[sflag:s31] =	ssyncset.done $0x0  }
0x238: {  	p1 =	seq.s32 s5, $0x0;
	[sflag:s31] =	ssyncadd.s32 $0xFFFFFFF0  }
0x239: {  	s2 =	sshll.u32 @p1 s18, $0xE;
	s8 =	rddreg [dreg:$0x2]  }
0x23a: {  	s0 =	sadd.s32 @p1 $0x15C3C, s2;
	s2 =	sshll.u32 @p1 s8, $0x11  }
0x23b: {  	_ =	sfence.stream.spmem;
	s0 =	sor.u32 @p1 s2, s0  }
0x23c: {  	[sflag:s0] =	ssyncadd.remote.s32 @p1 $0x1;
	s0 =	simm.s32 @p1 $0x4  }
0x23d: {  	s3 =	simm.s32 @!p1 $0x3C;
	s2 =	sand.u32 $0xFFFFFFFE, s18;
	_ =	swait.ge @p1 [sflag:s0], $0x42  }
0x23e: {  	s4 =	simm.s32 @!p1 $0x0;
	s2 =	sadd.s32 @!p1 $0x4, s2;
	[sflag:s0] =	ssyncset.done @p1 $0x0  }
0x23f: {  	s7 =	simm.s32 @!p1 $0x200;
	[sflag:s0] =	ssyncadd.s32 @p1 $0xFFFFFFBE;
	s0 =	sshll.u32 @!p1 s2, $0x1A  }
0x240: {  	s2 =	sshll.u32 @!p1 s2, $0xD;
	s0 =	sor.u32 @!p1 s0, s8;
	_ =	swait.eq @!p1 [sflag:s3], $0x1  }
0x241: {  	s2 =	sor.u32 @!p1 $0x1C04, s2;
	s3 =	simm.s32 @!p1 $0x1C03;
	s0 =	sor.u32 @!p1 $0x80004000, s0  }
0x242: {  	[spmem:s7], [sflag:s2] =	dma.general @!p1 [spmem:s4], [sflag:s3], length:$0x40, [dreg:$0x0], stride_count:$0x0, ici_dest:s0, dma_misc:DstOpCode:WRITE  }
0x243: {  	p2 =	slt.s32 s9, $0x2;
	s4 =	simm.s32 @!p1 $0x400;
	s7 =	simm.s32 @!p1 $0x402  }
0x244: {  	[spmem:s7], [sflag:s2] =	dma.general @!p1 [spmem:s4], [sflag:s3], length:$0x2, [dreg:$0x0], stride_count:$0x0, ici_dest:s0, dma_misc:DstOpCode:WRITE  }
.Ltmp30:
0x245: {  	s0 =	simm.s32 @!p1 $0x3;
	(pc) =	sbr.rel @p2 .LBB2_41-.Ltmp30, $4  }
0x246: {  	s2 =	sshll.u32 @!p1 s18, $0xE;
	_ =	swait.ge @!p1 [sflag:s0], $0x42  }
0x247: {  	s3 =	sshll.u32 @!p1 s8, $0x11;
	s2 =	sadd.s32 @!p1 $0x11C3C, s2;
	[sflag:s0] =	ssyncset.done @!p1 $0x0  }
0x248: {  	[sflag:s0] =	ssyncadd.s32 @!p1 $0xFFFFFFBE;
	s0 =	sor.u32 @!p1 s3, s2  }
0x249: {  	[sflag:s0] =	ssyncadd.remote.s32 @!p1 $0xFFFFFFFF;
	s0 =	simm.s32 $0x0  }
0x24a: {  	s0 =	simm.s32 $0xE419  }
0x24b: {  	v0 =	vld.msk [tilespmem:s0+$0x0], $0x1;
	_ =	sdelay $0x4  }
0x24c: {  	(v2sf) =	vpush v0, $0x0;
	_ =	sdelay $0xd  }
0x24d: {  	s31 =	sadd.s32 $0xFFFFFFFE, s6  }
0x24e: {  	s2 =	simm.s32 $0x0;
	s3 =	sadd.s32 $0xFFFFFFFF, s31;
	s6 =	spop (v2sf)  }
0x24f: {  	s7 =	simm.s32 $0xE538;
	p1 =	sne.s32 s3, $0x0;
	p2 =	sgt.u32 s6, $0x27FF70  }
.Ltmp31:
0x250: {  	s4 =	simm.s32 $0xE638;
	s0 =	sand.u32 @!p2 $0x3FFFF8, s6;
	(pc) =	sbr.rel @!p1 .LBB2_40-.Ltmp31, $4  }
0x251: {  	s9 =	sadd.s32 @!p2 $0x80, s6;
	s8 =	sand.u32 @!p2 $0x7, s6;
	s0 =	sadd.s32 @!p2 s1, s0  }
0x252: {  	[hbm4b:s0+s8] =	stream.linear.scatter @!p2 [tilespmem:s7], [sflag:$0x5], $0x80, $0x38;
	[tilespmem:$0x1E528] =	vst v63  }
0x253: {  	s6 =	simm.s32 $0xE41A;
	s2 =	simm.s32 @!p2 $0x400;
	s0 =	sand.u32 @!p2 $0x7FFFF8, s9  }
0x254: {  	s9 =	simm.s32 @!p2 $0xE5B8;
	s7 =	sadd.s32 $0x0, s2;
	s0 =	sadd.s32 @!p2 s1, s0  }
.LBB2_39:
0x255: {  	[hbm4b:s0+s8] =	stream.linear.scatter @!p2 [tilespmem:s9], [sflag:$0x5], $0x80, $0x38;
	[tilespmem:$0x1E528] =	vst v63  }
0x256: {  	s3 =	sadd.s32 $0xFFFFFFFF, s3;
	s0 =	smov.u32 s4;
	v0 =	vld.msk [tilespmem:s6+$0x0], $0x1  }
0x257: {  	p1 =	sne.s32 s3, $0x0;
	_ =	sdelay $0x3  }
0x258: {  	(v2sf) =	vpush v0, $0x0;
	_ =	sdelay $0xe  }
0x259: {  	s4 =	sadd.s32 $0x100, s4;
	s10 =	simm.s32 $0x0;
	s2 =	spop (v2sf)  }
.Ltmp32:
0x25a: {  	s6 =	sadd.s32 $0x1, s6;
	p2 =	sgt.u32 s2, $0x27FF70;
	(pc) =	sbr.rel @p1 .LBB2_39-.Ltmp32, $4  }
0x25b: {  	s10 =	simm.s32 @!p2 $0x400;
	s8 =	sand.u32 @!p2 $0x3FFFF8, s2;
	s9 =	sadd.s32 @!p2 $0x80, s2  }
0x25c: {  	s11 =	sadd.s32 @!p2 s1, s8;
	s8 =	sand.u32 @!p2 $0x7, s2;
	s2 =	sand.u32 @!p2 $0x7FFFF8, s9  }
0x25d: {  	[hbm4b:s11+s8] =	stream.linear.scatter @!p2 [tilespmem:s0], [sflag:$0x5], $0x80, $0x38;
	[tilespmem:$0x1E528] =	vst v63  }
0x25e: {  	s9 =	sadd.s32 @!p2 $0x80, s0;
	s7 =	sadd.s32 s7, s10;
	s0 =	sadd.s32 @!p2 s1, s2  }
.LBB2_40:
0x25f: {  	[hbm4b:s0+s8] =	stream.linear.scatter @!p2 [tilespmem:s9], [sflag:$0x5], $0x80, $0x38;
	[tilespmem:$0x1E528] =	vst v63  }
0x260: {  	s0 =	sshrl.u32 s7, $0x2  }
.LBB2_41:
0x261: {  	s2 =	simm.s32 $0x5  }
0x262: {  	_ =	swait.ge [sflag:s2], s0  }
0x263: {  	s31 =	ssub.s32 $0x0, s0;
	[sflag:s2] =	ssyncset.done $0x0  }
0x264: {  	[sflag:s2] =	ssyncadd.s32 s31  }
0x265: {  	[sflag:s2] =	ssyncpa.u1 $0x1  }
.LBB2_42:
0x266: {  	s0 =	sor.u32 s5, s17  }
0x267: {  	p1 =	sne.s32 s0, $0x0  }
.Ltmp33:
0x268: {  	_ = 	snop;
	(pc) =	sbr.rel @p1 .LBB2_57-.Ltmp33, $3  }
0x269: {  	_ =	sdelay $0x1  }
0x26a: {  	[bflag:$0x0] =	sbarrier.arrive $0xFFFF  }
0x26b: {  	_ =	sfence  }
0x26c: {  	s0 =	simm.s32 $0x7  }
0x26d: {  	s2 =	simm.s32 $0x2000;
	s3 =	simm.s32 $0xE418;
	[sflag:s0] =	ssyncpa.u1 $0x0  }
0x26e: {  	[tilespmem:s3], [sflag:$0x7] =	stream.linear.gather [spmem:s2], $0x20, $0x38;
	[tilespmem:$0x1E528] =	vst v63  }
0x26f: {  	s30 =	simm.s32 $0xE438;
	s2 =	simm.s32 $0x0  }
0x270: {  	[tilespmem:s30], [sflag:$0x7] =	stream.linear.gather [spmem:s2], $0x2000, $0x38;
	[tilespmem:$0x1E528] =	vst v63  }
.Ltmp34:
0x271: {  	_ = 	snop;
	(pc) =	sbr.rel .LBB2_44-.Ltmp34, $4  }
0x272: {  	_ =	swait.ge [sflag:s0], $0x2020  }
0x273: {  	[sflag:s0] =	ssyncset.done $0x0  }
0x274: {  	s31 =	simm.s32 $0x8;
	[sflag:s0] =	ssyncadd.s32 $0xFFFFDFE0  }
0x275: {  	s3 =	simm.s32 $0x0;
	[sflag:s31] =	ssyncpa.u1 $0x0  }
.LBB2_50:
0x276: {  	p1 =	slt.u32 s4, $0x27FF71  }
0x277: {  	s0 =	sand.u32 @p1 $0x3FFFF8, s4  }
0x278: {  	s5 =	sand.u32 @p1 $0x7, s4;
	s6 =	simm.s32 @p1 $0xE308;
	s0 =	sadd.s32 @p1 s1, s0  }
0x279: {  	[tilespmem:s6], [sflag:$0x8] =	stream.linear.gather @p1 [hbm4b:s0+s5], $0x80, $0x38;
	[tilespmem:$0x1E528] =	vst v63  }
0x27a: {  	s0 =	sadd.s32 @p1 $0x80, s4  }
0x27b: {  	s0 =	sand.u32 @p1 $0x7FFFF8, s0  }
0x27c: {  	s4 =	simm.s32 @p1 $0xE388;
	s0 =	sadd.s32 @p1 s1, s0  }
0x27d: {  	[tilespmem:s4], [sflag:$0x8] =	stream.linear.gather @p1 [hbm4b:s0+s5], $0x80, $0x38;
	[tilespmem:$0x1E528] =	vst v63  }
0x27e: {  	s0 =	simm.s32 @p1 $0x8  }
0x27f: {  	_ =	swait.ge @p1 [sflag:s0], $0x100  }
0x280: {  	[sflag:s0] =	ssyncset.done @p1 $0x0  }
0x281: {  	[sflag:s0] =	ssyncadd.s32 @p1 $0xFFFFFF00  }
0x282: {  	v1 =	vld @p1 [tilespmem:$0xE308];
	_ =	sdelay $0x2  }
0x283: {  	s0 =	sshll.u32 @p1 s3, $0xA  }
0x284: {  	s4 =	sshrl.u32 @p1 s0, $0x2  }
0x285: {  	[tilespmem:s4+$0xE438] =	vst.add.f32.msk @p1 $0xffff, v1  }
0x286: {  	v1 =	vld @p1 [tilespmem:$0xE318];
	_ =	sdelay $0x4  }
0x287: {  	[tilespmem:s4+$0xE448] =	vst.add.f32.msk @p1 $0xffff, v1  }
0x288: {  	v1 =	vld @p1 [tilespmem:$0xE328];
	_ =	sdelay $0x4  }
0x289: {  	[tilespmem:s4+$0xE458] =	vst.add.f32.msk @p1 $0xffff, v1  }
0x28a: {  	v1 =	vld @p1 [tilespmem:$0xE338];
	_ =	sdelay $0x4  }
0x28b: {  	[tilespmem:s4+$0xE468] =	vst.add.f32.msk @p1 $0xffff, v1  }
0x28c: {  	v1 =	vld @p1 [tilespmem:$0xE348];
	_ =	sdelay $0x4  }
0x28d: {  	[tilespmem:s4+$0xE478] =	vst.add.f32.msk @p1 $0xffff, v1  }
0x28e: {  	v1 =	vld @p1 [tilespmem:$0xE358];
	_ =	sdelay $0x4  }
0x28f: {  	[tilespmem:s4+$0xE488] =	vst.add.f32.msk @p1 $0xffff, v1  }
0x290: {  	v1 =	vld @p1 [tilespmem:$0xE368];
	_ =	sdelay $0x4  }
0x291: {  	[tilespmem:s4+$0xE498] =	vst.add.f32.msk @p1 $0xffff, v1  }
0x292: {  	v1 =	vld @p1 [tilespmem:$0xE378];
	_ =	sdelay $0x4  }
0x293: {  	[tilespmem:s4+$0xE4A8] =	vst.add.f32.msk @p1 $0xffff, v1  }
0x294: {  	v1 =	vld @p1 [tilespmem:$0xE388];
	_ =	sdelay $0x4  }
0x295: {  	[tilespmem:s4+$0xE4B8] =	vst.add.f32.msk @p1 $0xffff, v1  }
0x296: {  	v1 =	vld @p1 [tilespmem:$0xE398];
	_ =	sdelay $0x4  }
0x297: {  	[tilespmem:s4+$0xE4C8] =	vst.add.f32.msk @p1 $0xffff, v1  }
0x298: {  	v1 =	vld @p1 [tilespmem:$0xE3A8];
	_ =	sdelay $0x4  }
0x299: {  	[tilespmem:s4+$0xE4D8] =	vst.add.f32.msk @p1 $0xffff, v1  }
0x29a: {  	v1 =	vld @p1 [tilespmem:$0xE3B8];
	_ =	sdelay $0x4  }
0x29b: {  	[tilespmem:s4+$0xE4E8] =	vst.add.f32.msk @p1 $0xffff, v1  }
0x29c: {  	v1 =	vld @p1 [tilespmem:$0xE3C8];
	_ =	sdelay $0x4  }
0x29d: {  	[tilespmem:s4+$0xE4F8] =	vst.add.f32.msk @p1 $0xffff, v1  }
0x29e: {  	v1 =	vld @p1 [tilespmem:$0xE3D8];
	_ =	sdelay $0x4  }
0x29f: {  	[tilespmem:s4+$0xE508] =	vst.add.f32.msk @p1 $0xffff, v1  }
0x2a0: {  	v1 =	vld @p1 [tilespmem:$0xE3E8];
	_ =	sdelay $0x4  }
0x2a1: {  	[tilespmem:s4+$0xE518] =	vst.add.f32.msk @p1 $0xffff, v1  }
0x2a2: {  	v1 =	vld @p1 [tilespmem:$0xE3F8];
	_ =	sdelay $0x3  }
0x2a3: {  	s5 =	sshll.u32 @!p1 s3, $0xA  }
0x2a4: {  	s5 =	smov.u32 @p1 s0;
	[tilespmem:s4+$0xE528] =	vst.add.f32.msk @p1 $0xffff, v1  }
0x2a5: {  	s0 =	sshrl.u32 s5, $0x2;
	[tilespmem:s2+$0xE418] =	vst.msk $0x1, v0  }
0x2a6: {  	v0 =	vld [tilespmem:s0+$0xE438];
	_ =	sdelay $0x2  }
0x2a7: {  	s31 =	sshll.u32 s2, $0xA  }
0x2a8: {  	s4 =	sshra.s32 s31, $0x2  }
0x2a9: {  	[tilespmem:s4+$0xE438] =	vst v0  }
0x2aa: {  	v0 =	vld [tilespmem:s0+$0xE448];
	_ =	sdelay $0x4  }
0x2ab: {  	[tilespmem:s4+$0xE448] =	vst v0  }
0x2ac: {  	v0 =	vld [tilespmem:s0+$0xE458];
	_ =	sdelay $0x4  }
0x2ad: {  	[tilespmem:s4+$0xE458] =	vst v0  }
0x2ae: {  	v0 =	vld [tilespmem:s0+$0xE468];
	_ =	sdelay $0x4  }
0x2af: {  	[tilespmem:s4+$0xE468] =	vst v0  }
0x2b0: {  	v0 =	vld [tilespmem:s0+$0xE478];
	_ =	sdelay $0x4  }
0x2b1: {  	[tilespmem:s4+$0xE478] =	vst v0  }
0x2b2: {  	v0 =	vld [tilespmem:s0+$0xE488];
	_ =	sdelay $0x4  }
0x2b3: {  	[tilespmem:s4+$0xE488] =	vst v0  }
0x2b4: {  	v0 =	vld [tilespmem:s0+$0xE498];
	_ =	sdelay $0x4  }
0x2b5: {  	[tilespmem:s4+$0xE498] =	vst v0  }
0x2b6: {  	v0 =	vld [tilespmem:s0+$0xE4A8];
	_ =	sdelay $0x4  }
0x2b7: {  	[tilespmem:s4+$0xE4A8] =	vst v0  }
0x2b8: {  	v0 =	vld [tilespmem:s0+$0xE4B8];
	_ =	sdelay $0x4  }
0x2b9: {  	[tilespmem:s4+$0xE4B8] =	vst v0  }
0x2ba: {  	v0 =	vld [tilespmem:s0+$0xE4C8];
	_ =	sdelay $0x4  }
0x2bb: {  	[tilespmem:s4+$0xE4C8] =	vst v0  }
0x2bc: {  	v0 =	vld [tilespmem:s0+$0xE4D8];
	_ =	sdelay $0x4  }
0x2bd: {  	[tilespmem:s4+$0xE4D8] =	vst v0  }
0x2be: {  	v0 =	vld [tilespmem:s0+$0xE4E8];
	_ =	sdelay $0x4  }
0x2bf: {  	[tilespmem:s4+$0xE4E8] =	vst v0  }
0x2c0: {  	v0 =	vld [tilespmem:s0+$0xE4F8];
	_ =	sdelay $0x4  }
0x2c1: {  	[tilespmem:s4+$0xE4F8] =	vst v0  }
0x2c2: {  	v0 =	vld [tilespmem:s0+$0xE508];
	_ =	sdelay $0x4  }
0x2c3: {  	[tilespmem:s4+$0xE508] =	vst v0  }
0x2c4: {  	v0 =	vld [tilespmem:s0+$0xE518];
	_ =	sdelay $0x4  }
0x2c5: {  	[tilespmem:s4+$0xE518] =	vst v0  }
0x2c6: {  	v0 =	vld [tilespmem:s0+$0xE528];
	_ =	sdelay $0x4  }
0x2c7: {  	s2 =	sadd.s32 $0x1, s2;
	[tilespmem:s4+$0xE528] =	vst v0  }
.LBB2_51:
0x2c8: {  	s3 =	sadd.s32 $0x1, s3  }
0x2c9: {  	p1 =	sne.s32 s3, $0x20  }
.Ltmp35:
0x2ca: {  	_ = 	snop;
	(pc) =	sbr.rel @!p1 .LBB2_52-.Ltmp35, $1  }
0x2cb: {  	_ =	sdelay $0x3  }
.LBB2_44:
0x2cc: {  	v0 =	vld.msk [tilespmem:s3+$0xE418], $0x1;
	_ =	sdelay $0x4  }
0x2cd: {  	(v2sf) =	vpush v0, $0x0;
	_ =	sdelay $0xe  }
0x2ce: {  	s4 =	spop (v2sf)  }
0x2cf: {  	p1 =	seq.s32 s4, $0xFFFFFFFF  }
.Ltmp36:
0x2d0: {  	_ = 	snop;
	(pc) =	sbr.rel @p1 .LBB2_51-.Ltmp36, $1  }
0x2d1: {  	_ =	sdelay $0x3  }
0x2d2: {  	p1 =	slt.s32 s2, $0x1  }
.Ltmp37:
0x2d3: {  	_ = 	snop;
	(pc) =	sbr.rel @p1 .LBB2_50-.Ltmp37, $1  }
0x2d4: {  	_ =	sdelay $0x3  }
0x2d5: {  	s5 =	simm.s32 $0xE418;
	p1 =	por $0x0, $0x0  }
0x2d6: {  	v1 =	vld.msk @!p1 [tilespmem:s5+$0x0], $0x1;
	_ =	sdelay $0x4  }
0x2d7: {  	(v2sf) =	vpush @!p1 v1, $0x0;
	_ =	sdelay $0xd  }
0x2d8: {  	p3 =	sne.s32 s2, $0x1  }
.Ltmp38:
0x2d9: {  	s0 =	spop @!p1 (v2sf);
	(pc) =	sbr.rel @!p3 .LBB2_48-.Ltmp38, $4  }
0x2da: {  	p2 =	seq.s32 @!p1 s4, s0  }
0x2db: {  	s6 =	simm.s32 $0x0;
	p2 =	por !p2, p1  }
0x2dc: {  	s0 =	simm.s32 $0xFFFFFFFF;
	s6 =	simm.s32 @p2 $0xFFFFFFFF  }
0x2dd: {  	s7 =	simm.s32 $0x1;
	s6 =	smov.u32 @p1 s0  }
.LBB2_47:
0x2de: {  	s0 =	smov.u32 s6;
	p1 =	sne.s32 s6, $0xFFFFFFFF  }
0x2df: {  	s5 =	sadd.s32 $0x1, s5;
	s6 =	smov.u32 s7;
	s7 =	sadd.s32 $0x1, s7  }
0x2e0: {  	p2 =	sne.s32 s2, s7;
	v1 =	vld.msk @!p1 [tilespmem:s5+$0x0], $0x1;
	_ =	sdelay $0x4  }
0x2e1: {  	(v2sf) =	vpush @!p1 v1, $0x0;
	_ =	sdelay $0xe  }
.Ltmp39:
0x2e2: {  	s8 =	spop @!p1 (v2sf);
	(pc) =	sbr.rel @p2 .LBB2_47-.Ltmp39, $4  }
0x2e3: {  	p3 =	seq.s32 @!p1 s4, s8  }
0x2e4: {  	p3 =	por !p3, p1  }
0x2e5: {  	s6 =	simm.s32 @p3 $0xFFFFFFFF  }
0x2e6: {  	s6 =	smov.u32 @p1 s0  }
.LBB2_48:
0x2e7: {  	p1 =	seq.s32 s6, $0xFFFFFFFF  }
.Ltmp40:
0x2e8: {  	_ = 	snop;
	(pc) =	sbr.rel @p1 .LBB2_50-.Ltmp40, $1  }
0x2e9: {  	_ =	sdelay $0x3  }
0x2ea: {  	s0 =	sshll.u32 s3, $0x8  }
0x2eb: {  	s0 =	sand.u32 $0x3FFFFF00, s0  }
0x2ec: {  	v0 =	vld [tilespmem:s0+$0xE438];
	_ =	sdelay $0x2  }
0x2ed: {  	s4 =	sshll.u32 s6, $0xA  }
0x2ee: {  	s4 =	sshra.s32 s4, $0x2  }
0x2ef: {  	[tilespmem:s4+$0xE438] =	vst.add.f32.msk $0xffff, v0  }
0x2f0: {  	v0 =	vld [tilespmem:s0+$0xE448];
	_ =	sdelay $0x4  }
0x2f1: {  	[tilespmem:s4+$0xE448] =	vst.add.f32.msk $0xffff, v0  }
0x2f2: {  	v0 =	vld [tilespmem:s0+$0xE458];
	_ =	sdelay $0x4  }
0x2f3: {  	[tilespmem:s4+$0xE458] =	vst.add.f32.msk $0xffff, v0  }
0x2f4: {  	v0 =	vld [tilespmem:s0+$0xE468];
	_ =	sdelay $0x4  }
0x2f5: {  	[tilespmem:s4+$0xE468] =	vst.add.f32.msk $0xffff, v0  }
0x2f6: {  	v0 =	vld [tilespmem:s0+$0xE478];
	_ =	sdelay $0x4  }
0x2f7: {  	[tilespmem:s4+$0xE478] =	vst.add.f32.msk $0xffff, v0  }
0x2f8: {  	v0 =	vld [tilespmem:s0+$0xE488];
	_ =	sdelay $0x4  }
0x2f9: {  	[tilespmem:s4+$0xE488] =	vst.add.f32.msk $0xffff, v0  }
0x2fa: {  	v0 =	vld [tilespmem:s0+$0xE498];
	_ =	sdelay $0x4  }
0x2fb: {  	[tilespmem:s4+$0xE498] =	vst.add.f32.msk $0xffff, v0  }
0x2fc: {  	v0 =	vld [tilespmem:s0+$0xE4A8];
	_ =	sdelay $0x4  }
0x2fd: {  	[tilespmem:s4+$0xE4A8] =	vst.add.f32.msk $0xffff, v0  }
0x2fe: {  	v0 =	vld [tilespmem:s0+$0xE4B8];
	_ =	sdelay $0x4  }
0x2ff: {  	[tilespmem:s4+$0xE4B8] =	vst.add.f32.msk $0xffff, v0  }
0x300: {  	v0 =	vld [tilespmem:s0+$0xE4C8];
	_ =	sdelay $0x4  }
0x301: {  	[tilespmem:s4+$0xE4C8] =	vst.add.f32.msk $0xffff, v0  }
0x302: {  	v0 =	vld [tilespmem:s0+$0xE4D8];
	_ =	sdelay $0x4  }
0x303: {  	[tilespmem:s4+$0xE4D8] =	vst.add.f32.msk $0xffff, v0  }
0x304: {  	v0 =	vld [tilespmem:s0+$0xE4E8];
	_ =	sdelay $0x4  }
0x305: {  	[tilespmem:s4+$0xE4E8] =	vst.add.f32.msk $0xffff, v0  }
0x306: {  	v0 =	vld [tilespmem:s0+$0xE4F8];
	_ =	sdelay $0x4  }
0x307: {  	[tilespmem:s4+$0xE4F8] =	vst.add.f32.msk $0xffff, v0  }
0x308: {  	v0 =	vld [tilespmem:s0+$0xE508];
	_ =	sdelay $0x4  }
0x309: {  	[tilespmem:s4+$0xE508] =	vst.add.f32.msk $0xffff, v0  }
0x30a: {  	v0 =	vld [tilespmem:s0+$0xE518];
	_ =	sdelay $0x4  }
0x30b: {  	[tilespmem:s4+$0xE518] =	vst.add.f32.msk $0xffff, v0  }
0x30c: {  	v0 =	vld [tilespmem:s0+$0xE528]  }
.Ltmp41:
0x30d: {  	_ = 	snop;
	(pc) =	sbr.rel .LBB2_51-.Ltmp41, $2  }
0x30e: {  	_ =	sdelay $0x2  }
0x30f: {  	[tilespmem:s4+$0xE528] =	vst.add.f32.msk $0xffff, v0  }
.LBB2_52:
0x310: {  	p1 =	slt.s32 s2, $0x1  }
.Ltmp42:
0x311: {  	_ = 	snop;
	(pc) =	sbr.rel @p1 .LBB2_56-.Ltmp42, $3  }
0x312: {  	_ =	sdelay $0x1  }
0x313: {  	s0 =	simm.s32 $0x8  }
0x314: {  	s5 =	simm.s32 $0x0;
	[sflag:s0] =	ssyncpa.u1 $0x1  }
0x315: {  	s0 =	simm.s32 $0xE418  }
0x316: {  	v0 =	vld.msk [tilespmem:s0+$0x0], $0x1;
	_ =	sdelay $0x4  }
0x317: {  	(v2sf) =	vpush v0, $0x0;
	_ =	sdelay $0xe  }
0x318: {  	s2 =	sadd.s32 $0xFFFFFFFF, s2;
	s0 =	spop (v2sf)  }
0x319: {  	s4 =	simm.s32 $0xE438;
	p1 =	sne.s32 s2, $0x0;
	p2 =	sgt.u32 s0, $0x27FF70  }
.Ltmp43:
0x31a: {  	s3 =	simm.s32 $0xE538;
	s6 =	sand.u32 @!p2 $0x3FFFF8, s0;
	(pc) =	sbr.rel @!p1 .LBB2_55-.Ltmp43, $4  }
0x31b: {  	s7 =	sadd.s32 @!p2 $0x80, s0;
	s5 =	simm.s32 @!p2 $0x400;
	s8 =	sadd.s32 @!p2 s1, s6  }
0x31c: {  	s6 =	sand.u32 @!p2 $0x7, s0;
	s0 =	sand.u32 @!p2 $0x7FFFF8, s7;
	s7 =	simm.s32 @!p2 $0xE4B8  }
0x31d: {  	[hbm4b:s8+s6] =	stream.linear.scatter @!p2 [tilespmem:s4], [sflag:$0x7], $0x80, $0x38;
	[tilespmem:$0x1E528] =	vst v63  }
0x31e: {  	s5 =	sadd.s32 $0x0, s5;
	s4 =	simm.s32 $0xE419;
	s0 =	sadd.s32 @!p2 s1, s0  }
.LBB2_54:
0x31f: {  	[hbm4b:s0+s6] =	stream.linear.scatter @!p2 [tilespmem:s7], [sflag:$0x7], $0x80, $0x38;
	[tilespmem:$0x1E528] =	vst v63  }
0x320: {  	s2 =	sadd.s32 $0xFFFFFFFF, s2;
	s0 =	smov.u32 s3;
	v0 =	vld.msk [tilespmem:s4+$0x0], $0x1  }
0x321: {  	p1 =	sne.s32 s2, $0x0;
	_ =	sdelay $0x3  }
0x322: {  	(v2sf) =	vpush v0, $0x0;
	_ =	sdelay $0xe  }
0x323: {  	s3 =	sadd.s32 $0x100, s3;
	s8 =	simm.s32 $0x0;
	s6 =	spop (v2sf)  }
.Ltmp44:
0x324: {  	s4 =	sadd.s32 $0x1, s4;
	p2 =	sgt.u32 s6, $0x27FF70;
	(pc) =	sbr.rel @p1 .LBB2_54-.Ltmp44, $4  }
0x325: {  	s8 =	simm.s32 @!p2 $0x400;
	s7 =	sand.u32 @!p2 $0x3FFFF8, s6;
	s9 =	sadd.s32 @!p2 $0x80, s6  }
0x326: {  	s6 =	sand.u32 @!p2 $0x7, s6;
	s7 =	sadd.s32 @!p2 s1, s7;
	s9 =	sand.u32 @!p2 $0x7FFFF8, s9  }
0x327: {  	[hbm4b:s7+s6] =	stream.linear.scatter @!p2 [tilespmem:s0], [sflag:$0x7], $0x80, $0x38;
	[tilespmem:$0x1E528] =	vst v63  }
0x328: {  	s5 =	sadd.s32 s5, s8;
	s7 =	sadd.s32 @!p2 $0x80, s0;
	s0 =	sadd.s32 @!p2 s1, s9  }
.LBB2_55:
0x329: {  	[hbm4b:s0+s6] =	stream.linear.scatter @!p2 [tilespmem:s7], [sflag:$0x7], $0x80, $0x38;
	[tilespmem:$0x1E528] =	vst v63  }
0x32a: {  	s5 =	sshrl.u32 s5, $0x2  }
.LBB2_56:
0x32b: {  	s0 =	simm.s32 $0x7  }
0x32c: {  	_ =	swait.ge [sflag:s0], s5  }
0x32d: {  	s1 =	ssub.s32 $0x0, s5;
	[sflag:s0] =	ssyncset.done $0x0  }
0x32e: {  	[sflag:s0] =	ssyncadd.s32 s1  }
0x32f: {  	[sflag:s0] =	ssyncpa.u1 $0x1  }
.LBB2_57:
0x330: {  	_ =	sfence;
	s0 =	simm.s32 $0x1  }
0x331: {  	[sflag:s0] =	ssyncpa.u1 $0x1  }
0x332: {  	_ =	strace $0x9000004A  }
0x333: {  	[bflag:$0x2] =	sbarrier.arrive $0xFFFF  }
0x334: {  	s0 =	rddreg [dreg:$0x3]  }
0x335: {  	s0 =	sadd.s32 @!p0 $0x100000, s0  }
0x336: {  	[sflag:s0] =	ssyncadd.tile.s32 @!p0 $0x1;
	_ =	shalt  }
.Lfunc_end2:
_tile_overlayer_lowered:
.L_overlay_start_2:
0x337: {  	(tag) =	ssettag $0x2  }
0x338: {  	s0 =	rddreg [dreg:$0x0];
	s2 =	stileid.u32  }
0x339: {  	s1 =	rddreg [dreg:$0x1];
	p0 =	sne.s32 s2, $0x0  }
0x33a: {  	s3 =	rddreg [dreg:$0x2];
	[bflag:$0x3] =	sbarrier.arrive $0xFFFF;
	s2 =	simm.s32 @!p0 $0x1C01  }
0x33b: {  	[timem:s3], [sflag:s2] =	dma.local @!p0 [hbm:s0], s1  }
0x33c: {  	s0 =	simm.s32 @!p0 $0x1  }
0x33d: {  	_ =	swait.ge @!p0 [sflag:s0], s1  }
0x33e: {  	s1 =	ssub.s32 @!p0 $0x0, s1;
	[sflag:s0] =	ssyncset.done @!p0 $0x0  }
0x33f: {  	[sflag:s0] =	ssyncadd.s32 @!p0 s1  }
0x340: {  	[bflag:$0x3] =	sbarrier.arrive $0xFFFF  }
0x341: {  	_ =	shalt  }

// kernel: scatter_offload_async_start.2
scs
__scs_entry_jumppad:
0x0: {  	(pc) =	sbr.rel $0x88, $3  }
0x1: {  	(tag) =	ssettag $0x0;
	lr =	simm.s32 $0x1  }
0x2: {  	[smem:$0x3F95] =	sst lr;
	_ =	strace $0xD0000000  }
0x3: {  	_ = 	snop  }
0x4: {  	_ = 	snop  }
0x5: {  	_ = 	snop  }
0x6: {  	_ = 	snop  }
0x7: {  	_ = 	snop  }
__scs_overlays_trampoline_lowered:
0x8: {  	[smem:$0x3FA4] =	sst s0  }
0x9: {  	[smem:$0x3FA5] =	sst s1  }
0xa: {  	[smem:$0x3FA6] =	sst s2  }
0xb: {  	[smem:$0x3FA7] =	sst s3  }
0xc: {  	[smem:$0x3FA8] =	sst s4  }
0xd: {  	[smem:$0x3FA9] =	sst s5  }
0xe: {  	[smem:$0x3FAA] =	sst s6  }
0xf: {  	[smem:$0x3FAB] =	sst s7  }
0x10: {  	[smem:$0x3FAC] =	sst s8  }
0x11: {  	[smem:$0x3FAD] =	sst s9;
	s0 =	simm.s32 @!p0 $0x0  }
0x12: {  	s1 =	sld [smem:$0x3F93];
	s0 =	simm.s32 @p0 $0x1  }
0x13: {  	[smem:$0x3FAE] =	sst s0;
	s0 =	simm.s32 @!p1 $0x0  }
0x14: {  	s2 =	sld [smem:$0x3F92];
	s0 =	simm.s32 @p1 $0x1  }
0x15: {  	[smem:$0x3FAF] =	sst s0;
	s0 =	simm.s32 @!p2 $0x0  }
0x16: {  	s3 =	sld [smem:$0x3FDB];
	s0 =	simm.s32 @p2 $0x1  }
0x17: {  	s4 =	simm.s32 $0x1BF5;
	[smem:$0x3FB1] =	sst s0  }
0x18: {  	s0 =	sld [smem:$0x3F94];
	_ =	swait.ge [sflag:s4], $0x0  }
0x19: {  	s7 =	sld [smem:$0x3F95]  }
0x1a: {  	s8 =	sadd.s32 $0xFFFFE003, lr  }
0x1b: {  	s9 =	sadd.s32 $0xFFFFFEF7, lr;
	s5 =	simm.s32 $0xFFFFFFFF;
	p2 =	slt.u32 s8, $0xFFFFF086  }
0x1c: {  	p1 =	slt.u32 s9, $0xF7A;
	s5 =	simm.s32 @!p2 $0x0  }
0x1d: {  	s5 =	simm.s32 @p1 $0x1;
	p0 =	seq.s32 s7, s2  }
0x1e: {  	s7 =	smul.u32 @!p0 $0xF7A, s2;
	p2 =	seq.s32 @!p0 s5, $0x0  }
0x1f: {  	s9 =	smul.u32 $0xF7A, s1;
	s8 =	simm.s32 @!p0 $0x1BF5;
	p2 =	por !p2, p0  }
0x20: {  	[sflag:s8] =	ssyncset.s32 @!p0 $0xFFFFF086;
	s6 =	sadd.s32 @!p0 s3, s7;
	s7 =	simm.s32 @!p0 $0x108  }
0x21: {  	s3 =	sadd.s32 s3, s9;
	s6 =	sadd.s32 @!p0 $0x88, s6;
	s7 =	simm.s32 @p2 $0x1082  }
0x22: {  	[simem:s7], [sflag:s8] =	dma.local @!p0 [hbm:s6], $0xF7A  }
0x23: {  	s9 =	sor.u32 $0xD0000000, s2;
	s6 =	simm.s32 $0x108;
	_ =	swait.ge @!p0 [sflag:s8], $0x0  }
0x24: {  	s3 =	sadd.s32 $0x88, s3;
	s6 =	simm.s32 @!p1 $0x1082;
	[sflag:s4] =	ssyncset.s32 $0xFFFFF086  }
0x25: {  	[simem:s6], [sflag:s4] =	dma.local [hbm:s3], $0xF7A  }
0x26: {  	[smem:$0x3F95] =	sst s1;
	(tag) =	ssettag s2;
	_ =	strace s9  }
0x27: {  	s1 =	sld [smem:$0x3FA5]  }
0x28: {  	s2 =	sld [smem:$0x3FA6]  }
0x29: {  	s4 =	sld [smem:$0x3FA8]  }
0x2a: {  	p0 =	seq.s32 s5, $0x0;
	s5 =	sld [smem:$0x3FA9]  }
0x2b: {  	s6 =	sld [smem:$0x3FAA]  }
0x2c: {  	s7 =	sld [smem:$0x3FAB]  }
0x2d: {  	s3 =	simm.s32 $0x108;
	s8 =	sld [smem:$0x3FAC]  }
0x2e: {  	s3 =	simm.s32 @!p0 $0x1082;
	s9 =	sld [smem:$0x3FAD]  }
0x2f: {  	lr =	sadd.s32 s0, s3;
	s0 =	sld [smem:$0x3FA4]  }
0x30: {  	s3 =	sld [smem:$0x3FA7]  }
0x31: {  	[smem:$0x3FB0] =	sst s10  }
0x32: {  	s10 =	sld [smem:$0x3FAE];
	_ =	sdelay $0x3  }
0x33: {  	p0 =	seq.s32 s10, $0x1;
	s10 =	sld [smem:$0x3FB0];
	_ =	sdelay $0x3  }
0x34: {  	[smem:$0x3FB0] =	sst s10  }
0x35: {  	s10 =	sld [smem:$0x3FAF];
	_ =	sdelay $0x3  }
0x36: {  	p1 =	seq.s32 s10, $0x1;
	s10 =	sld [smem:$0x3FB0];
	_ =	sdelay $0x3  }
0x37: {  	[smem:$0x3FB0] =	sst s10  }
0x38: {  	s10 =	sld [smem:$0x3FB1]  }
0x39: {  	_ = 	snop;
	(pc) =	sbr.ind lr, $3  }
0x3a: {  	_ = 	snop  }
0x3b: {  	_ = 	snop  }
0x3c: {  	p2 =	seq.s32 s10, $0x1;
	s10 =	sld [smem:$0x3FB0]  }
0x3d: {  	_ =	shalt  }
0x3e: {  	_ =	shalt  }
0x3f: {  	_ =	shalt  }
0x40: {  	_ =	shalt  }
0x41: {  	_ =	shalt  }
0x42: {  	_ =	shalt  }
0x43: {  	_ =	shalt  }
0x44: {  	_ =	shalt  }
0x45: {  	_ =	shalt  }
0x46: {  	_ =	shalt  }
0x47: {  	_ =	shalt  }
0x48: {  	_ =	shalt  }
0x49: {  	_ =	shalt  }
0x4a: {  	_ =	shalt  }
0x4b: {  	_ =	shalt  }
0x4c: {  	_ =	shalt  }
0x4d: {  	_ =	shalt  }
0x4e: {  	_ =	shalt  }
0x4f: {  	_ =	shalt  }
0x50: {  	_ =	shalt  }
0x51: {  	_ =	shalt  }
0x52: {  	_ =	shalt  }
0x53: {  	_ =	shalt  }
0x54: {  	_ =	shalt  }
0x55: {  	_ =	shalt  }
0x56: {  	_ =	shalt  }
0x57: {  	_ =	shalt  }
0x58: {  	_ =	shalt  }
0x59: {  	_ =	shalt  }
0x5a: {  	_ =	shalt  }
0x5b: {  	_ =	shalt  }
0x5c: {  	_ =	shalt  }
0x5d: {  	_ =	shalt  }
0x5e: {  	_ =	shalt  }
0x5f: {  	_ =	shalt  }
0x60: {  	_ =	shalt  }
0x61: {  	_ =	shalt  }
0x62: {  	_ =	shalt  }
0x63: {  	_ =	shalt  }
0x64: {  	_ =	shalt  }
0x65: {  	_ =	shalt  }
0x66: {  	_ =	shalt  }
0x67: {  	_ =	shalt  }
0x68: {  	_ =	shalt  }
0x69: {  	_ =	shalt  }
0x6a: {  	_ =	shalt  }
0x6b: {  	_ =	shalt  }
0x6c: {  	_ =	shalt  }
0x6d: {  	_ =	shalt  }
0x6e: {  	_ =	shalt  }
0x6f: {  	_ =	shalt  }
0x70: {  	_ =	shalt  }
0x71: {  	_ =	shalt  }
0x72: {  	_ =	shalt  }
0x73: {  	_ =	shalt  }
0x74: {  	_ =	shalt  }
0x75: {  	_ =	shalt  }
0x76: {  	_ =	shalt  }
0x77: {  	_ =	shalt  }
0x78: {  	_ =	shalt  }
0x79: {  	_ =	shalt  }
0x7a: {  	_ =	shalt  }
0x7b: {  	_ =	shalt  }
0x7c: {  	_ =	shalt  }
0x7d: {  	_ =	shalt  }
0x7e: {  	_ =	shalt  }
0x7f: {  	_ =	shalt  }
0x80: {  	_ =	shalt  }
0x81: {  	_ =	shalt  }
0x82: {  	_ =	shalt  }
0x83: {  	_ =	shalt  }
0x84: {  	_ =	shalt  }
0x85: {  	_ =	shalt  }
0x86: {  	_ =	shalt  }
0x87: {  	_ =	shalt  }
.Lfunc_end0:
.L_simem_size_0:
called_computation.2_lowered:
.L_overlay_start_0:
0x88: {  	s2 =	sld [smem:$0x3FD9]  }
0x89: {  	s3 =	sld [smem:$0x3FFE];
	_ =	sdelay $0x1  }
0x8a: {  	s1 =	srdreg.scid  }
0x8b: {  	s0 =	sand.u32 $0x1, s1  }
0x8c: {  	s15 =	sshll.u32 s0, $0xA;
	s2 =	sadd.s32 s3, s2  }
0x8d: {  	s2 =	sadd.s32 s2, s15  }
0x8e: {  	[smem:$0x3FBC] =	sst s2  }
0x8f: {  	_ = 	snop  }
0x90: {  	(tm) =	ssettm $0x1  }
0x91: {  	s16 =	sld [smem:$0x3FFB];
	_ =	sdelay $0x3  }
0x92: {  	_ =	strace s16  }
0x93: {  	s2 =	sld [smem:$0x3FFC];
	_ =	sdelay $0x3  }
0x94: {  	_ =	strace s2  }
0x95: {  	s2 =	sld [smem:$0x3FFD];
	_ =	sdelay $0x3  }
0x96: {  	_ =	strace s2  }
0x97: {  	_ =	strace $0x8FFFFFFF  }
0x98: {  	s17 =	sld [smem:$0x3FDB];
	_ =	sdelay $0x1  }
0x99: {  	s18 =	simm.s32 $_scs_section_size  }
0x9a: {  	s4 =	simm.s32 $_size__tile_overlayer_lowered;
	s5 =	simm.s32 $_tile_overlayer_lowered  }
0x9b: {  	s6 =	simm.s32 $0x1BFF;
	s19 =	sshll.u32 s5, $0x1;
	s3 =	sadd.s32 s18, s17  }
0x9c: {  	s20 =	simm.s32 $0x0;
	s4 =	sshll.u32 s4, $0x1;
	s5 =	sadd.s32 s19, s3  }
0x9d: {  	[timem:s20], [sflag:s6] =	dma.local [hbm:s5], s4  }
0x9e: {  	_ =	swait.ge [sflag:s6], s4  }
0x9f: {  	s4 =	ssub.s32 $0x0, s4;
	[sflag:s6] =	ssyncset.done $0x0  }
0xa0: {  	[sflag:s6] =	ssyncadd.s32 s4;
	_ =	sdelay $0x1  }
0xa1: {  	s21 =	simm.s32 $0x1B8B  }
0xa2: {  	_ =	swait.ge [sflag:s21], $0x1  }
0xa3: {  	[sflag:s21] =	ssyncset.done $0x0  }
0xa4: {  	s22 =	sld [smem:$0x3FFE];
	[sflag:s21] =	ssyncadd.s32 $0xFFFFFFFF  }
0xa5: {  	s24 =	simm.s32 $0x1B8E;
	s23 =	sld [smem:$0x0]  }
0xa6: {  	s25 =	simm.s32 $execute0_lowered;
	[smem:$0x3FD2] =	sst s24  }
0xa7: {  	s6 =	sshll.u32 s25, $0x1;
	_ =	strace $0x8000004C;
	[dreg:$0x1] =	wrdreg $0xFFFFFFFF  }
0xa8: {  	s7 =	simm.s32 $_size_execute0_lowered;
	s6 =	sadd.s32 s3, s6;
	[dreg:$0x0] =	wrdreg $0x0  }
0xa9: {  	s7 =	sshll.u32 s7, $0x1;
	[dreg:$0x2] =	wrdreg s6  }
0xaa: {  	[dreg:$0x3] =	wrdreg s7  }
0xab: {  	[dreg:$0x4] =	wrdreg $0xC0  }
0xac: {  	s26 =	simm.s32 $execute1_lowered;
	_ =	task [dreg:s20], $0x5FFFF  }
0xad: {  	s6 =	sshll.u32 s26, $0x1;
	[dreg:$0x1] =	wrdreg $0xFFFFFFFF  }
0xae: {  	s3 =	sadd.s32 s3, s6;
	[dreg:$0x0] =	wrdreg $0x60  }
0xaf: {  	[dreg:$0x2] =	wrdreg s3  }
0xb0: {  	[dreg:$0x3] =	wrdreg s22  }
0xb1: {  	[dreg:$0x4] =	wrdreg $0x9  }
0xb2: {  	_ =	task.clear_ibuf [dreg:s20], $0x5FFFF;
	_ =	strace $0x9000004C  }
0xb3: {  	s28 =	simm.s32 $0x9;
	_ =	strace $0x8000004E  }
0xb4: {  	_ =	swait.ge [sflag:s28], $0x1  }
0xb5: {  	[sflag:s28] =	ssyncadd.s32 $0xFFFFFFFF  }
0xb6: {  	_ =	strace $0x9000004E  }
0xb7: {  	s3 =	sld [smem:$0x0]  }
0xb8: {  	s6 =	sand.u32 $0xFFFFFFFE, s1  }
0xb9: {  	p0 =	sne.s32 s1, s6  }
0xba: {  	s6 =	sshll.u32 @p0 s6, $0xE  }
0xbb: {  	s6 =	sadd.s32 @p0 $0x11BF3, s6;
	s7 =	sshll.u32 @p0 s3, $0x11  }
0xbc: {  	s6 =	sor.u32 @p0 s7, s6  }
0xbd: {  	[sflag:s6] =	ssyncadd.remote.s32 @p0 $0x1;
	_ =	sdelay $0x1  }
0xbe: {  	s6 =	simm.s32 @p0 $0x1BF3  }
0xbf: {  	_ =	swait.eq @p0 [sflag:s6], $0x1  }
0xc0: {  	[sflag:s6] =	ssyncadd.s32 @p0 $0xFFFFFFFF  }
0xc1: {  	s7 =	sshll.u32 @!p0 s1, $0xE  }
0xc2: {  	s7 =	sor.u32 @!p0 $0x4000, s7;
	s6 =	simm.s32 @!p0 $0x1BF3  }
0xc3: {  	s3 =	sshll.u32 @!p0 s3, $0x11;
	s7 =	sadd.s32 @!p0 $0x11BF3, s7;
	_ =	swait.eq @!p0 [sflag:s6], $0x1  }
0xc4: {  	s3 =	sor.u32 @!p0 s3, s7;
	[sflag:s6] =	ssyncadd.s32 @!p0 $0xFFFFFFFF  }
0xc5: {  	[sflag:s3] =	ssyncadd.remote.s32 @!p0 $0x1  }
0xc6: {  	_ =	strace $0x8000004F;
	[dreg:$0x1] =	wrdreg $0xFFFFFFFF  }
0xc7: {  	[dreg:$0x0] =	wrdreg $0x2030  }
0xc8: {  	[dreg:$0x2] =	wrdreg s22  }
0xc9: {  	[dreg:$0x3] =	wrdreg s1  }
0xca: {  	[dreg:$0x4] =	wrdreg s23  }
0xcb: {  	[dreg:$0x5] =	wrdreg $0xA  }
0xcc: {  	_ =	task.clear_ibuf [dreg:s20], $0x6FFFF;
	_ =	strace $0x9000004F  }
0xcd: {  	s29 =	simm.s32 $0xA;
	_ =	strace $0x80000051  }
0xce: {  	_ =	swait.ge [sflag:s29], $0x1  }
0xcf: {  	[sflag:s29] =	ssyncadd.s32 $0xFFFFFFFF  }
0xd0: {  	_ =	strace $0x90000051  }
0xd1: {  	_ =	sfence  }
0xd2: {  	s30 =	sld [smem:$0x0];
	_ =	sdelay $0x2  }
0xd3: {  	s31 =	sshll.u32 s1, $0xD;
	s1 =	sshrl.u32 s1, $0x2  }
0xd4: {  	s4 =	sand.u32 $0x4000, s31;
	s1 =	sadd.s32 s1, s30  }
0xd5: {  	s0 =	sor.u32 s4, s0;
	s1 =	sshll.u32 s1, $0x11  }
0xd6: {  	s0 =	sor.u32 s1, s0  }
0xd7: {  	s0 =	sadd.s32 $0x8F2B, s0  }
0xd8: {  	[sflag:s0] =	ssyncadd.remote.s32 $0x1  }
0xd9: {  	_ =	sfence.sel $0xFFFF  }
0xda: {  	[dreg:$0x0] =	wrdreg $0xFFFFFFFF;
	(pc) =	sbr.abs _section_cstart, $3  }
0xdb: {  	[dreg:$0x1] =	wrdreg $0xFFFFFFFF  }
0xdc: {  	_ =	task.clear_ibuf [dreg:s20], $0x2FFFF;
	_ =	strace $0x9FFFFFFF  }
0xdd: {  	(tm) =	ssettm $0x7FFFFFFF  }
tec
execute0_lowered:
.L_overlay_start_1:
0x0: {  	(tag) =	ssettag $0x1  }
0x1: {  	s0 =	rddreg [dreg:$0x0]  }
0x2: {  	s1 =	rddreg [dreg:$0x1]  }
0x3: {  	s2 =	stileid.u32;
	[bflag:$0x3] =	sbarrier.arrive $0xFFFF;
	s3 =	simm.s32 $_size_execute1_lowered  }
0x4: {  	s28 =	srdreg.scid;
	p0 =	sne.s32 s2, $0x0;
	s5 =	sshll.u32 s3, $0x1  }
0x5: {  	s3 =	simm.s32 @!p0 $0x1C3F;
	s4 =	simm.s32 @!p0 $0x4060;
	[dreg:$0x4] =	wrdreg s5  }
0x6: {  	[timem:s4], [sflag:s3] =	dma.local @!p0 [hbm:s0], s5  }
0x7: {  	s0 =	sshll.u32 s28, $0x5  }
0x8: {  	s30 =	simm.s32 $0x1;
	s2 =	sshll.u32 s2, $0x6;
	s0 =	sand.u32 $0x20, s0  }
0x9: {  	s6 =	simm.s32 $0x2;
	s10 =	simm.s32 $0x0;
	s3 =	sor.u32 s2, s0  }
0xa: {  	s31 =	sadd.s32 $0xF6E000, s1;
	s5 =	sadd.s32 $0xA6E000, s1;
	s0 =	ssub.s32 $0x14000, s3  }
0xb: {  	s4 =	simm.s32 $0x1;
	_ =	strace $0x8000004D;
	s29 =	sand.u32 $0x3E0, s0  }
.Ltmp0:
0xc: {  	[dreg:$0x8] =	wrdreg s31;
	p1 =	sne.s32 s29, $0x0;
	(pc) =	sbr.rel .LBB2_1-.Ltmp0, $4  }
0xd: {  	[dreg:$0x6] =	wrdreg s5;
	s0 =	sshrl.u32 s0, $0xA;
	s4 =	simm.s32 @!p1 $0x0  }
0xe: {  	[sflag:s30] =	ssyncpa.u1 $0x0;
	[dreg:$0x5] =	wrdreg s3;
	s7 =	sadd.s32 s4, s0  }
0xf: {  	[sflag:s6] =	ssyncpa.u1 $0x0;
	s6 =	sadd.s32 $0x1, s7;
	[dreg:$0x7] =	wrdreg s7  }
0x10: {  	s9 =	simm.s32 $0x0;
	s8 =	smov.u32 s3;
	[dreg:$0x9] =	wrdreg s6  }
.LBB2_4:
0x11: {  	_ =	sdelay $0x3  }
0x12: {  	[tilespmem:v1+s22+$0x0 ss:$0x1] =	vst.idx.msk $0xffff, v7  }
0x13: {  	s15 =	sor.u32 s1, s0;
	v30 =	vld.idx.msk [tilespmem:v0+s16+$0x0 ss:$0x1], $0xffff;
	[tilespmem:v1+s21+$0x0 ss:$0x1] =	vst.idx.msk $0xffff, v6  }
0x14: {  	[tilespmem:v1+s20+$0x0 ss:$0x1] =	vst.idx.msk $0xffff, v5;
	v31 =	vld.idx.msk [tilespmem:v0+s23+$0x0 ss:$0x1], $0xffff;
	s2 =	sor.u32 $0x410, s15  }
0x15: {  	[tilespmem:v1+s19+$0x0 ss:$0x1] =	vst.idx.msk $0xffff, v3;
	s22 =	sor.u32 $0x420, s15;
	v32 =	vld.idx.msk [tilespmem:v0+s2+$0x0 ss:$0x1], $0xffff  }
0x16: {  	[tilespmem:v1+s18+$0x0 ss:$0x1] =	vst.idx.msk $0xffff, v2;
	s24 =	sor.u32 $0x440, s15;
	v44 =	vld.idx.msk [tilespmem:v0+s22+$0x0 ss:$0x1], $0xffff  }
0x17: {  	[tilespmem:v1+s17+$0x0 ss:$0x1] =	vst.idx.msk $0xffff, v4;
	s25 =	sor.u32 $0x450, s15;
	v46 =	vld.idx.msk [tilespmem:v0+s24+$0x0 ss:$0x1], $0xffff  }
0x18: {  	s26 =	sor.u32 $0x460, s15;
	v47 =	vld.idx.msk [tilespmem:v0+s25+$0x0 ss:$0x1], $0xffff;
	[tilespmem:v1+s16+$0x0 ss:$0x1] =	vst.idx.msk $0xffff, v30  }
0x19: {  	s28 =	sor.u32 $0x470, s15;
	v48 =	vld.idx.msk [tilespmem:v0+s26+$0x0 ss:$0x1], $0xffff;
	[tilespmem:v1+s23+$0x0 ss:$0x1] =	vst.idx.msk $0xffff, v31  }
0x1a: {  	s29 =	sor.u32 $0x810, s15;
	v49 =	vld.idx.msk [tilespmem:v0+s28+$0x0 ss:$0x1], $0xffff;
	[tilespmem:v1+s2+$0x0 ss:$0x1] =	vst.idx.msk $0xffff, v32  }
0x1b: {  	s30 =	sor.u32 $0x820, s15;
	v50 =	vld.idx.msk [tilespmem:v0+s29+$0x0 ss:$0x1], $0xffff;
	[tilespmem:v1+s22+$0x0 ss:$0x1] =	vst.idx.msk $0xffff, v44  }
0x1c: {  	s14 =	sand.u32 $0x180, s13;
	s1 =	sand.u32 $0x3200, s15;
	s31 =	sor.u32 $0x830, s15;
	v51 =	vld.idx.msk [tilespmem:v0+s30+$0x0 ss:$0x1], $0xffff;
	[tilespmem:v1+s24+$0x0 ss:$0x1] =	vst.idx.msk $0xffff, v46  }
0x1d: {  	s0 =	sor.u32 s14, s1;
	v52 =	vld.idx.msk [tilespmem:v0+s31+$0x0 ss:$0x1], $0xffff;
	[tilespmem:v1+s25+$0x0 ss:$0x1] =	vst.idx.msk $0xffff, v47  }
0x1e: {  	v33 =	vld.idx.msk [tilespmem:v0+s0+$0x0 ss:$0x1], $0xffff;
	s1 =	sor.u32 $0xC00, s0;
	[tilespmem:v1+s26+$0x0 ss:$0x1] =	vst.idx.msk $0xffff, v48  }
0x1f: {  	s3 =	sor.u32 $0x10, s0;
	v34 =	vld.idx.msk [tilespmem:v0+s1+$0x0 ss:$0x1], $0xffff;
	[tilespmem:v1+s28+$0x0 ss:$0x1] =	vst.idx.msk $0xffff, v49  }
0x20: {  	s4 =	sor.u32 $0x20, s0;
	v35 =	vld.idx.msk [tilespmem:v0+s3+$0x0 ss:$0x1], $0xffff;
	[tilespmem:v1+s29+$0x0 ss:$0x1] =	vst.idx.msk $0xffff, v50  }
0x21: {  	s5 =	sor.u32 $0x30, s0;
	v36 =	vld.idx.msk [tilespmem:v0+s4+$0x0 ss:$0x1], $0xffff;
	[tilespmem:v1+s30+$0x0 ss:$0x1] =	vst.idx.msk $0xffff, v51  }
0x22: {  	s6 =	sor.u32 $0x40, s0;
	v37 =	vld.idx.msk [tilespmem:v0+s5+$0x0 ss:$0x1], $0xffff;
	[tilespmem:v1+s31+$0x0 ss:$0x1] =	vst.idx.msk $0xffff, v52  }
0x23: {  	s7 =	sor.u32 $0x60, s0;
	v38 =	vld.idx.msk [tilespmem:v0+s6+$0x0 ss:$0x1], $0xffff;
	[tilespmem:v1+s0+$0x0 ss:$0x1] =	vst.idx.msk $0xffff, v33  }
0x24: {  	s19 =	sor.u32 $0x50, s0;
	v40 =	vld.idx.msk [tilespmem:v0+s7+$0x0 ss:$0x1], $0xffff;
	[tilespmem:v1+s1+$0x0 ss:$0x1] =	vst.idx.msk $0xffff, v34  }
0x25: {  	s20 =	sor.u32 $0x70, s0;
	v39 =	vld.idx.msk [tilespmem:v0+s19+$0x0 ss:$0x1], $0xffff;
	[tilespmem:v1+s3+$0x0 ss:$0x1] =	vst.idx.msk $0xffff, v35  }
0x26: {  	s21 =	sor.u32 $0x400, s0;
	v41 =	vld.idx.msk [tilespmem:v0+s20+$0x0 ss:$0x1], $0xffff;
	[tilespmem:v1+s4+$0x0 ss:$0x1] =	vst.idx.msk $0xffff, v36  }
0x27: {  	v42 =	vld.idx.msk [tilespmem:v0+s21+$0x0 ss:$0x1], $0xffff;
	s23 =	sor.u32 $0x430, s15;
	[tilespmem:v1+s5+$0x0 ss:$0x1] =	vst.idx.msk $0xffff, v37  }
0x28: {  	v45 =	vld.idx.msk [tilespmem:v0+s23+$0x0 ss:$0x1], $0xffff;
	s0 =	sor.u32 $0x800, s0;
	[tilespmem:v1+s6+$0x0 ss:$0x1] =	vst.idx.msk $0xffff, v38  }
0x29: {  	v43 =	vld.idx.msk [tilespmem:v0+s0+$0x0 ss:$0x1], $0xffff;
	[tilespmem:v1+s7+$0x0 ss:$0x1] =	vst.idx.msk $0xffff, v40;
	s7 =	sor.u32 $0x840, s15  }
0x2a: {  	s9 =	sor.u32 $0x850, s15;
	[tilespmem:v1+s19+$0x0 ss:$0x1] =	vst.idx.msk $0xffff, v39;
	v53 =	vld.idx.msk [tilespmem:v0+s7+$0x0 ss:$0x1], $0xffff  }
0x2b: {  	s10 =	sor.u32 $0x860, s15;
	v54 =	vld.idx.msk [tilespmem:v0+s9+$0x0 ss:$0x1], $0xffff;
	[tilespmem:v1+s20+$0x0 ss:$0x1] =	vst.idx.msk $0xffff, v41  }
0x2c: {  	s11 =	sor.u32 $0x870, s15;
	v55 =	vld.idx.msk [tilespmem:v0+s10+$0x0 ss:$0x1], $0xffff;
	[tilespmem:v1+s21+$0x0 ss:$0x1] =	vst.idx.msk $0xffff, v42  }
0x2d: {  	s12 =	sor.u32 $0xC10, s15;
	v56 =	vld.idx.msk [tilespmem:v0+s11+$0x0 ss:$0x1], $0xffff;
	[tilespmem:v1+s23+$0x0 ss:$0x1] =	vst.idx.msk $0xffff, v45  }
0x2e: {  	s13 =	sor.u32 $0xC20, s15;
	v57 =	vld.idx.msk [tilespmem:v0+s12+$0x0 ss:$0x1], $0xffff;
	[tilespmem:v1+s0+$0x0 ss:$0x1] =	vst.idx.msk $0xffff, v43  }
0x2f: {  	s17 =	sor.u32 $0xC30, s15;
	v58 =	vld.idx.msk [tilespmem:v0+s13+$0x0 ss:$0x1], $0xffff;
	s8 =	rddreg [dreg:$0xc];
	[tilespmem:v1+s7+$0x0 ss:$0x1] =	vst.idx.msk $0xffff, v53  }
0x30: {  	s18 =	sor.u32 $0xC40, s15;
	v59 =	vld.idx.msk [tilespmem:v0+s17+$0x0 ss:$0x1], $0xffff;
	[tilespmem:v1+s9+$0x0 ss:$0x1] =	vst.idx.msk $0xffff, v54  }
0x31: {  	v60 =	vld.idx.msk [tilespmem:v0+s18+$0x0 ss:$0x1], $0xffff;
	s19 =	sor.u32 $0xC50, s15;
	[tilespmem:v1+s10+$0x0 ss:$0x1] =	vst.idx.msk $0xffff, v55  }
0x32: {  	s21 =	sor.u32 $0xC60, s15;
	v61 =	vld.idx.msk [tilespmem:v0+s19+$0x0 ss:$0x1], $0xffff;
	[tilespmem:v1+s11+$0x0 ss:$0x1] =	vst.idx.msk $0xffff, v56  }
0x33: {  	v62 =	vld.idx.msk [tilespmem:v0+s21+$0x0 ss:$0x1], $0xffff;
	s23 =	sor.u32 $0xC70, s15;
	[tilespmem:v1+s12+$0x0 ss:$0x1] =	vst.idx.msk $0xffff, v57  }
0x34: {  	v63 =	vld.idx.msk [tilespmem:v0+s23+$0x0 ss:$0x1], $0xffff;
	[tilespmem:v1+s13+$0x0 ss:$0x1] =	vst.idx.msk $0xffff, v58  }
0x35: {  	[tilespmem:v1+s17+$0x0 ss:$0x1] =	vst.idx.msk $0xffff, v59;
	s14 =	sshll.u32 s8, $0x9;
	s16 =	sshll.u32 s8, $0x7  }
0x36: {  	[tilespmem:v1+s18+$0x0 ss:$0x1] =	vst.idx.msk $0xffff, v60;
	s5 =	sand.u32 $0xFFFFF000, s14;
	s7 =	sand.u32 $0x200, s16  }
0x37: {  	[tilespmem:v1+s19+$0x0 ss:$0x1] =	vst.idx.msk $0xffff, v61;
	s5 =	sor.u32 s7, s5  }
0x38: {  	[tilespmem:v1+s21+$0x0 ss:$0x1] =	vst.idx.msk $0xffff, v62;
	s20 =	sshrl.u32 s5, $0x9  }
0x39: {  	s28 =	rddreg [dreg:$0x8];
	[tilespmem:v1+s23+$0x0 ss:$0x1] =	vst.idx.msk $0xffff, v63;
	s22 =	smulhi.u32 $0x666667, s20  }
0x3a: {  	s31 =	rddreg [dreg:$0xd]  }
0x3b: {  	s7 =	rddreg [dreg:$0x7];
	s3 =	sshrl.u32 s22, $0x7  }
0x3c: {  	s6 =	rddreg [dreg:$0x9];
	s24 =	smul.u32 $0x14000, s3  }
0x3d: {  	s25 =	sshll.u32 s8, $0x4;
	s8 =	rddreg [dreg:$0xa]  }
0x3e: {  	s26 =	sand.u32 $0x30, s25;
	s9 =	rddreg [dreg:$0xb];
	s1 =	ssub.s32 s20, s24  }
0x3f: {  	s2 =	sadd.s32 s28, s26;
	s5 =	rddreg [dreg:$0x6];
	s1 =	sshll.u32 s1, $0x6  }
0x40: {  	s30 =	simm.s32 $0x0;
	s3 =	rddreg [dreg:$0x5];
	s29 =	sadd.s32 s1, s2  }
0x41: {  	[hbm4b:s29+s30] =	stream.linear.scatter [tilespmem:s31], [sflag:$0x2], $0x4000, $0x38;
	[tilespmem:$0x10000] =	vst v63  }
.LBB2_5:
0x42: {  	s1 =	sadd.s32 $0x400, s8  }
0x43: {  	p2 =	sgt.s32 s1, $0x13FFF  }
0x44: {  	s1 =	smov.u32 @p2 s3;
	p2 =	sne.s32 s9, s6  }
.Ltmp1:
0x45: {  	p1 =	slt.u32 s9, $0x2;
	(pc) =	sbr.rel @!p2 .LBB2_6-.Ltmp1, $4  }
0x46: {  	s0 =	simm.s32 @!p1 $0x2  }
0x47: {  	_ =	swait.ge @!p1 [sflag:s0], $0x4000  }
0x48: {  	s2 =	sadd.s32 $0x1, s9;
	s10 =	smov.u32 s8;
	[sflag:s0] =	ssyncset.done @!p1 $0x0  }
0x49: {  	s9 =	smov.u32 s2;
	s8 =	smov.u32 s1;
	[sflag:s0] =	ssyncadd.s32 @!p1 $0xFFFFC000  }
.LBB2_1:
0x4a: {  	p1 =	sge.u32 s9, s7  }
0x4b: {  	s0 =	sshll.u32 @!p1 s8, $0x9;
	s1 =	sshll.u32 @!p1 s8, $0x7  }
0x4c: {  	s0 =	sand.u32 @!p1 $0xFFFFF000, s0;
	s1 =	sand.u32 @!p1 $0x200, s1  }
0x4d: {  	s0 =	sor.u32 @!p1 s1, s0  }
0x4e: {  	s0 =	sshrl.u32 @!p1 s0, $0x9  }
0x4f: {  	s1 =	smulhi.u32 @!p1 $0x666667, s0;
	_ =	sdelay $0x1  }
0x50: {  	s1 =	sshrl.u32 @!p1 s1, $0x7  }
0x51: {  	s1 =	smul.u32 @!p1 $0x14000, s1  }
0x52: {  	s31 =	sadd.s32 $0xFFFFFFFF, s9;
	s4 =	sshll.u32 @!p1 s8, $0x4  }
0x53: {  	s4 =	sand.u32 @!p1 $0x30, s4;
	s0 =	ssub.s32 @!p1 s0, s1;
	s1 =	sxor.u32 @!p1 $0xFFFFFFFF, s9  }
0x54: {  	s4 =	sadd.s32 @!p1 s5, s4;
	s1 =	sshll.u32 @!p1 s1, $0xE;
	s0 =	sshll.u32 @!p1 s0, $0x6  }
0x55: {  	s1 =	sand.u32 @!p1 $0x4000, s1;
	s0 =	sadd.s32 @!p1 s0, s4;
	s4 =	simm.s32 @!p1 $0x0  }
0x56: {  	[tilespmem:s1], [sflag:$0x1] =	stream.linear.gather @!p1 [hbm4b:s0+s4], $0x4000, $0x38;
	[tilespmem:$0x10000] =	vst v63  }
0x57: {  	p1 =	sge.u32 s31, s7  }
.Ltmp2:
0x58: {  	_ = 	snop;
	(pc) =	sbr.rel @p1 .LBB2_5-.Ltmp2, $1  }
0x59: {  	_ =	sdelay $0x3  }
0x5a: {  	[dreg:$0xc] =	wrdreg s10;
	s0 =	sshll.u32 s9, $0xE  }
0x5b: {  	[dreg:$0xa] =	wrdreg s8;
	s0 =	sand.u32 $0x4000, s0  }
0x5c: {  	[dreg:$0xb] =	wrdreg s9;
	s2 =	simm.s32 $0x1;
	v0 =	vmov s0  }
0x5d: {  	s1 =	simm.s32 $0x0;
	_ =	swait.ge [sflag:s2], $0x4000  }
0x5e: {  	s4 =	sand.u32 $0x3000, s1;
	s6 =	sand.u32 $0x380, s1;
	s1 =	sand.u32 $0x180, s1  }
0x5f: {  	[sflag:s2] =	ssyncset.done $0x0;
	s13 =	sor.u32 s6, s4;
	s8 =	sor.u32 $0x8000, s0  }
0x60: {  	[sflag:s2] =	ssyncadd.s32 $0xFFFFC000;
	s4 =	sand.u32 $0x3200, s13;
	s6 =	sor.u32 $0x410, s13  }
0x61: {  	s9 =	sor.u32 s1, s4;
	v2 =	vld.idx.msk [tilespmem:v0+s6+$0x0 ss:$0x1], $0xffff;
	[dreg:$0xd] =	wrdreg s8  }
0x62: {  	v1 =	vmov s8;
	s1 =	sor.u32 $0xC00, s9;
	v3 =	vld.idx.msk [tilespmem:v0+s9+$0x0 ss:$0x1], $0xffff  }
0x63: {  	s4 =	sor.u32 $0x10, s9;
	v4 =	vld.idx.msk [tilespmem:v0+s1+$0x0 ss:$0x1], $0xffff  }
0x64: {  	s10 =	sor.u32 $0x20, s9;
	v5 =	vld.idx.msk [tilespmem:v0+s4+$0x0 ss:$0x1], $0xffff  }
0x65: {  	s14 =	sor.u32 $0x30, s9;
	v6 =	vld.idx.msk [tilespmem:v0+s10+$0x0 ss:$0x1], $0xffff  }
0x66: {  	s15 =	sor.u32 $0x40, s9;
	v7 =	vld.idx.msk [tilespmem:v0+s14+$0x0 ss:$0x1], $0xffff  }
0x67: {  	s29 =	sor.u32 $0x850, s13;
	v8 =	vld.idx.msk [tilespmem:v0+s15+$0x0 ss:$0x1], $0xffff;
	[tilespmem:v1+s6+$0x0 ss:$0x1] =	vst.idx.msk $0xffff, v2  }
0x68: {  	s16 =	sor.u32 $0x50, s9;
	v9 =	vld.idx.msk [tilespmem:v0+s29+$0x0 ss:$0x1], $0xffff;
	[tilespmem:v1+s9+$0x0 ss:$0x1] =	vst.idx.msk $0xffff, v3  }
0x69: {  	s11 =	sor.u32 $0x60, s9;
	v2 =	vld.idx.msk [tilespmem:v0+s16+$0x0 ss:$0x1], $0xffff;
	[tilespmem:v1+s1+$0x0 ss:$0x1] =	vst.idx.msk $0xffff, v4  }
0x6a: {  	s17 =	sor.u32 $0x70, s9;
	v3 =	vld.idx.msk [tilespmem:v0+s11+$0x0 ss:$0x1], $0xffff;
	[tilespmem:v1+s4+$0x0 ss:$0x1] =	vst.idx.msk $0xffff, v5  }
0x6b: {  	s12 =	sor.u32 $0x400, s9;
	v4 =	vld.idx.msk [tilespmem:v0+s17+$0x0 ss:$0x1], $0xffff;
	[tilespmem:v1+s10+$0x0 ss:$0x1] =	vst.idx.msk $0xffff, v6  }
0x6c: {  	s0 =	sor.u32 $0x800, s9;
	v5 =	vld.idx.msk [tilespmem:v0+s12+$0x0 ss:$0x1], $0xffff;
	[tilespmem:v1+s14+$0x0 ss:$0x1] =	vst.idx.msk $0xffff, v7  }
0x6d: {  	s18 =	sor.u32 $0x420, s13;
	v6 =	vld.idx.msk [tilespmem:v0+s0+$0x0 ss:$0x1], $0xffff;
	[tilespmem:v1+s15+$0x0 ss:$0x1] =	vst.idx.msk $0xffff, v8  }
0x6e: {  	s23 =	sor.u32 $0x470, s13;
	v7 =	vld.idx.msk [tilespmem:v0+s18+$0x0 ss:$0x1], $0xffff;
	[tilespmem:v1+s29+$0x0 ss:$0x1] =	vst.idx.msk $0xffff, v9  }
0x6f: {  	s19 =	sor.u32 $0x430, s13;
	v8 =	vld.idx.msk [tilespmem:v0+s23+$0x0 ss:$0x1], $0xffff;
	[tilespmem:v1+s16+$0x0 ss:$0x1] =	vst.idx.msk $0xffff, v2  }
0x70: {  	s20 =	sor.u32 $0x440, s13;
	v2 =	vld.idx.msk [tilespmem:v0+s19+$0x0 ss:$0x1], $0xffff;
	[tilespmem:v1+s11+$0x0 ss:$0x1] =	vst.idx.msk $0xffff, v3  }
0x71: {  	s21 =	sor.u32 $0x450, s13;
	v3 =	vld.idx.msk [tilespmem:v0+s20+$0x0 ss:$0x1], $0xffff;
	[tilespmem:v1+s17+$0x0 ss:$0x1] =	vst.idx.msk $0xffff, v4  }
0x72: {  	s22 =	sor.u32 $0x460, s13;
	v4 =	vld.idx.msk [tilespmem:v0+s21+$0x0 ss:$0x1], $0xffff;
	[tilespmem:v1+s12+$0x0 ss:$0x1] =	vst.idx.msk $0xffff, v5  }
0x73: {  	s24 =	sor.u32 $0x810, s13;
	v5 =	vld.idx.msk [tilespmem:v0+s22+$0x0 ss:$0x1], $0xffff;
	[tilespmem:v1+s0+$0x0 ss:$0x1] =	vst.idx.msk $0xffff, v6  }
0x74: {  	s30 =	sor.u32 $0x860, s13;
	v6 =	vld.idx.msk [tilespmem:v0+s24+$0x0 ss:$0x1], $0xffff;
	[tilespmem:v1+s23+$0x0 ss:$0x1] =	vst.idx.msk $0xffff, v8  }
0x75: {  	s25 =	sor.u32 $0x820, s13;
	v8 =	vld.idx.msk [tilespmem:v0+s30+$0x0 ss:$0x1], $0xffff;
	[tilespmem:v1+s19+$0x0 ss:$0x1] =	vst.idx.msk $0xffff, v2  }
0x76: {  	s26 =	sor.u32 $0x830, s13;
	v2 =	vld.idx.msk [tilespmem:v0+s25+$0x0 ss:$0x1], $0xffff;
	[tilespmem:v1+s20+$0x0 ss:$0x1] =	vst.idx.msk $0xffff, v3  }
0x77: {  	s28 =	sor.u32 $0x840, s13;
	v3 =	vld.idx.msk [tilespmem:v0+s26+$0x0 ss:$0x1], $0xffff;
	[tilespmem:v1+s21+$0x0 ss:$0x1] =	vst.idx.msk $0xffff, v4  }
0x78: {  	v4 =	vld.idx.msk [tilespmem:v0+s28+$0x0 ss:$0x1], $0xffff;
	[tilespmem:v1+s22+$0x0 ss:$0x1] =	vst.idx.msk $0xffff, v5;
	s22 =	sor.u32 $0x870, s13  }
0x79: {  	[tilespmem:v1+s18+$0x0 ss:$0x1] =	vst.idx.msk $0xffff, v7;
	s21 =	sor.u32 $0xC10, s13;
	v7 =	vld.idx.msk [tilespmem:v0+s22+$0x0 ss:$0x1], $0xffff  }
0x7a: {  	[tilespmem:v1+s24+$0x0 ss:$0x1] =	vst.idx.msk $0xffff, v6;
	s20 =	sor.u32 $0xC20, s13;
	v6 =	vld.idx.msk [tilespmem:v0+s21+$0x0 ss:$0x1], $0xffff  }
0x7b: {  	s18 =	sor.u32 $0xC40, s13;
	[tilespmem:v1+s30+$0x0 ss:$0x1] =	vst.idx.msk $0xffff, v8;
	v5 =	vld.idx.msk [tilespmem:v0+s20+$0x0 ss:$0x1], $0xffff  }
0x7c: {  	s31 =	simm.s32 $0x200;
	s16 =	sor.u32 $0xC60, s13;
	s19 =	sor.u32 $0xC30, s13;
	[tilespmem:v1+s25+$0x0 ss:$0x1] =	vst.idx.msk $0xffff, v2;
	v2 =	vld.idx.msk [tilespmem:v0+s18+$0x0 ss:$0x1], $0xffff  }
0x7d: {  	s17 =	sor.u32 $0xC50, s13;
	s23 =	sor.u32 $0xC70, s13;
	s13 =	simm.s32 $0x80;
	[tilespmem:v1+s26+$0x0 ss:$0x1] =	vst.idx.msk $0xffff, v3;
	v3 =	vld.idx.msk [tilespmem:v0+s19+$0x0 ss:$0x1], $0xffff  }
0x7e: {  	s15 =	simm.s32 $0x400;
	s0 =	sand.u32 $0x3000, s31;
	s1 =	sand.u32 $0x380, s13;
	[tilespmem:v1+s28+$0x0 ss:$0x1] =	vst.idx.msk $0xffff, v4;
	v4 =	vld.idx.msk [tilespmem:v0+s17+$0x0 ss:$0x1], $0xffff  }
.LBB2_3:
0x7f: {  	s26 =	sor.u32 s1, s0;
	[tilespmem:v1+s22+$0x0 ss:$0x1] =	vst.idx.msk $0xffff, v7;
	v7 =	vld.idx.msk [tilespmem:v0+s16+$0x0 ss:$0x1], $0xffff  }
0x80: {  	[tilespmem:v1+s21+$0x0 ss:$0x1] =	vst.idx.msk $0xffff, v6;
	v6 =	vld.idx.msk [tilespmem:v0+s23+$0x0 ss:$0x1], $0xffff;
	s8 =	sor.u32 $0x410, s26  }
0x81: {  	[tilespmem:v1+s20+$0x0 ss:$0x1] =	vst.idx.msk $0xffff, v5;
	s31 =	sor.u32 $0x830, s26;
	v8 =	vld.idx.msk [tilespmem:v0+s8+$0x0 ss:$0x1], $0xffff  }
0x82: {  	s14 =	sand.u32 $0x180, s13;
	[tilespmem:v1+s19+$0x0 ss:$0x1] =	vst.idx.msk $0xffff, v3;
	s1 =	sand.u32 $0x3200, s26;
	s29 =	sor.u32 $0x850, s26;
	v9 =	vld.idx.msk [tilespmem:v0+s31+$0x0 ss:$0x1], $0xffff  }
0x83: {  	[tilespmem:v1+s18+$0x0 ss:$0x1] =	vst.idx.msk $0xffff, v2;
	s22 =	sor.u32 s14, s1;
	v10 =	vld.idx.msk [tilespmem:v0+s29+$0x0 ss:$0x1], $0xffff  }
0x84: {  	[tilespmem:v1+s17+$0x0 ss:$0x1] =	vst.idx.msk $0xffff, v4;
	v5 =	vld.idx.msk [tilespmem:v0+s22+$0x0 ss:$0x1], $0xffff;
	s20 =	sor.u32 $0xC00, s22  }
0x85: {  	s3 =	sor.u32 $0x10, s22;
	v3 =	vld.idx.msk [tilespmem:v0+s20+$0x0 ss:$0x1], $0xffff;
	[tilespmem:v1+s16+$0x0 ss:$0x1] =	vst.idx.msk $0xffff, v7  }
0x86: {  	s7 =	sor.u32 $0x20, s22;
	v2 =	vld.idx.msk [tilespmem:v0+s3+$0x0 ss:$0x1], $0xffff;
	[tilespmem:v1+s23+$0x0 ss:$0x1] =	vst.idx.msk $0xffff, v6  }
0x87: {  	s2 =	sor.u32 $0x30, s22;
	v4 =	vld.idx.msk [tilespmem:v0+s7+$0x0 ss:$0x1], $0xffff;
	[tilespmem:v1+s8+$0x0 ss:$0x1] =	vst.idx.msk $0xffff, v8  }
0x88: {  	s12 =	sor.u32 $0x40, s22;
	v7 =	vld.idx.msk [tilespmem:v0+s2+$0x0 ss:$0x1], $0xffff;
	[tilespmem:v1+s31+$0x0 ss:$0x1] =	vst.idx.msk $0xffff, v9  }
0x89: {  	s11 =	sor.u32 $0x60, s22;
	v6 =	vld.idx.msk [tilespmem:v0+s12+$0x0 ss:$0x1], $0xffff;
	[tilespmem:v1+s29+$0x0 ss:$0x1] =	vst.idx.msk $0xffff, v10  }
0x8a: {  	s24 =	sor.u32 $0x420, s26;
	s25 =	sor.u32 $0x430, s26;
	s5 =	sor.u32 $0x50, s22;
	v8 =	vld.idx.msk [tilespmem:v0+s11+$0x0 ss:$0x1], $0xffff;
	[tilespmem:v1+s22+$0x0 ss:$0x1] =	vst.idx.msk $0xffff, v5  }
0x8b: {  	s6 =	sor.u32 $0x440, s26;
	s0 =	sor.u32 $0x450, s26;
	s9 =	sor.u32 $0x70, s22;
	v5 =	vld.idx.msk [tilespmem:v0+s5+$0x0 ss:$0x1], $0xffff;
	[tilespmem:v1+s20+$0x0 ss:$0x1] =	vst.idx.msk $0xffff, v3  }
0x8c: {  	s4 =	sor.u32 $0x460, s26;
	s30 =	sor.u32 $0x810, s26;
	s10 =	sor.u32 $0x400, s22;
	[tilespmem:v1+s3+$0x0 ss:$0x1] =	vst.idx.msk $0xffff, v2;
	v2 =	vld.idx.msk [tilespmem:v0+s9+$0x0 ss:$0x1], $0xffff  }
0x8d: {  	s28 =	sor.u32 $0x840, s26;
	s21 =	sor.u32 $0xC10, s26;
	s14 =	sor.u32 $0x800, s22;
	[tilespmem:v1+s7+$0x0 ss:$0x1] =	vst.idx.msk $0xffff, v4;
	v3 =	vld.idx.msk [tilespmem:v0+s10+$0x0 ss:$0x1], $0xffff  }
0x8e: {  	s19 =	sor.u32 $0xC30, s26;
	s18 =	sor.u32 $0xC40, s26;
	s17 =	sor.u32 $0xC50, s26;
	v4 =	vld.idx.msk [tilespmem:v0+s14+$0x0 ss:$0x1], $0xffff;
	[tilespmem:v1+s2+$0x0 ss:$0x1] =	vst.idx.msk $0xffff, v7  }
0x8f: {  	[dreg:$0x3] =	wrdreg s25;
	s1 =	sor.u32 $0x470, s26;
	s25 =	sor.u32 $0x860, s26;
	[tilespmem:v1+s12+$0x0 ss:$0x1] =	vst.idx.msk $0xffff, v6;
	v6 =	vld.idx.msk [tilespmem:v0+s24+$0x0 ss:$0x1], $0xffff  }
0x90: {  	s16 =	sor.u32 $0xC60, s26;
	s23 =	sor.u32 $0xC70, s26;
	s8 =	sor.u32 $0x820, s26;
	v7 =	vld.idx.msk [tilespmem:v0+s6+$0x0 ss:$0x1], $0xffff;
	[tilespmem:v1+s11+$0x0 ss:$0x1] =	vst.idx.msk $0xffff, v8  }
0x91: {  	s22 =	sor.u32 $0x870, s26;
	s20 =	sor.u32 $0xC20, s26;
	s26 =	rddreg [dreg:$0x3];
	v8 =	vld.idx.msk [tilespmem:v0+s1+$0x0 ss:$0x1], $0xffff;
	[tilespmem:v1+s5+$0x0 ss:$0x1] =	vst.idx.msk $0xffff, v5  }
0x92: {  	v5 =	vld.idx.msk [tilespmem:v0+s26+$0x0 ss:$0x1], $0xffff;
	[tilespmem:v1+s9+$0x0 ss:$0x1] =	vst.idx.msk $0xffff, v2  }
0x93: {  	v2 =	vld.idx.msk [tilespmem:v0+s0+$0x0 ss:$0x1], $0xffff;
	[tilespmem:v1+s10+$0x0 ss:$0x1] =	vst.idx.msk $0xffff, v3  }
0x94: {  	v3 =	vld.idx.msk [tilespmem:v0+s4+$0x0 ss:$0x1], $0xffff;
	[tilespmem:v1+s14+$0x0 ss:$0x1] =	vst.idx.msk $0xffff, v4  }
0x95: {  	v4 =	vld.idx.msk [tilespmem:v0+s30+$0x0 ss:$0x1], $0xffff;
	[tilespmem:v1+s24+$0x0 ss:$0x1] =	vst.idx.msk $0xffff, v6  }
0x96: {  	[tilespmem:v1+s6+$0x0 ss:$0x1] =	vst.idx.msk $0xffff, v7;
	v7 =	vld.idx.msk [tilespmem:v0+s22+$0x0 ss:$0x1], $0xffff  }
0x97: {  	[tilespmem:v1+s1+$0x0 ss:$0x1] =	vst.idx.msk $0xffff, v8;
	v8 =	vld.idx.msk [tilespmem:v0+s25+$0x0 ss:$0x1], $0xffff  }
0x98: {  	[tilespmem:v1+s26+$0x0 ss:$0x1] =	vst.idx.msk $0xffff, v5;
	v5 =	vld.idx.msk [tilespmem:v0+s8+$0x0 ss:$0x1], $0xffff  }
0x99: {  	p1 =	sne.s32 s15, $0x3E00;
	[tilespmem:v1+s0+$0x0 ss:$0x1] =	vst.idx.msk $0xffff, v2;
	v2 =	vld.idx.msk [tilespmem:v0+s28+$0x0 ss:$0x1], $0xffff  }
.Ltmp3:
0x9a: {  	v6 =	vld.idx.msk [tilespmem:v0+s21+$0x0 ss:$0x1], $0xffff;
	[tilespmem:v1+s4+$0x0 ss:$0x1] =	vst.idx.msk $0xffff, v3;
	(pc) =	sbr.rel @p1 .LBB2_3-.Ltmp3, $4  }
0x9b: {  	[tilespmem:v1+s30+$0x0 ss:$0x1] =	vst.idx.msk $0xffff, v4;
	v3 =	vld.idx.msk [tilespmem:v0+s19+$0x0 ss:$0x1], $0xffff  }
0x9c: {  	v4 =	vld.idx.msk [tilespmem:v0+s17+$0x0 ss:$0x1], $0xffff;
	[tilespmem:v1+s25+$0x0 ss:$0x1] =	vst.idx.msk $0xffff, v8  }
0x9d: {  	s13 =	sadd.s32 $0x80, s13;
	[tilespmem:v1+s8+$0x0 ss:$0x1] =	vst.idx.msk $0xffff, v5;
	v5 =	vld.idx.msk [tilespmem:v0+s20+$0x0 ss:$0x1], $0xffff  }
0x9e: {  	s1 =	sand.u32 $0x380, s13;
	s0 =	sand.u32 $0x3000, s15;
	s15 =	sadd.s32 $0x200, s15;
	[tilespmem:v1+s28+$0x0 ss:$0x1] =	vst.idx.msk $0xffff, v2;
	v2 =	vld.idx.msk [tilespmem:v0+s18+$0x0 ss:$0x1], $0xffff  }
.Ltmp4:
0x9f: {  	_ = 	snop;
	(pc) =	sbr.rel .LBB2_4-.Ltmp4, $1  }
0xa0: {  	_ =	sdelay $0x3  }
.LBB2_6:
0xa1: {  	_ =	sfence.sel $0x180000  }
0xa2: {  	s0 =	simm.s32 $0x1;
	[bflag:$0x0] =	sbarrier.arrive $0xFFFF  }
0xa3: {  	s31 =	simm.s32 $0x2;
	[sflag:s0] =	ssyncpa.u1 $0x1  }
0xa4: {  	[sflag:s31] =	ssyncpa.u1 $0x1  }
0xa5: {  	_ =	strace $0x9000004D  }
0xa6: {  	[bflag:$0x2] =	sbarrier.arrive $0xFFFF  }
0xa7: {  	s0 =	rddreg [dreg:$0x2]  }
0xa8: {  	s0 =	sadd.s32 @!p0 $0x100000, s0  }
0xa9: {  	s1 =	rddreg [dreg:$0x4];
	[sflag:s0] =	ssyncadd.tile.s32 @!p0 $0x1;
	s0 =	simm.s32 @!p0 $0x3F  }
0xaa: {  	_ =	swait.ge @!p0 [sflag:s0], s1  }
0xab: {  	s1 =	ssub.s32 @!p0 $0x0, s1;
	[sflag:s0] =	ssyncset.done @!p0 $0x0  }
0xac: {  	[sflag:s0] =	ssyncadd.s32 @!p0 s1  }
0xad: {  	[bflag:$0x3] =	sbarrier.arrive $0xFFFF  }
0xae: {  	_ =	shalt  }
.Lfunc_end2:
execute1_lowered:
.L_overlay_start_2:
0xaf: {  	(tag) =	ssettag $0x2  }
0xb0: {  	s14 =	rddreg [dreg:$0x0];
	_ =	strace $0x80000050;
	s0 =	simm.s32 $0x1  }
0xb1: {  	s9 =	simm.s32 $0x408;
	v0 =	vimm.s32 $0x0;
	[sflag:s0] =	ssyncpa.u1 $0x0  }
0xb2: {  	[tilespmem:s9+$0x70] =	vst v0  }
0xb3: {  	[tilespmem:s9+$0x60] =	vst v0  }
0xb4: {  	[tilespmem:s9+$0x50] =	vst v0  }
0xb5: {  	[tilespmem:s9+$0x40] =	vst v0  }
0xb6: {  	[tilespmem:s9+$0x30] =	vst v0  }
0xb7: {  	[tilespmem:s9+$0x20] =	vst v0  }
0xb8: {  	s2 =	simm.s32 $0x40;
	s1 =	sadd.s32 $0xF6E000, s14;
	s6 =	sadd.s32 $0xAA000, s14;
	[tilespmem:s9+$0x10] =	vst v0  }
.LBB3_1:
0xb9: {  	s2 =	sadd.s32 $0x40, s2;
	[tilespmem:s9+$0x0] =	vst v0;
	s9 =	sadd.s32 $0x80, s9  }
0xba: {  	p0 =	slt.u32 s2, $0x3100;
	[tilespmem:s9+$0x70] =	vst v0  }
0xbb: {  	[tilespmem:s9+$0x60] =	vst v0  }
.Ltmp5:
0xbc: {  	[tilespmem:s9+$0x50] =	vst v0;
	(pc) =	sbr.rel @p0 .LBB3_1-.Ltmp5, $4  }
0xbd: {  	[tilespmem:s9+$0x40] =	vst v0  }
0xbe: {  	[tilespmem:s9+$0x30] =	vst v0  }
0xbf: {  	[tilespmem:s9+$0x20] =	vst v0  }
0xc0: {  	[tilespmem:s9+$0x10] =	vst v0  }
0xc1: {  	s0 =	srdreg.scid  }
0xc2: {  	s0 =	sshll.u32 s0, $0x4  }
0xc3: {  	s2 =	stileid.u32;
	s0 =	sand.u32 $0x10, s0  }
0xc4: {  	s0 =	sor.u32 s2, s0  }
0xc5: {  	s7 =	smul.u32 $0x68, s0  }
0xc6: {  	s8 =	smin.u32 s0, $0x6  }
0xc7: {  	s7 =	sor.u32 s8, s7  }
0xc8: {  	p0 =	slt.u32 s0, $0x6;
	s0 =	simm.s32 $0x13B0;
	s7 =	smul.u32 $0x30, s7  }
0xc9: {  	s0 =	simm.s32 @!p0 $0x1380  }
0xca: {  	s0 =	sadd.s32 s0, s7  }
0xcb: {  	s8 =	smin.u32 s0, $0x27120  }
0xcc: {  	s0 =	ssub.s32 s8, s7  }
0xcd: {  	p0 =	sgt.s32 s0, $0x0  }
0xce: {  	s0 =	simm.s32 @!p0 $0x0  }
0xcf: {  	s10 =	smulhi.u32 $0x2AAAAAAB, s0;
	_ =	sdelay $0x1  }
0xd0: {  	s3 =	simm.s32 $0x2;
	s12 =	sshrl.u32 s10, $0x3  }
0xd1: {  	s31 =	simm.s32 $0x9;
	s18 =	simm.s32 $0x0;
	s11 =	smul.u32 $0x30, s12  }
.Ltmp6:
0xd2: {  	[tilespmem:s9+$0x0] =	vst v0;
	p1 =	por $0x0, $0x0;
	s9 =	simm.s32 $0xA;
	(pc) =	sbr.rel .LBB3_3-.Ltmp6, $4  }
0xd3: {  	s15 =	simm.s32 $0x80;
	s17 =	simm.s32 $0x0;
	[sflag:s3] =	ssyncpa.u1 $0x0  }
0xd4: {  	v0 =	vimm.s32 $0xFFFFFFFF;
	s13 =	sshll.u32 s2, $0xA;
	p0 =	sne.s32 s0, s11;
	s0 =	simm.s32 $0x1  }
0xd5: {  	[tilespmem:$0xC808] =	vst v0;
	[sflag:s31] =	ssyncpa.u1 $0x0;
	s16 =	smov.u32 s7;
	s0 =	simm.s32 @!p0 $0x0  }
0xd6: {  	v0 =	vlaneseq.u32;
	s11 =	simm.s32 $0x1;
	p0 =	por $0x1, $0x1;
	s12 =	sadd.s32 s0, s12  }
.LBB3_27:
0xd7: {  	s0 =	sshrl.u32 s25, $0x2  }
.LBB3_29:
0xd8: {  	_ =	swait.ge [sflag:s9], s0  }
0xd9: {  	s31 =	ssub.s32 $0x0, s0;
	v1 =	vmov s20;
	vm0 =	veq.s32 v0, $0x0;
	[sflag:s9] =	ssyncset.done $0x0  }
0xda: {  	vm15 =	veq.s32 v0, $0x2;
	v1 =	vsel vm0, s24, v1;
	[sflag:s9] =	ssyncadd.s32 s31  }
0xdb: {  	v1 =	vsel vm15, s18, v1;
	[sflag:s9] =	ssyncpa.u1 $0x1  }
0xdc: {  	[tilespmem:$0xC808] =	vst v1  }
.LBB3_30:
0xdd: {  	s0 =	sadd.s32 $0x30, s16  }
0xde: {  	s2 =	smov.u32 s7;
	p2 =	slt.s32 s0, s8  }
0xdf: {  	s2 =	smov.u32 @p2 s0;
	p2 =	sne.s32 s17, s12  }
.Ltmp7:
0xe0: {  	_ = 	snop;
	(pc) =	sbr.rel @!p2 .LBB3_31-.Ltmp7, $3  }
0xe1: {  	_ =	sdelay $0x1  }
0xe2: {  	s31 =	sadd.s32 $0x1, s17;
	s18 =	smov.u32 s16;
	p0 =	por !p0, !p0  }
0xe3: {  	p1 =	por !p1, !p1;
	s17 =	smov.u32 s31;
	s16 =	smov.u32 s2  }
.LBB3_3:
0xe4: {  	p2 =	sge.u32 s17, s12  }
0xe5: {  	p3 =	sgt.s32 @!p2 s16, $0x270F0  }
0xe6: {  	s0 =	smov.u32 s16;
	s19 =	sshra.s32 @!p2 s16, $0x1F;
	p3 =	por !p3, p2  }
0xe7: {  	s19 =	sand.u32 @!p2 s19, s16;
	s0 =	simm.s32 @p3 $0x270F0  }
0xe8: {  	s0 =	ssub.s32 @!p2 s0, s19;
	s19 =	sxor.u32 @!p2 $0xFFFFFFFF, s17  }
0xe9: {  	s0 =	sadd.s32 @!p2 $0xFFFD8F10, s0;
	s19 =	sand.u32 @!p2 $0x1, s19  }
0xea: {  	s20 =	sshll.u32 @!p2 s0, $0x2;
	p3 =	sgt.s32 @!p2 s0, $0x2F;
	s19 =	smul.u32 @!p2 $0xC0, s19  }
0xeb: {  	s21 =	sand.u32 @!p2 $0x7, s16;
	s0 =	ssub.s32 @!p2 $0xC0, s20;
	p3 =	por !p3, p2  }
0xec: {  	s20 =	sshrl.u32 @!p2 s16, $0x3;
	s0 =	sshrl.u32 @!p2 s0, $0x2;
	s19 =	sshrl.u32 @!p2 s19, $0x2  }
0xed: {  	s20 =	sadd.s32 @!p2 s14, s20;
	s0 =	simm.s32 @!p3 $0x0;
	s19 =	sor.u32 @!p2 $0x10848, s19  }
0xee: {  	[tilespmem:s19], [sflag:$0x9] =	stream.linear.gather @!p2 [hbm4b:s20+s21], s0, $0x38;
	[tilespmem:$0x1C8A8] =	vst v63  }
0xef: {  	s21 =	ssub.s32 @!p2 $0x27100, s16  }
0xf0: {  	p3 =	slt.s32 @!p2 s21, $0x1  }
0xf1: {  	p2 =	por p2, p3  }
.Ltmp8:
0xf2: {  	_ = 	snop;
	(pc) =	sbr.rel @p2 .LBB3_6-.Ltmp8, $1  }
0xf3: {  	_ =	sdelay $0x3  }
0xf4: {  	s0 =	simm.s32 $0x1  }
0xf5: {  	s19 =	sshll.u32 s16, $0x7;
	s30 =	smin.u32 s21, $0x30;
	s0 =	simm.s32 @!p0 $0x0  }
0xf6: {  	s22 =	sshll.u32 s16, $0x9;
	p2 =	sne.s32 s30, $0x1;
	s0 =	smul.u32 $0x18000, s0  }
.Ltmp9:
0xf7: {  	s20 =	sand.u32 $0xFFFFF000, s22;
	s23 =	sand.u32 $0x380, s19;
	(pc) =	sbr.rel @!p2 .LBB3_6-.Ltmp9, $4  }
0xf8: {  	s20 =	sor.u32 s23, s20  }
0xf9: {  	s21 =	sadd.s32 $0xFFFFFFFF, s30;
	s23 =	sshrl.u32 s20, $0x3;
	s0 =	sshrl.u32 s0, $0x2  }
0xfa: {  	s22 =	sadd.s32 $0x200, s22;
	s31 =	sadd.s32 s6, s23;
	s20 =	sor.u32 $0x108A8, s0  }
0xfb: {  	[tilespmem:s20], [sflag:$0x9] =	stream.strided.gather [hbm:s31], $0x200, s15, s15, $0x38;
	[tilespmem:$0x1C8A8] =	vst v63  }
.LBB3_5:
0xfc: {  	s0 =	sand.u32 $0xFFFFF000, s22;
	s19 =	sadd.s32 $0x80, s19;
	p2 =	sne.s32 s21, $0x1  }
.Ltmp10:
0xfd: {  	s21 =	sadd.s32 $0xFFFFFFFF, s21;
	s23 =	sand.u32 $0x380, s19;
	(pc) =	sbr.rel @p2 .LBB3_5-.Ltmp10, $4  }
0xfe: {  	s0 =	sor.u32 s23, s0  }
0xff: {  	s0 =	sshrl.u32 s0, $0x3  }
0x100: {  	s22 =	sadd.s32 $0x200, s22;
	s20 =	sadd.s32 $0x200, s20;
	s0 =	sadd.s32 s6, s0  }
0x101: {  	[tilespmem:s20], [sflag:$0x9] =	stream.strided.gather [hbm:s0], $0x200, s15, s15, $0x38;
	[tilespmem:$0x1C8A8] =	vst v63  }
.LBB3_6:
0x102: {  	p2 =	seq.s32 s17, $0x0  }
.Ltmp11:
0x103: {  	_ = 	snop;
	(pc) =	sbr.rel @p2 .LBB3_30-.Ltmp11, $1  }
0x104: {  	_ =	sdelay $0x3  }
0x105: {  	p2 =	sgt.s32 s18, $0x270F0  }
0x106: {  	s0 =	smov.u32 s18;
	s19 =	sshra.s32 s18, $0x1F;
	s20 =	ssub.s32 $0x27100, s18  }
0x107: {  	s0 =	simm.s32 @!p2 $0x270F0;
	s19 =	sand.u32 s19, s18;
	p2 =	sgt.s32 s20, $0x0  }
0x108: {  	s0 =	ssub.s32 s0, s19;
	s20 =	simm.s32 @!p2 $0x0  }
0x109: {  	s0 =	sadd.s32 $0xFFFD8F10, s0;
	s29 =	smin.u32 s20, $0x30  }
0x10a: {  	s2 =	simm.s32 $0x9;
	s21 =	sshll.u32 s0, $0x2;
	s19 =	sshll.u32 s29, $0x9  }
0x10b: {  	p2 =	sgt.s32 s0, $0x2F;
	s30 =	ssub.s32 $0xC0, s21;
	_ =	swait.ge [sflag:s2], s19  }
0x10c: {  	s19 =	ssub.s32 $0x0, s19;
	[sflag:s2] =	ssyncset.done $0x0;
	s0 =	sshrl.u32 s30, $0x2  }
0x10d: {  	[sflag:s2] =	ssyncadd.s32 s19;
	s0 =	simm.s32 @p2 $0x0  }
0x10e: {  	_ =	swait.ge [sflag:s2], s0  }
0x10f: {  	s0 =	ssub.s32 $0x0, s0;
	[sflag:s2] =	ssyncset.done $0x0  }
0x110: {  	[sflag:s2] =	ssyncadd.s32 s0  }
0x111: {  	v1 =	vld [tilespmem:$0xC808];
	_ =	sdelay $0x4  }
0x112: {  	(v2sf) =	vpush v1, $0x0  }
0x113: {  	(v2sf) =	vpush v1, $0x1  }
0x114: {  	(v2sf) =	vpush v1, $0x2;
	_ =	sdelay $0x3  }
0x115: {  	s0 =	sadd.s32 $0x30, s18  }
0x116: {  	p2 =	slt.s32 s8, s0  }
0x117: {  	s0 =	smov.u32 @p2 s8  }
0x118: {  	s19 =	ssub.s32 s0, s18  }
0x119: {  	p2 =	slt.s32 s20, s19  }
0x11a: {  	s19 =	smov.u32 @p2 s20  }
0x11b: {  	s21 =	simm.s32 $0x1;
	p2 =	slt.s32 s19, $0x1  }
.Ltmp12:
0x11c: {  	s21 =	simm.s32 @!p1 $0x0;
	(pc) =	sbr.rel @p2 .LBB3_11-.Ltmp12, $4  }
0x11d: {  	s31 =	smul.u32 $0xC0, s21  }
0x11e: {  	s22 =	spop (v2sf)  }
0x11f: {  	s0 =	sshrl.u32 s31, $0x2;
	s24 =	spop (v2sf)  }
0x120: {  	s25 =	sor.u32 $0x10848, s0;
	s18 =	spop (v2sf)  }
0x121: {  	s0 =	smin.u32 s19, $0x10  }
0x122: {  	v1 =	vmov s0  }
0x123: {  	vm1 =	vgt.u32 v1, v0  }
0x124: {  	p3 =	sgt.s32 s19, $0x10  }
.Ltmp13:
0x125: {  	_ = 	snop;
	(pc) =	sbr.rel @!p3 .LBB3_10-.Ltmp13, $2  }
0x126: {  	_ =	sdelay $0x2  }
0x127: {  	s23 =	simm.s32 $0x10;
	s26 =	sadd.s32 $0xFFFFFFF0, s19;
	s20 =	smov.u32 s25;
	vm0 =	vmmov vm1;
	v1 =	vld.msk [tilespmem:s25+$0x0 ss:$0x1], vm1  }
.LBB3_9:
0x128: {  	s0 =	smin.u32 s26, $0x10;
	s23 =	sadd.s32 $0x10, s23  }
0x129: {  	v2 =	vmov s0;
	p3 =	slt.s32 s23, s19  }
0x12a: {  	vm1 =	vgt.u32 v2, v0;
	_ =	sdelay $0x1  }
0x12b: {  	v2 =	vshll.u32 v1, $0x6;
	v1 =	vshll.u32 v1, $0x4  }
.Ltmp14:
0x12c: {  	v2 =	vand.u32 $0xFFFFFE00, v2;
	v1 =	vand.u32 $0x70, v1;
	(pc) =	sbr.rel @p3 .LBB3_9-.Ltmp14, $4  }
0x12d: {  	v1 =	vor.u32 v1, v2  }
0x12e: {  	[tilespmem:s20+$0x0] =	vst.msk vm0, v1;
	s20 =	sadd.s32 $0x10, s20;
	vm0 =	vmmov vm1  }
0x12f: {  	v1 =	vld.msk [tilespmem:s20+$0x0 ss:$0x1], vm1  }
0x130: {  	s26 =	sadd.s32 $0xFFFFFFF0, s26  }
.LBB3_10:
0x131: {  	_ =	sdelay $0x3  }
0x132: {  	v2 =	vshll.u32 v1, $0x6;
	v1 =	vshll.u32 v1, $0x4  }
0x133: {  	v2 =	vand.u32 $0xFFFFFE00, v2;
	v1 =	vand.u32 $0x70, v1  }
0x134: {  	v1 =	vor.u32 v1, v2  }
0x135: {  	[tilespmem:s20+$0x0] =	vst.msk vm0, v1  }
.LBB3_11:
0x136: {  	s0 =	sand.u32 $0x1, s17  }
0x137: {  	s26 =	smul.u32 $0x30, s0  }
0x138: {  	p3 =	sne.s32 s24, $0xFFFFFFFF  }
0x139: {  	v1 =	vld.msk @!p3 [tilespmem:s26+$0x10848], $0x1;
	_ =	sdelay $0x4  }
0x13a: {  	(v2sf) =	vpush @!p3 v1, $0x0;
	_ =	sdelay $0xc  }
.Ltmp15:
0x13b: {  	_ = 	snop;
	(pc) =	sbr.rel @p2 .LBB3_28-.Ltmp15, $4  }
0x13c: {  	_ = 	snop  }
0x13d: {  	s23 =	spop @!p3 (v2sf)  }
0x13e: {  	s18 =	simm.s32 @!p3 $0x0;
	s20 =	smov.u32 s23  }
0x13f: {  	[sflag:s9] =	ssyncpa.u1 $0x0;
	s23 =	smov.u32 @p3 s22;
	s20 =	smov.u32 @p3 s24  }
0x140: {  	v1 =	vld.msk [tilespmem:s25+$0x0], $0x1;
	_ =	sdelay $0x4  }
0x141: {  	(v2sf) =	vpush v1, $0x0;
	_ =	sdelay $0xe  }
0x142: {  	s0 =	smul.u32 $0x18000, s21;
	s28 =	spop (v2sf)  }
0x143: {  	s10 =	smov.u32 s7;
	s24 =	sadd.s32 $0x10848, s26;
	p2 =	seq.s32 s23, s28  }
0x144: {  	s22 =	simm.s32 $0x0;
	s0 =	sshrl.u32 s0, $0x2;
	p3 =	sgt.s32 @!p2 s23, $0x0  }
0x145: {  	s21 =	sor.u32 $0x108A8, s0;
	s0 =	smov.u32 s23;
	p3 =	por !p3, p2  }
0x146: {  	s26 =	sadd.s32 $0xFFFFFFFF, s19;
	s25 =	sadd.s32 $0x1, s25;
	s0 =	simm.s32 @p3 $0x0  }
0x147: {  	s29 =	simm.s32 @!p2 $0x1;
	s31 =	simm.s32 @!p2 $0x6608;
	s0 =	smin.u32 @!p2 s0, $0x4FFE70  }
0x148: {  	s29 =	smov.u32 @p2 s22;
	p3 =	sne.s32 s26, $0x0;
	s30 =	sand.u32 @!p2 $0x7FFFF8, s0  }
0x149: {  	s3 =	sadd.s32 @!p2 $0x80, s0;
	s4 =	sadd.s32 @!p2 $0x100, s0;
	s2 =	sadd.s32 @!p2 s1, s30  }
0x14a: {  	s30 =	sand.u32 @!p2 $0x7, s0;
	s3 =	sand.u32 @!p2 $0xFFFFF8, s3;
	s4 =	sand.u32 @!p2 $0xFFFFF8, s4  }
0x14b: {  	[tilespmem:s31], [sflag:$0x2] =	stream.linear.gather @!p2 [hbm4b:s2+s30], $0x80, $0x38;
	[tilespmem:$0x1C8A8] =	vst v63  }
.Ltmp16:
0x14c: {  	s0 =	sadd.s32 @!p2 $0x180, s0;
	s2 =	simm.s32 @!p2 $0x6688;
	(pc) =	sbr.rel @!p3 .LBB3_14-.Ltmp16, $4  }
0x14d: {  	s3 =	sadd.s32 @!p2 s1, s3;
	s0 =	sand.u32 @!p2 $0xFFFFF8, s0;
	s31 =	simm.s32 @!p2 $0x6788  }
0x14e: {  	[tilespmem:s2], [sflag:$0x2] =	stream.linear.gather @!p2 [hbm4b:s3+s30], $0x80, $0x38;
	[tilespmem:$0x1C8A8] =	vst v63  }
0x14f: {  	s0 =	sadd.s32 @!p2 s1, s0;
	s2 =	simm.s32 @!p2 $0x6708;
	s3 =	sadd.s32 @!p2 s1, s4  }
0x150: {  	[tilespmem:s2], [sflag:$0x2] =	stream.linear.gather @!p2 [hbm4b:s3+s30], $0x80, $0x38;
	[tilespmem:$0x1C8A8] =	vst v63  }
.LBB3_13:
0x151: {  	s2 =	smov.u32 s29  }
0x152: {  	[tilespmem:s31], [sflag:$0x2] =	stream.linear.gather @!p2 [hbm4b:s0+s30], $0x80, $0x38;
	[tilespmem:$0x1C8A8] =	vst v63  }
0x153: {  	s26 =	sadd.s32 $0xFFFFFFFF, s26;
	s0 =	smov.u32 s28  }
0x154: {  	p3 =	sne.s32 s26, $0x0;
	v1 =	vld.msk [tilespmem:s25+$0x0], $0x1;
	_ =	sdelay $0x4  }
0x155: {  	(v2sf) =	vpush v1, $0x0;
	_ =	sdelay $0xe  }
0x156: {  	s28 =	spop (v2sf)  }
0x157: {  	p2 =	seq.s32 s0, s28  }
0x158: {  	p4 =	sgt.s32 @!p2 s0, $0x0  }
0x159: {  	s3 =	sshll.u32 @!p2 s29, $0xB;
	s29 =	sadd.s32 @!p2 $0x1, s29;
	p4 =	por !p4, p2  }
0x15a: {  	s3 =	sshra.s32 @!p2 s3, $0x2;
	s29 =	smov.u32 @p2 s2;
	s0 =	simm.s32 @p4 $0x0  }
0x15b: {  	s2 =	sadd.s32 @!p2 $0x6608, s3;
	s4 =	sadd.s32 @!p2 $0x6688, s3;
	s0 =	smin.u32 @!p2 s0, $0x4FFE70  }
0x15c: {  	s5 =	sadd.s32 @!p2 $0x6708, s3;
	s31 =	sadd.s32 @!p2 $0x6788, s3;
	s3 =	sand.u32 @!p2 $0x7FFFF8, s0  }
0x15d: {  	s9 =	sadd.s32 @!p2 $0x80, s0;
	s7 =	sadd.s32 @!p2 $0x100, s0;
	s30 =	sand.u32 @!p2 $0x7, s0  }
0x15e: {  	s0 =	sadd.s32 @!p2 $0x180, s0;
	s3 =	sadd.s32 @!p2 s1, s3;
	s9 =	sand.u32 @!p2 $0xFFFFF8, s9  }
0x15f: {  	[tilespmem:s2], [sflag:$0x2] =	stream.linear.gather @!p2 [hbm4b:s3+s30], $0x80, $0x38;
	[tilespmem:$0x1C8A8] =	vst v63  }
.Ltmp17:
0x160: {  	s2 =	sadd.s32 @!p2 s1, s9;
	s3 =	sand.u32 @!p2 $0xFFFFF8, s7;
	(pc) =	sbr.rel @p3 .LBB3_13-.Ltmp17, $4  }
0x161: {  	[tilespmem:s4], [sflag:$0x2] =	stream.linear.gather @!p2 [hbm4b:s2+s30], $0x80, $0x38;
	[tilespmem:$0x1C8A8] =	vst v63  }
0x162: {  	s0 =	sand.u32 @!p2 $0xFFFFF8, s0;
	s2 =	sadd.s32 @!p2 s1, s3  }
0x163: {  	[tilespmem:s5], [sflag:$0x2] =	stream.linear.gather @!p2 [hbm4b:s2+s30], $0x80, $0x38;
	[tilespmem:$0x1C8A8] =	vst v63  }
0x164: {  	s25 =	sadd.s32 $0x1, s25;
	s0 =	sadd.s32 @!p2 s1, s0  }
.LBB3_14:
0x165: {  	[tilespmem:s31], [sflag:$0x2] =	stream.linear.gather @!p2 [hbm4b:s0+s30], $0x80, $0x38;
	[tilespmem:$0x1C8A8] =	vst v63  }
.Ltmp18:
0x166: {  	s31 =	sshll.u32 s29, $0x9;
	(pc) =	sbr.rel .LBB3_15-.Ltmp18, $4  }
0x167: {  	s2 =	simm.s32 $0x2;
	s0 =	sand.u32 $0x3FFFFE00, s31  }
0x168: {  	s25 =	simm.s32 $0x0;
	_ =	swait.ge [sflag:s2], s0  }
0x169: {  	s26 =	simm.s32 $0x0;
	s0 =	ssub.s32 $0x0, s0;
	[sflag:s2] =	ssyncset.done $0x0  }
0x16a: {  	v1 =	vmov s24;
	s7 =	smov.u32 s10;
	s9 =	simm.s32 $0xA;
	[sflag:s2] =	ssyncadd.s32 s0  }
.LBB3_25:
0x16b: {  	[tilespmem:s23+$0x0] =	vst v2;
	s22 =	sadd.s32 $0x1, s22  }
.LBB3_26:
0x16c: {  	s26 =	sadd.s32 $0x1, s26  }
0x16d: {  	p2 =	sne.s32 s26, s19  }
.Ltmp19:
0x16e: {  	_ = 	snop;
	(pc) =	sbr.rel @!p2 .LBB3_27-.Ltmp19, $2  }
0x16f: {  	_ =	sdelay $0x2  }
0x170: {  	s21 =	sadd.s32 $0x200, s21;
	s23 =	smov.u32 s24  }
.LBB3_15:
0x171: {  	_ =	sdelay $0x3  }
0x172: {  	v2 =	vld.idx.msk [tilespmem:v1+s26+$0x0 ss:$0x1], $0x1;
	_ =	sdelay $0x4  }
0x173: {  	(v2sf) =	vpush v2, $0x0;
	_ =	sdelay $0xe  }
0x174: {  	s24 =	spop (v2sf)  }
0x175: {  	p2 =	sne.s32 s23, s24  }
.Ltmp20:
0x176: {  	_ = 	snop;
	(pc) =	sbr.rel @p2 .LBB3_19-.Ltmp20, $3  }
0x177: {  	_ =	sdelay $0x1  }
0x178: {  	s0 =	sshll.u32 s18, $0xB  }
0x179: {  	s28 =	sshra.s32 s0, $0x2  }
0x17a: {  	s23 =	sadd.s32 $0x408, s28;
	s28 =	simm.s32 $0x0;
	v2 =	vld [tilespmem:s21+$0x0];
	s0 =	smov.u32 s21  }
.LBB3_17:
0x17b: {  	s28 =	sadd.s32 $0x10, s28  }
0x17c: {  	p2 =	slt.u32 s28, $0x1F0  }
.Ltmp21:
0x17d: {  	_ = 	snop;
	(pc) =	sbr.rel @p2 .LBB3_17-.Ltmp21, $3  }
0x17e: {  	_ =	sdelay $0x1  }
0x17f: {  	s0 =	sadd.s32 $0x10, s0;
	[tilespmem:s23+$0x0] =	vst.add.f32.msk $0xffff, v2;
	s23 =	sadd.s32 $0x10, s23  }
0x180: {  	v2 =	vld [tilespmem:s0+$0x0]  }
.Ltmp22:
0x181: {  	_ = 	snop;
	(pc) =	sbr.rel .LBB3_26-.Ltmp22, $2  }
0x182: {  	_ =	sdelay $0x2  }
0x183: {  	[tilespmem:s23+$0x0] =	vst.add.f32.msk $0xffff, v2  }
.LBB3_19:
0x184: {  	p2 =	seq.s32 s23, s20  }
.Ltmp23:
0x185: {  	_ = 	snop;
	(pc) =	sbr.rel @!p2 .LBB3_20-.Ltmp23, $1  }
0x186: {  	_ =	sdelay $0x3  }
.Ltmp24:
0x187: {  	s0 =	sadd.s32 $0x408, s28;
	(pc) =	sbr.rel .LBB3_23-.Ltmp24, $4  }
0x188: {  	[spmem:s13] =	stream.linear.scatter [tilespmem:s0], [sflag:$0x1], $0x200, $0x38;
	[tilespmem:$0x1C8A8] =	vst v63  }
0x189: {  	_ =	swait.ge [sflag:s11], $0x200  }
0x18a: {  	[sflag:s11] =	ssyncset.done $0x0  }
0x18b: {  	[sflag:s11] =	ssyncadd.s32 $0xFFFFFE00  }
.LBB3_20:
0x18c: {  	s0 =	sshll.u32 s22, $0xB  }
0x18d: {  	s0 =	sshra.s32 s0, $0x2  }
0x18e: {  	s29 =	sadd.s32 $0x408, s28;
	s30 =	sadd.s32 $0x6608, s0  }
0x18f: {  	s31 =	smov.u32 s29;
	s0 =	simm.s32 $0x0;
	v2 =	vld [tilespmem:s30+$0x0]  }
.LBB3_21:
0x190: {  	s0 =	sadd.s32 $0x10, s0  }
0x191: {  	p2 =	slt.u32 s0, $0x1F0  }
.Ltmp25:
0x192: {  	_ = 	snop;
	(pc) =	sbr.rel @p2 .LBB3_21-.Ltmp25, $3  }
0x193: {  	_ =	sdelay $0x1  }
0x194: {  	s30 =	sadd.s32 $0x10, s30;
	[tilespmem:s31+$0x0] =	vst.add.f32.msk $0xffff, v2;
	s31 =	sadd.s32 $0x10, s31  }
0x195: {  	v2 =	vld [tilespmem:s30+$0x0]  }
0x196: {  	_ =	sdelay $0x1  }
0x197: {  	p2 =	sgt.u32 s23, $0x4FFE70  }
0x198: {  	s0 =	sand.u32 @!p2 $0x7FFFF8, s23  }
0x199: {  	s2 =	sand.u32 @!p2 $0x7, s23;
	s0 =	sadd.s32 @!p2 s1, s0;
	[tilespmem:s31+$0x0] =	vst.add.f32.msk $0xffff, v2  }
0x19a: {  	[hbm4b:s0+s2] =	stream.linear.scatter @!p2 [tilespmem:s29], [sflag:$0xA], $0x80, $0x38;
	[tilespmem:$0x1C8A8] =	vst v63  }
0x19b: {  	s0 =	sadd.s32 @!p2 $0x80, s23  }
0x19c: {  	s0 =	sand.u32 @!p2 $0xFFFFF8, s0  }
0x19d: {  	s3 =	sadd.s32 @!p2 $0x488, s28;
	s0 =	sadd.s32 @!p2 s1, s0  }
0x19e: {  	[hbm4b:s0+s2] =	stream.linear.scatter @!p2 [tilespmem:s3], [sflag:$0xA], $0x80, $0x38;
	[tilespmem:$0x1C8A8] =	vst v63  }
0x19f: {  	s0 =	sadd.s32 @!p2 $0x100, s23  }
0x1a0: {  	s0 =	sand.u32 @!p2 $0xFFFFF8, s0  }
0x1a1: {  	s3 =	sadd.s32 @!p2 $0x508, s28;
	s0 =	sadd.s32 @!p2 s1, s0  }
0x1a2: {  	[hbm4b:s0+s2] =	stream.linear.scatter @!p2 [tilespmem:s3], [sflag:$0xA], $0x80, $0x38;
	[tilespmem:$0x1C8A8] =	vst v63  }
0x1a3: {  	s0 =	sadd.s32 @!p2 $0x180, s23;
	s3 =	simm.s32 $0x0  }
0x1a4: {  	s0 =	sand.u32 @!p2 $0xFFFFF8, s0;
	s3 =	simm.s32 @!p2 $0x800  }
0x1a5: {  	s4 =	sadd.s32 @!p2 $0x588, s28;
	s0 =	sadd.s32 @!p2 s1, s0;
	s25 =	sadd.s32 s3, s25  }
0x1a6: {  	[hbm4b:s0+s2] =	stream.linear.scatter @!p2 [tilespmem:s4], [sflag:$0xA], $0x80, $0x38;
	[tilespmem:$0x1C8A8] =	vst v63  }
.LBB3_23:
0x1a7: {  	s0 =	sadd.s32 $0x1, s18  }
0x1a8: {  	s2 =	smulhi.u32 $0xAAAAAAAB, s0;
	_ =	sdelay $0x1  }
0x1a9: {  	s2 =	sshrl.u32 s2, $0x5  }
0x1aa: {  	s2 =	smul.u32 $0x30, s2;
	_ =	sdelay $0x1  }
0x1ab: {  	s18 =	ssub.s32 s0, s2  }
0x1ac: {  	s0 =	sshll.u32 s18, $0x9  }
0x1ad: {  	v2 =	vld [tilespmem:s21+$0x0];
	s28 =	smov.u32 s21;
	s23 =	sadd.s32 $0x408, s0;
	s0 =	simm.s32 $0x0  }
.LBB3_24:
0x1ae: {  	s0 =	sadd.s32 $0x10, s0  }
0x1af: {  	p2 =	slt.u32 s0, $0x1F0  }
.Ltmp26:
0x1b0: {  	_ = 	snop;
	(pc) =	sbr.rel @p2 .LBB3_24-.Ltmp26, $3  }
0x1b1: {  	_ =	sdelay $0x1  }
0x1b2: {  	[tilespmem:s23+$0x0] =	vst v2;
	s23 =	sadd.s32 $0x10, s23;
	s28 =	sadd.s32 $0x10, s28  }
0x1b3: {  	v2 =	vld [tilespmem:s28+$0x0]  }
.Ltmp27:
0x1b4: {  	_ = 	snop;
	(pc) =	sbr.rel .LBB3_25-.Ltmp27, $1  }
0x1b5: {  	_ =	sdelay $0x3  }
.LBB3_28:
.Ltmp28:
0x1b6: {  	(pc) =	sbr.rel .LBB3_29-.Ltmp28, $4  }
0x1b7: {  	_ = 	snop  }
0x1b8: {  	s0 =	simm.s32 $0x2  }
0x1b9: {  	_ =	swait.ge [sflag:s0], $0x0  }
0x1ba: {  	s24 =	smov.u32 s23;
	[sflag:s0] =	ssyncset.done $0x0;
	s0 =	simm.s32 $0x0  }
.LBB3_31:
0x1bb: {  	_ =	sfence.sel $0x180000  }
0x1bc: {  	s0 =	simm.s32 $0x9;
	[bflag:$0x0] =	sbarrier.arrive $0xFFFF  }
0x1bd: {  	s26 =	simm.s32 $0x2;
	[sflag:s0] =	ssyncpa.u1 $0x1  }
0x1be: {  	[sflag:s26] =	ssyncpa.u1 $0x1  }
0x1bf: {  	v0 =	vld [tilespmem:$0xC808];
	_ =	sdelay $0x4  }
0x1c0: {  	(v2sf) =	vpush v0, $0x0  }
0x1c1: {  	(v2sf) =	vpush v0, $0x1;
	_ =	sdelay $0x1  }
0x1c2: {  	(v2sf) =	vpush v0, $0x2;
	_ =	sdelay $0xb  }
0x1c3: {  	s0 =	spop (v2sf)  }
0x1c4: {  	s2 =	spop (v2sf)  }
0x1c5: {  	s3 =	smov.u32 s0;
	p0 =	sne.s32 s0, s2  }
0x1c6: {  	s4 =	spop (v2sf);
	s3 =	simm.s32 @!p0 $0xFFFFFFFF  }
0x1c7: {  	v2 =	vimm.s32 $0x1;
	v3 =	vlaneseq.u32;
	p0 =	seq.s32 s4, $0xFFFFFFFF;
	v1 =	vmov s3  }
0x1c8: {  	s19 =	stileid.u32;
	v0 =	vperm.xlane v0, v2;
	p1 =	sne.s32 @!p0 s0, s2;
	v1 =	vperm.xlane v1, v3  }
0x1c9: {  	vm0 =	vcmask $0x3F04;
	s6 =	simm.s32 $0xC808;
	s0 =	simm.s32 @!p0 $0x1;
	p1 =	por !p1, p0  }
0x1ca: {  	s3 =	sshll.u32 s19, $0x1;
	s2 =	sshll.u32 @!p0 s4, $0xB;
	s0 =	simm.s32 @p1 $0x0;
	v0 =	vsel vm0, v1, v0  }
0x1cb: {  	s5 =	sor.u32 $0x4000, s3;
	s2 =	sshra.s32 @!p0 s2, $0x2;
	s0 =	sor.u32 @!p0 s0, s3;
	[tilespmem:$0xC808] =	vst v0  }
0x1cc: {  	[spmem:s5] =	stream.linear.scatter [tilespmem:s6], [sflag:$0x1], $0x2, $0x38;
	[tilespmem:$0x1C8A8] =	vst v63  }
0x1cd: {  	s2 =	sadd.s32 @!p0 $0x408, s2;
	s0 =	sshll.u32 @!p0 s0, $0x9  }
0x1ce: {  	[spmem:s0] =	stream.linear.scatter @!p0 [tilespmem:s2], [sflag:$0x1], $0x200, $0x38;
	[tilespmem:$0x1C8A8] =	vst v63  }
0x1cf: {  	s0 =	simm.s32 @!p0 $0x202  }
0x1d0: {  	s28 =	simm.s32 $0x1;
	s0 =	simm.s32 @p0 $0x2  }
0x1d1: {  	_ =	swait.ge [sflag:s28], s0  }
0x1d2: {  	s0 =	ssub.s32 $0x0, s0;
	[sflag:s28] =	ssyncset.done $0x0  }
0x1d3: {  	[sflag:s28] =	ssyncadd.s32 s0  }
0x1d4: {  	p0 =	sne.s32 s19, $0x0;
	_ =	sfence.stream.spmem  }
.Ltmp29:
0x1d5: {  	s29 =	simm.s32 $0x3;
	[bflag:$0x0] =	sbarrier.arrive $0xFFFF;
	(pc) =	sbr.rel @p0 .LBB3_56-.Ltmp29, $4  }
0x1d6: {  	s30 =	simm.s32 $0x4;
	[sflag:s29] =	ssyncpa.u1 $0x1  }
0x1d7: {  	[sflag:s30] =	ssyncpa.u1 $0x1  }
0x1d8: {  	s31 =	simm.s32 $0x3C;
	s20 =	rddreg [dreg:$0x1]  }
0x1d9: {  	[sflag:s31] =	ssyncpa.u1 $0x1;
	s5 =	sand.u32 $0x1, s20  }
0x1da: {  	_ =	sfence.stream.spmem;
	s0 =	simm.s32 $0x5  }
0x1db: {  	s2 =	simm.s32 $0x4000;
	s3 =	simm.s32 $0xC818;
	[sflag:s0] =	ssyncpa.u1 $0x0  }
0x1dc: {  	[tilespmem:s3], [sflag:$0x5] =	stream.linear.gather [spmem:s2], $0x20, $0x38;
	[tilespmem:$0x1C8A8] =	vst v63  }
0x1dd: {  	s26 =	simm.s32 $0x0;
	s28 =	simm.s32 $0xC838  }
0x1de: {  	[tilespmem:s28], [sflag:$0x5] =	stream.linear.gather [spmem:s26], $0x4000, $0x38;
	[tilespmem:$0x1C8A8] =	vst v63  }
0x1df: {  	_ =	swait.ge [sflag:s0], $0x4020  }
0x1e0: {  	[sflag:s0] =	ssyncset.done $0x0  }
0x1e1: {  	s29 =	simm.s32 $0x0;
	[sflag:s0] =	ssyncadd.s32 $0xFFFFBFE0  }
0x1e2: {  	v0 =	vld.msk [tilespmem:s29+$0xC818], $0x1;
	_ =	sdelay $0x1  }
0x1e3: {  	s30 =	simm.s32 $0x1  }
0x1e4: {  	v1 =	vld.msk [tilespmem:s30+$0xC818], $0x1;
	_ =	sdelay $0x1  }
0x1e5: {  	(v2sf) =	vpush v0, $0x0;
	_ =	sdelay $0x2  }
0x1e6: {  	(v2sf) =	vpush v1, $0x0;
	_ =	sdelay $0x2  }
0x1e7: {  	s31 =	simm.s32 $0x2  }
0x1e8: {  	v0 =	vld.msk [tilespmem:s31+$0xC818], $0x1;
	_ =	sdelay $0x2  }
0x1e9: {  	s7 =	simm.s32 $0xFFFFFFFF;
	s6 =	simm.s32 $0xC;
	s8 =	simm.s32 $0xFFFFFFFF  }
.LBB3_33:
0x1ea: {  	s0 =	smov.u32 s8;
	s2 =	smov.u32 s7  }
0x1eb: {  	s3 =	sshra.s32 s6, $0x2;
	p1 =	sne.s32 s6, $0x7C;
	s6 =	sadd.s32 $0x4, s6;
	(v2sf) =	vpush v0, $0x0  }
0x1ec: {  	v0 =	vld.msk [tilespmem:s3+$0xC818], $0x1  }
.Ltmp30:
0x1ed: {  	(pc) =	sbr.rel @p1 .LBB3_33-.Ltmp30, $4  }
0x1ee: {  	s8 =	spop (v2sf)  }
0x1ef: {  	p2 =	sne.s32 s7, $0xFFFFFFFF;
	s7 =	smov.u32 s8  }
0x1f0: {  	p3 =	seq.s32 s8, $0xFFFFFFFF;
	s7 =	smov.u32 @p2 s2  }
0x1f1: {  	s8 =	smov.u32 @p3 s0;
	s7 =	smov.u32 @p3 s2  }
0x1f2: {  	(v2sf) =	vpush v0, $0x0;
	_ =	sdelay $0x8  }
0x1f3: {  	s0 =	spop (v2sf);
	p1 =	sne.s32 s7, $0xFFFFFFFF;
	s9 =	simm.s32 $0x6  }
0x1f4: {  	s6 =	simm.s32 $0x0;
	s10 =	simm.s32 $0xC838;
	s2 =	smov.u32 s0  }
0x1f5: {  	s11 =	simm.s32 $0xC688;
	p2 =	seq.s32 s0, $0xFFFFFFFF;
	s2 =	smov.u32 @p1 s7  }
0x1f6: {  	s12 =	simm.s32 $0xC708;
	s2 =	smov.u32 @p2 s7;
	s3 =	spop (v2sf)  }
0x1f7: {  	s0 =	smov.u32 @p2 s8;
	p1 =	sne.s32 s2, $0xFFFFFFFF;
	s4 =	smov.u32 s3  }
.Ltmp31:
0x1f8: {  	p2 =	seq.s32 s3, $0xFFFFFFFF;
	s4 =	smov.u32 @p1 s2;
	(pc) =	sbr.rel .LBB3_35-.Ltmp31, $4  }
0x1f9: {  	s13 =	simm.s32 $0xC788;
	s4 =	smov.u32 @p2 s2;
	s7 =	spop (v2sf)  }
0x1fa: {  	s14 =	simm.s32 $0x0;
	p1 =	sne.s32 s4, $0xFFFFFFFF;
	s8 =	smov.u32 s7  }
0x1fb: {  	s3 =	smov.u32 @p2 s0;
	p2 =	seq.s32 s7, $0xFFFFFFFF;
	s8 =	smov.u32 @p1 s4  }
0x1fc: {  	[sflag:s9] =	ssyncpa.u1 $0x0;
	s7 =	smov.u32 @p2 s3;
	s8 =	smov.u32 @p2 s4  }
.LBB3_50:
0x1fd: {  	s14 =	sadd.s32 $0x1, s14  }
0x1fe: {  	p1 =	sne.s32 s14, $0x20  }
.Ltmp32:
0x1ff: {  	_ = 	snop;
	(pc) =	sbr.rel @!p1 .LBB3_51-.Ltmp32, $2  }
0x200: {  	_ =	sdelay $0x2  }
0x201: {  	s10 =	sadd.s32 $0x200, s10  }
.LBB3_35:
0x202: {  	v0 =	vld.msk [tilespmem:s14+$0xC818], $0x1;
	_ =	sdelay $0x4  }
0x203: {  	(v2sf) =	vpush v0, $0x0;
	_ =	sdelay $0xe  }
0x204: {  	s15 =	spop (v2sf)  }
0x205: {  	p1 =	seq.s32 s15, $0xFFFFFFFF  }
.Ltmp33:
0x206: {  	_ = 	snop;
	(pc) =	sbr.rel @p1 .LBB3_50-.Ltmp33, $1  }
0x207: {  	_ =	sdelay $0x3  }
0x208: {  	p1 =	slt.s32 s6, $0x1  }
.Ltmp34:
0x209: {  	_ = 	snop;
	(pc) =	sbr.rel @p1 .LBB3_43-.Ltmp34, $1  }
0x20a: {  	_ =	sdelay $0x3  }
0x20b: {  	s16 =	simm.s32 $0xC818;
	p1 =	por $0x0, $0x0  }
0x20c: {  	v1 =	vld.msk @!p1 [tilespmem:s16+$0x0], $0x1;
	_ =	sdelay $0x4  }
0x20d: {  	(v2sf) =	vpush @!p1 v1, $0x0;
	_ =	sdelay $0xd  }
0x20e: {  	p3 =	sne.s32 s6, $0x1  }
.Ltmp35:
0x20f: {  	s0 =	spop @!p1 (v2sf);
	(pc) =	sbr.rel @!p3 .LBB3_39-.Ltmp35, $4  }
0x210: {  	p2 =	seq.s32 @!p1 s15, s0  }
0x211: {  	s17 =	simm.s32 $0x0;
	p2 =	por !p2, p1  }
0x212: {  	s0 =	simm.s32 $0xFFFFFFFF;
	s17 =	simm.s32 @p2 $0xFFFFFFFF  }
0x213: {  	s18 =	simm.s32 $0x1;
	s17 =	smov.u32 @p1 s0  }
.LBB3_38:
0x214: {  	s0 =	smov.u32 s17;
	p1 =	sne.s32 s17, $0xFFFFFFFF  }
0x215: {  	s16 =	sadd.s32 $0x1, s16;
	s17 =	smov.u32 s18;
	s18 =	sadd.s32 $0x1, s18  }
0x216: {  	p2 =	sne.s32 s6, s18;
	v1 =	vld.msk @!p1 [tilespmem:s16+$0x0], $0x1;
	_ =	sdelay $0x4  }
0x217: {  	(v2sf) =	vpush @!p1 v1, $0x0;
	_ =	sdelay $0xe  }
.Ltmp36:
0x218: {  	s2 =	spop @!p1 (v2sf);
	(pc) =	sbr.rel @p2 .LBB3_38-.Ltmp36, $4  }
0x219: {  	p3 =	seq.s32 @!p1 s15, s2  }
0x21a: {  	p3 =	por !p3, p1  }
0x21b: {  	s17 =	simm.s32 @p3 $0xFFFFFFFF  }
0x21c: {  	s17 =	smov.u32 @p1 s0  }
.LBB3_39:
0x21d: {  	p1 =	seq.s32 s17, $0xFFFFFFFF  }
.Ltmp37:
0x21e: {  	_ = 	snop;
	(pc) =	sbr.rel @p1 .LBB3_43-.Ltmp37, $1  }
0x21f: {  	_ =	sdelay $0x3  }
0x220: {  	s0 =	sshll.u32 s17, $0xB  }
0x221: {  	s0 =	sshra.s32 s0, $0x2  }
0x222: {  	v0 =	vld [tilespmem:s10+$0x0];
	s16 =	smov.u32 s10;
	s15 =	sadd.s32 $0xC838, s0;
	s0 =	simm.s32 $0x0  }
.LBB3_41:
0x223: {  	s0 =	sadd.s32 $0x10, s0  }
0x224: {  	p1 =	slt.u32 s0, $0x1F0  }
.Ltmp38:
0x225: {  	_ = 	snop;
	(pc) =	sbr.rel @p1 .LBB3_41-.Ltmp38, $3  }
0x226: {  	_ =	sdelay $0x1  }
0x227: {  	s16 =	sadd.s32 $0x10, s16;
	[tilespmem:s15+$0x0] =	vst.add.f32.msk $0xffff, v0;
	s15 =	sadd.s32 $0x10, s15  }
0x228: {  	v0 =	vld [tilespmem:s16+$0x0]  }
.Ltmp39:
0x229: {  	_ = 	snop;
	(pc) =	sbr.rel .LBB3_50-.Ltmp39, $2  }
0x22a: {  	_ =	sdelay $0x2  }
0x22b: {  	[tilespmem:s15+$0x0] =	vst.add.f32.msk $0xffff, v0  }
.LBB3_43:
0x22c: {  	p1 =	sgt.u32 s15, $0x4FFE70  }
0x22d: {  	p2 =	seq.s32 @!p1 s15, s8  }
0x22e: {  	p1 =	por p1, p2  }
0x22f: {  	p2 =	seq.s32 @!p1 s15, s7  }
0x230: {  	p1 =	por p1, p2  }
.Ltmp40:
0x231: {  	_ = 	snop;
	(pc) =	sbr.rel @p1 .LBB3_47-.Ltmp40, $1  }
0x232: {  	_ =	sdelay $0x3  }
0x233: {  	s0 =	sand.u32 $0x7FFFF8, s15;
	s2 =	sand.u32 $0x7, s15  }
0x234: {  	s16 =	simm.s32 $0xC608;
	s29 =	sadd.s32 $0x80, s15;
	s0 =	sadd.s32 s1, s0  }
0x235: {  	[tilespmem:s16], [sflag:$0x6] =	stream.linear.gather [hbm4b:s0+s2], $0x80, $0x38;
	[tilespmem:$0x1C8A8] =	vst v63  }
0x236: {  	s0 =	sand.u32 $0xFFFFF8, s29  }
0x237: {  	s30 =	sadd.s32 $0x100, s15;
	s0 =	sadd.s32 s1, s0  }
0x238: {  	[tilespmem:s11], [sflag:$0x6] =	stream.linear.gather [hbm4b:s0+s2], $0x80, $0x38;
	[tilespmem:$0x1C8A8] =	vst v63  }
0x239: {  	s0 =	sand.u32 $0xFFFFF8, s30  }
0x23a: {  	s31 =	sadd.s32 $0x180, s15;
	s0 =	sadd.s32 s1, s0  }
0x23b: {  	[tilespmem:s12], [sflag:$0x6] =	stream.linear.gather [hbm4b:s0+s2], $0x80, $0x38;
	[tilespmem:$0x1C8A8] =	vst v63  }
0x23c: {  	s0 =	sand.u32 $0xFFFFF8, s31  }
0x23d: {  	s0 =	sadd.s32 s1, s0  }
0x23e: {  	[tilespmem:s13], [sflag:$0x6] =	stream.linear.gather [hbm4b:s0+s2], $0x80, $0x38;
	[tilespmem:$0x1C8A8] =	vst v63  }
0x23f: {  	_ =	swait.ge [sflag:s9], $0x200  }
0x240: {  	[sflag:s9] =	ssyncset.done $0x0  }
0x241: {  	[sflag:s9] =	ssyncadd.s32 $0xFFFFFE00  }
0x242: {  	s15 =	smov.u32 s10;
	s0 =	simm.s32 $0x0;
	v1 =	vld [tilespmem:s16+$0x0]  }
.LBB3_45:
0x243: {  	s0 =	sadd.s32 $0x10, s0  }
0x244: {  	p1 =	slt.u32 s0, $0x1F0  }
.Ltmp41:
0x245: {  	_ = 	snop;
	(pc) =	sbr.rel @p1 .LBB3_45-.Ltmp41, $3  }
0x246: {  	_ =	sdelay $0x1  }
0x247: {  	s16 =	sadd.s32 $0x10, s16;
	[tilespmem:s15+$0x0] =	vst.add.f32.msk $0xffff, v1;
	s15 =	sadd.s32 $0x10, s15  }
0x248: {  	v1 =	vld [tilespmem:s16+$0x0]  }
0x249: {  	_ =	sdelay $0x3  }
0x24a: {  	[tilespmem:s15+$0x0] =	vst.add.f32.msk $0xffff, v1  }
.LBB3_47:
0x24b: {  	s0 =	sshll.u32 s6, $0xB  }
0x24c: {  	[tilespmem:s6+$0xC818] =	vst.msk $0x1, v0;
	s0 =	sshra.s32 s0, $0x2  }
0x24d: {  	s16 =	smov.u32 s10;
	v0 =	vld [tilespmem:s10+$0x0];
	s15 =	sadd.s32 $0xC838, s0;
	s0 =	simm.s32 $0x0  }
.LBB3_48:
0x24e: {  	s0 =	sadd.s32 $0x10, s0  }
0x24f: {  	p1 =	slt.u32 s0, $0x1F0  }
.Ltmp42:
0x250: {  	_ = 	snop;
	(pc) =	sbr.rel @p1 .LBB3_48-.Ltmp42, $3  }
0x251: {  	_ =	sdelay $0x1  }
0x252: {  	s16 =	sadd.s32 $0x10, s16;
	[tilespmem:s15+$0x0] =	vst v0;
	s15 =	sadd.s32 $0x10, s15  }
0x253: {  	v0 =	vld [tilespmem:s16+$0x0]  }
.Ltmp43:
0x254: {  	_ = 	snop;
	(pc) =	sbr.rel .LBB3_50-.Ltmp43, $2  }
0x255: {  	_ =	sdelay $0x2  }
0x256: {  	s6 =	sadd.s32 $0x1, s6;
	[tilespmem:s15+$0x0] =	vst v0  }
.LBB3_51:
0x257: {  	s0 =	simm.s32 $0x6;
	p1 =	seq.s32 s6, $0x0  }
0x258: {  	[sflag:s0] =	ssyncpa.u1 $0x1;
	v0 =	vimm.s32 @p1 $0xFFFFFFFF  }
0x259: {  	s9 =	sadd.s32 $0xFFFFFFFF, s6;
	[tilespmem:$0x10838] =	vst @p1 v0  }
0x25a: {  	v0 =	vld.msk @!p1 [tilespmem:s9+$0xC818], $0x1;
	_ =	sdelay $0x1  }
0x25b: {  	v1 =	vld.msk @!p1 [tilespmem:$0xC818], $0x1;
	_ =	sdelay $0x2  }
0x25c: {  	p2 =	seq.s32 @!p1 s9, $0x0;
	v0 =	vbroadcast @!p1 v0, $0x0  }
0x25d: {  	vm0 =	vmmov @!p1 $0x1;
	p2 =	por !p2, p1  }
0x25e: {  	v1 =	vnsel @!p1 vm0, $0xFFFFFFFF, v1;
	vm0 =	vcmask @!p1 $0x308;
	v0 =	vpsel !p2, $0xFFFFFFFF, v0  }
0x25f: {  	p2 =	sne.s32 @!p1 s8, s7;
	v0 =	vsel @!p1 vm0, v1, v0  }
0x260: {  	s0 =	simm.s32 @!p1 $0xC838;
	s2 =	simm.s32 @!p1 $0x0;
	p3 =	por !p2, p1;
	[tilespmem:$0x10838] =	vst @!p1 v0  }
0x261: {  	[spmem:s2] =	stream.linear.scatter @!p1 [tilespmem:s0], [sflag:$0x1], $0x200, $0x38;
	[tilespmem:$0x1C8A8] =	vst v63  }
0x262: {  	s0 =	sshll.u32 @!p3 s9, $0xB  }
0x263: {  	s0 =	sshra.s32 @!p3 s0, $0x2  }
0x264: {  	s2 =	simm.s32 @!p3 $0x200;
	s0 =	sadd.s32 @!p3 $0xC838, s0  }
0x265: {  	[spmem:s2] =	stream.linear.scatter @!p3 [tilespmem:s0], [sflag:$0x1], $0x200, $0x38;
	[tilespmem:$0x1C8A8] =	vst v63  }
0x266: {  	s0 =	simm.s32 @!p3 $0x1  }
0x267: {  	_ =	swait.ge @!p3 [sflag:s0], $0x400  }
0x268: {  	p1 =	por p2, p1;
	[sflag:s0] =	ssyncset.done @!p3 $0x0  }
0x269: {  	[sflag:s0] =	ssyncadd.s32 @!p3 $0xFFFFFC00;
	s0 =	simm.s32 @!p1 $0x1  }
0x26a: {  	_ =	swait.ge @!p1 [sflag:s0], $0x200  }
0x26b: {  	s29 =	simm.s32 $0x10838;
	[sflag:s0] =	ssyncset.done @!p1 $0x0  }
0x26c: {  	s30 =	simm.s32 $0x4000;
	s31 =	simm.s32 $0x1;
	[sflag:s0] =	ssyncadd.s32 @!p1 $0xFFFFFE00  }
0x26d: {  	[spmem:s30] =	stream.linear.scatter [tilespmem:s29], [sflag:$0x1], $0x10, $0x38;
	[tilespmem:$0x1C8A8] =	vst v63  }
0x26e: {  	_ =	swait.ge [sflag:s31], $0x10  }
0x26f: {  	[sflag:s31] =	ssyncset.done $0x0  }
0x270: {  	p1 =	seq.s32 s5, $0x0;
	[sflag:s31] =	ssyncadd.s32 $0xFFFFFFF0  }
0x271: {  	s2 =	sshll.u32 @p1 s20, $0xE;
	s8 =	rddreg [dreg:$0x2]  }
0x272: {  	s0 =	sadd.s32 @p1 $0x15C3C, s2;
	s2 =	sshll.u32 @p1 s8, $0x11  }
0x273: {  	_ =	sfence.stream.spmem;
	s0 =	sor.u32 @p1 s2, s0  }
0x274: {  	[sflag:s0] =	ssyncadd.remote.s32 @p1 $0x1;
	s0 =	simm.s32 @p1 $0x4  }
0x275: {  	s3 =	simm.s32 @!p1 $0x3C;
	s2 =	sand.u32 $0xFFFFFFFE, s20;
	_ =	swait.ge @p1 [sflag:s0], $0x82  }
0x276: {  	s4 =	simm.s32 @!p1 $0x0;
	s2 =	sadd.s32 @!p1 $0x4, s2;
	[sflag:s0] =	ssyncset.done @p1 $0x0  }
0x277: {  	s7 =	simm.s32 @!p1 $0x400;
	[sflag:s0] =	ssyncadd.s32 @p1 $0xFFFFFF7E;
	s0 =	sshll.u32 @!p1 s2, $0x1A  }
0x278: {  	s2 =	sshll.u32 @!p1 s2, $0xD;
	s0 =	sor.u32 @!p1 s0, s8;
	_ =	swait.eq @!p1 [sflag:s3], $0x1  }
0x279: {  	s2 =	sor.u32 @!p1 $0x1C04, s2;
	s3 =	simm.s32 @!p1 $0x1C03;
	s0 =	sor.u32 @!p1 $0x80004000, s0  }
0x27a: {  	[spmem:s7], [sflag:s2] =	dma.general @!p1 [spmem:s4], [sflag:s3], length:$0x80, [dreg:$0x0], stride_count:$0x0, ici_dest:s0, dma_misc:DstOpCode:WRITE  }
0x27b: {  	p2 =	slt.s32 s9, $0x2;
	s4 =	simm.s32 @!p1 $0x800;
	s7 =	simm.s32 @!p1 $0x802  }
0x27c: {  	[spmem:s7], [sflag:s2] =	dma.general @!p1 [spmem:s4], [sflag:s3], length:$0x2, [dreg:$0x0], stride_count:$0x0, ici_dest:s0, dma_misc:DstOpCode:WRITE  }
.Ltmp44:
0x27d: {  	s0 =	simm.s32 @!p1 $0x3;
	(pc) =	sbr.rel @p2 .LBB3_55-.Ltmp44, $4  }
0x27e: {  	s2 =	sshll.u32 @!p1 s20, $0xE;
	_ =	swait.ge @!p1 [sflag:s0], $0x82  }
0x27f: {  	s3 =	sshll.u32 @!p1 s8, $0x11;
	s2 =	sadd.s32 @!p1 $0x11C3C, s2;
	[sflag:s0] =	ssyncset.done @!p1 $0x0  }
0x280: {  	[sflag:s0] =	ssyncadd.s32 @!p1 $0xFFFFFF7E;
	s0 =	sor.u32 @!p1 s3, s2  }
0x281: {  	[sflag:s0] =	ssyncadd.remote.s32 @!p1 $0xFFFFFFFF;
	s0 =	simm.s32 $0x0  }
0x282: {  	s0 =	simm.s32 $0xC819  }
0x283: {  	v0 =	vld.msk [tilespmem:s0+$0x0], $0x1;
	_ =	sdelay $0x4  }
0x284: {  	(v2sf) =	vpush v0, $0x0;
	_ =	sdelay $0xe  }
0x285: {  	s31 =	sadd.s32 $0xFFFFFFFE, s6;
	s0 =	spop (v2sf)  }
0x286: {  	s3 =	simm.s32 $0x0;
	s4 =	sadd.s32 $0xFFFFFFFF, s31;
	p1 =	sgt.u32 s0, $0x4FFE70  }
0x287: {  	s2 =	simm.s32 $0xCA38;
	p2 =	sne.s32 s4, $0x0;
	s6 =	sand.u32 @!p1 $0x7FFFF8, s0  }
0x288: {  	s7 =	sadd.s32 @!p1 $0x80, s0;
	s9 =	sadd.s32 @!p1 $0x100, s0;
	s8 =	sand.u32 @!p1 $0x7, s0  }
0x289: {  	s0 =	sadd.s32 @!p1 $0x180, s0;
	s10 =	simm.s32 @!p1 $0xCBB8;
	s6 =	sadd.s32 @!p1 s1, s6  }
0x28a: {  	[hbm4b:s6+s8] =	stream.linear.scatter @!p1 [tilespmem:s2], [sflag:$0x5], $0x80, $0x38;
	[tilespmem:$0x1C8A8] =	vst v63  }
0x28b: {  	s7 =	sand.u32 @!p1 $0xFFFFF8, s7;
	s0 =	sand.u32 @!p1 $0xFFFFF8, s0;
	s2 =	simm.s32 @!p1 $0xCAB8  }
.Ltmp45:
0x28c: {  	s6 =	sadd.s32 @!p1 s1, s7;
	s7 =	sand.u32 @!p1 $0xFFFFF8, s9;
	(pc) =	sbr.rel @!p2 .LBB3_54-.Ltmp45, $4  }
0x28d: {  	[hbm4b:s6+s8] =	stream.linear.scatter @!p1 [tilespmem:s2], [sflag:$0x5], $0x80, $0x38;
	[tilespmem:$0x1C8A8] =	vst v63  }
0x28e: {  	s9 =	simm.s32 $0x0;
	s7 =	sadd.s32 @!p1 s1, s7;
	s2 =	simm.s32 @!p1 $0xCB38  }
0x28f: {  	[hbm4b:s7+s8] =	stream.linear.scatter @!p1 [tilespmem:s2], [sflag:$0x5], $0x80, $0x38;
	[tilespmem:$0x1C8A8] =	vst v63  }
0x290: {  	s9 =	simm.s32 @!p1 $0x800;
	s6 =	simm.s32 $0xC81A;
	s7 =	simm.s32 $0xCC38  }
.LBB3_53:
0x291: {  	s4 =	sadd.s32 $0xFFFFFFFF, s4;
	s0 =	sadd.s32 @!p1 s1, s0;
	s3 =	sadd.s32 s3, s9  }
0x292: {  	[hbm4b:s0+s8] =	stream.linear.scatter @!p1 [tilespmem:s10], [sflag:$0x5], $0x80, $0x38;
	[tilespmem:$0x1C8A8] =	vst v63  }
0x293: {  	p2 =	sne.s32 s4, $0x0;
	s0 =	smov.u32 s7;
	v0 =	vld.msk [tilespmem:s6+$0x0], $0x1;
	_ =	sdelay $0x4  }
0x294: {  	(v2sf) =	vpush v0, $0x0;
	_ =	sdelay $0xe  }
0x295: {  	s2 =	spop (v2sf)  }
0x296: {  	s7 =	sadd.s32 $0x200, s7;
	s6 =	sadd.s32 $0x1, s6;
	p1 =	sgt.u32 s2, $0x4FFE70  }
0x297: {  	s8 =	sand.u32 @!p1 $0x7FFFF8, s2;
	s9 =	sadd.s32 @!p1 $0x80, s2;
	s10 =	sadd.s32 @!p1 $0x100, s2  }
0x298: {  	s11 =	sadd.s32 @!p1 s1, s8;
	s8 =	sand.u32 @!p1 $0x7, s2;
	s9 =	sand.u32 @!p1 $0xFFFFF8, s9  }
0x299: {  	[hbm4b:s11+s8] =	stream.linear.scatter @!p1 [tilespmem:s0], [sflag:$0x5], $0x80, $0x38;
	[tilespmem:$0x1C8A8] =	vst v63  }
0x29a: {  	s10 =	sand.u32 @!p1 $0xFFFFF8, s10;
	s11 =	sadd.s32 @!p1 $0x80, s0;
	s9 =	sadd.s32 @!p1 s1, s9  }
0x29b: {  	[hbm4b:s9+s8] =	stream.linear.scatter @!p1 [tilespmem:s11], [sflag:$0x5], $0x80, $0x38;
	[tilespmem:$0x1C8A8] =	vst v63  }
.Ltmp46:
0x29c: {  	_ = 	snop;
	(pc) =	sbr.rel @p2 .LBB3_53-.Ltmp46, $4  }
0x29d: {  	s2 =	sadd.s32 @!p1 $0x180, s2;
	s10 =	sadd.s32 @!p1 s1, s10;
	s9 =	sadd.s32 @!p1 $0x100, s0  }
0x29e: {  	[hbm4b:s10+s8] =	stream.linear.scatter @!p1 [tilespmem:s9], [sflag:$0x5], $0x80, $0x38;
	[tilespmem:$0x1C8A8] =	vst v63  }
0x29f: {  	s9 =	simm.s32 $0x0  }
0x2a0: {  	s10 =	sadd.s32 @!p1 $0x180, s0;
	s0 =	sand.u32 @!p1 $0xFFFFF8, s2;
	s9 =	simm.s32 @!p1 $0x800  }
.LBB3_54:
0x2a1: {  	s0 =	sadd.s32 @!p1 s1, s0;
	s31 =	sadd.s32 s3, s9  }
0x2a2: {  	[hbm4b:s0+s8] =	stream.linear.scatter @!p1 [tilespmem:s10], [sflag:$0x5], $0x80, $0x38;
	[tilespmem:$0x1C8A8] =	vst v63  }
0x2a3: {  	s0 =	sshrl.u32 s31, $0x2  }
.LBB3_55:
0x2a4: {  	s2 =	simm.s32 $0x5  }
0x2a5: {  	_ =	swait.ge [sflag:s2], s0  }
0x2a6: {  	s31 =	ssub.s32 $0x0, s0;
	[sflag:s2] =	ssyncset.done $0x0  }
0x2a7: {  	[sflag:s2] =	ssyncadd.s32 s31  }
0x2a8: {  	[sflag:s2] =	ssyncpa.u1 $0x1  }
.LBB3_56:
0x2a9: {  	s0 =	sor.u32 s5, s19  }
0x2aa: {  	p1 =	sne.s32 s0, $0x0  }
.Ltmp47:
0x2ab: {  	_ = 	snop;
	(pc) =	sbr.rel @p1 .LBB3_79-.Ltmp47, $3  }
0x2ac: {  	_ =	sdelay $0x1  }
0x2ad: {  	[bflag:$0x0] =	sbarrier.arrive $0xFFFF  }
0x2ae: {  	_ =	sfence  }
0x2af: {  	s0 =	simm.s32 $0x7  }
0x2b0: {  	s2 =	simm.s32 $0x4000;
	s3 =	simm.s32 $0xC818;
	[sflag:s0] =	ssyncpa.u1 $0x0  }
0x2b1: {  	[tilespmem:s3], [sflag:$0x7] =	stream.linear.gather [spmem:s2], $0x20, $0x38;
	[tilespmem:$0x1C8A8] =	vst v63  }
0x2b2: {  	s2 =	simm.s32 $0x0;
	s3 =	simm.s32 $0xC838  }
0x2b3: {  	[tilespmem:s3], [sflag:$0x7] =	stream.linear.gather [spmem:s2], $0x4000, $0x38;
	[tilespmem:$0x1C8A8] =	vst v63  }
.Ltmp48:
0x2b4: {  	_ = 	snop;
	(pc) =	sbr.rel .LBB3_58-.Ltmp48, $4  }
0x2b5: {  	_ =	swait.ge [sflag:s0], $0x4020  }
0x2b6: {  	s4 =	simm.s32 $0x8;
	[sflag:s0] =	ssyncset.done $0x0  }
0x2b7: {  	s5 =	simm.s32 $0xC688;
	s6 =	simm.s32 $0xC708;
	[sflag:s0] =	ssyncadd.s32 $0xFFFFBFE0  }
0x2b8: {  	s7 =	simm.s32 $0xC788;
	s8 =	simm.s32 $0x0;
	[sflag:s4] =	ssyncpa.u1 $0x0  }
.LBB3_73:
0x2b9: {  	s8 =	sadd.s32 $0x1, s8  }
0x2ba: {  	p1 =	sne.s32 s8, $0x20  }
.Ltmp49:
0x2bb: {  	_ = 	snop;
	(pc) =	sbr.rel @!p1 .LBB3_74-.Ltmp49, $2  }
0x2bc: {  	_ =	sdelay $0x2  }
0x2bd: {  	s3 =	sadd.s32 $0x200, s3  }
.LBB3_58:
0x2be: {  	v0 =	vld.msk [tilespmem:s8+$0xC818], $0x1;
	_ =	sdelay $0x4  }
0x2bf: {  	(v2sf) =	vpush v0, $0x0;
	_ =	sdelay $0xe  }
0x2c0: {  	s9 =	spop (v2sf)  }
0x2c1: {  	p1 =	seq.s32 s9, $0xFFFFFFFF  }
.Ltmp50:
0x2c2: {  	_ = 	snop;
	(pc) =	sbr.rel @p1 .LBB3_73-.Ltmp50, $1  }
0x2c3: {  	_ =	sdelay $0x3  }
0x2c4: {  	p1 =	slt.s32 s2, $0x1  }
.Ltmp51:
0x2c5: {  	_ = 	snop;
	(pc) =	sbr.rel @p1 .LBB3_66-.Ltmp51, $1  }
0x2c6: {  	_ =	sdelay $0x3  }
0x2c7: {  	s10 =	simm.s32 $0xC818;
	p1 =	por $0x0, $0x0  }
0x2c8: {  	v1 =	vld.msk @!p1 [tilespmem:s10+$0x0], $0x1;
	_ =	sdelay $0x4  }
0x2c9: {  	(v2sf) =	vpush @!p1 v1, $0x0;
	_ =	sdelay $0xd  }
0x2ca: {  	p3 =	sne.s32 s2, $0x1  }
.Ltmp52:
0x2cb: {  	s0 =	spop @!p1 (v2sf);
	(pc) =	sbr.rel @!p3 .LBB3_62-.Ltmp52, $4  }
0x2cc: {  	p2 =	seq.s32 @!p1 s9, s0  }
0x2cd: {  	s11 =	simm.s32 $0x0;
	p2 =	por !p2, p1  }
0x2ce: {  	s0 =	simm.s32 $0xFFFFFFFF;
	s11 =	simm.s32 @p2 $0xFFFFFFFF  }
0x2cf: {  	s12 =	simm.s32 $0x1;
	s11 =	smov.u32 @p1 s0  }
.LBB3_61:
0x2d0: {  	s0 =	smov.u32 s11;
	p1 =	sne.s32 s11, $0xFFFFFFFF  }
0x2d1: {  	s10 =	sadd.s32 $0x1, s10;
	s11 =	smov.u32 s12;
	s12 =	sadd.s32 $0x1, s12  }
0x2d2: {  	p2 =	sne.s32 s2, s12;
	v1 =	vld.msk @!p1 [tilespmem:s10+$0x0], $0x1;
	_ =	sdelay $0x4  }
0x2d3: {  	(v2sf) =	vpush @!p1 v1, $0x0;
	_ =	sdelay $0xe  }
.Ltmp53:
0x2d4: {  	s13 =	spop @!p1 (v2sf);
	(pc) =	sbr.rel @p2 .LBB3_61-.Ltmp53, $4  }
0x2d5: {  	p3 =	seq.s32 @!p1 s9, s13  }
0x2d6: {  	p3 =	por !p3, p1  }
0x2d7: {  	s11 =	simm.s32 @p3 $0xFFFFFFFF  }
0x2d8: {  	s11 =	smov.u32 @p1 s0  }
.LBB3_62:
0x2d9: {  	p1 =	seq.s32 s11, $0xFFFFFFFF  }
.Ltmp54:
0x2da: {  	_ = 	snop;
	(pc) =	sbr.rel @p1 .LBB3_66-.Ltmp54, $1  }
0x2db: {  	_ =	sdelay $0x3  }
0x2dc: {  	s0 =	sshll.u32 s11, $0xB  }
0x2dd: {  	s0 =	sshra.s32 s0, $0x2  }
0x2de: {  	v0 =	vld [tilespmem:s3+$0x0];
	s10 =	smov.u32 s3;
	s9 =	sadd.s32 $0xC838, s0;
	s0 =	simm.s32 $0x0  }
.LBB3_64:
0x2df: {  	s0 =	sadd.s32 $0x10, s0  }
0x2e0: {  	p1 =	slt.u32 s0, $0x1F0  }
.Ltmp55:
0x2e1: {  	_ = 	snop;
	(pc) =	sbr.rel @p1 .LBB3_64-.Ltmp55, $3  }
0x2e2: {  	_ =	sdelay $0x1  }
0x2e3: {  	s10 =	sadd.s32 $0x10, s10;
	[tilespmem:s9+$0x0] =	vst.add.f32.msk $0xffff, v0;
	s9 =	sadd.s32 $0x10, s9  }
0x2e4: {  	v0 =	vld [tilespmem:s10+$0x0]  }
.Ltmp56:
0x2e5: {  	_ = 	snop;
	(pc) =	sbr.rel .LBB3_73-.Ltmp56, $2  }
0x2e6: {  	_ =	sdelay $0x2  }
0x2e7: {  	[tilespmem:s9+$0x0] =	vst.add.f32.msk $0xffff, v0  }
.LBB3_66:
0x2e8: {  	p1 =	sgt.u32 s9, $0x4FFE70  }
.Ltmp57:
0x2e9: {  	_ = 	snop;
	(pc) =	sbr.rel @p1 .LBB3_70-.Ltmp57, $1  }
0x2ea: {  	_ =	sdelay $0x3  }
0x2eb: {  	s0 =	sand.u32 $0x7FFFF8, s9;
	s11 =	sand.u32 $0x7, s9  }
0x2ec: {  	s10 =	simm.s32 $0xC608;
	s29 =	sadd.s32 $0x80, s9;
	s0 =	sadd.s32 s1, s0  }
0x2ed: {  	[tilespmem:s10], [sflag:$0x8] =	stream.linear.gather [hbm4b:s0+s11], $0x80, $0x38;
	[tilespmem:$0x1C8A8] =	vst v63  }
0x2ee: {  	s0 =	sand.u32 $0xFFFFF8, s29  }
0x2ef: {  	s30 =	sadd.s32 $0x100, s9;
	s0 =	sadd.s32 s1, s0  }
0x2f0: {  	[tilespmem:s5], [sflag:$0x8] =	stream.linear.gather [hbm4b:s0+s11], $0x80, $0x38;
	[tilespmem:$0x1C8A8] =	vst v63  }
0x2f1: {  	s0 =	sand.u32 $0xFFFFF8, s30  }
0x2f2: {  	s31 =	sadd.s32 $0x180, s9;
	s0 =	sadd.s32 s1, s0  }
0x2f3: {  	[tilespmem:s6], [sflag:$0x8] =	stream.linear.gather [hbm4b:s0+s11], $0x80, $0x38;
	[tilespmem:$0x1C8A8] =	vst v63  }
0x2f4: {  	s0 =	sand.u32 $0xFFFFF8, s31  }
0x2f5: {  	s0 =	sadd.s32 s1, s0  }
0x2f6: {  	[tilespmem:s7], [sflag:$0x8] =	stream.linear.gather [hbm4b:s0+s11], $0x80, $0x38;
	[tilespmem:$0x1C8A8] =	vst v63  }
0x2f7: {  	_ =	swait.ge [sflag:s4], $0x200  }
0x2f8: {  	[sflag:s4] =	ssyncset.done $0x0  }
0x2f9: {  	[sflag:s4] =	ssyncadd.s32 $0xFFFFFE00  }
0x2fa: {  	s9 =	smov.u32 s3;
	s0 =	simm.s32 $0x0;
	v1 =	vld [tilespmem:s10+$0x0]  }
.LBB3_68:
0x2fb: {  	s0 =	sadd.s32 $0x10, s0  }
0x2fc: {  	p1 =	slt.u32 s0, $0x1F0  }
.Ltmp58:
0x2fd: {  	_ = 	snop;
	(pc) =	sbr.rel @p1 .LBB3_68-.Ltmp58, $3  }
0x2fe: {  	_ =	sdelay $0x1  }
0x2ff: {  	s10 =	sadd.s32 $0x10, s10;
	[tilespmem:s9+$0x0] =	vst.add.f32.msk $0xffff, v1;
	s9 =	sadd.s32 $0x10, s9  }
0x300: {  	v1 =	vld [tilespmem:s10+$0x0]  }
0x301: {  	_ =	sdelay $0x3  }
0x302: {  	[tilespmem:s9+$0x0] =	vst.add.f32.msk $0xffff, v1  }
.LBB3_70:
0x303: {  	s0 =	sshll.u32 s2, $0xB  }
0x304: {  	[tilespmem:s2+$0xC818] =	vst.msk $0x1, v0;
	s0 =	sshra.s32 s0, $0x2  }
0x305: {  	s10 =	smov.u32 s3;
	v0 =	vld [tilespmem:s3+$0x0];
	s9 =	sadd.s32 $0xC838, s0;
	s0 =	simm.s32 $0x0  }
.LBB3_71:
0x306: {  	s0 =	sadd.s32 $0x10, s0  }
0x307: {  	p1 =	slt.u32 s0, $0x1F0  }
.Ltmp59:
0x308: {  	_ = 	snop;
	(pc) =	sbr.rel @p1 .LBB3_71-.Ltmp59, $3  }
0x309: {  	_ =	sdelay $0x1  }
0x30a: {  	s10 =	sadd.s32 $0x10, s10;
	[tilespmem:s9+$0x0] =	vst v0;
	s9 =	sadd.s32 $0x10, s9  }
0x30b: {  	v0 =	vld [tilespmem:s10+$0x0]  }
.Ltmp60:
0x30c: {  	_ = 	snop;
	(pc) =	sbr.rel .LBB3_73-.Ltmp60, $2  }
0x30d: {  	_ =	sdelay $0x2  }
0x30e: {  	s2 =	sadd.s32 $0x1, s2;
	[tilespmem:s9+$0x0] =	vst v0  }
.LBB3_74:
0x30f: {  	p1 =	slt.s32 s2, $0x1  }
.Ltmp61:
0x310: {  	_ = 	snop;
	(pc) =	sbr.rel @p1 .LBB3_78-.Ltmp61, $3  }
0x311: {  	_ =	sdelay $0x1  }
0x312: {  	s0 =	simm.s32 $0x8  }
0x313: {  	s3 =	simm.s32 $0x0;
	[sflag:s0] =	ssyncpa.u1 $0x1  }
0x314: {  	s0 =	simm.s32 $0xC818  }
0x315: {  	v0 =	vld.msk [tilespmem:s0+$0x0], $0x1;
	_ =	sdelay $0x4  }
0x316: {  	(v2sf) =	vpush v0, $0x0;
	_ =	sdelay $0xe  }
0x317: {  	s8 =	spop (v2sf)  }
0x318: {  	s2 =	sadd.s32 $0xFFFFFFFF, s2;
	s0 =	simm.s32 $0xC838;
	p1 =	sgt.u32 s8, $0x4FFE70  }
0x319: {  	p2 =	sne.s32 s2, $0x0;
	s4 =	sand.u32 @!p1 $0x7FFFF8, s8;
	s5 =	sadd.s32 @!p1 $0x80, s8  }
0x31a: {  	s6 =	sand.u32 @!p1 $0x7, s8;
	s4 =	sadd.s32 @!p1 s1, s4;
	s5 =	sand.u32 @!p1 $0xFFFFF8, s5  }
0x31b: {  	[hbm4b:s4+s6] =	stream.linear.scatter @!p1 [tilespmem:s0], [sflag:$0x7], $0x80, $0x38;
	[tilespmem:$0x1C8A8] =	vst v63  }
0x31c: {  	s9 =	sadd.s32 @!p1 $0x100, s8;
	s0 =	simm.s32 @!p1 $0xC8B8;
	s4 =	sadd.s32 @!p1 s1, s5  }
0x31d: {  	[hbm4b:s4+s6] =	stream.linear.scatter @!p1 [tilespmem:s0], [sflag:$0x7], $0x80, $0x38;
	[tilespmem:$0x1C8A8] =	vst v63  }
.Ltmp62:
0x31e: {  	s5 =	sand.u32 @!p1 $0xFFFFF8, s9;
	(pc) =	sbr.rel @!p2 .LBB3_77-.Ltmp62, $4  }
0x31f: {  	s7 =	simm.s32 $0x0;
	s0 =	simm.s32 @!p1 $0xC938;
	s4 =	sadd.s32 @!p1 s1, s5  }
0x320: {  	[hbm4b:s4+s6] =	stream.linear.scatter @!p1 [tilespmem:s0], [sflag:$0x7], $0x80, $0x38;
	[tilespmem:$0x1C8A8] =	vst v63  }
0x321: {  	s7 =	simm.s32 @!p1 $0x800;
	s5 =	simm.s32 $0xCA38;
	s0 =	sadd.s32 @!p1 $0x180, s8  }
0x322: {  	s4 =	simm.s32 $0xC819;
	s8 =	simm.s32 @!p1 $0xC9B8;
	s0 =	sand.u32 @!p1 $0xFFFFF8, s0  }
.LBB3_76:
0x323: {  	s2 =	sadd.s32 $0xFFFFFFFF, s2;
	s0 =	sadd.s32 @!p1 s1, s0;
	s3 =	sadd.s32 s3, s7  }
0x324: {  	[hbm4b:s0+s6] =	stream.linear.scatter @!p1 [tilespmem:s8], [sflag:$0x7], $0x80, $0x38;
	[tilespmem:$0x1C8A8] =	vst v63  }
0x325: {  	p2 =	sne.s32 s2, $0x0;
	s0 =	smov.u32 s5;
	v0 =	vld.msk [tilespmem:s4+$0x0], $0x1;
	_ =	sdelay $0x4  }
0x326: {  	(v2sf) =	vpush v0, $0x0;
	_ =	sdelay $0xe  }
0x327: {  	s7 =	spop (v2sf)  }
0x328: {  	s5 =	sadd.s32 $0x200, s5;
	s4 =	sadd.s32 $0x1, s4;
	p1 =	sgt.u32 s7, $0x4FFE70  }
0x329: {  	s6 =	sand.u32 @!p1 $0x7FFFF8, s7;
	s8 =	sadd.s32 @!p1 $0x80, s7;
	s9 =	sadd.s32 @!p1 $0x100, s7  }
0x32a: {  	s10 =	sadd.s32 @!p1 s1, s6;
	s6 =	sand.u32 @!p1 $0x7, s7;
	s8 =	sand.u32 @!p1 $0xFFFFF8, s8  }
0x32b: {  	[hbm4b:s10+s6] =	stream.linear.scatter @!p1 [tilespmem:s0], [sflag:$0x7], $0x80, $0x38;
	[tilespmem:$0x1C8A8] =	vst v63  }
0x32c: {  	s9 =	sand.u32 @!p1 $0xFFFFF8, s9;
	s10 =	sadd.s32 @!p1 $0x80, s0  }
.Ltmp63:
0x32d: {  	s8 =	sadd.s32 @!p1 s1, s8;
	s9 =	sadd.s32 @!p1 s1, s9;
	(pc) =	sbr.rel @p2 .LBB3_76-.Ltmp63, $4  }
0x32e: {  	[hbm4b:s8+s6] =	stream.linear.scatter @!p1 [tilespmem:s10], [sflag:$0x7], $0x80, $0x38;
	[tilespmem:$0x1C8A8] =	vst v63  }
0x32f: {  	s8 =	sadd.s32 @!p1 $0x100, s0;
	s10 =	sadd.s32 @!p1 $0x180, s7;
	s7 =	simm.s32 $0x0  }
0x330: {  	[hbm4b:s9+s6] =	stream.linear.scatter @!p1 [tilespmem:s8], [sflag:$0x7], $0x80, $0x38;
	[tilespmem:$0x1C8A8] =	vst v63  }
0x331: {  	s7 =	simm.s32 @!p1 $0x800;
	s8 =	sadd.s32 @!p1 $0x180, s0;
	s0 =	sand.u32 @!p1 $0xFFFFF8, s10  }
.LBB3_77:
0x332: {  	s0 =	sadd.s32 @!p1 s1, s0;
	s31 =	sadd.s32 s3, s7  }
0x333: {  	[hbm4b:s0+s6] =	stream.linear.scatter @!p1 [tilespmem:s8], [sflag:$0x7], $0x80, $0x38;
	[tilespmem:$0x1C8A8] =	vst v63  }
0x334: {  	s3 =	sshrl.u32 s31, $0x2  }
.LBB3_78:
0x335: {  	s0 =	simm.s32 $0x7  }
0x336: {  	_ =	swait.ge [sflag:s0], s3  }
0x337: {  	s1 =	ssub.s32 $0x0, s3;
	[sflag:s0] =	ssyncset.done $0x0  }
0x338: {  	[sflag:s0] =	ssyncadd.s32 s1  }
0x339: {  	[sflag:s0] =	ssyncpa.u1 $0x1  }
.LBB3_79:
0x33a: {  	_ =	sfence;
	s0 =	simm.s32 $0x1  }
0x33b: {  	[sflag:s0] =	ssyncpa.u1 $0x1  }
0x33c: {  	_ =	strace $0x90000050  }
0x33d: {  	[bflag:$0x2] =	sbarrier.arrive $0xFFFF  }
0x33e: {  	s0 =	rddreg [dreg:$0x3]  }
0x33f: {  	s0 =	sadd.s32 @!p0 $0x100000, s0  }
0x340: {  	[sflag:s0] =	ssyncadd.tile.s32 @!p0 $0x1;
	_ =	shalt  }
.Lfunc_end3:
_tile_overlayer_lowered:
.L_overlay_start_3:
0x341: {  	(tag) =	ssettag $0x3  }
0x342: {  	s0 =	rddreg [dreg:$0x0];
	s2 =	stileid.u32  }
0x343: {  	s1 =	rddreg [dreg:$0x1];
	p0 =	sne.s32 s2, $0x0  }
0x344: {  	s3 =	rddreg [dreg:$0x2];
	[bflag:$0x3] =	sbarrier.arrive $0xFFFF;
	s2 =	simm.s32 @!p0 $0x1C01  }
0x345: {  	[timem:s3], [sflag:s2] =	dma.local @!p0 [hbm:s0], s1  }
0x346: {  	s0 =	simm.s32 @!p0 $0x1  }
0x347: {  	_ =	swait.ge @!p0 [sflag:s0], s1  }
0x348: {  	s1 =	ssub.s32 @!p0 $0x0, s1;
	[sflag:s0] =	ssyncset.done @!p0 $0x0  }
0x349: {  	[sflag:s0] =	ssyncadd.s32 @!p0 s1  }
0x34a: {  	[bflag:$0x3] =	sbarrier.arrive $0xFFFF  }
0x34b: {  	_ =	shalt  }

// kernel: scatter_offload_async_start.3
scs
__scs_entry_jumppad:
0x0: {  	(pc) =	sbr.rel $0x88, $3  }
0x1: {  	(tag) =	ssettag $0x0;
	lr =	simm.s32 $0x1  }
0x2: {  	[smem:$0x3F95] =	sst lr;
	_ =	strace $0xD0000000  }
0x3: {  	_ = 	snop  }
0x4: {  	_ = 	snop  }
0x5: {  	_ = 	snop  }
0x6: {  	_ = 	snop  }
0x7: {  	_ = 	snop  }
__scs_overlays_trampoline_lowered:
0x8: {  	[smem:$0x3FA4] =	sst s0  }
0x9: {  	[smem:$0x3FA5] =	sst s1  }
0xa: {  	[smem:$0x3FA6] =	sst s2  }
0xb: {  	[smem:$0x3FA7] =	sst s3  }
0xc: {  	[smem:$0x3FA8] =	sst s4  }
0xd: {  	[smem:$0x3FA9] =	sst s5  }
0xe: {  	[smem:$0x3FAA] =	sst s6  }
0xf: {  	[smem:$0x3FAB] =	sst s7  }
0x10: {  	[smem:$0x3FAC] =	sst s8  }
0x11: {  	[smem:$0x3FAD] =	sst s9;
	s0 =	simm.s32 @!p0 $0x0  }
0x12: {  	s1 =	sld [smem:$0x3F93];
	s0 =	simm.s32 @p0 $0x1  }
0x13: {  	[smem:$0x3FAE] =	sst s0;
	s0 =	simm.s32 @!p1 $0x0  }
0x14: {  	s2 =	sld [smem:$0x3F92];
	s0 =	simm.s32 @p1 $0x1  }
0x15: {  	[smem:$0x3FAF] =	sst s0;
	s0 =	simm.s32 @!p2 $0x0  }
0x16: {  	s3 =	sld [smem:$0x3FDB];
	s0 =	simm.s32 @p2 $0x1  }
0x17: {  	s4 =	simm.s32 $0x1BF5;
	[smem:$0x3FB1] =	sst s0  }
0x18: {  	s0 =	sld [smem:$0x3F94];
	_ =	swait.ge [sflag:s4], $0x0  }
0x19: {  	s7 =	sld [smem:$0x3F95]  }
0x1a: {  	s8 =	sadd.s32 $0xFFFFE003, lr  }
0x1b: {  	s9 =	sadd.s32 $0xFFFFFEF7, lr;
	s5 =	simm.s32 $0xFFFFFFFF;
	p2 =	slt.u32 s8, $0xFFFFF086  }
0x1c: {  	p1 =	slt.u32 s9, $0xF7A;
	s5 =	simm.s32 @!p2 $0x0  }
0x1d: {  	s5 =	simm.s32 @p1 $0x1;
	p0 =	seq.s32 s7, s2  }
0x1e: {  	s7 =	smul.u32 @!p0 $0xF7A, s2;
	p2 =	seq.s32 @!p0 s5, $0x0  }
0x1f: {  	s9 =	smul.u32 $0xF7A, s1;
	s8 =	simm.s32 @!p0 $0x1BF5;
	p2 =	por !p2, p0  }
0x20: {  	[sflag:s8] =	ssyncset.s32 @!p0 $0xFFFFF086;
	s6 =	sadd.s32 @!p0 s3, s7;
	s7 =	simm.s32 @!p0 $0x108  }
0x21: {  	s3 =	sadd.s32 s3, s9;
	s6 =	sadd.s32 @!p0 $0x88, s6;
	s7 =	simm.s32 @p2 $0x1082  }
0x22: {  	[simem:s7], [sflag:s8] =	dma.local @!p0 [hbm:s6], $0xF7A  }
0x23: {  	s9 =	sor.u32 $0xD0000000, s2;
	s6 =	simm.s32 $0x108;
	_ =	swait.ge @!p0 [sflag:s8], $0x0  }
0x24: {  	s3 =	sadd.s32 $0x88, s3;
	s6 =	simm.s32 @!p1 $0x1082;
	[sflag:s4] =	ssyncset.s32 $0xFFFFF086  }
0x25: {  	[simem:s6], [sflag:s4] =	dma.local [hbm:s3], $0xF7A  }
0x26: {  	[smem:$0x3F95] =	sst s1;
	(tag) =	ssettag s2;
	_ =	strace s9  }
0x27: {  	s1 =	sld [smem:$0x3FA5]  }
0x28: {  	s2 =	sld [smem:$0x3FA6]  }
0x29: {  	s4 =	sld [smem:$0x3FA8]  }
0x2a: {  	p0 =	seq.s32 s5, $0x0;
	s5 =	sld [smem:$0x3FA9]  }
0x2b: {  	s6 =	sld [smem:$0x3FAA]  }
0x2c: {  	s7 =	sld [smem:$0x3FAB]  }
0x2d: {  	s3 =	simm.s32 $0x108;
	s8 =	sld [smem:$0x3FAC]  }
0x2e: {  	s3 =	simm.s32 @!p0 $0x1082;
	s9 =	sld [smem:$0x3FAD]  }
0x2f: {  	lr =	sadd.s32 s0, s3;
	s0 =	sld [smem:$0x3FA4]  }
0x30: {  	s3 =	sld [smem:$0x3FA7]  }
0x31: {  	[smem:$0x3FB0] =	sst s10  }
0x32: {  	s10 =	sld [smem:$0x3FAE];
	_ =	sdelay $0x3  }
0x33: {  	p0 =	seq.s32 s10, $0x1;
	s10 =	sld [smem:$0x3FB0];
	_ =	sdelay $0x3  }
0x34: {  	[smem:$0x3FB0] =	sst s10  }
0x35: {  	s10 =	sld [smem:$0x3FAF];
	_ =	sdelay $0x3  }
0x36: {  	p1 =	seq.s32 s10, $0x1;
	s10 =	sld [smem:$0x3FB0];
	_ =	sdelay $0x3  }
0x37: {  	[smem:$0x3FB0] =	sst s10  }
0x38: {  	s10 =	sld [smem:$0x3FB1]  }
0x39: {  	_ = 	snop;
	(pc) =	sbr.ind lr, $3  }
0x3a: {  	_ = 	snop  }
0x3b: {  	_ = 	snop  }
0x3c: {  	p2 =	seq.s32 s10, $0x1;
	s10 =	sld [smem:$0x3FB0]  }
0x3d: {  	_ =	shalt  }
0x3e: {  	_ =	shalt  }
0x3f: {  	_ =	shalt  }
0x40: {  	_ =	shalt  }
0x41: {  	_ =	shalt  }
0x42: {  	_ =	shalt  }
0x43: {  	_ =	shalt  }
0x44: {  	_ =	shalt  }
0x45: {  	_ =	shalt  }
0x46: {  	_ =	shalt  }
0x47: {  	_ =	shalt  }
0x48: {  	_ =	shalt  }
0x49: {  	_ =	shalt  }
0x4a: {  	_ =	shalt  }
0x4b: {  	_ =	shalt  }
0x4c: {  	_ =	shalt  }
0x4d: {  	_ =	shalt  }
0x4e: {  	_ =	shalt  }
0x4f: {  	_ =	shalt  }
0x50: {  	_ =	shalt  }
0x51: {  	_ =	shalt  }
0x52: {  	_ =	shalt  }
0x53: {  	_ =	shalt  }
0x54: {  	_ =	shalt  }
0x55: {  	_ =	shalt  }
0x56: {  	_ =	shalt  }
0x57: {  	_ =	shalt  }
0x58: {  	_ =	shalt  }
0x59: {  	_ =	shalt  }
0x5a: {  	_ =	shalt  }
0x5b: {  	_ =	shalt  }
0x5c: {  	_ =	shalt  }
0x5d: {  	_ =	shalt  }
0x5e: {  	_ =	shalt  }
0x5f: {  	_ =	shalt  }
0x60: {  	_ =	shalt  }
0x61: {  	_ =	shalt  }
0x62: {  	_ =	shalt  }
0x63: {  	_ =	shalt  }
0x64: {  	_ =	shalt  }
0x65: {  	_ =	shalt  }
0x66: {  	_ =	shalt  }
0x67: {  	_ =	shalt  }
0x68: {  	_ =	shalt  }
0x69: {  	_ =	shalt  }
0x6a: {  	_ =	shalt  }
0x6b: {  	_ =	shalt  }
0x6c: {  	_ =	shalt  }
0x6d: {  	_ =	shalt  }
0x6e: {  	_ =	shalt  }
0x6f: {  	_ =	shalt  }
0x70: {  	_ =	shalt  }
0x71: {  	_ =	shalt  }
0x72: {  	_ =	shalt  }
0x73: {  	_ =	shalt  }
0x74: {  	_ =	shalt  }
0x75: {  	_ =	shalt  }
0x76: {  	_ =	shalt  }
0x77: {  	_ =	shalt  }
0x78: {  	_ =	shalt  }
0x79: {  	_ =	shalt  }
0x7a: {  	_ =	shalt  }
0x7b: {  	_ =	shalt  }
0x7c: {  	_ =	shalt  }
0x7d: {  	_ =	shalt  }
0x7e: {  	_ =	shalt  }
0x7f: {  	_ =	shalt  }
0x80: {  	_ =	shalt  }
0x81: {  	_ =	shalt  }
0x82: {  	_ =	shalt  }
0x83: {  	_ =	shalt  }
0x84: {  	_ =	shalt  }
0x85: {  	_ =	shalt  }
0x86: {  	_ =	shalt  }
0x87: {  	_ =	shalt  }
.Lfunc_end0:
.L_simem_size_0:
called_computation.3_lowered:
.L_overlay_start_0:
0x88: {  	s2 =	sld [smem:$0x3FD9]  }
0x89: {  	s3 =	sld [smem:$0x3FFE];
	_ =	sdelay $0x1  }
0x8a: {  	s1 =	srdreg.scid  }
0x8b: {  	s0 =	sand.u32 $0x1, s1  }
0x8c: {  	s15 =	sshll.u32 s0, $0xA;
	s2 =	sadd.s32 s3, s2  }
0x8d: {  	s2 =	sadd.s32 s2, s15  }
0x8e: {  	[smem:$0x3FBC] =	sst s2  }
0x8f: {  	_ = 	snop  }
0x90: {  	(tm) =	ssettm $0x1  }
0x91: {  	s16 =	sld [smem:$0x3FFB];
	_ =	sdelay $0x3  }
0x92: {  	_ =	strace s16  }
0x93: {  	s2 =	sld [smem:$0x3FFC];
	_ =	sdelay $0x3  }
0x94: {  	_ =	strace s2  }
0x95: {  	s2 =	sld [smem:$0x3FFD];
	_ =	sdelay $0x3  }
0x96: {  	_ =	strace s2  }
0x97: {  	_ =	strace $0x8FFFFFFF  }
0x98: {  	s17 =	sld [smem:$0x3FDB];
	_ =	sdelay $0x1  }
0x99: {  	s18 =	simm.s32 $_scs_section_size  }
0x9a: {  	s4 =	simm.s32 $_size__tile_overlayer_lowered;
	s5 =	simm.s32 $_tile_overlayer_lowered  }
0x9b: {  	s21 =	simm.s32 $0x1BFF;
	s20 =	sshll.u32 s5, $0x1;
	s2 =	sadd.s32 s18, s17  }
0x9c: {  	s6 =	simm.s32 $0x0;
	s19 =	sshll.u32 s4, $0x1;
	s4 =	sadd.s32 s20, s2  }
0x9d: {  	[timem:s6], [sflag:s21] =	dma.local [hbm:s4], s19  }
0x9e: {  	_ =	swait.ge [sflag:s21], s19  }
0x9f: {  	s3 =	ssub.s32 $0x0, s19;
	[sflag:s21] =	ssyncset.done $0x0  }
0xa0: {  	[sflag:s21] =	ssyncadd.s32 s3;
	_ =	sdelay $0x1  }
0xa1: {  	s22 =	simm.s32 $0x1B8B  }
0xa2: {  	_ =	swait.ge [sflag:s22], $0x1  }
0xa3: {  	[sflag:s22] =	ssyncset.done $0x0  }
0xa4: {  	s23 =	sld [smem:$0x3FFE];
	[sflag:s22] =	ssyncadd.s32 $0xFFFFFFFF  }
0xa5: {  	s25 =	simm.s32 $0x1B8E;
	s24 =	sld [smem:$0x0]  }
0xa6: {  	s26 =	simm.s32 $execute0_lowered;
	[smem:$0x3FD2] =	sst s25  }
0xa7: {  	s5 =	sshll.u32 s26, $0x1;
	_ =	strace $0x80000052;
	[dreg:$0x1] =	wrdreg $0xFFFFFFFF  }
0xa8: {  	s28 =	simm.s32 $_size_execute0_lowered;
	s2 =	sadd.s32 s2, s5;
	[dreg:$0x0] =	wrdreg $0x0  }
0xa9: {  	s5 =	sshll.u32 s28, $0x1;
	[dreg:$0x2] =	wrdreg s2  }
0xaa: {  	[dreg:$0x3] =	wrdreg s5  }
0xab: {  	[dreg:$0x4] =	wrdreg $0xC0  }
0xac: {  	_ =	task [dreg:s6], $0x5FFFF  }
0xad: {  	[dreg:$0x1] =	wrdreg $0xFFFFFFFF  }
0xae: {  	[dreg:$0x0] =	wrdreg $0x60  }
0xaf: {  	[dreg:$0x2] =	wrdreg s23  }
0xb0: {  	[dreg:$0x3] =	wrdreg s1  }
0xb1: {  	[dreg:$0x4] =	wrdreg s24  }
0xb2: {  	[dreg:$0x5] =	wrdreg $0x9  }
0xb3: {  	_ =	task.clear_ibuf [dreg:s6], $0x6FFFF;
	_ =	strace $0x90000052  }
0xb4: {  	s29 =	simm.s32 $0x9;
	_ =	strace $0x80000054  }
0xb5: {  	_ =	swait.ge [sflag:s29], $0x1  }
0xb6: {  	[sflag:s29] =	ssyncadd.s32 $0xFFFFFFFF  }
0xb7: {  	_ =	strace $0x90000054  }
0xb8: {  	_ =	sfence  }
0xb9: {  	s30 =	sld [smem:$0x0];
	_ =	sdelay $0x2  }
0xba: {  	s31 =	sshll.u32 s1, $0xD;
	s1 =	sshrl.u32 s1, $0x2  }
0xbb: {  	s3 =	sand.u32 $0x4000, s31;
	s1 =	sadd.s32 s1, s30  }
0xbc: {  	s0 =	sor.u32 s3, s0;
	s1 =	sshll.u32 s1, $0x11  }
0xbd: {  	s0 =	sor.u32 s1, s0  }
0xbe: {  	s0 =	sadd.s32 $0x8F2B, s0  }
0xbf: {  	[sflag:s0] =	ssyncadd.remote.s32 $0x1  }
0xc0: {  	_ =	sfence.sel $0xFFFF  }
0xc1: {  	[dreg:$0x0] =	wrdreg $0xFFFFFFFF;
	(pc) =	sbr.abs _section_cstart, $3  }
0xc2: {  	[dreg:$0x1] =	wrdreg $0xFFFFFFFF  }
0xc3: {  	_ =	task.clear_ibuf [dreg:s6], $0x2FFFF;
	_ =	strace $0x9FFFFFFF  }
0xc4: {  	(tm) =	ssettm $0x7FFFFFFF  }
0xc5: {  	_ =	shalt  }
tec
execute0_lowered:
.L_overlay_start_1:
0x0: {  	(tag) =	ssettag $0x1  }
0x1: {  	s14 =	rddreg [dreg:$0x0];
	_ =	strace $0x80000053;
	s0 =	simm.s32 $0x1  }
0x2: {  	s9 =	simm.s32 $0x408;
	v0 =	vimm.s32 $0x0;
	[sflag:s0] =	ssyncpa.u1 $0x0  }
0x3: {  	[tilespmem:s9+$0x70] =	vst v0  }
0x4: {  	[tilespmem:s9+$0x60] =	vst v0  }
0x5: {  	[tilespmem:s9+$0x50] =	vst v0  }
0x6: {  	[tilespmem:s9+$0x40] =	vst v0  }
0x7: {  	[tilespmem:s9+$0x30] =	vst v0  }
0x8: {  	[tilespmem:s9+$0x20] =	vst v0  }
0x9: {  	s2 =	simm.s32 $0x40;
	s1 =	sadd.s32 $0xA6E000, s14;
	s6 =	sadd.s32 $0xF6E000, s14;
	[tilespmem:s9+$0x10] =	vst v0  }
.LBB2_1:
0xa: {  	s2 =	sadd.s32 $0x40, s2;
	[tilespmem:s9+$0x0] =	vst v0;
	s9 =	sadd.s32 $0x80, s9  }
0xb: {  	p0 =	slt.u32 s2, $0x3100;
	[tilespmem:s9+$0x70] =	vst v0  }
0xc: {  	[tilespmem:s9+$0x60] =	vst v0  }
.Ltmp0:
0xd: {  	[tilespmem:s9+$0x50] =	vst v0;
	(pc) =	sbr.rel @p0 .LBB2_1-.Ltmp0, $4  }
0xe: {  	[tilespmem:s9+$0x40] =	vst v0  }
0xf: {  	[tilespmem:s9+$0x30] =	vst v0  }
0x10: {  	[tilespmem:s9+$0x20] =	vst v0  }
0x11: {  	[tilespmem:s9+$0x10] =	vst v0  }
0x12: {  	s0 =	srdreg.scid  }
0x13: {  	s0 =	sshll.u32 s0, $0x4  }
0x14: {  	s2 =	stileid.u32;
	s0 =	sand.u32 $0x10, s0  }
0x15: {  	s0 =	sor.u32 s2, s0  }
0x16: {  	s7 =	smul.u32 $0x68, s0  }
0x17: {  	s8 =	smin.u32 s0, $0x6  }
0x18: {  	s7 =	sor.u32 s8, s7  }
0x19: {  	p0 =	slt.u32 s0, $0x6;
	s0 =	simm.s32 $0x13B0;
	s7 =	smul.u32 $0x30, s7  }
0x1a: {  	s0 =	simm.s32 @!p0 $0x1380  }
0x1b: {  	s0 =	sadd.s32 s0, s7  }
0x1c: {  	s8 =	smin.u32 s0, $0x27120  }
0x1d: {  	s0 =	ssub.s32 s8, s7  }
0x1e: {  	p0 =	sgt.s32 s0, $0x0  }
0x1f: {  	s0 =	simm.s32 @!p0 $0x0  }
0x20: {  	s10 =	smulhi.u32 $0x2AAAAAAB, s0;
	_ =	sdelay $0x1  }
0x21: {  	s3 =	simm.s32 $0x2;
	s12 =	sshrl.u32 s10, $0x3  }
0x22: {  	s31 =	simm.s32 $0x9;
	s18 =	simm.s32 $0x0;
	s11 =	smul.u32 $0x30, s12  }
.Ltmp1:
0x23: {  	[tilespmem:s9+$0x0] =	vst v0;
	p1 =	por $0x0, $0x0;
	s9 =	simm.s32 $0xA;
	(pc) =	sbr.rel .LBB2_3-.Ltmp1, $4  }
0x24: {  	s15 =	simm.s32 $0x80;
	s17 =	simm.s32 $0x0;
	[sflag:s3] =	ssyncpa.u1 $0x0  }
0x25: {  	v0 =	vimm.s32 $0xFFFFFFFF;
	s13 =	sshll.u32 s2, $0xA;
	p0 =	sne.s32 s0, s11;
	s0 =	simm.s32 $0x1  }
0x26: {  	[tilespmem:$0xC808] =	vst v0;
	[sflag:s31] =	ssyncpa.u1 $0x0;
	s16 =	smov.u32 s7;
	s0 =	simm.s32 @!p0 $0x0  }
0x27: {  	v0 =	vlaneseq.u32;
	s11 =	simm.s32 $0x1;
	p0 =	por $0x1, $0x1;
	s12 =	sadd.s32 s0, s12  }
.LBB2_27:
0x28: {  	s0 =	sshrl.u32 s25, $0x2  }
.LBB2_29:
0x29: {  	_ =	swait.ge [sflag:s9], s0  }
0x2a: {  	s31 =	ssub.s32 $0x0, s0;
	v1 =	vmov s20;
	vm0 =	veq.s32 v0, $0x0;
	[sflag:s9] =	ssyncset.done $0x0  }
0x2b: {  	vm15 =	veq.s32 v0, $0x2;
	v1 =	vsel vm0, s24, v1;
	[sflag:s9] =	ssyncadd.s32 s31  }
0x2c: {  	v1 =	vsel vm15, s18, v1;
	[sflag:s9] =	ssyncpa.u1 $0x1  }
0x2d: {  	[tilespmem:$0xC808] =	vst v1  }
.LBB2_30:
0x2e: {  	s0 =	sadd.s32 $0x30, s16  }
0x2f: {  	s2 =	smov.u32 s7;
	p2 =	slt.s32 s0, s8  }
0x30: {  	s2 =	smov.u32 @p2 s0;
	p2 =	sne.s32 s17, s12  }
.Ltmp2:
0x31: {  	_ = 	snop;
	(pc) =	sbr.rel @!p2 .LBB2_31-.Ltmp2, $3  }
0x32: {  	_ =	sdelay $0x1  }
0x33: {  	s31 =	sadd.s32 $0x1, s17;
	s18 =	smov.u32 s16;
	p0 =	por !p0, !p0  }
0x34: {  	p1 =	por !p1, !p1;
	s17 =	smov.u32 s31;
	s16 =	smov.u32 s2  }
.LBB2_3:
0x35: {  	p2 =	sge.u32 s17, s12  }
0x36: {  	p3 =	sgt.s32 @!p2 s16, $0x270F0  }
0x37: {  	s0 =	smov.u32 s16;
	s19 =	sshra.s32 @!p2 s16, $0x1F;
	p3 =	por !p3, p2  }
0x38: {  	s19 =	sand.u32 @!p2 s19, s16;
	s0 =	simm.s32 @p3 $0x270F0  }
0x39: {  	s0 =	ssub.s32 @!p2 s0, s19;
	s19 =	sxor.u32 @!p2 $0xFFFFFFFF, s17  }
0x3a: {  	s0 =	sadd.s32 @!p2 $0xFFFD8F10, s0;
	s19 =	sand.u32 @!p2 $0x1, s19  }
0x3b: {  	s20 =	sshll.u32 @!p2 s0, $0x2;
	p3 =	sgt.s32 @!p2 s0, $0x2F;
	s19 =	smul.u32 @!p2 $0xC0, s19  }
0x3c: {  	s21 =	sand.u32 @!p2 $0x7, s16;
	s0 =	ssub.s32 @!p2 $0xC0, s20;
	p3 =	por !p3, p2  }
0x3d: {  	s20 =	sshrl.u32 @!p2 s16, $0x3;
	s0 =	sshrl.u32 @!p2 s0, $0x2;
	s19 =	sshrl.u32 @!p2 s19, $0x2  }
0x3e: {  	s20 =	sadd.s32 @!p2 s14, s20;
	s0 =	simm.s32 @!p3 $0x0;
	s19 =	sor.u32 @!p2 $0x10848, s19  }
0x3f: {  	[tilespmem:s19], [sflag:$0x9] =	stream.linear.gather @!p2 [hbm4b:s20+s21], s0, $0x38;
	[tilespmem:$0x1C8A8] =	vst v63  }
0x40: {  	s21 =	ssub.s32 @!p2 $0x27100, s16  }
0x41: {  	p3 =	slt.s32 @!p2 s21, $0x1  }
0x42: {  	p2 =	por p2, p3  }
.Ltmp3:
0x43: {  	_ = 	snop;
	(pc) =	sbr.rel @p2 .LBB2_6-.Ltmp3, $1  }
0x44: {  	_ =	sdelay $0x3  }
0x45: {  	s0 =	simm.s32 $0x1  }
0x46: {  	s19 =	sshll.u32 s16, $0x7;
	s30 =	smin.u32 s21, $0x30;
	s0 =	simm.s32 @!p0 $0x0  }
0x47: {  	s22 =	sshll.u32 s16, $0x9;
	p2 =	sne.s32 s30, $0x1;
	s0 =	smul.u32 $0x18000, s0  }
.Ltmp4:
0x48: {  	s20 =	sand.u32 $0xFFFFF000, s22;
	s23 =	sand.u32 $0x380, s19;
	(pc) =	sbr.rel @!p2 .LBB2_6-.Ltmp4, $4  }
0x49: {  	s20 =	sor.u32 s23, s20  }
0x4a: {  	s21 =	sadd.s32 $0xFFFFFFFF, s30;
	s23 =	sshrl.u32 s20, $0x3;
	s0 =	sshrl.u32 s0, $0x2  }
0x4b: {  	s22 =	sadd.s32 $0x200, s22;
	s31 =	sadd.s32 s6, s23;
	s20 =	sor.u32 $0x108A8, s0  }
0x4c: {  	[tilespmem:s20], [sflag:$0x9] =	stream.strided.gather [hbm:s31], $0x200, s15, s15, $0x38;
	[tilespmem:$0x1C8A8] =	vst v63  }
.LBB2_5:
0x4d: {  	s0 =	sand.u32 $0xFFFFF000, s22;
	s19 =	sadd.s32 $0x80, s19;
	p2 =	sne.s32 s21, $0x1  }
.Ltmp5:
0x4e: {  	s21 =	sadd.s32 $0xFFFFFFFF, s21;
	s23 =	sand.u32 $0x380, s19;
	(pc) =	sbr.rel @p2 .LBB2_5-.Ltmp5, $4  }
0x4f: {  	s0 =	sor.u32 s23, s0  }
0x50: {  	s0 =	sshrl.u32 s0, $0x3  }
0x51: {  	s22 =	sadd.s32 $0x200, s22;
	s20 =	sadd.s32 $0x200, s20;
	s0 =	sadd.s32 s6, s0  }
0x52: {  	[tilespmem:s20], [sflag:$0x9] =	stream.strided.gather [hbm:s0], $0x200, s15, s15, $0x38;
	[tilespmem:$0x1C8A8] =	vst v63  }
.LBB2_6:
0x53: {  	p2 =	seq.s32 s17, $0x0  }
.Ltmp6:
0x54: {  	_ = 	snop;
	(pc) =	sbr.rel @p2 .LBB2_30-.Ltmp6, $1  }
0x55: {  	_ =	sdelay $0x3  }
0x56: {  	p2 =	sgt.s32 s18, $0x270F0  }
0x57: {  	s0 =	smov.u32 s18;
	s19 =	sshra.s32 s18, $0x1F;
	s20 =	ssub.s32 $0x27100, s18  }
0x58: {  	s0 =	simm.s32 @!p2 $0x270F0;
	s19 =	sand.u32 s19, s18;
	p2 =	sgt.s32 s20, $0x0  }
0x59: {  	s0 =	ssub.s32 s0, s19;
	s20 =	simm.s32 @!p2 $0x0  }
0x5a: {  	s0 =	sadd.s32 $0xFFFD8F10, s0;
	s29 =	smin.u32 s20, $0x30  }
0x5b: {  	s2 =	simm.s32 $0x9;
	s21 =	sshll.u32 s0, $0x2;
	s19 =	sshll.u32 s29, $0x9  }
0x5c: {  	p2 =	sgt.s32 s0, $0x2F;
	s30 =	ssub.s32 $0xC0, s21;
	_ =	swait.ge [sflag:s2], s19  }
0x5d: {  	s19 =	ssub.s32 $0x0, s19;
	[sflag:s2] =	ssyncset.done $0x0;
	s0 =	sshrl.u32 s30, $0x2  }
0x5e: {  	[sflag:s2] =	ssyncadd.s32 s19;
	s0 =	simm.s32 @p2 $0x0  }
0x5f: {  	_ =	swait.ge [sflag:s2], s0  }
0x60: {  	s0 =	ssub.s32 $0x0, s0;
	[sflag:s2] =	ssyncset.done $0x0  }
0x61: {  	[sflag:s2] =	ssyncadd.s32 s0  }
0x62: {  	v1 =	vld [tilespmem:$0xC808];
	_ =	sdelay $0x4  }
0x63: {  	(v2sf) =	vpush v1, $0x0  }
0x64: {  	(v2sf) =	vpush v1, $0x1  }
0x65: {  	(v2sf) =	vpush v1, $0x2;
	_ =	sdelay $0x3  }
0x66: {  	s0 =	sadd.s32 $0x30, s18  }
0x67: {  	p2 =	slt.s32 s8, s0  }
0x68: {  	s0 =	smov.u32 @p2 s8  }
0x69: {  	s19 =	ssub.s32 s0, s18  }
0x6a: {  	p2 =	slt.s32 s20, s19  }
0x6b: {  	s19 =	smov.u32 @p2 s20  }
0x6c: {  	s21 =	simm.s32 $0x1;
	p2 =	slt.s32 s19, $0x1  }
.Ltmp7:
0x6d: {  	s21 =	simm.s32 @!p1 $0x0;
	(pc) =	sbr.rel @p2 .LBB2_11-.Ltmp7, $4  }
0x6e: {  	s31 =	smul.u32 $0xC0, s21  }
0x6f: {  	s22 =	spop (v2sf)  }
0x70: {  	s0 =	sshrl.u32 s31, $0x2;
	s24 =	spop (v2sf)  }
0x71: {  	s25 =	sor.u32 $0x10848, s0;
	s18 =	spop (v2sf)  }
0x72: {  	s0 =	smin.u32 s19, $0x10  }
0x73: {  	v1 =	vmov s0  }
0x74: {  	vm1 =	vgt.u32 v1, v0  }
0x75: {  	p3 =	sgt.s32 s19, $0x10  }
.Ltmp8:
0x76: {  	_ = 	snop;
	(pc) =	sbr.rel @!p3 .LBB2_10-.Ltmp8, $2  }
0x77: {  	_ =	sdelay $0x2  }
0x78: {  	s23 =	simm.s32 $0x10;
	s26 =	sadd.s32 $0xFFFFFFF0, s19;
	s20 =	smov.u32 s25;
	vm0 =	vmmov vm1;
	v1 =	vld.msk [tilespmem:s25+$0x0 ss:$0x1], vm1  }
.LBB2_9:
0x79: {  	s0 =	smin.u32 s26, $0x10;
	s23 =	sadd.s32 $0x10, s23  }
0x7a: {  	v2 =	vmov s0;
	p3 =	slt.s32 s23, s19  }
0x7b: {  	vm1 =	vgt.u32 v2, v0;
	_ =	sdelay $0x1  }
0x7c: {  	v2 =	vshll.u32 v1, $0x6;
	v1 =	vshll.u32 v1, $0x4  }
.Ltmp9:
0x7d: {  	v2 =	vand.u32 $0xFFFFFE00, v2;
	v1 =	vand.u32 $0x70, v1;
	(pc) =	sbr.rel @p3 .LBB2_9-.Ltmp9, $4  }
0x7e: {  	v1 =	vor.u32 v1, v2  }
0x7f: {  	[tilespmem:s20+$0x0] =	vst.msk vm0, v1;
	s20 =	sadd.s32 $0x10, s20;
	vm0 =	vmmov vm1  }
0x80: {  	v1 =	vld.msk [tilespmem:s20+$0x0 ss:$0x1], vm1  }
0x81: {  	s26 =	sadd.s32 $0xFFFFFFF0, s26  }
.LBB2_10:
0x82: {  	_ =	sdelay $0x3  }
0x83: {  	v2 =	vshll.u32 v1, $0x6;
	v1 =	vshll.u32 v1, $0x4  }
0x84: {  	v2 =	vand.u32 $0xFFFFFE00, v2;
	v1 =	vand.u32 $0x70, v1  }
0x85: {  	v1 =	vor.u32 v1, v2  }
0x86: {  	[tilespmem:s20+$0x0] =	vst.msk vm0, v1  }
.LBB2_11:
0x87: {  	s0 =	sand.u32 $0x1, s17  }
0x88: {  	s26 =	smul.u32 $0x30, s0  }
0x89: {  	p3 =	sne.s32 s24, $0xFFFFFFFF  }
0x8a: {  	v1 =	vld.msk @!p3 [tilespmem:s26+$0x10848], $0x1;
	_ =	sdelay $0x4  }
0x8b: {  	(v2sf) =	vpush @!p3 v1, $0x0;
	_ =	sdelay $0xc  }
.Ltmp10:
0x8c: {  	_ = 	snop;
	(pc) =	sbr.rel @p2 .LBB2_28-.Ltmp10, $4  }
0x8d: {  	_ = 	snop  }
0x8e: {  	s23 =	spop @!p3 (v2sf)  }
0x8f: {  	s18 =	simm.s32 @!p3 $0x0;
	s20 =	smov.u32 s23  }
0x90: {  	[sflag:s9] =	ssyncpa.u1 $0x0;
	s23 =	smov.u32 @p3 s22;
	s20 =	smov.u32 @p3 s24  }
0x91: {  	v1 =	vld.msk [tilespmem:s25+$0x0], $0x1;
	_ =	sdelay $0x4  }
0x92: {  	(v2sf) =	vpush v1, $0x0;
	_ =	sdelay $0xe  }
0x93: {  	s0 =	smul.u32 $0x18000, s21;
	s28 =	spop (v2sf)  }
0x94: {  	s10 =	smov.u32 s7;
	s24 =	sadd.s32 $0x10848, s26;
	p2 =	seq.s32 s23, s28  }
0x95: {  	s22 =	simm.s32 $0x0;
	s0 =	sshrl.u32 s0, $0x2;
	p3 =	sgt.s32 @!p2 s23, $0x0  }
0x96: {  	s21 =	sor.u32 $0x108A8, s0;
	s0 =	smov.u32 s23;
	p3 =	por !p3, p2  }
0x97: {  	s26 =	sadd.s32 $0xFFFFFFFF, s19;
	s25 =	sadd.s32 $0x1, s25;
	s0 =	simm.s32 @p3 $0x0  }
0x98: {  	s29 =	simm.s32 @!p2 $0x1;
	s31 =	simm.s32 @!p2 $0x6608;
	s0 =	smin.u32 @!p2 s0, $0x4FFE70  }
0x99: {  	s29 =	smov.u32 @p2 s22;
	p3 =	sne.s32 s26, $0x0;
	s30 =	sand.u32 @!p2 $0x7FFFF8, s0  }
0x9a: {  	s3 =	sadd.s32 @!p2 $0x80, s0;
	s4 =	sadd.s32 @!p2 $0x100, s0;
	s2 =	sadd.s32 @!p2 s1, s30  }
0x9b: {  	s30 =	sand.u32 @!p2 $0x7, s0;
	s3 =	sand.u32 @!p2 $0xFFFFF8, s3;
	s4 =	sand.u32 @!p2 $0xFFFFF8, s4  }
0x9c: {  	[tilespmem:s31], [sflag:$0x2] =	stream.linear.gather @!p2 [hbm4b:s2+s30], $0x80, $0x38;
	[tilespmem:$0x1C8A8] =	vst v63  }
.Ltmp11:
0x9d: {  	s0 =	sadd.s32 @!p2 $0x180, s0;
	s2 =	simm.s32 @!p2 $0x6688;
	(pc) =	sbr.rel @!p3 .LBB2_14-.Ltmp11, $4  }
0x9e: {  	s3 =	sadd.s32 @!p2 s1, s3;
	s0 =	sand.u32 @!p2 $0xFFFFF8, s0;
	s31 =	simm.s32 @!p2 $0x6788  }
0x9f: {  	[tilespmem:s2], [sflag:$0x2] =	stream.linear.gather @!p2 [hbm4b:s3+s30], $0x80, $0x38;
	[tilespmem:$0x1C8A8] =	vst v63  }
0xa0: {  	s0 =	sadd.s32 @!p2 s1, s0;
	s2 =	simm.s32 @!p2 $0x6708;
	s3 =	sadd.s32 @!p2 s1, s4  }
0xa1: {  	[tilespmem:s2], [sflag:$0x2] =	stream.linear.gather @!p2 [hbm4b:s3+s30], $0x80, $0x38;
	[tilespmem:$0x1C8A8] =	vst v63  }
.LBB2_13:
0xa2: {  	s2 =	smov.u32 s29  }
0xa3: {  	[tilespmem:s31], [sflag:$0x2] =	stream.linear.gather @!p2 [hbm4b:s0+s30], $0x80, $0x38;
	[tilespmem:$0x1C8A8] =	vst v63  }
0xa4: {  	s26 =	sadd.s32 $0xFFFFFFFF, s26;
	s0 =	smov.u32 s28  }
0xa5: {  	p3 =	sne.s32 s26, $0x0;
	v1 =	vld.msk [tilespmem:s25+$0x0], $0x1;
	_ =	sdelay $0x4  }
0xa6: {  	(v2sf) =	vpush v1, $0x0;
	_ =	sdelay $0xe  }
0xa7: {  	s28 =	spop (v2sf)  }
0xa8: {  	p2 =	seq.s32 s0, s28  }
0xa9: {  	p4 =	sgt.s32 @!p2 s0, $0x0  }
0xaa: {  	s3 =	sshll.u32 @!p2 s29, $0xB;
	s29 =	sadd.s32 @!p2 $0x1, s29;
	p4 =	por !p4, p2  }
0xab: {  	s3 =	sshra.s32 @!p2 s3, $0x2;
	s29 =	smov.u32 @p2 s2;
	s0 =	simm.s32 @p4 $0x0  }
0xac: {  	s2 =	sadd.s32 @!p2 $0x6608, s3;
	s4 =	sadd.s32 @!p2 $0x6688, s3;
	s0 =	smin.u32 @!p2 s0, $0x4FFE70  }
0xad: {  	s5 =	sadd.s32 @!p2 $0x6708, s3;
	s31 =	sadd.s32 @!p2 $0x6788, s3;
	s3 =	sand.u32 @!p2 $0x7FFFF8, s0  }
0xae: {  	s9 =	sadd.s32 @!p2 $0x80, s0;
	s7 =	sadd.s32 @!p2 $0x100, s0;
	s30 =	sand.u32 @!p2 $0x7, s0  }
0xaf: {  	s0 =	sadd.s32 @!p2 $0x180, s0;
	s3 =	sadd.s32 @!p2 s1, s3;
	s9 =	sand.u32 @!p2 $0xFFFFF8, s9  }
0xb0: {  	[tilespmem:s2], [sflag:$0x2] =	stream.linear.gather @!p2 [hbm4b:s3+s30], $0x80, $0x38;
	[tilespmem:$0x1C8A8] =	vst v63  }
.Ltmp12:
0xb1: {  	s2 =	sadd.s32 @!p2 s1, s9;
	s3 =	sand.u32 @!p2 $0xFFFFF8, s7;
	(pc) =	sbr.rel @p3 .LBB2_13-.Ltmp12, $4  }
0xb2: {  	[tilespmem:s4], [sflag:$0x2] =	stream.linear.gather @!p2 [hbm4b:s2+s30], $0x80, $0x38;
	[tilespmem:$0x1C8A8] =	vst v63  }
0xb3: {  	s0 =	sand.u32 @!p2 $0xFFFFF8, s0;
	s2 =	sadd.s32 @!p2 s1, s3  }
0xb4: {  	[tilespmem:s5], [sflag:$0x2] =	stream.linear.gather @!p2 [hbm4b:s2+s30], $0x80, $0x38;
	[tilespmem:$0x1C8A8] =	vst v63  }
0xb5: {  	s25 =	sadd.s32 $0x1, s25;
	s0 =	sadd.s32 @!p2 s1, s0  }
.LBB2_14:
0xb6: {  	[tilespmem:s31], [sflag:$0x2] =	stream.linear.gather @!p2 [hbm4b:s0+s30], $0x80, $0x38;
	[tilespmem:$0x1C8A8] =	vst v63  }
.Ltmp13:
0xb7: {  	s31 =	sshll.u32 s29, $0x9;
	(pc) =	sbr.rel .LBB2_15-.Ltmp13, $4  }
0xb8: {  	s2 =	simm.s32 $0x2;
	s0 =	sand.u32 $0x3FFFFE00, s31  }
0xb9: {  	s25 =	simm.s32 $0x0;
	_ =	swait.ge [sflag:s2], s0  }
0xba: {  	s26 =	simm.s32 $0x0;
	s0 =	ssub.s32 $0x0, s0;
	[sflag:s2] =	ssyncset.done $0x0  }
0xbb: {  	v1 =	vmov s24;
	s7 =	smov.u32 s10;
	s9 =	simm.s32 $0xA;
	[sflag:s2] =	ssyncadd.s32 s0  }
.LBB2_25:
0xbc: {  	[tilespmem:s23+$0x0] =	vst v2;
	s22 =	sadd.s32 $0x1, s22  }
.LBB2_26:
0xbd: {  	s26 =	sadd.s32 $0x1, s26  }
0xbe: {  	p2 =	sne.s32 s26, s19  }
.Ltmp14:
0xbf: {  	_ = 	snop;
	(pc) =	sbr.rel @!p2 .LBB2_27-.Ltmp14, $2  }
0xc0: {  	_ =	sdelay $0x2  }
0xc1: {  	s21 =	sadd.s32 $0x200, s21;
	s23 =	smov.u32 s24  }
.LBB2_15:
0xc2: {  	_ =	sdelay $0x3  }
0xc3: {  	v2 =	vld.idx.msk [tilespmem:v1+s26+$0x0 ss:$0x1], $0x1;
	_ =	sdelay $0x4  }
0xc4: {  	(v2sf) =	vpush v2, $0x0;
	_ =	sdelay $0xe  }
0xc5: {  	s24 =	spop (v2sf)  }
0xc6: {  	p2 =	sne.s32 s23, s24  }
.Ltmp15:
0xc7: {  	_ = 	snop;
	(pc) =	sbr.rel @p2 .LBB2_19-.Ltmp15, $3  }
0xc8: {  	_ =	sdelay $0x1  }
0xc9: {  	s0 =	sshll.u32 s18, $0xB  }
0xca: {  	s28 =	sshra.s32 s0, $0x2  }
0xcb: {  	s23 =	sadd.s32 $0x408, s28;
	s28 =	simm.s32 $0x0;
	v2 =	vld [tilespmem:s21+$0x0];
	s0 =	smov.u32 s21  }
.LBB2_17:
0xcc: {  	s28 =	sadd.s32 $0x10, s28  }
0xcd: {  	p2 =	slt.u32 s28, $0x1F0  }
.Ltmp16:
0xce: {  	_ = 	snop;
	(pc) =	sbr.rel @p2 .LBB2_17-.Ltmp16, $3  }
0xcf: {  	_ =	sdelay $0x1  }
0xd0: {  	s0 =	sadd.s32 $0x10, s0;
	[tilespmem:s23+$0x0] =	vst.add.f32.msk $0xffff, v2;
	s23 =	sadd.s32 $0x10, s23  }
0xd1: {  	v2 =	vld [tilespmem:s0+$0x0]  }
.Ltmp17:
0xd2: {  	_ = 	snop;
	(pc) =	sbr.rel .LBB2_26-.Ltmp17, $2  }
0xd3: {  	_ =	sdelay $0x2  }
0xd4: {  	[tilespmem:s23+$0x0] =	vst.add.f32.msk $0xffff, v2  }
.LBB2_19:
0xd5: {  	p2 =	seq.s32 s23, s20  }
.Ltmp18:
0xd6: {  	_ = 	snop;
	(pc) =	sbr.rel @!p2 .LBB2_20-.Ltmp18, $1  }
0xd7: {  	_ =	sdelay $0x3  }
.Ltmp19:
0xd8: {  	s0 =	sadd.s32 $0x408, s28;
	(pc) =	sbr.rel .LBB2_23-.Ltmp19, $4  }
0xd9: {  	[spmem:s13] =	stream.linear.scatter [tilespmem:s0], [sflag:$0x1], $0x200, $0x38;
	[tilespmem:$0x1C8A8] =	vst v63  }
0xda: {  	_ =	swait.ge [sflag:s11], $0x200  }
0xdb: {  	[sflag:s11] =	ssyncset.done $0x0  }
0xdc: {  	[sflag:s11] =	ssyncadd.s32 $0xFFFFFE00  }
.LBB2_20:
0xdd: {  	s0 =	sshll.u32 s22, $0xB  }
0xde: {  	s0 =	sshra.s32 s0, $0x2  }
0xdf: {  	s29 =	sadd.s32 $0x408, s28;
	s30 =	sadd.s32 $0x6608, s0  }
0xe0: {  	s31 =	smov.u32 s29;
	s0 =	simm.s32 $0x0;
	v2 =	vld [tilespmem:s30+$0x0]  }
.LBB2_21:
0xe1: {  	s0 =	sadd.s32 $0x10, s0  }
0xe2: {  	p2 =	slt.u32 s0, $0x1F0  }
.Ltmp20:
0xe3: {  	_ = 	snop;
	(pc) =	sbr.rel @p2 .LBB2_21-.Ltmp20, $3  }
0xe4: {  	_ =	sdelay $0x1  }
0xe5: {  	s30 =	sadd.s32 $0x10, s30;
	[tilespmem:s31+$0x0] =	vst.add.f32.msk $0xffff, v2;
	s31 =	sadd.s32 $0x10, s31  }
0xe6: {  	v2 =	vld [tilespmem:s30+$0x0]  }
0xe7: {  	_ =	sdelay $0x1  }
0xe8: {  	p2 =	sgt.u32 s23, $0x4FFE70  }
0xe9: {  	s0 =	sand.u32 @!p2 $0x7FFFF8, s23  }
0xea: {  	s2 =	sand.u32 @!p2 $0x7, s23;
	s0 =	sadd.s32 @!p2 s1, s0;
	[tilespmem:s31+$0x0] =	vst.add.f32.msk $0xffff, v2  }
0xeb: {  	[hbm4b:s0+s2] =	stream.linear.scatter @!p2 [tilespmem:s29], [sflag:$0xA], $0x80, $0x38;
	[tilespmem:$0x1C8A8] =	vst v63  }
0xec: {  	s0 =	sadd.s32 @!p2 $0x80, s23  }
0xed: {  	s0 =	sand.u32 @!p2 $0xFFFFF8, s0  }
0xee: {  	s3 =	sadd.s32 @!p2 $0x488, s28;
	s0 =	sadd.s32 @!p2 s1, s0  }
0xef: {  	[hbm4b:s0+s2] =	stream.linear.scatter @!p2 [tilespmem:s3], [sflag:$0xA], $0x80, $0x38;
	[tilespmem:$0x1C8A8] =	vst v63  }
0xf0: {  	s0 =	sadd.s32 @!p2 $0x100, s23  }
0xf1: {  	s0 =	sand.u32 @!p2 $0xFFFFF8, s0  }
0xf2: {  	s3 =	sadd.s32 @!p2 $0x508, s28;
	s0 =	sadd.s32 @!p2 s1, s0  }
0xf3: {  	[hbm4b:s0+s2] =	stream.linear.scatter @!p2 [tilespmem:s3], [sflag:$0xA], $0x80, $0x38;
	[tilespmem:$0x1C8A8] =	vst v63  }
0xf4: {  	s0 =	sadd.s32 @!p2 $0x180, s23;
	s3 =	simm.s32 $0x0  }
0xf5: {  	s0 =	sand.u32 @!p2 $0xFFFFF8, s0;
	s3 =	simm.s32 @!p2 $0x800  }
0xf6: {  	s4 =	sadd.s32 @!p2 $0x588, s28;
	s0 =	sadd.s32 @!p2 s1, s0;
	s25 =	sadd.s32 s3, s25  }
0xf7: {  	[hbm4b:s0+s2] =	stream.linear.scatter @!p2 [tilespmem:s4], [sflag:$0xA], $0x80, $0x38;
	[tilespmem:$0x1C8A8] =	vst v63  }
.LBB2_23:
0xf8: {  	s0 =	sadd.s32 $0x1, s18  }
0xf9: {  	s2 =	smulhi.u32 $0xAAAAAAAB, s0;
	_ =	sdelay $0x1  }
0xfa: {  	s2 =	sshrl.u32 s2, $0x5  }
0xfb: {  	s2 =	smul.u32 $0x30, s2;
	_ =	sdelay $0x1  }
0xfc: {  	s18 =	ssub.s32 s0, s2  }
0xfd: {  	s0 =	sshll.u32 s18, $0x9  }
0xfe: {  	v2 =	vld [tilespmem:s21+$0x0];
	s28 =	smov.u32 s21;
	s23 =	sadd.s32 $0x408, s0;
	s0 =	simm.s32 $0x0  }
.LBB2_24:
0xff: {  	s0 =	sadd.s32 $0x10, s0  }
0x100: {  	p2 =	slt.u32 s0, $0x1F0  }
.Ltmp21:
0x101: {  	_ = 	snop;
	(pc) =	sbr.rel @p2 .LBB2_24-.Ltmp21, $3  }
0x102: {  	_ =	sdelay $0x1  }
0x103: {  	[tilespmem:s23+$0x0] =	vst v2;
	s23 =	sadd.s32 $0x10, s23;
	s28 =	sadd.s32 $0x10, s28  }
0x104: {  	v2 =	vld [tilespmem:s28+$0x0]  }
.Ltmp22:
0x105: {  	_ = 	snop;
	(pc) =	sbr.rel .LBB2_25-.Ltmp22, $1  }
0x106: {  	_ =	sdelay $0x3  }
.LBB2_28:
.Ltmp23:
0x107: {  	(pc) =	sbr.rel .LBB2_29-.Ltmp23, $4  }
0x108: {  	_ = 	snop  }
0x109: {  	s0 =	simm.s32 $0x2  }
0x10a: {  	_ =	swait.ge [sflag:s0], $0x0  }
0x10b: {  	s24 =	smov.u32 s23;
	[sflag:s0] =	ssyncset.done $0x0;
	s0 =	simm.s32 $0x0  }
.LBB2_31:
0x10c: {  	_ =	sfence.sel $0x180000  }
0x10d: {  	s0 =	simm.s32 $0x9;
	[bflag:$0x0] =	sbarrier.arrive $0xFFFF  }
0x10e: {  	s26 =	simm.s32 $0x2;
	[sflag:s0] =	ssyncpa.u1 $0x1  }
0x10f: {  	[sflag:s26] =	ssyncpa.u1 $0x1  }
0x110: {  	v0 =	vld [tilespmem:$0xC808];
	_ =	sdelay $0x4  }
0x111: {  	(v2sf) =	vpush v0, $0x0  }
0x112: {  	(v2sf) =	vpush v0, $0x1;
	_ =	sdelay $0x1  }
0x113: {  	(v2sf) =	vpush v0, $0x2;
	_ =	sdelay $0xb  }
0x114: {  	s0 =	spop (v2sf)  }
0x115: {  	s2 =	spop (v2sf)  }
0x116: {  	s3 =	smov.u32 s0;
	p0 =	sne.s32 s0, s2  }
0x117: {  	s4 =	spop (v2sf);
	s3 =	simm.s32 @!p0 $0xFFFFFFFF  }
0x118: {  	v2 =	vimm.s32 $0x1;
	v3 =	vlaneseq.u32;
	p0 =	seq.s32 s4, $0xFFFFFFFF;
	v1 =	vmov s3  }
0x119: {  	s19 =	stileid.u32;
	v0 =	vperm.xlane v0, v2;
	p1 =	sne.s32 @!p0 s0, s2;
	v1 =	vperm.xlane v1, v3  }
0x11a: {  	vm0 =	vcmask $0x3F04;
	s6 =	simm.s32 $0xC808;
	s0 =	simm.s32 @!p0 $0x1;
	p1 =	por !p1, p0  }
0x11b: {  	s3 =	sshll.u32 s19, $0x1;
	s2 =	sshll.u32 @!p0 s4, $0xB;
	s0 =	simm.s32 @p1 $0x0;
	v0 =	vsel vm0, v1, v0  }
0x11c: {  	s5 =	sor.u32 $0x4000, s3;
	s2 =	sshra.s32 @!p0 s2, $0x2;
	s0 =	sor.u32 @!p0 s0, s3;
	[tilespmem:$0xC808] =	vst v0  }
0x11d: {  	[spmem:s5] =	stream.linear.scatter [tilespmem:s6], [sflag:$0x1], $0x2, $0x38;
	[tilespmem:$0x1C8A8] =	vst v63  }
0x11e: {  	s2 =	sadd.s32 @!p0 $0x408, s2;
	s0 =	sshll.u32 @!p0 s0, $0x9  }
0x11f: {  	[spmem:s0] =	stream.linear.scatter @!p0 [tilespmem:s2], [sflag:$0x1], $0x200, $0x38;
	[tilespmem:$0x1C8A8] =	vst v63  }
0x120: {  	s0 =	simm.s32 @!p0 $0x202  }
0x121: {  	s28 =	simm.s32 $0x1;
	s0 =	simm.s32 @p0 $0x2  }
0x122: {  	_ =	swait.ge [sflag:s28], s0  }
0x123: {  	s0 =	ssub.s32 $0x0, s0;
	[sflag:s28] =	ssyncset.done $0x0  }
0x124: {  	[sflag:s28] =	ssyncadd.s32 s0  }
0x125: {  	p0 =	sne.s32 s19, $0x0;
	_ =	sfence.stream.spmem  }
.Ltmp24:
0x126: {  	s29 =	simm.s32 $0x3;
	[bflag:$0x0] =	sbarrier.arrive $0xFFFF;
	(pc) =	sbr.rel @p0 .LBB2_56-.Ltmp24, $4  }
0x127: {  	s30 =	simm.s32 $0x4;
	[sflag:s29] =	ssyncpa.u1 $0x1  }
0x128: {  	[sflag:s30] =	ssyncpa.u1 $0x1  }
0x129: {  	s31 =	simm.s32 $0x3C;
	s20 =	rddreg [dreg:$0x1]  }
0x12a: {  	[sflag:s31] =	ssyncpa.u1 $0x1;
	s5 =	sand.u32 $0x1, s20  }
0x12b: {  	_ =	sfence.stream.spmem;
	s0 =	simm.s32 $0x5  }
0x12c: {  	s2 =	simm.s32 $0x4000;
	s3 =	simm.s32 $0xC818;
	[sflag:s0] =	ssyncpa.u1 $0x0  }
0x12d: {  	[tilespmem:s3], [sflag:$0x5] =	stream.linear.gather [spmem:s2], $0x20, $0x38;
	[tilespmem:$0x1C8A8] =	vst v63  }
0x12e: {  	s26 =	simm.s32 $0x0;
	s28 =	simm.s32 $0xC838  }
0x12f: {  	[tilespmem:s28], [sflag:$0x5] =	stream.linear.gather [spmem:s26], $0x4000, $0x38;
	[tilespmem:$0x1C8A8] =	vst v63  }
0x130: {  	_ =	swait.ge [sflag:s0], $0x4020  }
0x131: {  	[sflag:s0] =	ssyncset.done $0x0  }
0x132: {  	s29 =	simm.s32 $0x0;
	[sflag:s0] =	ssyncadd.s32 $0xFFFFBFE0  }
0x133: {  	v0 =	vld.msk [tilespmem:s29+$0xC818], $0x1;
	_ =	sdelay $0x1  }
0x134: {  	s30 =	simm.s32 $0x1  }
0x135: {  	v1 =	vld.msk [tilespmem:s30+$0xC818], $0x1;
	_ =	sdelay $0x1  }
0x136: {  	(v2sf) =	vpush v0, $0x0;
	_ =	sdelay $0x2  }
0x137: {  	(v2sf) =	vpush v1, $0x0;
	_ =	sdelay $0x2  }
0x138: {  	s31 =	simm.s32 $0x2  }
0x139: {  	v0 =	vld.msk [tilespmem:s31+$0xC818], $0x1;
	_ =	sdelay $0x2  }
0x13a: {  	s7 =	simm.s32 $0xFFFFFFFF;
	s6 =	simm.s32 $0xC;
	s8 =	simm.s32 $0xFFFFFFFF  }
.LBB2_33:
0x13b: {  	s0 =	smov.u32 s8;
	s2 =	smov.u32 s7  }
0x13c: {  	s3 =	sshra.s32 s6, $0x2;
	p1 =	sne.s32 s6, $0x7C;
	s6 =	sadd.s32 $0x4, s6;
	(v2sf) =	vpush v0, $0x0  }
0x13d: {  	v0 =	vld.msk [tilespmem:s3+$0xC818], $0x1  }
.Ltmp25:
0x13e: {  	(pc) =	sbr.rel @p1 .LBB2_33-.Ltmp25, $4  }
0x13f: {  	s8 =	spop (v2sf)  }
0x140: {  	p2 =	sne.s32 s7, $0xFFFFFFFF;
	s7 =	smov.u32 s8  }
0x141: {  	p3 =	seq.s32 s8, $0xFFFFFFFF;
	s7 =	smov.u32 @p2 s2  }
0x142: {  	s8 =	smov.u32 @p3 s0;
	s7 =	smov.u32 @p3 s2  }
0x143: {  	(v2sf) =	vpush v0, $0x0;
	_ =	sdelay $0x8  }
0x144: {  	s0 =	spop (v2sf);
	p1 =	sne.s32 s7, $0xFFFFFFFF;
	s9 =	simm.s32 $0x6  }
0x145: {  	s6 =	simm.s32 $0x0;
	s10 =	simm.s32 $0xC838;
	s2 =	smov.u32 s0  }
0x146: {  	s11 =	simm.s32 $0xC688;
	p2 =	seq.s32 s0, $0xFFFFFFFF;
	s2 =	smov.u32 @p1 s7  }
0x147: {  	s12 =	simm.s32 $0xC708;
	s2 =	smov.u32 @p2 s7;
	s3 =	spop (v2sf)  }
0x148: {  	s0 =	smov.u32 @p2 s8;
	p1 =	sne.s32 s2, $0xFFFFFFFF;
	s4 =	smov.u32 s3  }
.Ltmp26:
0x149: {  	p2 =	seq.s32 s3, $0xFFFFFFFF;
	s4 =	smov.u32 @p1 s2;
	(pc) =	sbr.rel .LBB2_35-.Ltmp26, $4  }
0x14a: {  	s13 =	simm.s32 $0xC788;
	s4 =	smov.u32 @p2 s2;
	s7 =	spop (v2sf)  }
0x14b: {  	s14 =	simm.s32 $0x0;
	p1 =	sne.s32 s4, $0xFFFFFFFF;
	s8 =	smov.u32 s7  }
0x14c: {  	s3 =	smov.u32 @p2 s0;
	p2 =	seq.s32 s7, $0xFFFFFFFF;
	s8 =	smov.u32 @p1 s4  }
0x14d: {  	[sflag:s9] =	ssyncpa.u1 $0x0;
	s7 =	smov.u32 @p2 s3;
	s8 =	smov.u32 @p2 s4  }
.LBB2_50:
0x14e: {  	s14 =	sadd.s32 $0x1, s14  }
0x14f: {  	p1 =	sne.s32 s14, $0x20  }
.Ltmp27:
0x150: {  	_ = 	snop;
	(pc) =	sbr.rel @!p1 .LBB2_51-.Ltmp27, $2  }
0x151: {  	_ =	sdelay $0x2  }
0x152: {  	s10 =	sadd.s32 $0x200, s10  }
.LBB2_35:
0x153: {  	v0 =	vld.msk [tilespmem:s14+$0xC818], $0x1;
	_ =	sdelay $0x4  }
0x154: {  	(v2sf) =	vpush v0, $0x0;
	_ =	sdelay $0xe  }
0x155: {  	s15 =	spop (v2sf)  }
0x156: {  	p1 =	seq.s32 s15, $0xFFFFFFFF  }
.Ltmp28:
0x157: {  	_ = 	snop;
	(pc) =	sbr.rel @p1 .LBB2_50-.Ltmp28, $1  }
0x158: {  	_ =	sdelay $0x3  }
0x159: {  	p1 =	slt.s32 s6, $0x1  }
.Ltmp29:
0x15a: {  	_ = 	snop;
	(pc) =	sbr.rel @p1 .LBB2_43-.Ltmp29, $1  }
0x15b: {  	_ =	sdelay $0x3  }
0x15c: {  	s16 =	simm.s32 $0xC818;
	p1 =	por $0x0, $0x0  }
0x15d: {  	v1 =	vld.msk @!p1 [tilespmem:s16+$0x0], $0x1;
	_ =	sdelay $0x4  }
0x15e: {  	(v2sf) =	vpush @!p1 v1, $0x0;
	_ =	sdelay $0xd  }
0x15f: {  	p3 =	sne.s32 s6, $0x1  }
.Ltmp30:
0x160: {  	s0 =	spop @!p1 (v2sf);
	(pc) =	sbr.rel @!p3 .LBB2_39-.Ltmp30, $4  }
0x161: {  	p2 =	seq.s32 @!p1 s15, s0  }
0x162: {  	s17 =	simm.s32 $0x0;
	p2 =	por !p2, p1  }
0x163: {  	s0 =	simm.s32 $0xFFFFFFFF;
	s17 =	simm.s32 @p2 $0xFFFFFFFF  }
0x164: {  	s18 =	simm.s32 $0x1;
	s17 =	smov.u32 @p1 s0  }
.LBB2_38:
0x165: {  	s0 =	smov.u32 s17;
	p1 =	sne.s32 s17, $0xFFFFFFFF  }
0x166: {  	s16 =	sadd.s32 $0x1, s16;
	s17 =	smov.u32 s18;
	s18 =	sadd.s32 $0x1, s18  }
0x167: {  	p2 =	sne.s32 s6, s18;
	v1 =	vld.msk @!p1 [tilespmem:s16+$0x0], $0x1;
	_ =	sdelay $0x4  }
0x168: {  	(v2sf) =	vpush @!p1 v1, $0x0;
	_ =	sdelay $0xe  }
.Ltmp31:
0x169: {  	s2 =	spop @!p1 (v2sf);
	(pc) =	sbr.rel @p2 .LBB2_38-.Ltmp31, $4  }
0x16a: {  	p3 =	seq.s32 @!p1 s15, s2  }
0x16b: {  	p3 =	por !p3, p1  }
0x16c: {  	s17 =	simm.s32 @p3 $0xFFFFFFFF  }
0x16d: {  	s17 =	smov.u32 @p1 s0  }
.LBB2_39:
0x16e: {  	p1 =	seq.s32 s17, $0xFFFFFFFF  }
.Ltmp32:
0x16f: {  	_ = 	snop;
	(pc) =	sbr.rel @p1 .LBB2_43-.Ltmp32, $1  }
0x170: {  	_ =	sdelay $0x3  }
0x171: {  	s0 =	sshll.u32 s17, $0xB  }
0x172: {  	s0 =	sshra.s32 s0, $0x2  }
0x173: {  	v0 =	vld [tilespmem:s10+$0x0];
	s16 =	smov.u32 s10;
	s15 =	sadd.s32 $0xC838, s0;
	s0 =	simm.s32 $0x0  }
.LBB2_41:
0x174: {  	s0 =	sadd.s32 $0x10, s0  }
0x175: {  	p1 =	slt.u32 s0, $0x1F0  }
.Ltmp33:
0x176: {  	_ = 	snop;
	(pc) =	sbr.rel @p1 .LBB2_41-.Ltmp33, $3  }
0x177: {  	_ =	sdelay $0x1  }
0x178: {  	s16 =	sadd.s32 $0x10, s16;
	[tilespmem:s15+$0x0] =	vst.add.f32.msk $0xffff, v0;
	s15 =	sadd.s32 $0x10, s15  }
0x179: {  	v0 =	vld [tilespmem:s16+$0x0]  }
.Ltmp34:
0x17a: {  	_ = 	snop;
	(pc) =	sbr.rel .LBB2_50-.Ltmp34, $2  }
0x17b: {  	_ =	sdelay $0x2  }
0x17c: {  	[tilespmem:s15+$0x0] =	vst.add.f32.msk $0xffff, v0  }
.LBB2_43:
0x17d: {  	p1 =	sgt.u32 s15, $0x4FFE70  }
0x17e: {  	p2 =	seq.s32 @!p1 s15, s8  }
0x17f: {  	p1 =	por p1, p2  }
0x180: {  	p2 =	seq.s32 @!p1 s15, s7  }
0x181: {  	p1 =	por p1, p2  }
.Ltmp35:
0x182: {  	_ = 	snop;
	(pc) =	sbr.rel @p1 .LBB2_47-.Ltmp35, $1  }
0x183: {  	_ =	sdelay $0x3  }
0x184: {  	s0 =	sand.u32 $0x7FFFF8, s15;
	s2 =	sand.u32 $0x7, s15  }
0x185: {  	s16 =	simm.s32 $0xC608;
	s29 =	sadd.s32 $0x80, s15;
	s0 =	sadd.s32 s1, s0  }
0x186: {  	[tilespmem:s16], [sflag:$0x6] =	stream.linear.gather [hbm4b:s0+s2], $0x80, $0x38;
	[tilespmem:$0x1C8A8] =	vst v63  }
0x187: {  	s0 =	sand.u32 $0xFFFFF8, s29  }
0x188: {  	s30 =	sadd.s32 $0x100, s15;
	s0 =	sadd.s32 s1, s0  }
0x189: {  	[tilespmem:s11], [sflag:$0x6] =	stream.linear.gather [hbm4b:s0+s2], $0x80, $0x38;
	[tilespmem:$0x1C8A8] =	vst v63  }
0x18a: {  	s0 =	sand.u32 $0xFFFFF8, s30  }
0x18b: {  	s31 =	sadd.s32 $0x180, s15;
	s0 =	sadd.s32 s1, s0  }
0x18c: {  	[tilespmem:s12], [sflag:$0x6] =	stream.linear.gather [hbm4b:s0+s2], $0x80, $0x38;
	[tilespmem:$0x1C8A8] =	vst v63  }
0x18d: {  	s0 =	sand.u32 $0xFFFFF8, s31  }
0x18e: {  	s0 =	sadd.s32 s1, s0  }
0x18f: {  	[tilespmem:s13], [sflag:$0x6] =	stream.linear.gather [hbm4b:s0+s2], $0x80, $0x38;
	[tilespmem:$0x1C8A8] =	vst v63  }
0x190: {  	_ =	swait.ge [sflag:s9], $0x200  }
0x191: {  	[sflag:s9] =	ssyncset.done $0x0  }
0x192: {  	[sflag:s9] =	ssyncadd.s32 $0xFFFFFE00  }
0x193: {  	s15 =	smov.u32 s10;
	s0 =	simm.s32 $0x0;
	v1 =	vld [tilespmem:s16+$0x0]  }
.LBB2_45:
0x194: {  	s0 =	sadd.s32 $0x10, s0  }
0x195: {  	p1 =	slt.u32 s0, $0x1F0  }
.Ltmp36:
0x196: {  	_ = 	snop;
	(pc) =	sbr.rel @p1 .LBB2_45-.Ltmp36, $3  }
0x197: {  	_ =	sdelay $0x1  }
0x198: {  	s16 =	sadd.s32 $0x10, s16;
	[tilespmem:s15+$0x0] =	vst.add.f32.msk $0xffff, v1;
	s15 =	sadd.s32 $0x10, s15  }
0x199: {  	v1 =	vld [tilespmem:s16+$0x0]  }
0x19a: {  	_ =	sdelay $0x3  }
0x19b: {  	[tilespmem:s15+$0x0] =	vst.add.f32.msk $0xffff, v1  }
.LBB2_47:
0x19c: {  	s0 =	sshll.u32 s6, $0xB  }
0x19d: {  	[tilespmem:s6+$0xC818] =	vst.msk $0x1, v0;
	s0 =	sshra.s32 s0, $0x2  }
0x19e: {  	s16 =	smov.u32 s10;
	v0 =	vld [tilespmem:s10+$0x0];
	s15 =	sadd.s32 $0xC838, s0;
	s0 =	simm.s32 $0x0  }
.LBB2_48:
0x19f: {  	s0 =	sadd.s32 $0x10, s0  }
0x1a0: {  	p1 =	slt.u32 s0, $0x1F0  }
.Ltmp37:
0x1a1: {  	_ = 	snop;
	(pc) =	sbr.rel @p1 .LBB2_48-.Ltmp37, $3  }
0x1a2: {  	_ =	sdelay $0x1  }
0x1a3: {  	s16 =	sadd.s32 $0x10, s16;
	[tilespmem:s15+$0x0] =	vst v0;
	s15 =	sadd.s32 $0x10, s15  }
0x1a4: {  	v0 =	vld [tilespmem:s16+$0x0]  }
.Ltmp38:
0x1a5: {  	_ = 	snop;
	(pc) =	sbr.rel .LBB2_50-.Ltmp38, $2  }
0x1a6: {  	_ =	sdelay $0x2  }
0x1a7: {  	s6 =	sadd.s32 $0x1, s6;
	[tilespmem:s15+$0x0] =	vst v0  }
.LBB2_51:
0x1a8: {  	s0 =	simm.s32 $0x6;
	p1 =	seq.s32 s6, $0x0  }
0x1a9: {  	[sflag:s0] =	ssyncpa.u1 $0x1;
	v0 =	vimm.s32 @p1 $0xFFFFFFFF  }
0x1aa: {  	s9 =	sadd.s32 $0xFFFFFFFF, s6;
	[tilespmem:$0x10838] =	vst @p1 v0  }
0x1ab: {  	v0 =	vld.msk @!p1 [tilespmem:s9+$0xC818], $0x1;
	_ =	sdelay $0x1  }
0x1ac: {  	v1 =	vld.msk @!p1 [tilespmem:$0xC818], $0x1;
	_ =	sdelay $0x2  }
0x1ad: {  	p2 =	seq.s32 @!p1 s9, $0x0;
	v0 =	vbroadcast @!p1 v0, $0x0  }
0x1ae: {  	vm0 =	vmmov @!p1 $0x1;
	p2 =	por !p2, p1  }
0x1af: {  	v1 =	vnsel @!p1 vm0, $0xFFFFFFFF, v1;
	vm0 =	vcmask @!p1 $0x308;
	v0 =	vpsel !p2, $0xFFFFFFFF, v0  }
0x1b0: {  	p2 =	sne.s32 @!p1 s8, s7;
	v0 =	vsel @!p1 vm0, v1, v0  }
0x1b1: {  	s0 =	simm.s32 @!p1 $0xC838;
	s2 =	simm.s32 @!p1 $0x0;
	p3 =	por !p2, p1;
	[tilespmem:$0x10838] =	vst @!p1 v0  }
0x1b2: {  	[spmem:s2] =	stream.linear.scatter @!p1 [tilespmem:s0], [sflag:$0x1], $0x200, $0x38;
	[tilespmem:$0x1C8A8] =	vst v63  }
0x1b3: {  	s0 =	sshll.u32 @!p3 s9, $0xB  }
0x1b4: {  	s0 =	sshra.s32 @!p3 s0, $0x2  }
0x1b5: {  	s2 =	simm.s32 @!p3 $0x200;
	s0 =	sadd.s32 @!p3 $0xC838, s0  }
0x1b6: {  	[spmem:s2] =	stream.linear.scatter @!p3 [tilespmem:s0], [sflag:$0x1], $0x200, $0x38;
	[tilespmem:$0x1C8A8] =	vst v63  }
0x1b7: {  	s0 =	simm.s32 @!p3 $0x1  }
0x1b8: {  	_ =	swait.ge @!p3 [sflag:s0], $0x400  }
0x1b9: {  	p1 =	por p2, p1;
	[sflag:s0] =	ssyncset.done @!p3 $0x0  }
0x1ba: {  	[sflag:s0] =	ssyncadd.s32 @!p3 $0xFFFFFC00;
	s0 =	simm.s32 @!p1 $0x1  }
0x1bb: {  	_ =	swait.ge @!p1 [sflag:s0], $0x200  }
0x1bc: {  	s29 =	simm.s32 $0x10838;
	[sflag:s0] =	ssyncset.done @!p1 $0x0  }
0x1bd: {  	s30 =	simm.s32 $0x4000;
	s31 =	simm.s32 $0x1;
	[sflag:s0] =	ssyncadd.s32 @!p1 $0xFFFFFE00  }
0x1be: {  	[spmem:s30] =	stream.linear.scatter [tilespmem:s29], [sflag:$0x1], $0x10, $0x38;
	[tilespmem:$0x1C8A8] =	vst v63  }
0x1bf: {  	_ =	swait.ge [sflag:s31], $0x10  }
0x1c0: {  	[sflag:s31] =	ssyncset.done $0x0  }
0x1c1: {  	p1 =	seq.s32 s5, $0x0;
	[sflag:s31] =	ssyncadd.s32 $0xFFFFFFF0  }
0x1c2: {  	s2 =	sshll.u32 @p1 s20, $0xE;
	s8 =	rddreg [dreg:$0x2]  }
0x1c3: {  	s0 =	sadd.s32 @p1 $0x15C3C, s2;
	s2 =	sshll.u32 @p1 s8, $0x11  }
0x1c4: {  	_ =	sfence.stream.spmem;
	s0 =	sor.u32 @p1 s2, s0  }
0x1c5: {  	[sflag:s0] =	ssyncadd.remote.s32 @p1 $0x1;
	s0 =	simm.s32 @p1 $0x4  }
0x1c6: {  	s3 =	simm.s32 @!p1 $0x3C;
	s2 =	sand.u32 $0xFFFFFFFE, s20;
	_ =	swait.ge @p1 [sflag:s0], $0x82  }
0x1c7: {  	s4 =	simm.s32 @!p1 $0x0;
	s2 =	sadd.s32 @!p1 $0x4, s2;
	[sflag:s0] =	ssyncset.done @p1 $0x0  }
0x1c8: {  	s7 =	simm.s32 @!p1 $0x400;
	[sflag:s0] =	ssyncadd.s32 @p1 $0xFFFFFF7E;
	s0 =	sshll.u32 @!p1 s2, $0x1A  }
0x1c9: {  	s2 =	sshll.u32 @!p1 s2, $0xD;
	s0 =	sor.u32 @!p1 s0, s8;
	_ =	swait.eq @!p1 [sflag:s3], $0x1  }
0x1ca: {  	s2 =	sor.u32 @!p1 $0x1C04, s2;
	s3 =	simm.s32 @!p1 $0x1C03;
	s0 =	sor.u32 @!p1 $0x80004000, s0  }
0x1cb: {  	[spmem:s7], [sflag:s2] =	dma.general @!p1 [spmem:s4], [sflag:s3], length:$0x80, [dreg:$0x0], stride_count:$0x0, ici_dest:s0, dma_misc:DstOpCode:WRITE  }
0x1cc: {  	p2 =	slt.s32 s9, $0x2;
	s4 =	simm.s32 @!p1 $0x800;
	s7 =	simm.s32 @!p1 $0x802  }
0x1cd: {  	[spmem:s7], [sflag:s2] =	dma.general @!p1 [spmem:s4], [sflag:s3], length:$0x2, [dreg:$0x0], stride_count:$0x0, ici_dest:s0, dma_misc:DstOpCode:WRITE  }
.Ltmp39:
0x1ce: {  	s0 =	simm.s32 @!p1 $0x3;
	(pc) =	sbr.rel @p2 .LBB2_55-.Ltmp39, $4  }
0x1cf: {  	s2 =	sshll.u32 @!p1 s20, $0xE;
	_ =	swait.ge @!p1 [sflag:s0], $0x82  }
0x1d0: {  	s3 =	sshll.u32 @!p1 s8, $0x11;
	s2 =	sadd.s32 @!p1 $0x11C3C, s2;
	[sflag:s0] =	ssyncset.done @!p1 $0x0  }
0x1d1: {  	[sflag:s0] =	ssyncadd.s32 @!p1 $0xFFFFFF7E;
	s0 =	sor.u32 @!p1 s3, s2  }
0x1d2: {  	[sflag:s0] =	ssyncadd.remote.s32 @!p1 $0xFFFFFFFF;
	s0 =	simm.s32 $0x0  }
0x1d3: {  	s0 =	simm.s32 $0xC819  }
0x1d4: {  	v0 =	vld.msk [tilespmem:s0+$0x0], $0x1;
	_ =	sdelay $0x4  }
0x1d5: {  	(v2sf) =	vpush v0, $0x0;
	_ =	sdelay $0xe  }
0x1d6: {  	s31 =	sadd.s32 $0xFFFFFFFE, s6;
	s0 =	spop (v2sf)  }
0x1d7: {  	s3 =	simm.s32 $0x0;
	s4 =	sadd.s32 $0xFFFFFFFF, s31;
	p1 =	sgt.u32 s0, $0x4FFE70  }
0x1d8: {  	s2 =	simm.s32 $0xCA38;
	p2 =	sne.s32 s4, $0x0;
	s6 =	sand.u32 @!p1 $0x7FFFF8, s0  }
0x1d9: {  	s7 =	sadd.s32 @!p1 $0x80, s0;
	s9 =	sadd.s32 @!p1 $0x100, s0;
	s8 =	sand.u32 @!p1 $0x7, s0  }
0x1da: {  	s0 =	sadd.s32 @!p1 $0x180, s0;
	s10 =	simm.s32 @!p1 $0xCBB8;
	s6 =	sadd.s32 @!p1 s1, s6  }
0x1db: {  	[hbm4b:s6+s8] =	stream.linear.scatter @!p1 [tilespmem:s2], [sflag:$0x5], $0x80, $0x38;
	[tilespmem:$0x1C8A8] =	vst v63  }
0x1dc: {  	s7 =	sand.u32 @!p1 $0xFFFFF8, s7;
	s0 =	sand.u32 @!p1 $0xFFFFF8, s0;
	s2 =	simm.s32 @!p1 $0xCAB8  }
.Ltmp40:
0x1dd: {  	s6 =	sadd.s32 @!p1 s1, s7;
	s7 =	sand.u32 @!p1 $0xFFFFF8, s9;
	(pc) =	sbr.rel @!p2 .LBB2_54-.Ltmp40, $4  }
0x1de: {  	[hbm4b:s6+s8] =	stream.linear.scatter @!p1 [tilespmem:s2], [sflag:$0x5], $0x80, $0x38;
	[tilespmem:$0x1C8A8] =	vst v63  }
0x1df: {  	s9 =	simm.s32 $0x0;
	s7 =	sadd.s32 @!p1 s1, s7;
	s2 =	simm.s32 @!p1 $0xCB38  }
0x1e0: {  	[hbm4b:s7+s8] =	stream.linear.scatter @!p1 [tilespmem:s2], [sflag:$0x5], $0x80, $0x38;
	[tilespmem:$0x1C8A8] =	vst v63  }
0x1e1: {  	s9 =	simm.s32 @!p1 $0x800;
	s6 =	simm.s32 $0xC81A;
	s7 =	simm.s32 $0xCC38  }
.LBB2_53:
0x1e2: {  	s4 =	sadd.s32 $0xFFFFFFFF, s4;
	s0 =	sadd.s32 @!p1 s1, s0;
	s3 =	sadd.s32 s3, s9  }
0x1e3: {  	[hbm4b:s0+s8] =	stream.linear.scatter @!p1 [tilespmem:s10], [sflag:$0x5], $0x80, $0x38;
	[tilespmem:$0x1C8A8] =	vst v63  }
0x1e4: {  	p2 =	sne.s32 s4, $0x0;
	s0 =	smov.u32 s7;
	v0 =	vld.msk [tilespmem:s6+$0x0], $0x1;
	_ =	sdelay $0x4  }
0x1e5: {  	(v2sf) =	vpush v0, $0x0;
	_ =	sdelay $0xe  }
0x1e6: {  	s2 =	spop (v2sf)  }
0x1e7: {  	s7 =	sadd.s32 $0x200, s7;
	s6 =	sadd.s32 $0x1, s6;
	p1 =	sgt.u32 s2, $0x4FFE70  }
0x1e8: {  	s8 =	sand.u32 @!p1 $0x7FFFF8, s2;
	s9 =	sadd.s32 @!p1 $0x80, s2;
	s10 =	sadd.s32 @!p1 $0x100, s2  }
0x1e9: {  	s11 =	sadd.s32 @!p1 s1, s8;
	s8 =	sand.u32 @!p1 $0x7, s2;
	s9 =	sand.u32 @!p1 $0xFFFFF8, s9  }
0x1ea: {  	[hbm4b:s11+s8] =	stream.linear.scatter @!p1 [tilespmem:s0], [sflag:$0x5], $0x80, $0x38;
	[tilespmem:$0x1C8A8] =	vst v63  }
0x1eb: {  	s10 =	sand.u32 @!p1 $0xFFFFF8, s10;
	s11 =	sadd.s32 @!p1 $0x80, s0;
	s9 =	sadd.s32 @!p1 s1, s9  }
0x1ec: {  	[hbm4b:s9+s8] =	stream.linear.scatter @!p1 [tilespmem:s11], [sflag:$0x5], $0x80, $0x38;
	[tilespmem:$0x1C8A8] =	vst v63  }
.Ltmp41:
0x1ed: {  	_ = 	snop;
	(pc) =	sbr.rel @p2 .LBB2_53-.Ltmp41, $4  }
0x1ee: {  	s2 =	sadd.s32 @!p1 $0x180, s2;
	s10 =	sadd.s32 @!p1 s1, s10;
	s9 =	sadd.s32 @!p1 $0x100, s0  }
0x1ef: {  	[hbm4b:s10+s8] =	stream.linear.scatter @!p1 [tilespmem:s9], [sflag:$0x5], $0x80, $0x38;
	[tilespmem:$0x1C8A8] =	vst v63  }
0x1f0: {  	s9 =	simm.s32 $0x0  }
0x1f1: {  	s10 =	sadd.s32 @!p1 $0x180, s0;
	s0 =	sand.u32 @!p1 $0xFFFFF8, s2;
	s9 =	simm.s32 @!p1 $0x800  }
.LBB2_54:
0x1f2: {  	s0 =	sadd.s32 @!p1 s1, s0;
	s31 =	sadd.s32 s3, s9  }
0x1f3: {  	[hbm4b:s0+s8] =	stream.linear.scatter @!p1 [tilespmem:s10], [sflag:$0x5], $0x80, $0x38;
	[tilespmem:$0x1C8A8] =	vst v63  }
0x1f4: {  	s0 =	sshrl.u32 s31, $0x2  }
.LBB2_55:
0x1f5: {  	s2 =	simm.s32 $0x5  }
0x1f6: {  	_ =	swait.ge [sflag:s2], s0  }
0x1f7: {  	s31 =	ssub.s32 $0x0, s0;
	[sflag:s2] =	ssyncset.done $0x0  }
0x1f8: {  	[sflag:s2] =	ssyncadd.s32 s31  }
0x1f9: {  	[sflag:s2] =	ssyncpa.u1 $0x1  }
.LBB2_56:
0x1fa: {  	s0 =	sor.u32 s5, s19  }
0x1fb: {  	p1 =	sne.s32 s0, $0x0  }
.Ltmp42:
0x1fc: {  	_ = 	snop;
	(pc) =	sbr.rel @p1 .LBB2_79-.Ltmp42, $3  }
0x1fd: {  	_ =	sdelay $0x1  }
0x1fe: {  	[bflag:$0x0] =	sbarrier.arrive $0xFFFF  }
0x1ff: {  	_ =	sfence  }
0x200: {  	s0 =	simm.s32 $0x7  }
0x201: {  	s2 =	simm.s32 $0x4000;
	s3 =	simm.s32 $0xC818;
	[sflag:s0] =	ssyncpa.u1 $0x0  }
0x202: {  	[tilespmem:s3], [sflag:$0x7] =	stream.linear.gather [spmem:s2], $0x20, $0x38;
	[tilespmem:$0x1C8A8] =	vst v63  }
0x203: {  	s2 =	simm.s32 $0x0;
	s3 =	simm.s32 $0xC838  }
0x204: {  	[tilespmem:s3], [sflag:$0x7] =	stream.linear.gather [spmem:s2], $0x4000, $0x38;
	[tilespmem:$0x1C8A8] =	vst v63  }
.Ltmp43:
0x205: {  	_ = 	snop;
	(pc) =	sbr.rel .LBB2_58-.Ltmp43, $4  }
0x206: {  	_ =	swait.ge [sflag:s0], $0x4020  }
0x207: {  	s4 =	simm.s32 $0x8;
	[sflag:s0] =	ssyncset.done $0x0  }
0x208: {  	s5 =	simm.s32 $0xC688;
	s6 =	simm.s32 $0xC708;
	[sflag:s0] =	ssyncadd.s32 $0xFFFFBFE0  }
0x209: {  	s7 =	simm.s32 $0xC788;
	s8 =	simm.s32 $0x0;
	[sflag:s4] =	ssyncpa.u1 $0x0  }
.LBB2_73:
0x20a: {  	s8 =	sadd.s32 $0x1, s8  }
0x20b: {  	p1 =	sne.s32 s8, $0x20  }
.Ltmp44:
0x20c: {  	_ = 	snop;
	(pc) =	sbr.rel @!p1 .LBB2_74-.Ltmp44, $2  }
0x20d: {  	_ =	sdelay $0x2  }
0x20e: {  	s3 =	sadd.s32 $0x200, s3  }
.LBB2_58:
0x20f: {  	v0 =	vld.msk [tilespmem:s8+$0xC818], $0x1;
	_ =	sdelay $0x4  }
0x210: {  	(v2sf) =	vpush v0, $0x0;
	_ =	sdelay $0xe  }
0x211: {  	s9 =	spop (v2sf)  }
0x212: {  	p1 =	seq.s32 s9, $0xFFFFFFFF  }
.Ltmp45:
0x213: {  	_ = 	snop;
	(pc) =	sbr.rel @p1 .LBB2_73-.Ltmp45, $1  }
0x214: {  	_ =	sdelay $0x3  }
0x215: {  	p1 =	slt.s32 s2, $0x1  }
.Ltmp46:
0x216: {  	_ = 	snop;
	(pc) =	sbr.rel @p1 .LBB2_66-.Ltmp46, $1  }
0x217: {  	_ =	sdelay $0x3  }
0x218: {  	s10 =	simm.s32 $0xC818;
	p1 =	por $0x0, $0x0  }
0x219: {  	v1 =	vld.msk @!p1 [tilespmem:s10+$0x0], $0x1;
	_ =	sdelay $0x4  }
0x21a: {  	(v2sf) =	vpush @!p1 v1, $0x0;
	_ =	sdelay $0xd  }
0x21b: {  	p3 =	sne.s32 s2, $0x1  }
.Ltmp47:
0x21c: {  	s0 =	spop @!p1 (v2sf);
	(pc) =	sbr.rel @!p3 .LBB2_62-.Ltmp47, $4  }
0x21d: {  	p2 =	seq.s32 @!p1 s9, s0  }
0x21e: {  	s11 =	simm.s32 $0x0;
	p2 =	por !p2, p1  }
0x21f: {  	s0 =	simm.s32 $0xFFFFFFFF;
	s11 =	simm.s32 @p2 $0xFFFFFFFF  }
0x220: {  	s12 =	simm.s32 $0x1;
	s11 =	smov.u32 @p1 s0  }
.LBB2_61:
0x221: {  	s0 =	smov.u32 s11;
	p1 =	sne.s32 s11, $0xFFFFFFFF  }
0x222: {  	s10 =	sadd.s32 $0x1, s10;
	s11 =	smov.u32 s12;
	s12 =	sadd.s32 $0x1, s12  }
0x223: {  	p2 =	sne.s32 s2, s12;
	v1 =	vld.msk @!p1 [tilespmem:s10+$0x0], $0x1;
	_ =	sdelay $0x4  }
0x224: {  	(v2sf) =	vpush @!p1 v1, $0x0;
	_ =	sdelay $0xe  }
.Ltmp48:
0x225: {  	s13 =	spop @!p1 (v2sf);
	(pc) =	sbr.rel @p2 .LBB2_61-.Ltmp48, $4  }
0x226: {  	p3 =	seq.s32 @!p1 s9, s13  }
0x227: {  	p3 =	por !p3, p1  }
0x228: {  	s11 =	simm.s32 @p3 $0xFFFFFFFF  }
0x229: {  	s11 =	smov.u32 @p1 s0  }
.LBB2_62:
0x22a: {  	p1 =	seq.s32 s11, $0xFFFFFFFF  }
.Ltmp49:
0x22b: {  	_ = 	snop;
	(pc) =	sbr.rel @p1 .LBB2_66-.Ltmp49, $1  }
0x22c: {  	_ =	sdelay $0x3  }
0x22d: {  	s0 =	sshll.u32 s11, $0xB  }
0x22e: {  	s0 =	sshra.s32 s0, $0x2  }
0x22f: {  	v0 =	vld [tilespmem:s3+$0x0];
	s10 =	smov.u32 s3;
	s9 =	sadd.s32 $0xC838, s0;
	s0 =	simm.s32 $0x0  }
.LBB2_64:
0x230: {  	s0 =	sadd.s32 $0x10, s0  }
0x231: {  	p1 =	slt.u32 s0, $0x1F0  }
.Ltmp50:
0x232: {  	_ = 	snop;
	(pc) =	sbr.rel @p1 .LBB2_64-.Ltmp50, $3  }
0x233: {  	_ =	sdelay $0x1  }
0x234: {  	s10 =	sadd.s32 $0x10, s10;
	[tilespmem:s9+$0x0] =	vst.add.f32.msk $0xffff, v0;
	s9 =	sadd.s32 $0x10, s9  }
0x235: {  	v0 =	vld [tilespmem:s10+$0x0]  }
.Ltmp51:
0x236: {  	_ = 	snop;
	(pc) =	sbr.rel .LBB2_73-.Ltmp51, $2  }
0x237: {  	_ =	sdelay $0x2  }
0x238: {  	[tilespmem:s9+$0x0] =	vst.add.f32.msk $0xffff, v0  }
.LBB2_66:
0x239: {  	p1 =	sgt.u32 s9, $0x4FFE70  }
.Ltmp52:
0x23a: {  	_ = 	snop;
	(pc) =	sbr.rel @p1 .LBB2_70-.Ltmp52, $1  }
0x23b: {  	_ =	sdelay $0x3  }
0x23c: {  	s0 =	sand.u32 $0x7FFFF8, s9;
	s11 =	sand.u32 $0x7, s9  }
0x23d: {  	s10 =	simm.s32 $0xC608;
	s29 =	sadd.s32 $0x80, s9;
	s0 =	sadd.s32 s1, s0  }
0x23e: {  	[tilespmem:s10], [sflag:$0x8] =	stream.linear.gather [hbm4b:s0+s11], $0x80, $0x38;
	[tilespmem:$0x1C8A8] =	vst v63  }
0x23f: {  	s0 =	sand.u32 $0xFFFFF8, s29  }
0x240: {  	s30 =	sadd.s32 $0x100, s9;
	s0 =	sadd.s32 s1, s0  }
0x241: {  	[tilespmem:s5], [sflag:$0x8] =	stream.linear.gather [hbm4b:s0+s11], $0x80, $0x38;
	[tilespmem:$0x1C8A8] =	vst v63  }
0x242: {  	s0 =	sand.u32 $0xFFFFF8, s30  }
0x243: {  	s31 =	sadd.s32 $0x180, s9;
	s0 =	sadd.s32 s1, s0  }
0x244: {  	[tilespmem:s6], [sflag:$0x8] =	stream.linear.gather [hbm4b:s0+s11], $0x80, $0x38;
	[tilespmem:$0x1C8A8] =	vst v63  }
0x245: {  	s0 =	sand.u32 $0xFFFFF8, s31  }
0x246: {  	s0 =	sadd.s32 s1, s0  }
0x247: {  	[tilespmem:s7], [sflag:$0x8] =	stream.linear.gather [hbm4b:s0+s11], $0x80, $0x38;
	[tilespmem:$0x1C8A8] =	vst v63  }
0x248: {  	_ =	swait.ge [sflag:s4], $0x200  }
0x249: {  	[sflag:s4] =	ssyncset.done $0x0  }
0x24a: {  	[sflag:s4] =	ssyncadd.s32 $0xFFFFFE00  }
0x24b: {  	s9 =	smov.u32 s3;
	s0 =	simm.s32 $0x0;
	v1 =	vld [tilespmem:s10+$0x0]  }
.LBB2_68:
0x24c: {  	s0 =	sadd.s32 $0x10, s0  }
0x24d: {  	p1 =	slt.u32 s0, $0x1F0  }
.Ltmp53:
0x24e: {  	_ = 	snop;
	(pc) =	sbr.rel @p1 .LBB2_68-.Ltmp53, $3  }
0x24f: {  	_ =	sdelay $0x1  }
0x250: {  	s10 =	sadd.s32 $0x10, s10;
	[tilespmem:s9+$0x0] =	vst.add.f32.msk $0xffff, v1;
	s9 =	sadd.s32 $0x10, s9  }
0x251: {  	v1 =	vld [tilespmem:s10+$0x0]  }
0x252: {  	_ =	sdelay $0x3  }
0x253: {  	[tilespmem:s9+$0x0] =	vst.add.f32.msk $0xffff, v1  }
.LBB2_70:
0x254: {  	s0 =	sshll.u32 s2, $0xB  }
0x255: {  	[tilespmem:s2+$0xC818] =	vst.msk $0x1, v0;
	s0 =	sshra.s32 s0, $0x2  }
0x256: {  	s10 =	smov.u32 s3;
	v0 =	vld [tilespmem:s3+$0x0];
	s9 =	sadd.s32 $0xC838, s0;
	s0 =	simm.s32 $0x0  }
.LBB2_71:
0x257: {  	s0 =	sadd.s32 $0x10, s0  }
0x258: {  	p1 =	slt.u32 s0, $0x1F0  }
.Ltmp54:
0x259: {  	_ = 	snop;
	(pc) =	sbr.rel @p1 .LBB2_71-.Ltmp54, $3  }
0x25a: {  	_ =	sdelay $0x1  }
0x25b: {  	s10 =	sadd.s32 $0x10, s10;
	[tilespmem:s9+$0x0] =	vst v0;
	s9 =	sadd.s32 $0x10, s9  }
0x25c: {  	v0 =	vld [tilespmem:s10+$0x0]  }
.Ltmp55:
0x25d: {  	_ = 	snop;
	(pc) =	sbr.rel .LBB2_73-.Ltmp55, $2  }
0x25e: {  	_ =	sdelay $0x2  }
0x25f: {  	s2 =	sadd.s32 $0x1, s2;
	[tilespmem:s9+$0x0] =	vst v0  }
.LBB2_74:
0x260: {  	p1 =	slt.s32 s2, $0x1  }
.Ltmp56:
0x261: {  	_ = 	snop;
	(pc) =	sbr.rel @p1 .LBB2_78-.Ltmp56, $3  }
0x262: {  	_ =	sdelay $0x1  }
0x263: {  	s0 =	simm.s32 $0x8  }
0x264: {  	s3 =	simm.s32 $0x0;
	[sflag:s0] =	ssyncpa.u1 $0x1  }
0x265: {  	s0 =	simm.s32 $0xC818  }
0x266: {  	v0 =	vld.msk [tilespmem:s0+$0x0], $0x1;
	_ =	sdelay $0x4  }
0x267: {  	(v2sf) =	vpush v0, $0x0;
	_ =	sdelay $0xe  }
0x268: {  	s8 =	spop (v2sf)  }
0x269: {  	s2 =	sadd.s32 $0xFFFFFFFF, s2;
	s0 =	simm.s32 $0xC838;
	p1 =	sgt.u32 s8, $0x4FFE70  }
0x26a: {  	p2 =	sne.s32 s2, $0x0;
	s4 =	sand.u32 @!p1 $0x7FFFF8, s8;
	s5 =	sadd.s32 @!p1 $0x80, s8  }
0x26b: {  	s6 =	sand.u32 @!p1 $0x7, s8;
	s4 =	sadd.s32 @!p1 s1, s4;
	s5 =	sand.u32 @!p1 $0xFFFFF8, s5  }
0x26c: {  	[hbm4b:s4+s6] =	stream.linear.scatter @!p1 [tilespmem:s0], [sflag:$0x7], $0x80, $0x38;
	[tilespmem:$0x1C8A8] =	vst v63  }
0x26d: {  	s9 =	sadd.s32 @!p1 $0x100, s8;
	s0 =	simm.s32 @!p1 $0xC8B8;
	s4 =	sadd.s32 @!p1 s1, s5  }
0x26e: {  	[hbm4b:s4+s6] =	stream.linear.scatter @!p1 [tilespmem:s0], [sflag:$0x7], $0x80, $0x38;
	[tilespmem:$0x1C8A8] =	vst v63  }
.Ltmp57:
0x26f: {  	s5 =	sand.u32 @!p1 $0xFFFFF8, s9;
	(pc) =	sbr.rel @!p2 .LBB2_77-.Ltmp57, $4  }
0x270: {  	s7 =	simm.s32 $0x0;
	s0 =	simm.s32 @!p1 $0xC938;
	s4 =	sadd.s32 @!p1 s1, s5  }
0x271: {  	[hbm4b:s4+s6] =	stream.linear.scatter @!p1 [tilespmem:s0], [sflag:$0x7], $0x80, $0x38;
	[tilespmem:$0x1C8A8] =	vst v63  }
0x272: {  	s7 =	simm.s32 @!p1 $0x800;
	s5 =	simm.s32 $0xCA38;
	s0 =	sadd.s32 @!p1 $0x180, s8  }
0x273: {  	s4 =	simm.s32 $0xC819;
	s8 =	simm.s32 @!p1 $0xC9B8;
	s0 =	sand.u32 @!p1 $0xFFFFF8, s0  }
.LBB2_76:
0x274: {  	s2 =	sadd.s32 $0xFFFFFFFF, s2;
	s0 =	sadd.s32 @!p1 s1, s0;
	s3 =	sadd.s32 s3, s7  }
0x275: {  	[hbm4b:s0+s6] =	stream.linear.scatter @!p1 [tilespmem:s8], [sflag:$0x7], $0x80, $0x38;
	[tilespmem:$0x1C8A8] =	vst v63  }
0x276: {  	p2 =	sne.s32 s2, $0x0;
	s0 =	smov.u32 s5;
	v0 =	vld.msk [tilespmem:s4+$0x0], $0x1;
	_ =	sdelay $0x4  }
0x277: {  	(v2sf) =	vpush v0, $0x0;
	_ =	sdelay $0xe  }
0x278: {  	s7 =	spop (v2sf)  }
0x279: {  	s5 =	sadd.s32 $0x200, s5;
	s4 =	sadd.s32 $0x1, s4;
	p1 =	sgt.u32 s7, $0x4FFE70  }
0x27a: {  	s6 =	sand.u32 @!p1 $0x7FFFF8, s7;
	s8 =	sadd.s32 @!p1 $0x80, s7;
	s9 =	sadd.s32 @!p1 $0x100, s7  }
0x27b: {  	s10 =	sadd.s32 @!p1 s1, s6;
	s6 =	sand.u32 @!p1 $0x7, s7;
	s8 =	sand.u32 @!p1 $0xFFFFF8, s8  }
0x27c: {  	[hbm4b:s10+s6] =	stream.linear.scatter @!p1 [tilespmem:s0], [sflag:$0x7], $0x80, $0x38;
	[tilespmem:$0x1C8A8] =	vst v63  }
0x27d: {  	s9 =	sand.u32 @!p1 $0xFFFFF8, s9;
	s10 =	sadd.s32 @!p1 $0x80, s0  }
.Ltmp58:
0x27e: {  	s8 =	sadd.s32 @!p1 s1, s8;
	s9 =	sadd.s32 @!p1 s1, s9;
	(pc) =	sbr.rel @p2 .LBB2_76-.Ltmp58, $4  }
0x27f: {  	[hbm4b:s8+s6] =	stream.linear.scatter @!p1 [tilespmem:s10], [sflag:$0x7], $0x80, $0x38;
	[tilespmem:$0x1C8A8] =	vst v63  }
0x280: {  	s8 =	sadd.s32 @!p1 $0x100, s0;
	s10 =	sadd.s32 @!p1 $0x180, s7;
	s7 =	simm.s32 $0x0  }
0x281: {  	[hbm4b:s9+s6] =	stream.linear.scatter @!p1 [tilespmem:s8], [sflag:$0x7], $0x80, $0x38;
	[tilespmem:$0x1C8A8] =	vst v63  }
0x282: {  	s7 =	simm.s32 @!p1 $0x800;
	s8 =	sadd.s32 @!p1 $0x180, s0;
	s0 =	sand.u32 @!p1 $0xFFFFF8, s10  }
.LBB2_77:
0x283: {  	s0 =	sadd.s32 @!p1 s1, s0;
	s31 =	sadd.s32 s3, s7  }
0x284: {  	[hbm4b:s0+s6] =	stream.linear.scatter @!p1 [tilespmem:s8], [sflag:$0x7], $0x80, $0x38;
	[tilespmem:$0x1C8A8] =	vst v63  }
0x285: {  	s3 =	sshrl.u32 s31, $0x2  }
.LBB2_78:
0x286: {  	s0 =	simm.s32 $0x7  }
0x287: {  	_ =	swait.ge [sflag:s0], s3  }
0x288: {  	s1 =	ssub.s32 $0x0, s3;
	[sflag:s0] =	ssyncset.done $0x0  }
0x289: {  	[sflag:s0] =	ssyncadd.s32 s1  }
0x28a: {  	[sflag:s0] =	ssyncpa.u1 $0x1  }
.LBB2_79:
0x28b: {  	_ =	sfence;
	s0 =	simm.s32 $0x1  }
0x28c: {  	[sflag:s0] =	ssyncpa.u1 $0x1  }
0x28d: {  	_ =	strace $0x90000053  }
0x28e: {  	[bflag:$0x2] =	sbarrier.arrive $0xFFFF  }
0x28f: {  	s0 =	rddreg [dreg:$0x3]  }
0x290: {  	s0 =	sadd.s32 @!p0 $0x100000, s0  }
0x291: {  	[sflag:s0] =	ssyncadd.tile.s32 @!p0 $0x1;
	_ =	shalt  }
.Lfunc_end2:
_tile_overlayer_lowered:
.L_overlay_start_2:
0x292: {  	(tag) =	ssettag $0x2  }
0x293: {  	s0 =	rddreg [dreg:$0x0];
	s2 =	stileid.u32  }
0x294: {  	s1 =	rddreg [dreg:$0x1];
	p0 =	sne.s32 s2, $0x0  }
0x295: {  	s3 =	rddreg [dreg:$0x2];
	[bflag:$0x3] =	sbarrier.arrive $0xFFFF;
	s2 =	simm.s32 @!p0 $0x1C01  }
0x296: {  	[timem:s3], [sflag:s2] =	dma.local @!p0 [hbm:s0], s1  }
0x297: {  	s0 =	simm.s32 @!p0 $0x1  }
0x298: {  	_ =	swait.ge @!p0 [sflag:s0], s1  }
0x299: {  	s1 =	ssub.s32 @!p0 $0x0, s1;
	[sflag:s0] =	ssyncset.done @!p0 $0x0  }
0x29a: {  	[sflag:s0] =	ssyncadd.s32 @!p0 s1  }
0x29b: {  	[bflag:$0x3] =	sbarrier.arrive $0xFFFF  }
0x29c: {  	_ =	shalt  }

// kernel: scatter_offload_async_start
scs
__scs_entry_jumppad:
0x0: {  	(pc) =	sbr.rel $0x88, $3  }
0x1: {  	(tag) =	ssettag $0x0;
	lr =	simm.s32 $0x1  }
0x2: {  	[smem:$0x3F95] =	sst lr;
	_ =	strace $0xD0000000  }
0x3: {  	_ = 	snop  }
0x4: {  	_ = 	snop  }
0x5: {  	_ = 	snop  }
0x6: {  	_ = 	snop  }
0x7: {  	_ = 	snop  }
__scs_overlays_trampoline_lowered:
0x8: {  	[smem:$0x3FA4] =	sst s0  }
0x9: {  	[smem:$0x3FA5] =	sst s1  }
0xa: {  	[smem:$0x3FA6] =	sst s2  }
0xb: {  	[smem:$0x3FA7] =	sst s3  }
0xc: {  	[smem:$0x3FA8] =	sst s4  }
0xd: {  	[smem:$0x3FA9] =	sst s5  }
0xe: {  	[smem:$0x3FAA] =	sst s6  }
0xf: {  	[smem:$0x3FAB] =	sst s7  }
0x10: {  	[smem:$0x3FAC] =	sst s8  }
0x11: {  	[smem:$0x3FAD] =	sst s9;
	s0 =	simm.s32 @!p0 $0x0  }
0x12: {  	s1 =	sld [smem:$0x3F93];
	s0 =	simm.s32 @p0 $0x1  }
0x13: {  	[smem:$0x3FAE] =	sst s0;
	s0 =	simm.s32 @!p1 $0x0  }
0x14: {  	s2 =	sld [smem:$0x3F92];
	s0 =	simm.s32 @p1 $0x1  }
0x15: {  	[smem:$0x3FAF] =	sst s0;
	s0 =	simm.s32 @!p2 $0x0  }
0x16: {  	s3 =	sld [smem:$0x3FDB];
	s0 =	simm.s32 @p2 $0x1  }
0x17: {  	s4 =	simm.s32 $0x1BF5;
	[smem:$0x3FB1] =	sst s0  }
0x18: {  	s0 =	sld [smem:$0x3F94];
	_ =	swait.ge [sflag:s4], $0x0  }
0x19: {  	s7 =	sld [smem:$0x3F95]  }
0x1a: {  	s8 =	sadd.s32 $0xFFFFE003, lr  }
0x1b: {  	s9 =	sadd.s32 $0xFFFFFEF7, lr;
	s5 =	simm.s32 $0xFFFFFFFF;
	p2 =	slt.u32 s8, $0xFFFFF086  }
0x1c: {  	p1 =	slt.u32 s9, $0xF7A;
	s5 =	simm.s32 @!p2 $0x0  }
0x1d: {  	s5 =	simm.s32 @p1 $0x1;
	p0 =	seq.s32 s7, s2  }
0x1e: {  	s7 =	smul.u32 @!p0 $0xF7A, s2;
	p2 =	seq.s32 @!p0 s5, $0x0  }
0x1f: {  	s9 =	smul.u32 $0xF7A, s1;
	s8 =	simm.s32 @!p0 $0x1BF5;
	p2 =	por !p2, p0  }
0x20: {  	[sflag:s8] =	ssyncset.s32 @!p0 $0xFFFFF086;
	s6 =	sadd.s32 @!p0 s3, s7;
	s7 =	simm.s32 @!p0 $0x108  }
0x21: {  	s3 =	sadd.s32 s3, s9;
	s6 =	sadd.s32 @!p0 $0x88, s6;
	s7 =	simm.s32 @p2 $0x1082  }
0x22: {  	[simem:s7], [sflag:s8] =	dma.local @!p0 [hbm:s6], $0xF7A  }
0x23: {  	s9 =	sor.u32 $0xD0000000, s2;
	s6 =	simm.s32 $0x108;
	_ =	swait.ge @!p0 [sflag:s8], $0x0  }
0x24: {  	s3 =	sadd.s32 $0x88, s3;
	s6 =	simm.s32 @!p1 $0x1082;
	[sflag:s4] =	ssyncset.s32 $0xFFFFF086  }
0x25: {  	[simem:s6], [sflag:s4] =	dma.local [hbm:s3], $0xF7A  }
0x26: {  	[smem:$0x3F95] =	sst s1;
	(tag) =	ssettag s2;
	_ =	strace s9  }
0x27: {  	s1 =	sld [smem:$0x3FA5]  }
0x28: {  	s2 =	sld [smem:$0x3FA6]  }
0x29: {  	s4 =	sld [smem:$0x3FA8]  }
0x2a: {  	p0 =	seq.s32 s5, $0x0;
	s5 =	sld [smem:$0x3FA9]  }
0x2b: {  	s6 =	sld [smem:$0x3FAA]  }
0x2c: {  	s7 =	sld [smem:$0x3FAB]  }
0x2d: {  	s3 =	simm.s32 $0x108;
	s8 =	sld [smem:$0x3FAC]  }
0x2e: {  	s3 =	simm.s32 @!p0 $0x1082;
	s9 =	sld [smem:$0x3FAD]  }
0x2f: {  	lr =	sadd.s32 s0, s3;
	s0 =	sld [smem:$0x3FA4]  }
0x30: {  	s3 =	sld [smem:$0x3FA7]  }
0x31: {  	[smem:$0x3FB0] =	sst s10  }
0x32: {  	s10 =	sld [smem:$0x3FAE];
	_ =	sdelay $0x3  }
0x33: {  	p0 =	seq.s32 s10, $0x1;
	s10 =	sld [smem:$0x3FB0];
	_ =	sdelay $0x3  }
0x34: {  	[smem:$0x3FB0] =	sst s10  }
0x35: {  	s10 =	sld [smem:$0x3FAF];
	_ =	sdelay $0x3  }
0x36: {  	p1 =	seq.s32 s10, $0x1;
	s10 =	sld [smem:$0x3FB0];
	_ =	sdelay $0x3  }
0x37: {  	[smem:$0x3FB0] =	sst s10  }
0x38: {  	s10 =	sld [smem:$0x3FB1]  }
0x39: {  	_ = 	snop;
	(pc) =	sbr.ind lr, $3  }
0x3a: {  	_ = 	snop  }
0x3b: {  	_ = 	snop  }
0x3c: {  	p2 =	seq.s32 s10, $0x1;
	s10 =	sld [smem:$0x3FB0]  }
0x3d: {  	_ =	shalt  }
0x3e: {  	_ =	shalt  }
0x3f: {  	_ =	shalt  }
0x40: {  	_ =	shalt  }
0x41: {  	_ =	shalt  }
0x42: {  	_ =	shalt  }
0x43: {  	_ =	shalt  }
0x44: {  	_ =	shalt  }
0x45: {  	_ =	shalt  }
0x46: {  	_ =	shalt  }
0x47: {  	_ =	shalt  }
0x48: {  	_ =	shalt  }
0x49: {  	_ =	shalt  }
0x4a: {  	_ =	shalt  }
0x4b: {  	_ =	shalt  }
0x4c: {  	_ =	shalt  }
0x4d: {  	_ =	shalt  }
0x4e: {  	_ =	shalt  }
0x4f: {  	_ =	shalt  }
0x50: {  	_ =	shalt  }
0x51: {  	_ =	shalt  }
0x52: {  	_ =	shalt  }
0x53: {  	_ =	shalt  }
0x54: {  	_ =	shalt  }
0x55: {  	_ =	shalt  }
0x56: {  	_ =	shalt  }
0x57: {  	_ =	shalt  }
0x58: {  	_ =	shalt  }
0x59: {  	_ =	shalt  }
0x5a: {  	_ =	shalt  }
0x5b: {  	_ =	shalt  }
0x5c: {  	_ =	shalt  }
0x5d: {  	_ =	shalt  }
0x5e: {  	_ =	shalt  }
0x5f: {  	_ =	shalt  }
0x60: {  	_ =	shalt  }
0x61: {  	_ =	shalt  }
0x62: {  	_ =	shalt  }
0x63: {  	_ =	shalt  }
0x64: {  	_ =	shalt  }
0x65: {  	_ =	shalt  }
0x66: {  	_ =	shalt  }
0x67: {  	_ =	shalt  }
0x68: {  	_ =	shalt  }
0x69: {  	_ =	shalt  }
0x6a: {  	_ =	shalt  }
0x6b: {  	_ =	shalt  }
0x6c: {  	_ =	shalt  }
0x6d: {  	_ =	shalt  }
0x6e: {  	_ =	shalt  }
0x6f: {  	_ =	shalt  }
0x70: {  	_ =	shalt  }
0x71: {  	_ =	shalt  }
0x72: {  	_ =	shalt  }
0x73: {  	_ =	shalt  }
0x74: {  	_ =	shalt  }
0x75: {  	_ =	shalt  }
0x76: {  	_ =	shalt  }
0x77: {  	_ =	shalt  }
0x78: {  	_ =	shalt  }
0x79: {  	_ =	shalt  }
0x7a: {  	_ =	shalt  }
0x7b: {  	_ =	shalt  }
0x7c: {  	_ =	shalt  }
0x7d: {  	_ =	shalt  }
0x7e: {  	_ =	shalt  }
0x7f: {  	_ =	shalt  }
0x80: {  	_ =	shalt  }
0x81: {  	_ =	shalt  }
0x82: {  	_ =	shalt  }
0x83: {  	_ =	shalt  }
0x84: {  	_ =	shalt  }
0x85: {  	_ =	shalt  }
0x86: {  	_ =	shalt  }
0x87: {  	_ =	shalt  }
.Lfunc_end0:
.L_simem_size_0:
called_computation_lowered:
.L_overlay_start_0:
0x88: {  	s0 =	sld [smem:$0x3FD9]  }
0x89: {  	s1 =	sld [smem:$0x3FFE];
	_ =	sdelay $0x3  }
0x8a: {  	s0 =	sadd.s32 s1, s0  }
0x8b: {  	[smem:$0x3FBC] =	sst s0  }
0x8c: {  	_ = 	snop  }
0x8d: {  	s0 =	sld [smem:$0x3FD0];
	(tm) =	ssettm $0x1  }
0x8e: {  	s16 =	sld [smem:$0x3FFB];
	_ =	sdelay $0x3  }
0x8f: {  	_ =	strace s16  }
0x90: {  	s1 =	sld [smem:$0x3FFC];
	_ =	sdelay $0x3  }
0x91: {  	_ =	strace s1  }
0x92: {  	s1 =	sld [smem:$0x3FFD];
	_ =	sdelay $0x3  }
0x93: {  	_ =	strace s1  }
0x94: {  	_ =	strace $0x8FFFFFFF  }
0x95: {  	s17 =	sld [smem:$0x3FDB];
	_ =	sdelay $0x1  }
0x96: {  	s2 =	simm.s32 $_scs_section_size  }
0x97: {  	s3 =	simm.s32 $_size__tile_overlayer_lowered;
	s4 =	simm.s32 $_tile_overlayer_lowered  }
0x98: {  	s20 =	simm.s32 $0x1BFF;
	s19 =	sshll.u32 s4, $0x1;
	s1 =	sadd.s32 s2, s17  }
0x99: {  	s5 =	simm.s32 $0x0;
	s18 =	sshll.u32 s3, $0x1;
	s3 =	sadd.s32 s19, s1  }
0x9a: {  	[timem:s5], [sflag:s20] =	dma.local [hbm:s3], s18  }
0x9b: {  	_ =	swait.ge [sflag:s20], s18  }
0x9c: {  	s2 =	ssub.s32 $0x0, s18;
	[sflag:s20] =	ssyncset.done $0x0  }
0x9d: {  	[sflag:s20] =	ssyncadd.s32 s2;
	_ =	sdelay $0x1  }
0x9e: {  	s21 =	simm.s32 $0x1B8B  }
0x9f: {  	_ =	swait.ge [sflag:s21], $0x1  }
0xa0: {  	[sflag:s21] =	ssyncset.done $0x0  }
0xa1: {  	s23 =	simm.s32 $0x1B8E;
	s22 =	sld [smem:$0x3FFE];
	[sflag:s21] =	ssyncadd.s32 $0xFFFFFFFF  }
0xa2: {  	s24 =	simm.s32 $execute0_lowered;
	[smem:$0x3FD2] =	sst s23  }
0xa3: {  	s3 =	sshll.u32 s24, $0x1;
	_ =	strace $0x80000046;
	[dreg:$0x1] =	wrdreg $0xFFFFFFFF  }
0xa4: {  	s25 =	simm.s32 $_size_execute0_lowered;
	s1 =	sadd.s32 s1, s3;
	[dreg:$0x0] =	wrdreg $0x0  }
0xa5: {  	s3 =	sshll.u32 s25, $0x1;
	[dreg:$0x2] =	wrdreg s1  }
0xa6: {  	[dreg:$0x3] =	wrdreg s3  }
0xa7: {  	[dreg:$0x4] =	wrdreg $0xC0  }
0xa8: {  	_ =	task [dreg:s5], $0x5FFFF  }
0xa9: {  	[dreg:$0x1] =	wrdreg $0xFFFFFFFF  }
0xaa: {  	[dreg:$0x0] =	wrdreg $0x60  }
0xab: {  	[dreg:$0x2] =	wrdreg s22  }
0xac: {  	[dreg:$0x3] =	wrdreg s0  }
0xad: {  	[dreg:$0x4] =	wrdreg $0x9  }
0xae: {  	_ =	task.clear_ibuf [dreg:s5], $0x5FFFF;
	_ =	strace $0x90000046  }
0xaf: {  	s26 =	simm.s32 $0x9;
	_ =	strace $0x80000048  }
0xb0: {  	_ =	swait.ge [sflag:s26], $0x1  }
0xb1: {  	[sflag:s26] =	ssyncadd.s32 $0xFFFFFFFF  }
0xb2: {  	_ =	strace $0x90000048  }
0xb3: {  	_ =	sfence  }
0xb4: {  	s28 =	sld [smem:$0x0];
	_ =	sdelay $0x1  }
0xb5: {  	s29 =	srdreg.scid  }
0xb6: {  	s30 =	sshll.u32 s29, $0xD;
	s31 =	sshrl.u32 s29, $0x2  }
0xb7: {  	s2 =	sand.u32 $0x4000, s30;
	s1 =	sand.u32 $0x1, s29;
	s0 =	sadd.s32 s31, s28  }
0xb8: {  	s1 =	sor.u32 s2, s1;
	s0 =	sshll.u32 s0, $0x11  }
0xb9: {  	s0 =	sor.u32 s0, s1  }
0xba: {  	s0 =	sadd.s32 $0x8F2B, s0  }
0xbb: {  	[sflag:s0] =	ssyncadd.remote.s32 $0x1  }
0xbc: {  	_ =	sfence.sel $0xFFFF  }
0xbd: {  	[dreg:$0x0] =	wrdreg $0xFFFFFFFF;
	(pc) =	sbr.abs _section_cstart, $3  }
0xbe: {  	[dreg:$0x1] =	wrdreg $0xFFFFFFFF  }
0xbf: {  	_ =	task.clear_ibuf [dreg:s5], $0x2FFFF;
	_ =	strace $0x9FFFFFFF  }
0xc0: {  	(tm) =	ssettm $0x7FFFFFFF  }
0xc1: {  	_ =	shalt  }
tec
execute0_lowered:
.L_overlay_start_1:
0x0: {  	(tag) =	ssettag $0x1  }
0x1: {  	s3 =	rddreg [dreg:$0x0];
	s14 =	stileid.u32  }
0x2: {  	_ =	strace $0x80000047;
	s0 =	simm.s32 $0x1;
	s1 =	smin.u32 s14, $0x4  }
0x3: {  	[sflag:s0] =	ssyncpa.u1 $0x0;
	s1 =	sadd.s32 s14, s1  }
0x4: {  	v1 =	vimm.s32 $0xFFFFFFFF;
	p0 =	slt.u32 s14, $0x4;
	s5 =	smul.u32 $0x1F40, s1;
	s1 =	simm.s32 $0x3E80  }
0x5: {  	[tilespmem:$0x10] =	vst v1;
	s1 =	simm.s32 @!p0 $0x1F40  }
0x6: {  	v0 =	vimm.f32 $0.0e+00;
	[tilespmem:$0x20] =	vst v1;
	s1 =	sadd.s32 s1, s5  }
0x7: {  	[tilespmem:$0x30] =	vst v0;
	s6 =	smin.u32 s1, $0x27100  }
0x8: {  	s7 =	simm.s32 $0x2;
	s8 =	simm.s32 $0x8;
	[tilespmem:$0x40] =	vst v0;
	s2 =	ssub.s32 s6, s5  }
0x9: {  	s31 =	simm.s32 $0x9;
	s16 =	simm.s32 $0x0;
	[tilespmem:$0x50] =	vst v0;
	p0 =	sgt.s32 s2, $0x0  }
0xa: {  	s17 =	simm.s32 $0xF0;
	s18 =	simm.s32 $0xFFFFFFFF;
	[tilespmem:$0x60] =	vst v1;
	s2 =	simm.s32 @!p0 $0x0  }
0xb: {  	s19 =	simm.s32 $0xFFFFC280;
	s20 =	simm.s32 $0xFFFFFFFE;
	[tilespmem:$0x70] =	vst v1;
	s30 =	smulhi.u32 $0x10624DD3, s2  }
0xc: {  	s21 =	simm.s32 $0xF;
	s22 =	simm.s32 $0x30;
	s25 =	simm.s32 $0x0;
	[tilespmem:$0x80] =	vst v1  }
0xd: {  	s24 =	simm.s32 $0x0;
	s10 =	sshll.u32 s14, $0x1;
	v1 =	vimm.s32 $0x0;
	[tilespmem:$0xB0] =	vst v0;
	s4 =	sshrl.u32 s30, $0x9  }
0xe: {  	s13 =	sor.u32 $0x81, s10;
	s14 =	sshllo.u32 s14, $0x1;
	[tilespmem:$0x90] =	vst v1;
	s9 =	smul.u32 $0x1F40, s4  }
.Ltmp0:
0xf: {  	[tilespmem:$0xA0] =	vst v1;
	[sflag:s7] =	ssyncpa.u1 $0x0;
	s7 =	simm.s32 $0x7;
	(pc) =	sbr.rel .LBB2_1-.Ltmp0, $4  }
0x10: {  	s15 =	sor.u32 $0x80, s10;
	[sflag:s7] =	ssyncpa.u1 $0x0;
	p0 =	sne.s32 s2, s9  }
0x11: {  	[sflag:s8] =	ssyncpa.u1 $0x0;
	s23 =	smov.u32 s5;
	s0 =	simm.s32 @!p0 $0x0  }
0x12: {  	vm0 =	vmmov $0xffff;
	v2 =	vlaneseq.u32;
	s1 =	sadd.s32 $0x53C000, s3;
	[sflag:s31] =	ssyncpa.u1 $0x0;
	s9 =	sadd.s32 s0, s4  }
0x13: {  	vm1 =	vmxor vm1, vm1;
	vm2 =	vmmov $0x1;
	vm3 =	vcmask $0x3F3C;
	p0 =	por $0x0, $0x0;
	s11 =	sadd.s32 $0x1, s9;
	s12 =	sadd.s32 $0x2, s9  }
.LBB2_9:
0x14: {  	p1 =	slt.u32 s24, $0x3  }
0x15: {  	s0 =	simm.s32 @!p1 $0x2  }
0x16: {  	_ =	swait.ge @!p1 [sflag:s0], $0x1F40  }
0x17: {  	[sflag:s0] =	ssyncset.done @!p1 $0x0  }
0x18: {  	[sflag:s0] =	ssyncadd.s32 @!p1 $0xFFFFE0C0;
	s0 =	simm.s32 @!p1 $0x9  }
0x19: {  	_ =	swait.ge @!p1 [sflag:s0], $0x10  }
0x1a: {  	[sflag:s0] =	ssyncset.done @!p1 $0x0  }
0x1b: {  	[sflag:s0] =	ssyncadd.s32 @!p1 $0xFFFFFFF0;
	p1 =	sne.s32 s24, s12  }
.Ltmp1:
0x1c: {  	s2 =	sadd.s32 $0x1F40, s23;
	(pc) =	sbr.rel @!p1 .LBB2_10-.Ltmp1, $4  }
0x1d: {  	s4 =	smov.u32 s5;
	s31 =	sadd.s32 $0x1, s24;
	s17 =	sadd.s32 $0x1F40, s17  }
0x1e: {  	s18 =	sadd.s32 $0x1, s18;
	s25 =	smov.u32 s23;
	p2 =	slt.s32 s2, s6  }
0x1f: {  	p0 =	por !p0, !p0;
	s19 =	sadd.s32 $0x1F40, s19;
	s4 =	smov.u32 @p2 s2  }
0x20: {  	s20 =	sadd.s32 $0x1, s20;
	s23 =	smov.u32 s4;
	s24 =	smov.u32 s31  }
.LBB2_1:
0x21: {  	p1 =	sge.u32 s24, s9  }
0x22: {  	s0 =	smulhi.u32 @!p1 $0xAAAAAAAB, s24;
	_ =	sdelay $0x1  }
0x23: {  	s0 =	sshrl.u32 @!p1 s0, $0x1  }
0x24: {  	s0 =	smul.u32 @!p1 $0x3, s0;
	_ =	sdelay $0x1  }
0x25: {  	s0 =	ssub.s32 @!p1 s24, s0  }
0x26: {  	s0 =	smul.u32 @!p1 $0x7D00, s0;
	_ =	sdelay $0x1  }
0x27: {  	s2 =	sshrl.u32 @!p1 s23, $0x3;
	s0 =	sshrl.u32 @!p1 s0, $0x2  }
0x28: {  	s4 =	sand.u32 @!p1 $0x7, s23;
	s2 =	sadd.s32 @!p1 s3, s2;
	s0 =	sadd.s32 @!p1 $0x100, s0  }
0x29: {  	[tilespmem:s0], [sflag:$0x7] =	stream.linear.gather @!p1 [hbm4b:s2+s4], $0x1F40, $0x38;
	[tilespmem:$0x11A60] =	vst v63  }
0x2a: {  	s0 =	sadd.s32 $0xFFFFFFFF, s24  }
0x2b: {  	p1 =	sge.u32 s0, s9  }
.Ltmp2:
0x2c: {  	_ = 	snop;
	(pc) =	sbr.rel @p1 .LBB2_5-.Ltmp2, $1  }
0x2d: {  	_ =	sdelay $0x3  }
0x2e: {  	s2 =	smulhi.u32 $0xAAAAAAAB, s0;
	_ =	sdelay $0x1  }
0x2f: {  	s2 =	sshrl.u32 s2, $0x1  }
0x30: {  	s2 =	smul.u32 $0x3, s2;
	_ =	sdelay $0x1  }
0x31: {  	s2 =	ssub.s32 s0, s2  }
0x32: {  	s2 =	smul.u32 $0x7D00, s2  }
0x33: {  	_ =	swait.ge [sflag:s7], $0x1F40  }
0x34: {  	[sflag:s7] =	ssyncset.done $0x0;
	s2 =	sshrl.u32 s2, $0x2  }
0x35: {  	[sflag:s7] =	ssyncadd.s32 $0xFFFFE0C0;
	(ifvalue) =	ssetifvalue $0xFFFFFFFF;
	v3 =	vld.msk [tilespmem:s2+$0x100 ss:$0x1], $0xffff;
	_ =	sdelay $0x2  }
0x36: {  	s30 =	smulhi.u32 $0xAAAAAAAB, s18;
	p1 =	sne.s32 s24, $0x1  }
0x37: {  	v4 =	vimm.s32 @!p1 $0x0  }
0x38: {  	s2 =	sshrl.u32 s30, $0x1;
	v4 =	vperm.xlane @!p1 v3, v4  }
0x39: {  	s4 =	sshll.u32 s24, $0x4;
	s2 =	smul.u32 $0xFFFE8900, s2;
	vm4 =	vlt.u32 v3, $0x14000  }
0x3a: {  	s4 =	sand.u32 $0x10, s4;
	v3 =	vnsel vm4, $0xFFFFFFFE, v3;
	vm4 =	vlt.u32 @!p1 v4, $0x14000  }
0x3b: {  	s2 =	sshra.s32 s2, $0x2;
	[tilespmem:s4+$0x60] =	vst v3;
	v3 =	vnsel @!p1 vm4, $0xFFFFFFFE, v4  }
0x3c: {  	s28 =	sadd.s32 s2, s17;
	[tilespmem:$0x80] =	vst @!p1 v3  }
0x3d: {  	v3 =	vld.msk [tilespmem:s28+$0x0 ss:$0x1], $0xffff;
	_ =	sdelay $0x4  }
0x3e: {  	(xrf1) =	vunique.msk.u32 $0xffff, v3;
	_ =	sdelay $0xd  }
0x3f: {  	v4 =	vimm.s32 $0xFFFFFFFF;
	v5, _, _ =	vpop (xrf1)  }
0x40: {  	vm5 =	vne.s32 v3, v4;
	vm4 =	veq.s32 v5, v2  }
0x41: {  	vm6 =	vlt.u32 v3, $0x14000;
	vm4 =	vmand vm5, vm4  }
0x42: {  	vm4 =	vmand vm6, vm4  }
0x43: {  	v4 =	vnsel vm4, $0xFFFFFFFF, v3  }
0x44: {  	s31 =	sand.u32 $0x1, s0  }
0x45: {  	s0 =	simm.s32 $0x1F40;
	p1 =	seq.s32 s31, $0x1  }
0x46: {  	s0 =	simm.s32 @!p1 $0x0  }
0x47: {  	s26 =	sadd.s32 $0x7DF0, s0;
	(ifvalue) =	ssetifvalue $0xFFFFFFFF  }
0x48: {  	v3 =	vperm.xlane v3, v1;
	[tilespmem:s26], [sflag:$0x8] =	stream.indirect_vreg.gather [hbm4b:s1+s16], $0x1, v4, vm0, $0x4038;
	v4 =	vnsel vm6, $0xFFFFFFFE, v4;
	[tilespmem:$0x11A60] =	vst v63  }
0x49: {  	s2 =	simm.s32 $0x0;
	s4 =	sadd.s32 $0xFFFFFFF0, s28;
	[tilespmem:s28+$0x0] =	vst v4  }
.LBB2_3:
0x4a: {  	v4 =	vld.msk [tilespmem:s4+$0x0 ss:$0x1], $0xffff;
	s2 =	sadd.s32 $0x10, s2;
	v5 =	vmov v3;
	s28 =	smov.u32 s4  }
0x4b: {  	p1 =	slt.u32 s2, $0x1F30;
	_ =	sdelay $0x4  }
0x4c: {  	v3 =	vperm.xlane v4, v1;
	(xrf1) =	vunique.msk.u32 $0xffff, v4;
	_ =	sdelay $0xd  }
0x4d: {  	v6, _, _ =	vpop (xrf1)  }
0x4e: {  	vm5 =	vne.s32 v4, v5;
	vm4 =	veq.s32 v6, v2  }
0x4f: {  	vm6 =	vlt.u32 v4, $0x14000;
	vm4 =	vmand vm5, vm4  }
0x50: {  	vm4 =	vmand vm6, vm4  }
0x51: {  	v4 =	vnsel vm4, $0xFFFFFFFF, v4  }
.Ltmp3:
0x52: {  	v5 =	vnsel vm6, $0xFFFFFFFE, v4;
	(pc) =	sbr.rel @p1 .LBB2_3-.Ltmp3, $3  }
0x53: {  	_ =	sdelay $0x1  }
0x54: {  	s4 =	sadd.s32 $0xFFFFFFF0, s4;
	s26 =	sadd.s32 $0xFFFFFFF0, s26;
	(ifvalue) =	ssetifvalue $0xFFFFFFFF  }
0x55: {  	[tilespmem:s26], [sflag:$0x8] =	stream.indirect_vreg.gather [hbm4b:s1+s16], $0x1, v4, vm0, $0x4038;
	[tilespmem:s28+$0x0] =	vst v5  }
0x56: {  	s2 =	sshrl.u32 s25, $0x3;
	s4 =	rddreg [dreg:$0x1]  }
0x57: {  	s0 =	sadd.s32 $0x9D40, s0;
	s2 =	sadd.s32 s4, s2  }
0x58: {  	[tilespmem:s0], [sflag:$0x8] =	stream.linear.gather [hbm:s2], $0x1F40, $0x38;
	[tilespmem:$0x11A60] =	vst v63  }
.LBB2_5:
0x59: {  	p1 =	slt.u32 s24, $0x2  }
0x5a: {  	p2 =	sge.u32 @!p1 s24, s12  }
0x5b: {  	p1 =	por p1, p2  }
.Ltmp4:
0x5c: {  	_ = 	snop;
	(pc) =	sbr.rel @p1 .LBB2_9-.Ltmp4, $1  }
0x5d: {  	_ =	sdelay $0x3  }
0x5e: {  	s0 =	sadd.s32 $0xFFFFFFFE, s24  }
0x5f: {  	s2 =	smulhi.u32 $0xAAAAAAAB, s0;
	_ =	sdelay $0x1  }
0x60: {  	s2 =	sshrl.u32 s2, $0x1  }
0x61: {  	s2 =	smul.u32 $0x3, s2;
	_ =	sdelay $0x1  }
0x62: {  	s0 =	ssub.s32 s0, s2  }
0x63: {  	_ =	swait.ge [sflag:s8], $0x3E80;
	s0 =	smul.u32 $0x1F40, s0  }
0x64: {  	p1 =	sne.s32 s24, s11;
	[sflag:s8] =	ssyncset.done $0x0  }
0x65: {  	[sflag:s8] =	ssyncadd.s32 $0xFFFFC180;
	s2 =	sadd.s32 @!p1 $0x203F, s0  }
0x66: {  	[spmem:s13] =	stream.linear.scatter @!p1 [tilespmem:s2], [sflag:$0x1], $0x1, $0x38;
	[tilespmem:$0x11A60] =	vst v63  }
0x67: {  	s2 =	simm.s32 @!p1 $0x1  }
0x68: {  	_ =	swait.ge @!p1 [sflag:s2], $0x1  }
0x69: {  	s4 =	sshll.u32 s24, $0x4;
	[sflag:s2] =	ssyncset.done @!p1 $0x0  }
0x6a: {  	s25 =	sand.u32 $0x10, s4;
	[sflag:s2] =	ssyncadd.s32 @!p1 $0xFFFFFFFF  }
0x6b: {  	s2 =	sxor.u32 $0x10, s25;
	v4 =	vld [tilespmem:s25+$0x10]  }
0x6c: {  	v5 =	vld [tilespmem:s2+$0x60]  }
0x6d: {  	v3 =	vld [tilespmem:$0x80];
	_ =	sdelay $0x2  }
0x6e: {  	(v2sf) =	vpush v4, $0x0  }
0x6f: {  	(v2sf) =	vpush v5, $0x0  }
0x70: {  	(v2sf) =	vpush v3, $0x0;
	_ =	sdelay $0xc  }
0x71: {  	s4 =	spop (v2sf)  }
0x72: {  	s26 =	spop (v2sf)  }
0x73: {  	s28 =	spop (v2sf)  }
0x74: {  	p2 =	seq.s32 s4, s26;
	p3 =	seq.s32 s28, s4  }
0x75: {  	p3 =	por p2, p3  }
0x76: {  	s26 =	sand.u32 $0x1, s24;
	v4 =	vpsel p3, $0xFFFFFFFF, v4  }
0x77: {  	s29 =	smul.u32 $0x1F40, s26;
	[tilespmem:s25+$0x10] =	vst.msk $0x1, v4  }
0x78: {  	v4 =	vld [tilespmem:$0x30]  }
0x79: {  	v5 =	vld [tilespmem:s29+$0x9D40]  }
0x7a: {  	v6 =	vld [tilespmem:s25+$0x40];
	_ =	sdelay $0x3  }
0x7b: {  	vm4 =	vmmov vm1;
	v5 =	vadd.f32 v5, v4  }
0x7c: {  	vm5 =	vmmov vm2;
	vm4 =	vmmov @p2 vm2;
	s4 =	sshll.u32 s26, $0x4;
	v4 =	vadd.f32 v6, v4  }
0x7d: {  	s26 =	sor.u32 $0x11A40, s4;
	vm5 =	vmmov @p3 vm1;
	[tilespmem:s29+$0x9D40] =	vst.msk vm4, v5  }
0x7e: {  	[tilespmem:s26+$0x0] =	vst.msk vm5, v4  }
0x7f: {  	v4 =	vld [tilespmem:s29+$0x7DF0];
	_ =	sdelay $0x3  }
0x80: {  	v5 =	vimm.f32 $0.0e+00  }
0x81: {  	v4 =	vshift.insert v4, v5, s21  }
0x82: {  	s4 =	sor.u32 $0x40, s2  }
0x83: {  	[tilespmem:s4+$0x0] =	vst.msk $0x1, v4  }
0x84: {  	[tilespmem:s29+$0x7DFF] =	vst.msk $0x1, v5  }
0x85: {  	v4 =	vld [tilespmem:s0+$0x2030];
	_ =	sdelay $0x1  }
0x86: {  	s4 =	smulhi.u32 $0xAAAAAAAB, s20;
	s0 =	simm.s32 $0x1  }
0x87: {  	s0 =	simm.s32 @!p0 $0x0  }
0x88: {  	s4 =	sshrl.u32 s4, $0x1;
	s0 =	smul.u32 $0x7D00, s0  }
0x89: {  	s4 =	smul.u32 $0xFFFE8900, s4;
	v4 =	vshift.insert v4, v1, s21  }
0x8a: {  	s0 =	sshrl.u32 s0, $0x2  }
0x8b: {  	s4 =	sshra.s32 s4, $0x2;
	s30 =	sadd.s32 $0x9D40, s0;
	[tilespmem:s2+$0x10] =	vst.msk $0x1, v4  }
0x8c: {  	s4 =	sadd.s32 s4, s19;
	v6 =	vld [tilespmem:s30+$0x0]  }
0x8d: {  	v7 =	vld [tilespmem:s4+$0x0];
	_ =	sdelay $0x3  }
0x8e: {  	v5 =	vadd.f32 v6, v5  }
0x8f: {  	vm4 =	vne.s32 v7, $0xFFFFFFFF  }
0x90: {  	(xrf2) =	vadd.seg.scan.f32 vm4, v5;
	_ =	sdelay $0x3  }
0x91: {  	s31 =	sadd.s32 $0x5EC0, s0;
	v5 =	vperm.xlane v4, v1  }
0x92: {  	v6 =	vld [tilespmem:s31+$0x0]  }
0x93: {  	vm5 =	veq.s32 v7, v3;
	vm6 =	veq.s32 v7, v5  }
0x94: {  	vm7 =	vgt.u32 v7, $0xFFFFFFFD;
	vm6 =	vmor vm6, vm5  }
0x95: {  	vm6 =	vmor vm6, vm7  }
0x96: {  	v9 =	vld [tilespmem:$0xA0];
	v7 =	vsel vm6, $0xFFFFFFFF, v7  }
0x97: {  	v10 =	vld [tilespmem:$0x90];
	v6 =	vsel vm5, $0x0, v6;
	v8, _, _ =	vpop (xrf2)  }
0x98: {  	v6 =	vadd.f32 v8, v6  }
0x99: {  	s0 =	sadd.s32 $0xDBC0, s0  }
0x9a: {  	vm4 =	vmand vm4, vm3;
	[tilespmem:s0+$0x0] =	vst v6;
	(ifvalue) =	ssetifvalue $0xFFFFFFFF  }
0x9b: {  	vm6 =	veq.s32 v9, $0x1;
	[hbm4b:s1+s16] =	stream.indirect_vreg.scatter [tilespmem:s0], [sflag:$0x2], $0x1, v7, vm0, $0x4038;
	v7 =	vsel vm4, $0x0, v8;
	[tilespmem:$0x11A60] =	vst v63  }
0x9c: {  	s2 =	simm.s32 $0x0;
	s4 =	sadd.s32 $0x10, s4;
	vm4 =	vmor vm6, vm5;
	v6 =	vsel vm5, v8, v10;
	v7 =	vshift.insert v7, v0, s21  }
.LBB2_7:
0x9d: {  	v8 =	vld [tilespmem:s4+$0x0];
	s30 =	sadd.s32 $0x10, s30  }
0x9e: {  	s31 =	sadd.s32 $0x10, s31;
	v9 =	vld [tilespmem:s30+$0x0]  }
0x9f: {  	s2 =	sadd.s32 $0x10, s2;
	v10 =	vld [tilespmem:s31+$0x0]  }
0xa0: {  	p2 =	slt.u32 s2, $0x1F30;
	_ =	sdelay $0x2  }
0xa1: {  	v7 =	vadd.f32 v9, v7  }
0xa2: {  	vm5 =	vne.s32 v8, $0xFFFFFFFF  }
0xa3: {  	vm6 =	vmand vm5, vm3;
	(xrf2) =	vadd.seg.scan.f32 vm5, v7;
	_ =	sdelay $0x5  }
0xa4: {  	vm7 =	veq.s32 v8, v5;
	vm5 =	veq.s32 v8, v3  }
0xa5: {  	vm8 =	vgt.u32 v8, $0xFFFFFFFD;
	vm4 =	vmor vm4, vm5;
	vm7 =	vmor vm7, vm5  }
0xa6: {  	vm7 =	vmor vm7, vm8  }
0xa7: {  	v8 =	vsel vm7, $0xFFFFFFFF, v8  }
.Ltmp5:
0xa8: {  	v7 =	vsel vm5, $0x0, v10;
	v9, _, _ =	vpop (xrf2);
	(pc) =	sbr.rel @p2 .LBB2_7-.Ltmp5, $4  }
0xa9: {  	v6 =	vsel vm5, v9, v6;
	v10 =	vadd.f32 v9, v7;
	v7 =	vsel vm6, $0x0, v9  }
0xaa: {  	s0 =	sadd.s32 $0x10, s0;
	v7 =	vshift.insert v7, v0, s21  }
0xab: {  	s4 =	sadd.s32 $0x10, s4;
	[tilespmem:s0+$0x0] =	vst v10;
	(ifvalue) =	ssetifvalue $0xFFFFFFFF  }
0xac: {  	[hbm4b:s1+s16] =	stream.indirect_vreg.scatter [tilespmem:s0], [sflag:$0x2], $0x1, v8, vm0, $0x4038;
	[tilespmem:$0x11A60] =	vst v63  }
0xad: {  	v3 =	vld [tilespmem:s29+$0xFAF0];
	_ =	sdelay $0x4  }
0xae: {  	v3 =	vshift.insert v3, v0, s21;
	_ =	sdelay $0x1  }
0xaf: {  	[tilespmem:s22+$0x0] =	vst.msk $0x1, v3  }
0xb0: {  	v3 =	vsel vm4, $0x1, v1;
	[tilespmem:$0x90] =	vst v6  }
0xb1: {  	s0 =	sadd.s32 @!p1 $0xFAFF, s29;
	[tilespmem:$0xA0] =	vst v3  }
0xb2: {  	[spmem:s14] =	stream.linear.scatter @!p1 [tilespmem:s0], [sflag:$0x1], $0x1, $0x38;
	[tilespmem:$0x11A60] =	vst v63  }
0xb3: {  	s0 =	simm.s32 @!p1 $0x1  }
0xb4: {  	v3 =	vmctz.xlane @!p1 vm4;
	_ =	swait.ge @!p1 [sflag:s0], $0x1  }
0xb5: {  	(v2sf) =	vpush @!p1 v4, $0x0  }
0xb6: {  	(v2sf) =	vpush @!p1 v3, $0x0;
	_ =	sdelay $0xd  }
0xb7: {  	s2 =	spop @!p1 (v2sf)  }
0xb8: {  	s4 =	spop @!p1 (v2sf)  }
0xb9: {  	p2 =	sne.s32 @!p1 s28, s2;
	p3 =	slt.s32 @!p1 s4, $0xF  }
0xba: {  	[sflag:s0] =	ssyncset.done @!p1 $0x0;
	p2 =	por p2, p1;
	p3 =	por !p3, p1  }
0xbb: {  	[sflag:s0] =	ssyncadd.s32 @!p1 $0xFFFFFFFF;
	v3 =	vimm.s32 @!p2 $0xFFFFFFFF;
	s4 =	simm.s32 @p3 $0xF  }
0xbc: {  	[tilespmem:$0x80] =	vst @!p2 v3;
	s2 =	sadd.s32 @!p1 $0x90, s4  }
0xbd: {  	[spmem:s10] =	stream.linear.scatter @!p1 [tilespmem:s2], [sflag:$0x1], $0x1, $0x38;
	[tilespmem:$0x11A60] =	vst v63  }
0xbe: {  	_ =	swait.ge @!p1 [sflag:s0], $0x1  }
0xbf: {  	[sflag:s0] =	ssyncset.done @!p1 $0x0  }
0xc0: {  	s2 =	simm.s32 @!p1 $0x80;
	[sflag:s0] =	ssyncadd.s32 @!p1 $0xFFFFFFFF  }
0xc1: {  	[spmem:s15] =	stream.linear.scatter @!p1 [tilespmem:s2], [sflag:$0x1], $0x1, $0x38;
	[tilespmem:$0x11A60] =	vst v63  }
0xc2: {  	_ =	swait.ge @!p1 [sflag:s0], $0x1  }
0xc3: {  	[sflag:s0] =	ssyncset.done @!p1 $0x0  }
0xc4: {  	[sflag:s0] =	ssyncadd.s32 @!p1 $0xFFFFFFFF;
	(ifvalue) =	ssetifvalue $0xFFFFFFFF;
	v3 =	vld [tilespmem:s25+$0x10];
	_ =	sdelay $0x3  }
.Ltmp6:
0xc5: {  	_ = 	snop;
	(pc) =	sbr.rel .LBB2_9-.Ltmp6, $3  }
0xc6: {  	_ =	sdelay $0x1  }
0xc7: {  	(ifvalue) =	ssetifvalue $0xFFFFFFFF  }
0xc8: {  	[hbm4b:s1+s16] =	stream.indirect_vreg.scatter [tilespmem:s26], [sflag:$0x9], $0x1, v3, vm0, $0x4038;
	[tilespmem:$0x11A60] =	vst v63  }
.LBB2_10:
0xc9: {  	_ =	sfence.sel $0x180000  }
0xca: {  	s0 =	simm.s32 $0x7;
	[bflag:$0x0] =	sbarrier.arrive $0xFFFF  }
0xcb: {  	s26 =	simm.s32 $0x8;
	[sflag:s0] =	ssyncpa.u1 $0x1  }
0xcc: {  	s28 =	simm.s32 $0x9;
	[sflag:s26] =	ssyncpa.u1 $0x1  }
0xcd: {  	[sflag:s28] =	ssyncpa.u1 $0x1  }
0xce: {  	_ =	sfence.stream.spmem  }
0xcf: {  	s29 =	simm.s32 $0x3;
	[bflag:$0x0] =	sbarrier.arrive $0xFFFF  }
0xd0: {  	s30 =	simm.s32 $0x4;
	[sflag:s29] =	ssyncpa.u1 $0x1  }
0xd1: {  	s31 =	simm.s32 $0x3C;
	s2 =	stileid.u32;
	[sflag:s30] =	ssyncpa.u1 $0x1  }
0xd2: {  	p0 =	sne.s32 s2, $0x0;
	[sflag:s31] =	ssyncpa.u1 $0x1  }
0xd3: {  	s0 =	simm.s32 @p0 $0x1;
	_ =	sfence @p0  }
0xd4: {  	[sflag:s0] =	ssyncpa.u1 @p0 $0x1;
	s0 =	simm.s32 @p0 $0x2  }
0xd5: {  	[sflag:s0] =	ssyncpa.u1 @p0 $0x1  }
0xd6: {  	_ =	strace @p0 $0x90000047  }
0xd7: {  	[bflag:$0x2] =	sbarrier.arrive @p0 $0xFFFF  }
0xd8: {  	_ =	shalt @p0  }
.LBB2_11:
0xd9: {  	_ =	sfence.stream.spmem;
	s0 =	simm.s32 $0x5  }
0xda: {  	s2 =	simm.s32 $0x80;
	s3 =	simm.s32 $0xC0;
	[sflag:s0] =	ssyncpa.u1 $0x0  }
0xdb: {  	[tilespmem:s3], [sflag:$0x5] =	stream.linear.gather [spmem:s2], $0x20, $0x38;
	[tilespmem:$0x11A60] =	vst v63  }
0xdc: {  	s2 =	simm.s32 $0x0;
	s3 =	simm.s32 $0xE0  }
0xdd: {  	[tilespmem:s3], [sflag:$0x5] =	stream.linear.gather [spmem:s2], $0x20, $0x38;
	[tilespmem:$0x11A60] =	vst v63  }
.Ltmp7:
0xde: {  	_ = 	snop;
	(pc) =	sbr.rel .LBB2_12-.Ltmp7, $4  }
0xdf: {  	_ =	swait.ge [sflag:s0], $0x40  }
0xe0: {  	[sflag:s0] =	ssyncset.done $0x0  }
0xe1: {  	s31 =	simm.s32 $0x6;
	[sflag:s0] =	ssyncadd.s32 $0xFFFFFFC0  }
0xe2: {  	s4 =	simm.s32 $0x0;
	[sflag:s31] =	ssyncpa.u1 $0x0  }
.LBB2_17:
0xe3: {  	p0 =	sgt.u32 s5, $0x13FFF  }
0xe4: {  	s0 =	sshrl.u32 @!p0 s5, $0x3  }
0xe5: {  	s5 =	sand.u32 @!p0 $0x7, s5;
	s6 =	simm.s32 @!p0 $0xB0;
	s0 =	sadd.s32 @!p0 s1, s0  }
0xe6: {  	[tilespmem:s6], [sflag:$0x6] =	stream.linear.gather @!p0 [hbm4b:s0+s5], $0x1, $0x38;
	[tilespmem:$0x11A60] =	vst v63  }
0xe7: {  	s0 =	simm.s32 @!p0 $0x6  }
0xe8: {  	_ =	swait.ge @!p0 [sflag:s0], $0x1  }
0xe9: {  	[sflag:s0] =	ssyncset.done @!p0 $0x0  }
0xea: {  	[sflag:s0] =	ssyncadd.s32 @!p0 $0xFFFFFFFF  }
0xeb: {  	v2 =	vmov @!p0 s4;
	v1 =	vld.msk @!p0 [tilespmem:$0xB0], $0x1;
	_ =	sdelay $0x3  }
0xec: {  	s0 =	simm.s32 @!p0 $0xE0  }
0xed: {  	[tilespmem:v2+s0+$0x0], v1 =	vst.idx.ret.add.f32.msk @!p0 $0x1, v1  }
0xee: {  	[tilespmem:s2+$0xC0] =	vst.msk $0x1, v0  }
0xef: {  	v0 =	vld.msk [tilespmem:s4+$0xE0], $0x1;
	_ =	sdelay $0x4  }
0xf0: {  	[tilespmem:s2+$0xE0] =	vst.msk $0x1, v0;
	s2 =	sadd.s32 $0x1, s2  }
.LBB2_19:
0xf1: {  	s4 =	sadd.s32 $0x1, s4  }
0xf2: {  	p0 =	sne.s32 s4, $0x20  }
.Ltmp8:
0xf3: {  	_ = 	snop;
	(pc) =	sbr.rel @!p0 .LBB2_20-.Ltmp8, $1  }
0xf4: {  	_ =	sdelay $0x3  }
.LBB2_12:
0xf5: {  	v0 =	vld.msk [tilespmem:s4+$0xC0], $0x1;
	_ =	sdelay $0x4  }
0xf6: {  	(v2sf) =	vpush v0, $0x0;
	_ =	sdelay $0xe  }
0xf7: {  	s5 =	spop (v2sf)  }
0xf8: {  	p0 =	seq.s32 s5, $0xFFFFFFFF  }
.Ltmp9:
0xf9: {  	_ = 	snop;
	(pc) =	sbr.rel @p0 .LBB2_19-.Ltmp9, $1  }
0xfa: {  	_ =	sdelay $0x3  }
0xfb: {  	p0 =	slt.s32 s2, $0x1  }
.Ltmp10:
0xfc: {  	_ = 	snop;
	(pc) =	sbr.rel @p0 .LBB2_17-.Ltmp10, $1  }
0xfd: {  	_ =	sdelay $0x3  }
0xfe: {  	s0 =	simm.s32 $0xC0;
	p0 =	por $0x0, $0x0  }
0xff: {  	v1 =	vld.msk @!p0 [tilespmem:s0+$0x0], $0x1;
	_ =	sdelay $0x4  }
0x100: {  	(v2sf) =	vpush @!p0 v1, $0x0;
	_ =	sdelay $0xd  }
0x101: {  	p2 =	sne.s32 s2, $0x1  }
.Ltmp11:
0x102: {  	s6 =	spop @!p0 (v2sf);
	(pc) =	sbr.rel @!p2 .LBB2_16-.Ltmp11, $4  }
0x103: {  	p1 =	seq.s32 @!p0 s5, s6  }
0x104: {  	s6 =	simm.s32 $0x0;
	p1 =	por !p1, p0  }
0x105: {  	s8 =	simm.s32 $0xFFFFFFFF;
	s6 =	simm.s32 @p1 $0xFFFFFFFF  }
0x106: {  	s7 =	simm.s32 $0x1;
	s6 =	smov.u32 @p0 s8  }
.LBB2_15:
0x107: {  	s8 =	smov.u32 s6;
	p0 =	sne.s32 s6, $0xFFFFFFFF  }
0x108: {  	s0 =	sadd.s32 $0x1, s0;
	s6 =	smov.u32 s7;
	s7 =	sadd.s32 $0x1, s7  }
0x109: {  	p1 =	sne.s32 s2, s7;
	v1 =	vld.msk @!p0 [tilespmem:s0+$0x0], $0x1;
	_ =	sdelay $0x4  }
0x10a: {  	(v2sf) =	vpush @!p0 v1, $0x0;
	_ =	sdelay $0xe  }
.Ltmp12:
0x10b: {  	s9 =	spop @!p0 (v2sf);
	(pc) =	sbr.rel @p1 .LBB2_15-.Ltmp12, $4  }
0x10c: {  	p2 =	seq.s32 @!p0 s5, s9  }
0x10d: {  	p2 =	por !p2, p0  }
0x10e: {  	s6 =	simm.s32 @p2 $0xFFFFFFFF  }
0x10f: {  	s6 =	smov.u32 @p0 s8  }
.LBB2_16:
0x110: {  	p0 =	sne.s32 s6, $0xFFFFFFFF  }
.Ltmp13:
0x111: {  	_ = 	snop;
	(pc) =	sbr.rel @!p0 .LBB2_17-.Ltmp13, $1  }
0x112: {  	_ =	sdelay $0x3  }
0x113: {  	v0 =	vld.msk [tilespmem:s4+$0xE0], $0x1;
	v1 =	vmov s6  }
.Ltmp14:
0x114: {  	_ = 	snop;
	(pc) =	sbr.rel .LBB2_19-.Ltmp14, $2  }
0x115: {  	_ =	sdelay $0x2  }
0x116: {  	[tilespmem:v1+s3+$0x0], v0 =	vst.idx.ret.add.f32.msk $0x1, v0  }
.LBB2_20:
0x117: {  	p0 =	slt.s32 s2, $0x1  }
.Ltmp15:
0x118: {  	_ = 	snop;
	(pc) =	sbr.rel @p0 .LBB2_24-.Ltmp15, $3  }
0x119: {  	_ =	sdelay $0x1  }
0x11a: {  	s0 =	simm.s32 $0x6  }
0x11b: {  	s3 =	simm.s32 $0x0;
	[sflag:s0] =	ssyncpa.u1 $0x1  }
0x11c: {  	s0 =	simm.s32 $0xC0  }
0x11d: {  	v0 =	vld.msk [tilespmem:s0+$0x0], $0x1;
	_ =	sdelay $0x4  }
0x11e: {  	(v2sf) =	vpush v0, $0x0;
	_ =	sdelay $0xe  }
0x11f: {  	s2 =	sadd.s32 $0xFFFFFFFF, s2;
	s4 =	spop (v2sf)  }
0x120: {  	p1 =	sne.s32 s2, $0x0;
	p0 =	sgt.u32 s4, $0x13FFF  }
.Ltmp16:
0x121: {  	s5 =	sshrl.u32 @!p0 s4, $0x3;
	(pc) =	sbr.rel @!p1 .LBB2_23-.Ltmp16, $4  }
0x122: {  	s0 =	simm.s32 $0xE0;
	s4 =	sand.u32 @!p0 $0x7, s4;
	s5 =	sadd.s32 @!p0 s1, s5  }
0x123: {  	[hbm4b:s5+s4] =	stream.linear.scatter @!p0 [tilespmem:s0], [sflag:$0x5], $0x1, $0x38;
	[tilespmem:$0x11A60] =	vst v63  }
0x124: {  	s5 =	simm.s32 $0x0  }
0x125: {  	s4 =	simm.s32 $0xC1;
	s5 =	simm.s32 @!p0 $0x4  }
.LBB2_22:
0x126: {  	v0 =	vld.msk [tilespmem:s4+$0x0], $0x1;
	s2 =	sadd.s32 $0xFFFFFFFF, s2;
	s3 =	sadd.s32 s3, s5  }
0x127: {  	p0 =	sne.s32 s2, $0x0;
	_ =	sdelay $0x3  }
0x128: {  	(v2sf) =	vpush v0, $0x0;
	_ =	sdelay $0xe  }
.Ltmp17:
0x129: {  	s6 =	spop (v2sf);
	(pc) =	sbr.rel @p0 .LBB2_22-.Ltmp17, $4  }
0x12a: {  	s5 =	simm.s32 $0x0;
	p1 =	sgt.u32 s6, $0x13FFF  }
0x12b: {  	s0 =	sadd.s32 $0x1, s0;
	s5 =	simm.s32 @!p1 $0x4;
	s7 =	sshrl.u32 @!p1 s6, $0x3  }
0x12c: {  	s4 =	sadd.s32 $0x1, s4;
	s6 =	sand.u32 @!p1 $0x7, s6;
	s7 =	sadd.s32 @!p1 s1, s7  }
0x12d: {  	[hbm4b:s7+s6] =	stream.linear.scatter @!p1 [tilespmem:s0], [sflag:$0x5], $0x1, $0x38;
	[tilespmem:$0x11A60] =	vst v63  }
.LBB2_23:
0x12e: {  	s0 =	sadd.s32 s3, s5  }
0x12f: {  	s3 =	sshrl.u32 s0, $0x2  }
.LBB2_24:
0x130: {  	s0 =	simm.s32 $0x5  }
0x131: {  	_ =	swait.ge [sflag:s0], s3  }
0x132: {  	s1 =	ssub.s32 $0x0, s3;
	[sflag:s0] =	ssyncset.done $0x0  }
0x133: {  	[sflag:s0] =	ssyncadd.s32 s1  }
0x134: {  	[sflag:s0] =	ssyncpa.u1 $0x1  }
0x135: {  	s29 =	simm.s32 $0x1;
	_ =	sfence  }
0x136: {  	s30 =	simm.s32 $0x2;
	[sflag:s29] =	ssyncpa.u1 $0x1  }
0x137: {  	[sflag:s30] =	ssyncpa.u1 $0x1  }
0x138: {  	_ =	strace $0x90000047  }
0x139: {  	[bflag:$0x2] =	sbarrier.arrive $0xFFFF  }
0x13a: {  	s31 =	rddreg [dreg:$0x2]  }
0x13b: {  	s0 =	sadd.s32 $0x100000, s31  }
0x13c: {  	[sflag:s0] =	ssyncadd.tile.s32 $0x1;
	_ =	shalt  }
.Lfunc_end2:
_tile_overlayer_lowered:
.L_overlay_start_2:
0x13d: {  	(tag) =	ssettag $0x2  }
0x13e: {  	s0 =	rddreg [dreg:$0x0];
	s2 =	stileid.u32  }
0x13f: {  	s1 =	rddreg [dreg:$0x1];
	p0 =	sne.s32 s2, $0x0  }
0x140: {  	s3 =	rddreg [dreg:$0x2];
	[bflag:$0x3] =	sbarrier.arrive $0xFFFF;
	s2 =	simm.s32 @!p0 $0x1C01  }
0x141: {  	[timem:s3], [sflag:s2] =	dma.local @!p0 [hbm:s0], s1  }
0x142: {  	s0 =	simm.s32 @!p0 $0x1  }
0x143: {  	_ =	swait.ge @!p0 [sflag:s0], s1  }
0x144: {  	s1 =	ssub.s32 @!p0 $0x0, s1;
	[sflag:s0] =	ssyncset.done @!p0 $0x0  }
0x145: {  	[sflag:s0] =	ssyncadd.s32 @!p0 s1  }
0x146: {  	[bflag:$0x3] =	sbarrier.arrive $0xFFFF  }
0x147: {  	_ =	shalt  }

</sc_bundles>
